<compile_context>
chip_gen: v7x
topology: tpu7x:2x2x1
jax: 0.10.2.dev20260603
libtpu: 0.0.44.dev20260713+nightly
codegen_flags: <defaults>
</compile_context>

<pallas_src>
import functools

import jax
import jax.numpy as jnp
from jax import lax
from jax.experimental import pallas as pl
from jax.experimental.pallas import tpu as pltpu
from jax.experimental.pallas import tpu_sc as plsc

N = 10000
E = 160000
IN_FEAT = 3703
H1 = 500
H2 = 100
NCLS = 6

NCORE = 2
NSUB = 16
NW = NCORE * NSUB
LANES = 16

B = 128
NBT = 1280
EP = NBT * B
NB_VALID = E // B
NP = 10240
NPS = NP // NSUB
W = 40

_f32 = jnp.float32
_i32 = jnp.int32


def _zero_vmem_2d(ref, rows, cols):
    zv = jnp.zeros((LANES,), _f32)

    def body(r, _):
        for j in range(cols // LANES):
            ref[r, pl.ds(j * LANES, LANES)] = zv
        return 0

    lax.fori_loop(0, rows, body, 0)


def _zero_vmem_1d(ref, n):
    zv = jnp.zeros((LANES,), _f32)

    def body(k, _):
        ref[pl.ds(k * LANES, LANES)] = zv
        return 0

    lax.fori_loop(0, n // LANES, body, 0)



def _sc_deg(row2d):
    mesh = plsc.VectorSubcoreMesh(core_axis_name="c", subcore_axis_name="s")
    nb = NBT // NW

    def body(row_h, d0_h, d1_h, deg_sh, row_v, dg_v, one_v):
        c = lax.axis_index("c")
        s = lax.axis_index("s")
        sb = pl.multiple_of(s * NPS, 8)
        bbase = (c * NSUB + s) * nb

        _zero_vmem_1d(dg_v, NPS)
        pltpu.sync_copy(dg_v, deg_sh.at[pl.ds(sb, NPS)])
        pltpu.sync_copy(row_h.at[pl.ds(bbase, nb)], row_v)
        ov = jnp.ones((LANES,), _f32)
        for j in range(B // LANES):
            one_v[pl.ds(j * LANES, LANES)] = ov
        plsc.subcore_barrier()

        def deg_body(j, _):
            @pl.when(bbase + j < NB_VALID)
            def _():
                pltpu.sync_copy(one_v, deg_sh.at[row_v.at[j]], add=True)
            return 0

        lax.fori_loop(0, nb, deg_body, 0)
        plsc.subcore_barrier()

        @pl.when(c == 0)
        def _():
            pltpu.sync_copy(deg_sh.at[pl.ds(sb, NPS)], d0_h.at[pl.ds(sb, NPS)])

        @pl.when(c == 1)
        def _():
            pltpu.sync_copy(deg_sh.at[pl.ds(sb, NPS)], d1_h.at[pl.ds(sb, NPS)])

    fn = pl.kernel(
        body,
        out_type=(
            jax.ShapeDtypeStruct((NP,), _f32),
            jax.ShapeDtypeStruct((NP,), _f32),
        ),
        mesh=mesh,
        scratch_types=[
            pltpu.VMEM_SHARED((NP,), _f32),
            pltpu.VMEM((nb, B), _i32),
            pltpu.VMEM((NPS,), _f32),
            pltpu.VMEM((B,), _f32),
        ],
        compiler_params=pltpu.CompilerParams(needs_layout_passes=False),
        name="gcn_sc_deg",
    )
    return fn(row2d)



def _sc_agg(xls, row2d, col2d, chunked):
    nc = len(xls)
    C = 128
    mesh = plsc.VectorSubcoreMesh(core_axis_name="c", subcore_axis_name="s")
    nb = (NBT // NSUB) if chunked else (NBT // NW)
    nwin = nb // W
    nout = nc if chunked else 2
    nzc = NPS // B

    NBUF = 2

    def body(*refs):
        xl_refs = refs[:nc]
        row_h, col_h = refs[nc:nc + 2]
        out_refs = refs[nc + 2:nc + 2 + nout]
        rest = refs[nc + 2 + nout:]
        out_sh, row_v, col_v = rest[:3]
        gs = rest[3:3 + NBUF]
        gsems = rest[3 + NBUF:3 + 2 * NBUF]
        ssems = rest[3 + 2 * NBUF:3 + 3 * NBUF]
        c = lax.axis_index("c")
        s = lax.axis_index("s")
        sb = pl.multiple_of(s * NPS, 8)
        if chunked:
            bbase = s * nb
        else:
            bbase = (c * NSUB + s) * nb

        bufs = tuple(zip(gs, gsems, ssems))

        def run_chunk(xl, flush):
            _zero_vmem_2d(gs[0], B, C)
            for z in range(nzc):
                pltpu.sync_copy(gs[0], out_sh.at[pl.ds(sb + z * B, B)])
            plsc.subcore_barrier()

            def win_body(win, _):
                wbase = pl.multiple_of(bbase + win * W, 8)
                pltpu.sync_copy(row_h.at[pl.ds(wbase, W)], row_v)
                pltpu.sync_copy(col_h.at[pl.ds(wbase, W)], col_v)

                for p, (g, gsem, _ssem) in enumerate(bufs):
                    pltpu.async_copy(xl.at[col_v.at[p]], g, gsem)

                def bb_body(bb, _):
                    for p, (g, gsem, ssem) in enumerate(bufs):
                        bidx = bb * NBUF + p
                        pltpu.make_async_copy(
                            xl.at[col_v.at[bidx]], g, gsem).wait()
                        pltpu.async_copy(
                            g, out_sh.at[row_v.at[bidx]], ssem, add=True)

                        @pl.when(bidx + NBUF < W)
                        def _():
                            pltpu.make_async_copy(
                                g, out_sh.at[row_v.at[bidx]], ssem).wait()
                            pltpu.async_copy(
                                xl.at[col_v.at[bidx + NBUF]], g, gsem)
                    return 0

                lax.fori_loop(0, W // NBUF, bb_body, 0)
                for p, (g, _gsem, ssem) in enumerate(bufs):
                    pltpu.make_async_copy(
                        g, out_sh.at[row_v.at[W - NBUF + p]], ssem).wait()
                return 0

            lax.fori_loop(0, nwin, win_body, 0)
            plsc.subcore_barrier()
            flush()

        if chunked:
            for ci in range(nc):
                @pl.when(c == (ci & 1))
                def _(ci=ci):
                    def flush(ci=ci):
                        pltpu.sync_copy(out_sh.at[pl.ds(sb, NPS)],
                                        out_refs[ci].at[pl.ds(sb, NPS)])
                    run_chunk(xl_refs[ci], flush)
        else:
            def flush():
                @pl.when(c == 0)
                def _():
                    pltpu.sync_copy(out_sh.at[pl.ds(sb, NPS)],
                                    out_refs[0].at[pl.ds(sb, NPS)])

                @pl.when(c == 1)
                def _():
                    pltpu.sync_copy(out_sh.at[pl.ds(sb, NPS)],
                                    out_refs[1].at[pl.ds(sb, NPS)])
            run_chunk(xl_refs[0], flush)

    fn = pl.kernel(
        body,
        out_type=tuple(jax.ShapeDtypeStruct((NP, C), _f32)
                       for _ in range(nout)),
        mesh=mesh,
        scratch_types=(
            [
                pltpu.VMEM_SHARED((NP, C), _f32),
                pltpu.VMEM((W, B), _i32),
                pltpu.VMEM((W, B), _i32),
            ]
            + [pltpu.VMEM((B, C), _f32)] * 2
            + [pltpu.SemaphoreType.DMA] * 4
        ),
        compiler_params=pltpu.CompilerParams(needs_layout_passes=False),
        name="gcn_sc_agg",
    )
    return fn(*xls, row2d, col2d)



BM = 256
GM = NP // BM
NC1 = 4


def _row_mask(m):
    rowid = m * BM + lax.broadcasted_iota(_i32, (BM, 1), 0)
    return rowid < N


def _tc_dinv(d0, d1):
    def body(a_ref, b_ref, dinv_ref):
        deg = a_ref[...] + b_ref[...] + 1.0
        dinv_ref[...] = lax.rsqrt(deg)

    blk = pl.BlockSpec((NP // 128, 128), lambda: (0, 0))
    return pl.pallas_call(
        body,
        in_specs=[blk, blk],
        out_specs=blk,
        out_shape=jax.ShapeDtypeStruct((NP // 128, 128), _f32),
    )(d0.reshape(NP // 128, 128), d1.reshape(NP // 128, 128))


def _tc_mm1(x, w1p, b1p, dinv):
    def body(*refs):
        x_ref, w_ref, b_ref, dv_ref = refs[:4]
        outs = refs[4:]
        m = pl.program_id(0)
        res = jnp.dot(x_ref[...], w_ref[...],
                      preferred_element_type=_f32) + b_ref[...]
        res = jnp.where(_row_mask(m), dv_ref[...] * res, 0.0)
        for t in range(NC1):
            outs[t][...] = res[:, t * 128:(t + 1) * 128]

    return pl.pallas_call(
        body,
        grid=(GM,),
        in_specs=[
            pl.BlockSpec((BM, IN_FEAT), lambda m: (m, 0)),
            pl.BlockSpec((IN_FEAT, 512), lambda m: (0, 0)),
            pl.BlockSpec((1, 512), lambda m: (0, 0)),
            pl.BlockSpec((BM, 1), lambda m: (m, 0)),
        ],
        out_specs=[pl.BlockSpec((BM, 128), lambda m: (m, 0))] * NC1,
        out_shape=[jax.ShapeDtypeStruct((NP, 128), _f32)] * NC1,
    )(x, w1p, b1p, dinv)


def _tc_mm2(a1s, t1s, dinv, w2s, b2p):
    def body(*refs):
        a = refs[0:NC1]
        t = refs[NC1:2 * NC1]
        dv_ref = refs[2 * NC1]
        w = refs[2 * NC1 + 1:2 * NC1 + 1 + NC1]
        b_ref = refs[2 * NC1 + 1 + NC1]
        out = refs[2 * NC1 + 2 + NC1]
        m = pl.program_id(0)
        acc = jnp.broadcast_to(b_ref[...], (BM, 128)).astype(_f32)
        dsv = dv_ref[...]
        for k in range(NC1):
            h = jnp.tanh(dsv * (a[k][...] + t[k][...]))
            acc = acc + jnp.dot(h, w[k][...], preferred_element_type=_f32)
        out[...] = jnp.where(_row_mask(m), dsv * acc, 0.0)

    blk = pl.BlockSpec((BM, 128), lambda m: (m, 0))
    return pl.pallas_call(
        body,
        grid=(GM,),
        in_specs=(
            [blk] * NC1 + [blk] * NC1
            + [pl.BlockSpec((BM, 1), lambda m: (m, 0))]
            + [pl.BlockSpec((128, 128), lambda m: (0, 0))] * NC1
            + [pl.BlockSpec((1, 128), lambda m: (0, 0))]
        ),
        out_specs=blk,
        out_shape=jax.ShapeDtypeStruct((NP, 128), _f32),
    )(*a1s, *t1s, dinv, *w2s, b2p)


def _tc_mm3(p20, p21, t2, dinv, w3p, b3p):
    def body(a_ref, b_ref, t_ref, dv_ref, w_ref, bias_ref, out):
        m = pl.program_id(0)
        dsv = dv_ref[...]
        h = jnp.tanh(dsv * (a_ref[...] + b_ref[...] + t_ref[...]))
        res = jnp.dot(h, w_ref[...],
                      preferred_element_type=_f32) + bias_ref[...]
        out[...] = jnp.where(_row_mask(m), dsv * res, 0.0)

    blk = pl.BlockSpec((BM, 128), lambda m: (m, 0))
    return pl.pallas_call(
        body,
        grid=(GM,),
        in_specs=[
            blk, blk, blk,
            pl.BlockSpec((BM, 1), lambda m: (m, 0)),
            pl.BlockSpec((128, 128), lambda m: (0, 0)),
            pl.BlockSpec((1, 128), lambda m: (0, 0)),
        ],
        out_specs=blk,
        out_shape=jax.ShapeDtypeStruct((NP, 128), _f32),
    )(p20, p21, t2, dinv, w3p, b3p)


def _tc_final(p30, p31, t3, dinv):
    def body(a_ref, b_ref, t_ref, dv_ref, out):
        z = jnp.tanh(dv_ref[...] * (a_ref[...] + b_ref[...] + t_ref[...]))
        colid = lax.broadcasted_iota(_i32, (BM, 128), 1)
        zm = jnp.where(colid < NCLS, z, -1e30)
        m = jnp.max(zm, axis=1, keepdims=True)
        e = jnp.exp(zm - m)
        ssum = jnp.sum(e, axis=1, keepdims=True)
        out[...] = (e / ssum)[:, :NCLS]

    blk = pl.BlockSpec((BM, 128), lambda m: (m, 0))
    return pl.pallas_call(
        body,
        grid=(GM,),
        in_specs=[
            blk, blk, blk,
            pl.BlockSpec((BM, 1), lambda m: (m, 0)),
        ],
        out_specs=pl.BlockSpec((BM, NCLS), lambda m: (m, 0)),
        out_shape=jax.ShapeDtypeStruct((N, NCLS), _f32),
    )(p30, p31, t3, dinv)



def kernel(x, edge_index, W1, b1, W2, b2, W3, b3):
    row = edge_index[0].astype(_i32)
    col = edge_index[1].astype(_i32)
    pad = EP - E
    padv = jnp.full((pad,), N, _i32)
    row2d = jnp.concatenate([row, padv]).reshape(NBT, B)
    col2d = jnp.concatenate([col, padv]).reshape(NBT, B)

    d0, d1 = _sc_deg(row2d)
    dinv2 = _tc_dinv(d0, d1)
    dinv2d = dinv2.reshape(NP)[:, None]

    w1p = jnp.pad(W1, ((0, 0), (0, 512 - H1)))
    b1p = jnp.pad(b1, (0, 512 - H1))[None, :]
    t1s = _tc_mm1(x, w1p, b1p, dinv2d)

    a1s = _sc_agg(t1s, row2d, col2d, chunked=True)

    w2p = jnp.pad(W2, ((0, 512 - H1), (0, 128 - H2)))
    w2s = [w2p[128 * k:128 * (k + 1)] for k in range(NC1)]
    b2p = jnp.pad(b2, (0, 128 - H2))[None, :]
    t2 = _tc_mm2(a1s, t1s, dinv2d, w2s, b2p)

    p20, p21 = _sc_agg([t2], row2d, col2d, chunked=False)

    w3p = jnp.pad(W3, ((0, 128 - H2), (0, 128 - NCLS)))
    b3p = jnp.pad(b3, (0, 128 - NCLS))[None, :]
    t3 = _tc_mm3(p20, p21, t2, dinv2d, w3p, b3p)

    p30, p31 = _sc_agg([t3], row2d, col2d, chunked=False)

    return _tc_final(p30, p31, t3, dinv2d)

# --- scband reference (transcript-rebuilt; emitter-appended) ---
"""Pipeline reference for scband-gcn-76141180224087 (READ-ONLY COPY).

The authoritative reference and input builder live on the scoring server;
editing this copy changes nothing except your own understanding.
"""

import jax, jax.numpy as jnp
import numpy as np

N_NODES = 10000
N_EDGES = 160000
IN_FEAT = 3703
H1 = 500
H2 = 100
NUM_CLASSES = 6


def setup_inputs(seed: int = 0) -> dict:
    key = jax.random.key(seed)
    ks = jax.random.split(key, 9)
    x = jax.random.normal(ks[0], (N_NODES, IN_FEAT), dtype=jnp.float32)
    edge_index = jax.random.randint(ks[1], (2, N_EDGES), 0, N_NODES, dtype=jnp.int64)
    W1 = jax.random.normal(ks[2], (IN_FEAT, H1), dtype=jnp.float32) * 0.02
    b1 = jnp.zeros((H1,), dtype=jnp.float32)
    W2 = jax.random.normal(ks[3], (H1, H2), dtype=jnp.float32) * 0.05
    b2 = jnp.zeros((H2,), dtype=jnp.float32)
    W3 = jax.random.normal(ks[4], (H2, NUM_CLASSES), dtype=jnp.float32) * 0.1
    b3 = jnp.zeros((NUM_CLASSES,), dtype=jnp.float32)
    return {"x": x, "edge_index": edge_index, "W1": W1, "b1": b1, "W2": W2, "b2": b2, "W3": W3, "b3": b3}


def _graph_conv(x, edge_index, W, b):
    N = x.shape[0]
    loops = jnp.arange(N, dtype=edge_index.dtype)
    ei = jnp.concatenate([edge_index, jnp.stack([loops, loops], axis=0)], axis=1)
    row, col = ei[0], ei[1]
    # degree of row indices via scatter-add of ones
    deg = jnp.zeros((N,), dtype=x.dtype).at[row].add(jnp.ones((row.shape[0],), dtype=x.dtype))
    deg_inv_sqrt = jnp.power(deg, -0.5)
    norm = deg_inv_sqrt[row] * deg_inv_sqrt[col]
    norm = jnp.where(jnp.isinf(norm), jnp.zeros_like(norm), norm)
    xl = x @ W + b
    # sparse adj (row, col, norm) @ xl  ==  scatter-add of norm * xl[col] into row
    msg = norm[:, None] * jnp.take(xl, col, axis=0)
    out = jnp.zeros((N, xl.shape[1]), dtype=x.dtype).at[row].add(msg)
    return out


def reference(x, edge_index, W1, b1, W2, b2, W3, b3):
    h = _graph_conv(x, edge_index, W1, b1)
    h = jnp.tanh(h)
    h = _graph_conv(h, edge_index, W2, b2)
    h = jnp.tanh(h)
    h = _graph_conv(h, edge_index, W3, b3)
    h = jnp.tanh(h)
    h = jax.nn.softmax(h, axis=1)
    return h

if __name__ == "__main__":
    import jax
    _d = setup_inputs()
    print(jax.jit(kernel)(*tuple(_d.values())))

</pallas_src>

<mosaic_0001>
#map = affine_map<(d0, d1) -> (0, 0)>
#map1 = affine_map<(d0, d1) -> (0)>
module attributes {stable_mosaic.version = 14 : i64} {
  func.func @gcn_sc_deg(%arg0: i32, %arg1: i32, %arg2: memref<1280x128xi32, #tpu.memory_space<hbm>>, %arg3: memref<10240xf32, #tpu.memory_space<hbm>>, %arg4: memref<10240xf32, #tpu.memory_space<hbm>>, %arg5: memref<10240xf32, #tpu.memory_space<vmem_shared>>, %arg6: memref<40x128xi32, #tpu.memory_space<vmem>>, %arg7: memref<640xf32, #tpu.memory_space<vmem>>, %arg8: memref<128xf32, #tpu.memory_space<vmem>>) attributes {dimension_semantics = [#tpu.dimension_semantics<core_parallel>, #tpu.dimension_semantics<subcore_parallel>], iteration_bounds = array<i64: 2, 16>, scalar_prefetch = 0 : i64, scratch_operands = 4 : i64, tpu.core_type = #tpu.core_type<sc_vector_subcore>, window_params = [{transform_indices = #map}, {transform_indices = #map1}, {transform_indices = #map1}]} {
    %mul3A = arith.constant 640 : i32
    %mul3A_0 = arith.muli %arg1, %mul3A : i32
    %multiple_of3A = tpu.assume_multiple %mul3A_0, 8 : i32
    %mul3A_1 = arith.constant 16 : i32
    %mul3A_2 = arith.muli %arg0, %mul3A_1 : i32
    %add3A = arith.addi %mul3A_2, %arg1 : i32
    %mul3A_3 = arith.constant 40 : i32
    %mul3A_4 = arith.muli %add3A, %mul3A_3 : i32
    %broadcast_in_dim3A = arith.constant 0.000000e+00 : f32
    %broadcast_in_dim3A_5 = vector.broadcast %broadcast_in_dim3A : f32 to vector<16xf32>
    %scan3A = arith.constant 0 : i32
    %scan3A_6 = arith.constant 0 : i32
    %scan3A_7 = arith.constant 40 : i32
    %scan3A_8 = arith.addi %scan3A_6, %scan3A_7 : i32
    %scan3A_9 = arith.constant 1 : i32
    %scan3A_10 = scf.for %scan3A_44 = %scan3A_6 to %scan3A_8 step %scan3A_9 iter_args(%scan3A_45 = %scan3A) -> (i32)  : i32 {
      %mul3A_46 = arith.constant 16 : i32
      %mul3A_47 = arith.muli %scan3A_44, %mul3A_46 : i32
      %swap3A_48 = arith.index_cast %mul3A_47 : i32 to index
      %swap3A_49 = tpu.vector_load %arg7[%swap3A_48] {strides = array<i32>} : memref<640xf32, #tpu.memory_space<vmem>>, vector<16xf32>,
      tpu.vector_store %arg7[%swap3A_48], %broadcast_in_dim3A_5 {strides = array<i32>} : memref<640xf32, #tpu.memory_space<vmem>>, vector<16xf32>,
      %scan3A_50 = arith.constant 0 : i32
      scf.yield %scan3A_50 : i32
    }
    %scan3A_11 = arith.constant 40 : i32
    "tpu.region"() ({
      %run_scoped3A = tpu.sem_alloc : memref<!tpu.dma_semaphore, #tpu.memory_space<semaphore_mem>>
      %dma_start3A = tpu.memref_slice %arg5[%multiple_of3A] : memref<10240xf32, #tpu.memory_space<vmem_shared>> -> memref<640xf32, #tpu.memory_space<vmem_shared>>
      %dma_start3A_44 = tpu.memref_slice %arg5[%multiple_of3A] : memref<10240xf32, #tpu.memory_space<vmem_shared>> -> memref<640xf32, #tpu.memory_space<vmem_shared>>
      tpu.enqueue_dma source(%arg7 : memref<640xf32, #tpu.memory_space<vmem>>) target(%dma_start3A_44 : memref<640xf32, #tpu.memory_space<vmem_shared>>) target_semaphore(%run_scoped3A : memref<!tpu.dma_semaphore, #tpu.memory_space<semaphore_mem>>)
      %dma_wait3A = tpu.memref_slice %arg5[%multiple_of3A] : memref<10240xf32, #tpu.memory_space<vmem_shared>> -> memref<640xf32, #tpu.memory_space<vmem_shared>>
      %dma_wait3A_45 = tpu.memref_slice %arg5[%multiple_of3A] : memref<10240xf32, #tpu.memory_space<vmem_shared>> -> memref<640xf32, #tpu.memory_space<vmem_shared>>
      tpu.wait_dma2 semaphore(%run_scoped3A : memref<!tpu.dma_semaphore, #tpu.memory_space<semaphore_mem>>) src(%arg7 : memref<640xf32, #tpu.memory_space<vmem>>) dst(%dma_wait3A_45 : memref<640xf32, #tpu.memory_space<vmem_shared>>)
      tpu.yield
    }) : () -> ()
    "tpu.region"() ({
      %run_scoped3A = tpu.sem_alloc : memref<!tpu.dma_semaphore, #tpu.memory_space<semaphore_mem>>
      %dma_start3A = arith.constant 0 : i32
      %dma_start3A_44 = tpu.memref_slice %arg2[%mul3A_4, %dma_start3A] : memref<1280x128xi32, #tpu.memory_space<hbm>> -> memref<40x128xi32, #tpu.memory_space<hbm>>
      %dma_start3A_45 = arith.constant 0 : i32
      %dma_start3A_46 = tpu.memref_slice %arg2[%mul3A_4, %dma_start3A_45] : memref<1280x128xi32, #tpu.memory_space<hbm>> -> memref<40x128xi32, #tpu.memory_space<hbm>>
      tpu.enqueue_dma source(%dma_start3A_46 : memref<40x128xi32, #tpu.memory_space<hbm>>) target(%arg6 : memref<40x128xi32, #tpu.memory_space<vmem>>) target_semaphore(%run_scoped3A : memref<!tpu.dma_semaphore, #tpu.memory_space<semaphore_mem>>)
      %dma_wait3A = arith.constant 0 : i32
      %dma_wait3A_47 = tpu.memref_slice %arg2[%mul3A_4, %dma_wait3A] : memref<1280x128xi32, #tpu.memory_space<hbm>> -> memref<40x128xi32, #tpu.memory_space<hbm>>
      %dma_wait3A_48 = arith.constant 0 : i32
      %dma_wait3A_49 = tpu.memref_slice %arg2[%mul3A_4, %dma_wait3A_48] : memref<1280x128xi32, #tpu.memory_space<hbm>> -> memref<40x128xi32, #tpu.memory_space<hbm>>
      tpu.wait_dma2 semaphore(%run_scoped3A : memref<!tpu.dma_semaphore, #tpu.memory_space<semaphore_mem>>) src(%dma_wait3A_49 : memref<40x128xi32, #tpu.memory_space<hbm>>) dst(%arg6 : memref<40x128xi32, #tpu.memory_space<vmem>>)
      tpu.yield
    }) : () -> ()
    %broadcast_in_dim3A_12 = arith.constant 1.000000e+00 : f32
    %broadcast_in_dim3A_13 = vector.broadcast %broadcast_in_dim3A_12 : f32 to vector<16xf32>
    %swap3A = arith.constant 0 : index
    %swap3A_14 = tpu.vector_load %arg8[%swap3A] {strides = array<i32>} : memref<128xf32, #tpu.memory_space<vmem>>, vector<16xf32>,
    tpu.vector_store %arg8[%swap3A], %broadcast_in_dim3A_13 {strides = array<i32>} : memref<128xf32, #tpu.memory_space<vmem>>, vector<16xf32>,
    %swap3A_15 = arith.constant 16 : index
    %swap3A_16 = tpu.vector_load %arg8[%swap3A_15] {strides = array<i32>} : memref<128xf32, #tpu.memory_space<vmem>>, vector<16xf32>,
    tpu.vector_store %arg8[%swap3A_15], %broadcast_in_dim3A_13 {strides = array<i32>} : memref<128xf32, #tpu.memory_space<vmem>>, vector<16xf32>,
    %swap3A_17 = arith.constant 32 : index
    %swap3A_18 = tpu.vector_load %arg8[%swap3A_17] {strides = array<i32>} : memref<128xf32, #tpu.memory_space<vmem>>, vector<16xf32>,
    tpu.vector_store %arg8[%swap3A_17], %broadcast_in_dim3A_13 {strides = array<i32>} : memref<128xf32, #tpu.memory_space<vmem>>, vector<16xf32>,
    %swap3A_19 = arith.constant 48 : index
    %swap3A_20 = tpu.vector_load %arg8[%swap3A_19] {strides = array<i32>} : memref<128xf32, #tpu.memory_space<vmem>>, vector<16xf32>,
    tpu.vector_store %arg8[%swap3A_19], %broadcast_in_dim3A_13 {strides = array<i32>} : memref<128xf32, #tpu.memory_space<vmem>>, vector<16xf32>,
    %swap3A_21 = arith.constant 64 : index
    %swap3A_22 = tpu.vector_load %arg8[%swap3A_21] {strides = array<i32>} : memref<128xf32, #tpu.memory_space<vmem>>, vector<16xf32>,
    tpu.vector_store %arg8[%swap3A_21], %broadcast_in_dim3A_13 {strides = array<i32>} : memref<128xf32, #tpu.memory_space<vmem>>, vector<16xf32>,
    %swap3A_23 = arith.constant 80 : index
    %swap3A_24 = tpu.vector_load %arg8[%swap3A_23] {strides = array<i32>} : memref<128xf32, #tpu.memory_space<vmem>>, vector<16xf32>,
    tpu.vector_store %arg8[%swap3A_23], %broadcast_in_dim3A_13 {strides = array<i32>} : memref<128xf32, #tpu.memory_space<vmem>>, vector<16xf32>,
    %swap3A_25 = arith.constant 96 : index
    %swap3A_26 = tpu.vector_load %arg8[%swap3A_25] {strides = array<i32>} : memref<128xf32, #tpu.memory_space<vmem>>, vector<16xf32>,
    tpu.vector_store %arg8[%swap3A_25], %broadcast_in_dim3A_13 {strides = array<i32>} : memref<128xf32, #tpu.memory_space<vmem>>, vector<16xf32>,
    %swap3A_27 = arith.constant 112 : index
    %swap3A_28 = tpu.vector_load %arg8[%swap3A_27] {strides = array<i32>} : memref<128xf32, #tpu.memory_space<vmem>>, vector<16xf32>,
    tpu.vector_store %arg8[%swap3A_27], %broadcast_in_dim3A_13 {strides = array<i32>} : memref<128xf32, #tpu.memory_space<vmem>>, vector<16xf32>,
    %barrier3A = arith.constant 0 : index
    tpu.barrier barrier_id(%barrier3A)
    %scan3A_29 = arith.constant 0 : i32
    %scan3A_30 = arith.constant 0 : i32
    %scan3A_31 = arith.constant 40 : i32
    %scan3A_32 = arith.addi %scan3A_30, %scan3A_31 : i32
    %scan3A_33 = arith.constant 1 : i32
    %scan3A_34 = scf.for %scan3A_44 = %scan3A_30 to %scan3A_32 step %scan3A_33 iter_args(%scan3A_45 = %scan3A_29) -> (i32)  : i32 {
      %add3A_46 = arith.addi %mul3A_4, %scan3A_44 : i32
      %lt3A = arith.constant 1250 : i32
      %lt3A_47 = arith.cmpi slt, %add3A_46, %lt3A : i32
      %convert_element_type3A_48 = arith.extui %lt3A_47 : i1 to i32
      %cond3A_49 = arith.constant 0 : i32
      %cond3A_50 = arith.cmpi ne, %convert_element_type3A_48, %cond3A_49 : i32
      scf.if %cond3A_50 {
        "tpu.region"() ({
          %run_scoped3A = tpu.sem_alloc : memref<!tpu.dma_semaphore, #tpu.memory_space<semaphore_mem>>
          %dma_start3A = arith.constant 0 : i32
          %dma_start3A_52 = tpu.memref_slice %arg6[%scan3A_44, %dma_start3A] : memref<40x128xi32, #tpu.memory_space<vmem>> -> memref<1x128xi32, #tpu.memory_space<vmem>>
          %dma_start3A_53 = tpu.memref_squeeze %dma_start3A_52 : memref<1x128xi32, #tpu.memory_space<vmem>> -> memref<128xi32, #tpu.memory_space<vmem>>
          %dma_start3A_54 = arith.constant 0 : i32
          %dma_start3A_55 = tpu.memref_slice %arg5[%dma_start3A_54] : memref<10240xf32, #tpu.memory_space<vmem_shared>> -> memref<10240xf32, #tpu.memory_space<vmem_shared>>
          tpu.enqueue_indirect_dma source(%arg8 : memref<128xf32, #tpu.memory_space<vmem>>) target(%dma_start3A_55 : memref<10240xf32, #tpu.memory_space<vmem_shared>>) offsets(%dma_start3A_53 : memref<128xi32, #tpu.memory_space<vmem>>) semaphore(%run_scoped3A : memref<!tpu.dma_semaphore, #tpu.memory_space<semaphore_mem>>) {add = true}
          %dma_wait3A = arith.constant 0 : i32
          %dma_wait3A_56 = tpu.memref_slice %arg6[%scan3A_44, %dma_wait3A] : memref<40x128xi32, #tpu.memory_space<vmem>> -> memref<1x128xi32, #tpu.memory_space<vmem>>
          %dma_wait3A_57 = tpu.memref_squeeze %dma_wait3A_56 : memref<1x128xi32, #tpu.memory_space<vmem>> -> memref<128xi32, #tpu.memory_space<vmem>>
          %dma_wait3A_58 = arith.constant 0 : i32
          %dma_wait3A_59 = tpu.memref_slice %arg5[%dma_wait3A_58] : memref<10240xf32, #tpu.memory_space<vmem_shared>> -> memref<10240xf32, #tpu.memory_space<vmem_shared>>
          tpu.wait_indirect_dma semaphore(%run_scoped3A : memref<!tpu.dma_semaphore, #tpu.memory_space<semaphore_mem>>) src(%arg8 : memref<128xf32, #tpu.memory_space<vmem>>) dst(%dma_wait3A_59 : memref<10240xf32, #tpu.memory_space<vmem_shared>>)
          tpu.yield
        }) : () -> ()
      } else {
      }
      %scan3A_51 = arith.constant 0 : i32
      scf.yield %scan3A_51 : i32
    }
    %scan3A_35 = arith.constant 40 : i32
    %barrier3A_36 = arith.constant 0 : index
    tpu.barrier barrier_id(%barrier3A_36)
    %eq3A = arith.constant 0 : i32
    %eq3A_37 = arith.cmpi eq, %arg0, %eq3A : i32
    %convert_element_type3A = arith.extui %eq3A_37 : i1 to i32
    %cond3A = arith.constant 0 : i32
    %cond3A_38 = arith.cmpi ne, %convert_element_type3A, %cond3A : i32
    scf.if %cond3A_38 {
      "tpu.region"() ({
        %run_scoped3A = tpu.sem_alloc : memref<!tpu.dma_semaphore, #tpu.memory_space<semaphore_mem>>
        %dma_start3A = tpu.memref_slice %arg3[%multiple_of3A] : memref<10240xf32, #tpu.memory_space<hbm>> -> memref<640xf32, #tpu.memory_space<hbm>>
        %dma_start3A_44 = tpu.memref_slice %arg5[%multiple_of3A] : memref<10240xf32, #tpu.memory_space<vmem_shared>> -> memref<640xf32, #tpu.memory_space<vmem_shared>>
        tpu.enqueue_dma source(%dma_start3A_44 : memref<640xf32, #tpu.memory_space<vmem_shared>>) target(%dma_start3A : memref<640xf32, #tpu.memory_space<hbm>>) target_semaphore(%run_scoped3A : memref<!tpu.dma_semaphore, #tpu.memory_space<semaphore_mem>>)
        %dma_wait3A = tpu.memref_slice %arg3[%multiple_of3A] : memref<10240xf32, #tpu.memory_space<hbm>> -> memref<640xf32, #tpu.memory_space<hbm>>
        %dma_wait3A_45 = tpu.memref_slice %arg5[%multiple_of3A] : memref<10240xf32, #tpu.memory_space<vmem_shared>> -> memref<640xf32, #tpu.memory_space<vmem_shared>>
        tpu.wait_dma2 semaphore(%run_scoped3A : memref<!tpu.dma_semaphore, #tpu.memory_space<semaphore_mem>>) src(%dma_wait3A_45 : memref<640xf32, #tpu.memory_space<vmem_shared>>) dst(%dma_wait3A : memref<640xf32, #tpu.memory_space<hbm>>)
        tpu.yield
      }) : () -> ()
    } else {
    }
    %eq3A_39 = arith.constant 1 : i32
    %eq3A_40 = arith.cmpi eq, %arg0, %eq3A_39 : i32
    %convert_element_type3A_41 = arith.extui %eq3A_40 : i1 to i32
    %cond3A_42 = arith.constant 0 : i32
    %cond3A_43 = arith.cmpi ne, %convert_element_type3A_41, %cond3A_42 : i32
    scf.if %cond3A_43 {
      "tpu.region"() ({
        %run_scoped3A = tpu.sem_alloc : memref<!tpu.dma_semaphore, #tpu.memory_space<semaphore_mem>>
        %dma_start3A = tpu.memref_slice %arg4[%multiple_of3A] : memref<10240xf32, #tpu.memory_space<hbm>> -> memref<640xf32, #tpu.memory_space<hbm>>
        %dma_start3A_44 = tpu.memref_slice %arg5[%multiple_of3A] : memref<10240xf32, #tpu.memory_space<vmem_shared>> -> memref<640xf32, #tpu.memory_space<vmem_shared>>
        tpu.enqueue_dma source(%dma_start3A_44 : memref<640xf32, #tpu.memory_space<vmem_shared>>) target(%dma_start3A : memref<640xf32, #tpu.memory_space<hbm>>) target_semaphore(%run_scoped3A : memref<!tpu.dma_semaphore, #tpu.memory_space<semaphore_mem>>)
        %dma_wait3A = tpu.memref_slice %arg4[%multiple_of3A] : memref<10240xf32, #tpu.memory_space<hbm>> -> memref<640xf32, #tpu.memory_space<hbm>>
        %dma_wait3A_45 = tpu.memref_slice %arg5[%multiple_of3A] : memref<10240xf32, #tpu.memory_space<vmem_shared>> -> memref<640xf32, #tpu.memory_space<vmem_shared>>
        tpu.wait_dma2 semaphore(%run_scoped3A : memref<!tpu.dma_semaphore, #tpu.memory_space<semaphore_mem>>) src(%dma_wait3A_45 : memref<640xf32, #tpu.memory_space<vmem_shared>>) dst(%dma_wait3A : memref<640xf32, #tpu.memory_space<hbm>>)
        tpu.yield
      }) : () -> ()
    } else {
    }
    return
  }
}

#map = affine_map<(d0, d1) -> (0, 0)>
module attributes {stable_mosaic.version = 14 : i64} {
  func.func @gcn_sc_agg(%arg0: i32, %arg1: i32, %arg2: memref<10240x128xf32, #tpu.memory_space<hbm>>, %arg3: memref<1280x128xi32, #tpu.memory_space<hbm>>, %arg4: memref<1280x128xi32, #tpu.memory_space<hbm>>, %arg5: memref<10240x128xf32, #tpu.memory_space<hbm>>, %arg6: memref<10240x128xf32, #tpu.memory_space<hbm>>, %arg7: memref<10240x128xf32, #tpu.memory_space<vmem_shared>>, %arg8: memref<40x128xi32, #tpu.memory_space<vmem>>, %arg9: memref<40x128xi32, #tpu.memory_space<vmem>>, %arg10: memref<128x128xf32, #tpu.memory_space<vmem>>, %arg11: memref<128x128xf32, #tpu.memory_space<vmem>>, %arg12: memref<!tpu.dma_semaphore, #tpu.memory_space<semaphore_mem>>, %arg13: memref<!tpu.dma_semaphore, #tpu.memory_space<semaphore_mem>>, %arg14: memref<!tpu.dma_semaphore, #tpu.memory_space<semaphore_mem>>, %arg15: memref<!tpu.dma_semaphore, #tpu.memory_space<semaphore_mem>>) attributes {dimension_semantics = [#tpu.dimension_semantics<core_parallel>, #tpu.dimension_semantics<subcore_parallel>], iteration_bounds = array<i64: 2, 16>, scalar_prefetch = 0 : i64, scratch_operands = 9 : i64, tpu.core_type = #tpu.core_type<sc_vector_subcore>, window_params = [{transform_indices = #map}, {transform_indices = #map}, {transform_indices = #map}, {transform_indices = #map}, {transform_indices = #map}]} {
    %mul3A = arith.constant 640 : i32
    %mul3A_0 = arith.muli %arg1, %mul3A : i32
    %multiple_of3A = tpu.assume_multiple %mul3A_0, 8 : i32
    %mul3A_1 = arith.constant 16 : i32
    %mul3A_2 = arith.muli %arg0, %mul3A_1 : i32
    %add3A = arith.addi %mul3A_2, %arg1 : i32
    %mul3A_3 = arith.constant 40 : i32
    %mul3A_4 = arith.muli %add3A, %mul3A_3 : i32
    %broadcast_in_dim3A = arith.constant 0.000000e+00 : f32
    %broadcast_in_dim3A_5 = vector.broadcast %broadcast_in_dim3A : f32 to vector<16xf32>
    %scan3A = arith.constant 0 : i32
    %scan3A_6 = arith.constant 0 : i32
    %scan3A_7 = arith.constant 128 : i32
    %scan3A_8 = arith.addi %scan3A_6, %scan3A_7 : i32
    %scan3A_9 = arith.constant 1 : i32
    %scan3A_10 = scf.for %scan3A_71 = %scan3A_6 to %scan3A_8 step %scan3A_9 iter_args(%scan3A_72 = %scan3A) -> (i32)  : i32 {
      %swap3A = arith.index_cast %scan3A_71 : i32 to index
      %swap3A_73 = arith.constant 0 : index
      %swap3A_74 = tpu.vector_load %arg10[%swap3A, %swap3A_73] {strides = array<i32>} : memref<128x128xf32, #tpu.memory_space<vmem>>, vector<16xf32>,
      tpu.vector_store %arg10[%swap3A, %swap3A_73], %broadcast_in_dim3A_5 {strides = array<i32>} : memref<128x128xf32, #tpu.memory_space<vmem>>, vector<16xf32>,
      %swap3A_75 = arith.index_cast %scan3A_71 : i32 to index
      %swap3A_76 = arith.constant 16 : index
      %swap3A_77 = tpu.vector_load %arg10[%swap3A_75, %swap3A_76] {strides = array<i32>} : memref<128x128xf32, #tpu.memory_space<vmem>>, vector<16xf32>,
      tpu.vector_store %arg10[%swap3A_75, %swap3A_76], %broadcast_in_dim3A_5 {strides = array<i32>} : memref<128x128xf32, #tpu.memory_space<vmem>>, vector<16xf32>,
      %swap3A_78 = arith.index_cast %scan3A_71 : i32 to index
      %swap3A_79 = arith.constant 32 : index
      %swap3A_80 = tpu.vector_load %arg10[%swap3A_78, %swap3A_79] {strides = array<i32>} : memref<128x128xf32, #tpu.memory_space<vmem>>, vector<16xf32>,
      tpu.vector_store %arg10[%swap3A_78, %swap3A_79], %broadcast_in_dim3A_5 {strides = array<i32>} : memref<128x128xf32, #tpu.memory_space<vmem>>, vector<16xf32>,
      %swap3A_81 = arith.index_cast %scan3A_71 : i32 to index
      %swap3A_82 = arith.constant 48 : index
      %swap3A_83 = tpu.vector_load %arg10[%swap3A_81, %swap3A_82] {strides = array<i32>} : memref<128x128xf32, #tpu.memory_space<vmem>>, vector<16xf32>,
      tpu.vector_store %arg10[%swap3A_81, %swap3A_82], %broadcast_in_dim3A_5 {strides = array<i32>} : memref<128x128xf32, #tpu.memory_space<vmem>>, vector<16xf32>,
      %swap3A_84 = arith.index_cast %scan3A_71 : i32 to index
      %swap3A_85 = arith.constant 64 : index
      %swap3A_86 = tpu.vector_load %arg10[%swap3A_84, %swap3A_85] {strides = array<i32>} : memref<128x128xf32, #tpu.memory_space<vmem>>, vector<16xf32>,
      tpu.vector_store %arg10[%swap3A_84, %swap3A_85], %broadcast_in_dim3A_5 {strides = array<i32>} : memref<128x128xf32, #tpu.memory_space<vmem>>, vector<16xf32>,
      %swap3A_87 = arith.index_cast %scan3A_71 : i32 to index
      %swap3A_88 = arith.constant 80 : index
      %swap3A_89 = tpu.vector_load %arg10[%swap3A_87, %swap3A_88] {strides = array<i32>} : memref<128x128xf32, #tpu.memory_space<vmem>>, vector<16xf32>,
      tpu.vector_store %arg10[%swap3A_87, %swap3A_88], %broadcast_in_dim3A_5 {strides = array<i32>} : memref<128x128xf32, #tpu.memory_space<vmem>>, vector<16xf32>,
      %swap3A_90 = arith.index_cast %scan3A_71 : i32 to index
      %swap3A_91 = arith.constant 96 : index
      %swap3A_92 = tpu.vector_load %arg10[%swap3A_90, %swap3A_91] {strides = array<i32>} : memref<128x128xf32, #tpu.memory_space<vmem>>, vector<16xf32>,
      tpu.vector_store %arg10[%swap3A_90, %swap3A_91], %broadcast_in_dim3A_5 {strides = array<i32>} : memref<128x128xf32, #tpu.memory_space<vmem>>, vector<16xf32>,
      %swap3A_93 = arith.index_cast %scan3A_71 : i32 to index
      %swap3A_94 = arith.constant 112 : index
      %swap3A_95 = tpu.vector_load %arg10[%swap3A_93, %swap3A_94] {strides = array<i32>} : memref<128x128xf32, #tpu.memory_space<vmem>>, vector<16xf32>,
      tpu.vector_store %arg10[%swap3A_93, %swap3A_94], %broadcast_in_dim3A_5 {strides = array<i32>} : memref<128x128xf32, #tpu.memory_space<vmem>>, vector<16xf32>,
      %scan3A_96 = arith.constant 0 : i32
      scf.yield %scan3A_96 : i32
    }
    %scan3A_11 = arith.constant 128 : i32
    %add3A_12 = arith.constant 0 : i32
    %add3A_13 = arith.addi %multiple_of3A, %add3A_12 : i32
    "tpu.region"() ({
      %run_scoped3A = tpu.sem_alloc : memref<!tpu.dma_semaphore, #tpu.memory_space<semaphore_mem>>
      %dma_start3A_71 = arith.constant 0 : i32
      %dma_start3A_72 = tpu.memref_slice %arg7[%add3A_13, %dma_start3A_71] : memref<10240x128xf32, #tpu.memory_space<vmem_shared>> -> memref<128x128xf32, #tpu.memory_space<vmem_shared>>
      %dma_start3A_73 = arith.constant 0 : i32
      %dma_start3A_74 = tpu.memref_slice %arg7[%add3A_13, %dma_start3A_73] : memref<10240x128xf32, #tpu.memory_space<vmem_shared>> -> memref<128x128xf32, #tpu.memory_space<vmem_shared>>
      tpu.enqueue_dma source(%arg10 : memref<128x128xf32, #tpu.memory_space<vmem>>) target(%dma_start3A_74 : memref<128x128xf32, #tpu.memory_space<vmem_shared>>) target_semaphore(%run_scoped3A : memref<!tpu.dma_semaphore, #tpu.memory_space<semaphore_mem>>)
      %dma_wait3A_75 = arith.constant 0 : i32
      %dma_wait3A_76 = tpu.memref_slice %arg7[%add3A_13, %dma_wait3A_75] : memref<10240x128xf32, #tpu.memory_space<vmem_shared>> -> memref<128x128xf32, #tpu.memory_space<vmem_shared>>
      %dma_wait3A_77 = arith.constant 0 : i32
      %dma_wait3A_78 = tpu.memref_slice %arg7[%add3A_13, %dma_wait3A_77] : memref<10240x128xf32, #tpu.memory_space<vmem_shared>> -> memref<128x128xf32, #tpu.memory_space<vmem_shared>>
      tpu.wait_dma2 semaphore(%run_scoped3A : memref<!tpu.dma_semaphore, #tpu.memory_space<semaphore_mem>>) src(%arg10 : memref<128x128xf32, #tpu.memory_space<vmem>>) dst(%dma_wait3A_78 : memref<128x128xf32, #tpu.memory_space<vmem_shared>>)
      tpu.yield
    }) : () -> ()
    %add3A_14 = arith.constant 128 : i32
    %add3A_15 = arith.addi %multiple_of3A, %add3A_14 : i32
    "tpu.region"() ({
      %run_scoped3A = tpu.sem_alloc : memref<!tpu.dma_semaphore, #tpu.memory_space<semaphore_mem>>
      %dma_start3A_71 = arith.constant 0 : i32
      %dma_start3A_72 = tpu.memref_slice %arg7[%add3A_15, %dma_start3A_71] : memref<10240x128xf32, #tpu.memory_space<vmem_shared>> -> memref<128x128xf32, #tpu.memory_space<vmem_shared>>
      %dma_start3A_73 = arith.constant 0 : i32
      %dma_start3A_74 = tpu.memref_slice %arg7[%add3A_15, %dma_start3A_73] : memref<10240x128xf32, #tpu.memory_space<vmem_shared>> -> memref<128x128xf32, #tpu.memory_space<vmem_shared>>
      tpu.enqueue_dma source(%arg10 : memref<128x128xf32, #tpu.memory_space<vmem>>) target(%dma_start3A_74 : memref<128x128xf32, #tpu.memory_space<vmem_shared>>) target_semaphore(%run_scoped3A : memref<!tpu.dma_semaphore, #tpu.memory_space<semaphore_mem>>)
      %dma_wait3A_75 = arith.constant 0 : i32
      %dma_wait3A_76 = tpu.memref_slice %arg7[%add3A_15, %dma_wait3A_75] : memref<10240x128xf32, #tpu.memory_space<vmem_shared>> -> memref<128x128xf32, #tpu.memory_space<vmem_shared>>
      %dma_wait3A_77 = arith.constant 0 : i32
      %dma_wait3A_78 = tpu.memref_slice %arg7[%add3A_15, %dma_wait3A_77] : memref<10240x128xf32, #tpu.memory_space<vmem_shared>> -> memref<128x128xf32, #tpu.memory_space<vmem_shared>>
      tpu.wait_dma2 semaphore(%run_scoped3A : memref<!tpu.dma_semaphore, #tpu.memory_space<semaphore_mem>>) src(%arg10 : memref<128x128xf32, #tpu.memory_space<vmem>>) dst(%dma_wait3A_78 : memref<128x128xf32, #tpu.memory_space<vmem_shared>>)
      tpu.yield
    }) : () -> ()
    %add3A_16 = arith.constant 256 : i32
    %add3A_17 = arith.addi %multiple_of3A, %add3A_16 : i32
    "tpu.region"() ({
      %run_scoped3A = tpu.sem_alloc : memref<!tpu.dma_semaphore, #tpu.memory_space<semaphore_mem>>
      %dma_start3A_71 = arith.constant 0 : i32
      %dma_start3A_72 = tpu.memref_slice %arg7[%add3A_17, %dma_start3A_71] : memref<10240x128xf32, #tpu.memory_space<vmem_shared>> -> memref<128x128xf32, #tpu.memory_space<vmem_shared>>
      %dma_start3A_73 = arith.constant 0 : i32
      %dma_start3A_74 = tpu.memref_slice %arg7[%add3A_17, %dma_start3A_73] : memref<10240x128xf32, #tpu.memory_space<vmem_shared>> -> memref<128x128xf32, #tpu.memory_space<vmem_shared>>
      tpu.enqueue_dma source(%arg10 : memref<128x128xf32, #tpu.memory_space<vmem>>) target(%dma_start3A_74 : memref<128x128xf32, #tpu.memory_space<vmem_shared>>) target_semaphore(%run_scoped3A : memref<!tpu.dma_semaphore, #tpu.memory_space<semaphore_mem>>)
      %dma_wait3A_75 = arith.constant 0 : i32
      %dma_wait3A_76 = tpu.memref_slice %arg7[%add3A_17, %dma_wait3A_75] : memref<10240x128xf32, #tpu.memory_space<vmem_shared>> -> memref<128x128xf32, #tpu.memory_space<vmem_shared>>
      %dma_wait3A_77 = arith.constant 0 : i32
      %dma_wait3A_78 = tpu.memref_slice %arg7[%add3A_17, %dma_wait3A_77] : memref<10240x128xf32, #tpu.memory_space<vmem_shared>> -> memref<128x128xf32, #tpu.memory_space<vmem_shared>>
      tpu.wait_dma2 semaphore(%run_scoped3A : memref<!tpu.dma_semaphore, #tpu.memory_space<semaphore_mem>>) src(%arg10 : memref<128x128xf32, #tpu.memory_space<vmem>>) dst(%dma_wait3A_78 : memref<128x128xf32, #tpu.memory_space<vmem_shared>>)
      tpu.yield
    }) : () -> ()
    %add3A_18 = arith.constant 384 : i32
    %add3A_19 = arith.addi %multiple_of3A, %add3A_18 : i32
    "tpu.region"() ({
      %run_scoped3A = tpu.sem_alloc : memref<!tpu.dma_semaphore, #tpu.memory_space<semaphore_mem>>
      %dma_start3A_71 = arith.constant 0 : i32
      %dma_start3A_72 = tpu.memref_slice %arg7[%add3A_19, %dma_start3A_71] : memref<10240x128xf32, #tpu.memory_space<vmem_shared>> -> memref<128x128xf32, #tpu.memory_space<vmem_shared>>
      %dma_start3A_73 = arith.constant 0 : i32
      %dma_start3A_74 = tpu.memref_slice %arg7[%add3A_19, %dma_start3A_73] : memref<10240x128xf32, #tpu.memory_space<vmem_shared>> -> memref<128x128xf32, #tpu.memory_space<vmem_shared>>
      tpu.enqueue_dma source(%arg10 : memref<128x128xf32, #tpu.memory_space<vmem>>) target(%dma_start3A_74 : memref<128x128xf32, #tpu.memory_space<vmem_shared>>) target_semaphore(%run_scoped3A : memref<!tpu.dma_semaphore, #tpu.memory_space<semaphore_mem>>)
      %dma_wait3A_75 = arith.constant 0 : i32
      %dma_wait3A_76 = tpu.memref_slice %arg7[%add3A_19, %dma_wait3A_75] : memref<10240x128xf32, #tpu.memory_space<vmem_shared>> -> memref<128x128xf32, #tpu.memory_space<vmem_shared>>
      %dma_wait3A_77 = arith.constant 0 : i32
      %dma_wait3A_78 = tpu.memref_slice %arg7[%add3A_19, %dma_wait3A_77] : memref<10240x128xf32, #tpu.memory_space<vmem_shared>> -> memref<128x128xf32, #tpu.memory_space<vmem_shared>>
      tpu.wait_dma2 semaphore(%run_scoped3A : memref<!tpu.dma_semaphore, #tpu.memory_space<semaphore_mem>>) src(%arg10 : memref<128x128xf32, #tpu.memory_space<vmem>>) dst(%dma_wait3A_78 : memref<128x128xf32, #tpu.memory_space<vmem_shared>>)
      tpu.yield
    }) : () -> ()
    %add3A_20 = arith.constant 512 : i32
    %add3A_21 = arith.addi %multiple_of3A, %add3A_20 : i32
    "tpu.region"() ({
      %run_scoped3A = tpu.sem_alloc : memref<!tpu.dma_semaphore, #tpu.memory_space<semaphore_mem>>
      %dma_start3A_71 = arith.constant 0 : i32
      %dma_start3A_72 = tpu.memref_slice %arg7[%add3A_21, %dma_start3A_71] : memref<10240x128xf32, #tpu.memory_space<vmem_shared>> -> memref<128x128xf32, #tpu.memory_space<vmem_shared>>
      %dma_start3A_73 = arith.constant 0 : i32
      %dma_start3A_74 = tpu.memref_slice %arg7[%add3A_21, %dma_start3A_73] : memref<10240x128xf32, #tpu.memory_space<vmem_shared>> -> memref<128x128xf32, #tpu.memory_space<vmem_shared>>
      tpu.enqueue_dma source(%arg10 : memref<128x128xf32, #tpu.memory_space<vmem>>) target(%dma_start3A_74 : memref<128x128xf32, #tpu.memory_space<vmem_shared>>) target_semaphore(%run_scoped3A : memref<!tpu.dma_semaphore, #tpu.memory_space<semaphore_mem>>)
      %dma_wait3A_75 = arith.constant 0 : i32
      %dma_wait3A_76 = tpu.memref_slice %arg7[%add3A_21, %dma_wait3A_75] : memref<10240x128xf32, #tpu.memory_space<vmem_shared>> -> memref<128x128xf32, #tpu.memory_space<vmem_shared>>
      %dma_wait3A_77 = arith.constant 0 : i32
      %dma_wait3A_78 = tpu.memref_slice %arg7[%add3A_21, %dma_wait3A_77] : memref<10240x128xf32, #tpu.memory_space<vmem_shared>> -> memref<128x128xf32, #tpu.memory_space<vmem_shared>>
      tpu.wait_dma2 semaphore(%run_scoped3A : memref<!tpu.dma_semaphore, #tpu.memory_space<semaphore_mem>>) src(%arg10 : memref<128x128xf32, #tpu.memory_space<vmem>>) dst(%dma_wait3A_78 : memref<128x128xf32, #tpu.memory_space<vmem_shared>>)
      tpu.yield
    }) : () -> ()
    %barrier3A = arith.constant 0 : index
    tpu.barrier barrier_id(%barrier3A)
    %scan3A_22 = arith.constant 0 : i32
    %scan3A_23 = arith.constant 0 : i32
    %mul3A_24 = arith.constant 40 : i32
    %mul3A_25 = arith.muli %scan3A_23, %mul3A_24 : i32
    %add3A_26 = arith.addi %mul3A_4, %mul3A_25 : i32
    %multiple_of3A_27 = tpu.assume_multiple %add3A_26, 8 : i32
    "tpu.region"() ({
      %run_scoped3A = tpu.sem_alloc : memref<!tpu.dma_semaphore, #tpu.memory_space<semaphore_mem>>
      %dma_start3A_71 = arith.constant 0 : i32
      %dma_start3A_72 = tpu.memref_slice %arg3[%multiple_of3A_27, %dma_start3A_71] : memref<1280x128xi32, #tpu.memory_space<hbm>> -> memref<40x128xi32, #tpu.memory_space<hbm>>
      %dma_start3A_73 = arith.constant 0 : i32
      %dma_start3A_74 = tpu.memref_slice %arg3[%multiple_of3A_27, %dma_start3A_73] : memref<1280x128xi32, #tpu.memory_space<hbm>> -> memref<40x128xi32, #tpu.memory_space<hbm>>
      tpu.enqueue_dma source(%dma_start3A_74 : memref<40x128xi32, #tpu.memory_space<hbm>>) target(%arg8 : memref<40x128xi32, #tpu.memory_space<vmem>>) target_semaphore(%run_scoped3A : memref<!tpu.dma_semaphore, #tpu.memory_space<semaphore_mem>>)
      %dma_wait3A_75 = arith.constant 0 : i32
      %dma_wait3A_76 = tpu.memref_slice %arg3[%multiple_of3A_27, %dma_wait3A_75] : memref<1280x128xi32, #tpu.memory_space<hbm>> -> memref<40x128xi32, #tpu.memory_space<hbm>>
      %dma_wait3A_77 = arith.constant 0 : i32
      %dma_wait3A_78 = tpu.memref_slice %arg3[%multiple_of3A_27, %dma_wait3A_77] : memref<1280x128xi32, #tpu.memory_space<hbm>> -> memref<40x128xi32, #tpu.memory_space<hbm>>
      tpu.wait_dma2 semaphore(%run_scoped3A : memref<!tpu.dma_semaphore, #tpu.memory_space<semaphore_mem>>) src(%dma_wait3A_78 : memref<40x128xi32, #tpu.memory_space<hbm>>) dst(%arg8 : memref<40x128xi32, #tpu.memory_space<vmem>>)
      tpu.yield
    }) : () -> ()
    "tpu.region"() ({
      %run_scoped3A = tpu.sem_alloc : memref<!tpu.dma_semaphore, #tpu.memory_space<semaphore_mem>>
      %dma_start3A_71 = arith.constant 0 : i32
      %dma_start3A_72 = tpu.memref_slice %arg4[%multiple_of3A_27, %dma_start3A_71] : memref<1280x128xi32, #tpu.memory_space<hbm>> -> memref<40x128xi32, #tpu.memory_space<hbm>>
      %dma_start3A_73 = arith.constant 0 : i32
      %dma_start3A_74 = tpu.memref_slice %arg4[%multiple_of3A_27, %dma_start3A_73] : memref<1280x128xi32, #tpu.memory_space<hbm>> -> memref<40x128xi32, #tpu.memory_space<hbm>>
      tpu.enqueue_dma source(%dma_start3A_74 : memref<40x128xi32, #tpu.memory_space<hbm>>) target(%arg9 : memref<40x128xi32, #tpu.memory_space<vmem>>) target_semaphore(%run_scoped3A : memref<!tpu.dma_semaphore, #tpu.memory_space<semaphore_mem>>)
      %dma_wait3A_75 = arith.constant 0 : i32
      %dma_wait3A_76 = tpu.memref_slice %arg4[%multiple_of3A_27, %dma_wait3A_75] : memref<1280x128xi32, #tpu.memory_space<hbm>> -> memref<40x128xi32, #tpu.memory_space<hbm>>
      %dma_wait3A_77 = arith.constant 0 : i32
      %dma_wait3A_78 = tpu.memref_slice %arg4[%multiple_of3A_27, %dma_wait3A_77] : memref<1280x128xi32, #tpu.memory_space<hbm>> -> memref<40x128xi32, #tpu.memory_space<hbm>>
      tpu.wait_dma2 semaphore(%run_scoped3A : memref<!tpu.dma_semaphore, #tpu.memory_space<semaphore_mem>>) src(%dma_wait3A_78 : memref<40x128xi32, #tpu.memory_space<hbm>>) dst(%arg9 : memref<40x128xi32, #tpu.memory_space<vmem>>)
      tpu.yield
    }) : () -> ()
    %dma_start3A = arith.constant 0 : i32
    %dma_start3A_28 = arith.constant 0 : i32
    %dma_start3A_29 = tpu.memref_slice %arg9[%dma_start3A, %dma_start3A_28] : memref<40x128xi32, #tpu.memory_space<vmem>> -> memref<1x128xi32, #tpu.memory_space<vmem>>
    %dma_start3A_30 = tpu.memref_squeeze %dma_start3A_29 : memref<1x128xi32, #tpu.memory_space<vmem>> -> memref<128xi32, #tpu.memory_space<vmem>>
    %dma_start3A_31 = arith.constant 0 : i32
    %dma_start3A_32 = arith.constant 0 : i32
    %dma_start3A_33 = tpu.memref_slice %arg2[%dma_start3A_31, %dma_start3A_32] : memref<10240x128xf32, #tpu.memory_space<hbm>> -> memref<10240x128xf32, #tpu.memory_space<hbm>>
    tpu.enqueue_indirect_dma source(%dma_start3A_33 : memref<10240x128xf32, #tpu.memory_space<hbm>>) target(%arg10 : memref<128x128xf32, #tpu.memory_space<vmem>>) offsets(%dma_start3A_30 : memref<128xi32, #tpu.memory_space<vmem>>) semaphore(%arg12 : memref<!tpu.dma_semaphore, #tpu.memory_space<semaphore_mem>>)
    %dma_start3A_34 = arith.constant 1 : i32
    %dma_start3A_35 = arith.constant 0 : i32
    %dma_start3A_36 = tpu.memref_slice %arg9[%dma_start3A_34, %dma_start3A_35] : memref<40x128xi32, #tpu.memory_space<vmem>> -> memref<1x128xi32, #tpu.memory_space<vmem>>
    %dma_start3A_37 = tpu.memref_squeeze %dma_start3A_36 : memref<1x128xi32, #tpu.memory_space<vmem>> -> memref<128xi32, #tpu.memory_space<vmem>>
    %dma_start3A_38 = arith.constant 0 : i32
    %dma_start3A_39 = arith.constant 0 : i32
    %dma_start3A_40 = tpu.memref_slice %arg2[%dma_start3A_38, %dma_start3A_39] : memref<10240x128xf32, #tpu.memory_space<hbm>> -> memref<10240x128xf32, #tpu.memory_space<hbm>>
    tpu.enqueue_indirect_dma source(%dma_start3A_40 : memref<10240x128xf32, #tpu.memory_space<hbm>>) target(%arg11 : memref<128x128xf32, #tpu.memory_space<vmem>>) offsets(%dma_start3A_37 : memref<128xi32, #tpu.memory_space<vmem>>) semaphore(%arg13 : memref<!tpu.dma_semaphore, #tpu.memory_space<semaphore_mem>>)
    %scan3A_41 = arith.constant 0 : i32
    %scan3A_42 = arith.constant 0 : i32
    %scan3A_43 = arith.constant 20 : i32
    %scan3A_44 = arith.addi %scan3A_42, %scan3A_43 : i32
    %scan3A_45 = arith.constant 1 : i32
    %scan3A_46 = scf.for %scan3A_71 = %scan3A_42 to %scan3A_44 step %scan3A_45 iter_args(%scan3A_72 = %scan3A_41) -> (i32)  : i32 {
      %mul3A_73 = arith.constant 2 : i32
      %mul3A_74 = arith.muli %scan3A_71, %mul3A_73 : i32
      %add3A_75 = arith.constant 0 : i32
      %add3A_76 = arith.addi %mul3A_74, %add3A_75 : i32
      %dma_wait3A_77 = arith.constant 0 : i32
      %dma_wait3A_78 = tpu.memref_slice %arg9[%add3A_76, %dma_wait3A_77] : memref<40x128xi32, #tpu.memory_space<vmem>> -> memref<1x128xi32, #tpu.memory_space<vmem>>
      %dma_wait3A_79 = tpu.memref_squeeze %dma_wait3A_78 : memref<1x128xi32, #tpu.memory_space<vmem>> -> memref<128xi32, #tpu.memory_space<vmem>>
      %dma_wait3A_80 = arith.constant 0 : i32
      %dma_wait3A_81 = arith.constant 0 : i32
      %dma_wait3A_82 = tpu.memref_slice %arg2[%dma_wait3A_80, %dma_wait3A_81] : memref<10240x128xf32, #tpu.memory_space<hbm>> -> memref<10240x128xf32, #tpu.memory_space<hbm>>
      tpu.wait_indirect_dma semaphore(%arg12 : memref<!tpu.dma_semaphore, #tpu.memory_space<semaphore_mem>>) src(%dma_wait3A_82 : memref<10240x128xf32, #tpu.memory_space<hbm>>) dst(%arg10 : memref<128x128xf32, #tpu.memory_space<vmem>>)
      %dma_start3A_83 = arith.constant 0 : i32
      %dma_start3A_84 = tpu.memref_slice %arg8[%add3A_76, %dma_start3A_83] : memref<40x128xi32, #tpu.memory_space<vmem>> -> memref<1x128xi32, #tpu.memory_space<vmem>>
      %dma_start3A_85 = tpu.memref_squeeze %dma_start3A_84 : memref<1x128xi32, #tpu.memory_space<vmem>> -> memref<128xi32, #tpu.memory_space<vmem>>
      %dma_start3A_86 = arith.constant 0 : i32
      %dma_start3A_87 = arith.constant 0 : i32
      %dma_start3A_88 = tpu.memref_slice %arg7[%dma_start3A_86, %dma_start3A_87] : memref<10240x128xf32, #tpu.memory_space<vmem_shared>> -> memref<10240x128xf32, #tpu.memory_space<vmem_shared>>
      tpu.enqueue_indirect_dma source(%arg10 : memref<128x128xf32, #tpu.memory_space<vmem>>) target(%dma_start3A_88 : memref<10240x128xf32, #tpu.memory_space<vmem_shared>>) offsets(%dma_start3A_85 : memref<128xi32, #tpu.memory_space<vmem>>) semaphore(%arg14 : memref<!tpu.dma_semaphore, #tpu.memory_space<semaphore_mem>>) {add = true}
      %add3A_89 = arith.constant 2 : i32
      %add3A_90 = arith.addi %add3A_76, %add3A_89 : i32
      %lt3A = arith.constant 40 : i32
      %lt3A_91 = arith.cmpi slt, %add3A_90, %lt3A : i32
      %convert_element_type3A_92 = arith.extui %lt3A_91 : i1 to i32
      %cond3A_93 = arith.constant 0 : i32
      %cond3A_94 = arith.cmpi ne, %convert_element_type3A_92, %cond3A_93 : i32
      scf.if %cond3A_94 {
        %dma_wait3A_119 = arith.constant 0 : i32
        %dma_wait3A_120 = tpu.memref_slice %arg8[%add3A_76, %dma_wait3A_119] : memref<40x128xi32, #tpu.memory_space<vmem>> -> memref<1x128xi32, #tpu.memory_space<vmem>>
        %dma_wait3A_121 = tpu.memref_squeeze %dma_wait3A_120 : memref<1x128xi32, #tpu.memory_space<vmem>> -> memref<128xi32, #tpu.memory_space<vmem>>
        %dma_wait3A_122 = arith.constant 0 : i32
        %dma_wait3A_123 = arith.constant 0 : i32
        %dma_wait3A_124 = tpu.memref_slice %arg7[%dma_wait3A_122, %dma_wait3A_123] : memref<10240x128xf32, #tpu.memory_space<vmem_shared>> -> memref<10240x128xf32, #tpu.memory_space<vmem_shared>>
        tpu.wait_indirect_dma semaphore(%arg14 : memref<!tpu.dma_semaphore, #tpu.memory_space<semaphore_mem>>) src(%arg10 : memref<128x128xf32, #tpu.memory_space<vmem>>) dst(%dma_wait3A_124 : memref<10240x128xf32, #tpu.memory_space<vmem_shared>>)
        %add3A_125 = arith.constant 2 : i32
        %add3A_126 = arith.addi %add3A_76, %add3A_125 : i32
        %dma_start3A_127 = arith.constant 0 : i32
        %dma_start3A_128 = tpu.memref_slice %arg9[%add3A_126, %dma_start3A_127] : memref<40x128xi32, #tpu.memory_space<vmem>> -> memref<1x128xi32, #tpu.memory_space<vmem>>
        %dma_start3A_129 = tpu.memref_squeeze %dma_start3A_128 : memref<1x128xi32, #tpu.memory_space<vmem>> -> memref<128xi32, #tpu.memory_space<vmem>>
        %dma_start3A_130 = arith.constant 0 : i32
        %dma_start3A_131 = arith.constant 0 : i32
        %dma_start3A_132 = tpu.memref_slice %arg2[%dma_start3A_130, %dma_start3A_131] : memref<10240x128xf32, #tpu.memory_space<hbm>> -> memref<10240x128xf32, #tpu.memory_space<hbm>>
        tpu.enqueue_indirect_dma source(%dma_start3A_132 : memref<10240x128xf32, #tpu.memory_space<hbm>>) target(%arg10 : memref<128x128xf32, #tpu.memory_space<vmem>>) offsets(%dma_start3A_129 : memref<128xi32, #tpu.memory_space<vmem>>) semaphore(%arg12 : memref<!tpu.dma_semaphore, #tpu.memory_space<semaphore_mem>>)
      } else {
      }
      %mul3A_95 = arith.constant 2 : i32
      %mul3A_96 = arith.muli %scan3A_71, %mul3A_95 : i32
      %add3A_97 = arith.constant 1 : i32
      %add3A_98 = arith.addi %mul3A_96, %add3A_97 : i32
      %dma_wait3A_99 = arith.constant 0 : i32
      %dma_wait3A_100 = tpu.memref_slice %arg9[%add3A_98, %dma_wait3A_99] : memref<40x128xi32, #tpu.memory_space<vmem>> -> memref<1x128xi32, #tpu.memory_space<vmem>>
      %dma_wait3A_101 = tpu.memref_squeeze %dma_wait3A_100 : memref<1x128xi32, #tpu.memory_space<vmem>> -> memref<128xi32, #tpu.memory_space<vmem>>
      %dma_wait3A_102 = arith.constant 0 : i32
      %dma_wait3A_103 = arith.constant 0 : i32
      %dma_wait3A_104 = tpu.memref_slice %arg2[%dma_wait3A_102, %dma_wait3A_103] : memref<10240x128xf32, #tpu.memory_space<hbm>> -> memref<10240x128xf32, #tpu.memory_space<hbm>>
      tpu.wait_indirect_dma semaphore(%arg13 : memref<!tpu.dma_semaphore, #tpu.memory_space<semaphore_mem>>) src(%dma_wait3A_104 : memref<10240x128xf32, #tpu.memory_space<hbm>>) dst(%arg11 : memref<128x128xf32, #tpu.memory_space<vmem>>)
      %dma_start3A_105 = arith.constant 0 : i32
      %dma_start3A_106 = tpu.memref_slice %arg8[%add3A_98, %dma_start3A_105] : memref<40x128xi32, #tpu.memory_space<vmem>> -> memref<1x128xi32, #tpu.memory_space<vmem>>
      %dma_start3A_107 = tpu.memref_squeeze %dma_start3A_106 : memref<1x128xi32, #tpu.memory_space<vmem>> -> memref<128xi32, #tpu.memory_space<vmem>>
      %dma_start3A_108 = arith.constant 0 : i32
      %dma_start3A_109 = arith.constant 0 : i32
      %dma_start3A_110 = tpu.memref_slice %arg7[%dma_start3A_108, %dma_start3A_109] : memref<10240x128xf32, #tpu.memory_space<vmem_shared>> -> memref<10240x128xf32, #tpu.memory_space<vmem_shared>>
      tpu.enqueue_indirect_dma source(%arg11 : memref<128x128xf32, #tpu.memory_space<vmem>>) target(%dma_start3A_110 : memref<10240x128xf32, #tpu.memory_space<vmem_shared>>) offsets(%dma_start3A_107 : memref<128xi32, #tpu.memory_space<vmem>>) semaphore(%arg15 : memref<!tpu.dma_semaphore, #tpu.memory_space<semaphore_mem>>) {add = true}
      %add3A_111 = arith.constant 2 : i32
      %add3A_112 = arith.addi %add3A_98, %add3A_111 : i32
      %lt3A_113 = arith.constant 40 : i32
      %lt3A_114 = arith.cmpi slt, %add3A_112, %lt3A_113 : i32
      %convert_element_type3A_115 = arith.extui %lt3A_114 : i1 to i32
      %cond3A_116 = arith.constant 0 : i32
      %cond3A_117 = arith.cmpi ne, %convert_element_type3A_115, %cond3A_116 : i32
      scf.if %cond3A_117 {
        %dma_wait3A_119 = arith.constant 0 : i32
        %dma_wait3A_120 = tpu.memref_slice %arg8[%add3A_98, %dma_wait3A_119] : memref<40x128xi32, #tpu.memory_space<vmem>> -> memref<1x128xi32, #tpu.memory_space<vmem>>
        %dma_wait3A_121 = tpu.memref_squeeze %dma_wait3A_120 : memref<1x128xi32, #tpu.memory_space<vmem>> -> memref<128xi32, #tpu.memory_space<vmem>>
        %dma_wait3A_122 = arith.constant 0 : i32
        %dma_wait3A_123 = arith.constant 0 : i32
        %dma_wait3A_124 = tpu.memref_slice %arg7[%dma_wait3A_122, %dma_wait3A_123] : memref<10240x128xf32, #tpu.memory_space<vmem_shared>> -> memref<10240x128xf32, #tpu.memory_space<vmem_shared>>
        tpu.wait_indirect_dma semaphore(%arg15 : memref<!tpu.dma_semaphore, #tpu.memory_space<semaphore_mem>>) src(%arg11 : memref<128x128xf32, #tpu.memory_space<vmem>>) dst(%dma_wait3A_124 : memref<10240x128xf32, #tpu.memory_space<vmem_shared>>)
        %add3A_125 = arith.constant 2 : i32
        %add3A_126 = arith.addi %add3A_98, %add3A_125 : i32
        %dma_start3A_127 = arith.constant 0 : i32
        %dma_start3A_128 = tpu.memref_slice %arg9[%add3A_126, %dma_start3A_127] : memref<40x128xi32, #tpu.memory_space<vmem>> -> memref<1x128xi32, #tpu.memory_space<vmem>>
        %dma_start3A_129 = tpu.memref_squeeze %dma_start3A_128 : memref<1x128xi32, #tpu.memory_space<vmem>> -> memref<128xi32, #tpu.memory_space<vmem>>
        %dma_start3A_130 = arith.constant 0 : i32
        %dma_start3A_131 = arith.constant 0 : i32
        %dma_start3A_132 = tpu.memref_slice %arg2[%dma_start3A_130, %dma_start3A_131] : memref<10240x128xf32, #tpu.memory_space<hbm>> -> memref<10240x128xf32, #tpu.memory_space<hbm>>
        tpu.enqueue_indirect_dma source(%dma_start3A_132 : memref<10240x128xf32, #tpu.memory_space<hbm>>) target(%arg11 : memref<128x128xf32, #tpu.memory_space<vmem>>) offsets(%dma_start3A_129 : memref<128xi32, #tpu.memory_space<vmem>>) semaphore(%arg13 : memref<!tpu.dma_semaphore, #tpu.memory_space<semaphore_mem>>)
      } else {
      }
      %scan3A_118 = arith.constant 0 : i32
      scf.yield %scan3A_118 : i32
    }
    %scan3A_47 = arith.constant 20 : i32
    %dma_wait3A = arith.constant 38 : i32
    %dma_wait3A_48 = arith.constant 0 : i32
    %dma_wait3A_49 = tpu.memref_slice %arg8[%dma_wait3A, %dma_wait3A_48] : memref<40x128xi32, #tpu.memory_space<vmem>> -> memref<1x128xi32, #tpu.memory_space<vmem>>
    %dma_wait3A_50 = tpu.memref_squeeze %dma_wait3A_49 : memref<1x128xi32, #tpu.memory_space<vmem>> -> memref<128xi32, #tpu.memory_space<vmem>>
    %dma_wait3A_51 = arith.constant 0 : i32
    %dma_wait3A_52 = arith.constant 0 : i32
    %dma_wait3A_53 = tpu.memref_slice %arg7[%dma_wait3A_51, %dma_wait3A_52] : memref<10240x128xf32, #tpu.memory_space<vmem_shared>> -> memref<10240x128xf32, #tpu.memory_space<vmem_shared>>
    tpu.wait_indirect_dma semaphore(%arg14 : memref<!tpu.dma_semaphore, #tpu.memory_space<semaphore_mem>>) src(%arg10 : memref<128x128xf32, #tpu.memory_space<vmem>>) dst(%dma_wait3A_53 : memref<10240x128xf32, #tpu.memory_space<vmem_shared>>)
    %dma_wait3A_54 = arith.constant 39 : i32
    %dma_wait3A_55 = arith.constant 0 : i32
    %dma_wait3A_56 = tpu.memref_slice %arg8[%dma_wait3A_54, %dma_wait3A_55] : memref<40x128xi32, #tpu.memory_space<vmem>> -> memref<1x128xi32, #tpu.memory_space<vmem>>
    %dma_wait3A_57 = tpu.memref_squeeze %dma_wait3A_56 : memref<1x128xi32, #tpu.memory_space<vmem>> -> memref<128xi32, #tpu.memory_space<vmem>>
    %dma_wait3A_58 = arith.constant 0 : i32
    %dma_wait3A_59 = arith.constant 0 : i32
    %dma_wait3A_60 = tpu.memref_slice %arg7[%dma_wait3A_58, %dma_wait3A_59] : memref<10240x128xf32, #tpu.memory_space<vmem_shared>> -> memref<10240x128xf32, #tpu.memory_space<vmem_shared>>
    tpu.wait_indirect_dma semaphore(%arg15 : memref<!tpu.dma_semaphore, #tpu.memory_space<semaphore_mem>>) src(%arg11 : memref<128x128xf32, #tpu.memory_space<vmem>>) dst(%dma_wait3A_60 : memref<10240x128xf32, #tpu.memory_space<vmem_shared>>)
    %scan3A_61 = arith.constant 0 : i32
    %scan3A_62 = arith.constant 1 : i32
    %barrier3A_63 = arith.constant 0 : index
    tpu.barrier barrier_id(%barrier3A_63)
    %eq3A = arith.constant 0 : i32
    %eq3A_64 = arith.cmpi eq, %arg0, %eq3A : i32
    %convert_element_type3A = arith.extui %eq3A_64 : i1 to i32
    %cond3A = arith.constant 0 : i32
    %cond3A_65 = arith.cmpi ne, %convert_element_type3A, %cond3A : i32
    scf.if %cond3A_65 {
      "tpu.region"() ({
        %run_scoped3A = tpu.sem_alloc : memref<!tpu.dma_semaphore, #tpu.memory_space<semaphore_mem>>
        %dma_start3A_71 = arith.constant 0 : i32
        %dma_start3A_72 = tpu.memref_slice %arg5[%multiple_of3A, %dma_start3A_71] : memref<10240x128xf32, #tpu.memory_space<hbm>> -> memref<640x128xf32, #tpu.memory_space<hbm>>
        %dma_start3A_73 = arith.constant 0 : i32
        %dma_start3A_74 = tpu.memref_slice %arg7[%multiple_of3A, %dma_start3A_73] : memref<10240x128xf32, #tpu.memory_space<vmem_shared>> -> memref<640x128xf32, #tpu.memory_space<vmem_shared>>
        tpu.enqueue_dma source(%dma_start3A_74 : memref<640x128xf32, #tpu.memory_space<vmem_shared>>) target(%dma_start3A_72 : memref<640x128xf32, #tpu.memory_space<hbm>>) target_semaphore(%run_scoped3A : memref<!tpu.dma_semaphore, #tpu.memory_space<semaphore_mem>>)
        %dma_wait3A_75 = arith.constant 0 : i32
        %dma_wait3A_76 = tpu.memref_slice %arg5[%multiple_of3A, %dma_wait3A_75] : memref<10240x128xf32, #tpu.memory_space<hbm>> -> memref<640x128xf32, #tpu.memory_space<hbm>>
        %dma_wait3A_77 = arith.constant 0 : i32
        %dma_wait3A_78 = tpu.memref_slice %arg7[%multiple_of3A, %dma_wait3A_77] : memref<10240x128xf32, #tpu.memory_space<vmem_shared>> -> memref<640x128xf32, #tpu.memory_space<vmem_shared>>
        tpu.wait_dma2 semaphore(%run_scoped3A : memref<!tpu.dma_semaphore, #tpu.memory_space<semaphore_mem>>) src(%dma_wait3A_78 : memref<640x128xf32, #tpu.memory_space<vmem_shared>>) dst(%dma_wait3A_76 : memref<640x128xf32, #tpu.memory_space<hbm>>)
        tpu.yield
      }) : () -> ()
    } else {
    }
    %eq3A_66 = arith.constant 1 : i32
    %eq3A_67 = arith.cmpi eq, %arg0, %eq3A_66 : i32
    %convert_element_type3A_68 = arith.extui %eq3A_67 : i1 to i32
    %cond3A_69 = arith.constant 0 : i32
    %cond3A_70 = arith.cmpi ne, %convert_element_type3A_68, %cond3A_69 : i32
    scf.if %cond3A_70 {
      "tpu.region"() ({
        %run_scoped3A = tpu.sem_alloc : memref<!tpu.dma_semaphore, #tpu.memory_space<semaphore_mem>>
        %dma_start3A_71 = arith.constant 0 : i32
        %dma_start3A_72 = tpu.memref_slice %arg6[%multiple_of3A, %dma_start3A_71] : memref<10240x128xf32, #tpu.memory_space<hbm>> -> memref<640x128xf32, #tpu.memory_space<hbm>>
        %dma_start3A_73 = arith.constant 0 : i32
        %dma_start3A_74 = tpu.memref_slice %arg7[%multiple_of3A, %dma_start3A_73] : memref<10240x128xf32, #tpu.memory_space<vmem_shared>> -> memref<640x128xf32, #tpu.memory_space<vmem_shared>>
        tpu.enqueue_dma source(%dma_start3A_74 : memref<640x128xf32, #tpu.memory_space<vmem_shared>>) target(%dma_start3A_72 : memref<640x128xf32, #tpu.memory_space<hbm>>) target_semaphore(%run_scoped3A : memref<!tpu.dma_semaphore, #tpu.memory_space<semaphore_mem>>)
        %dma_wait3A_75 = arith.constant 0 : i32
        %dma_wait3A_76 = tpu.memref_slice %arg6[%multiple_of3A, %dma_wait3A_75] : memref<10240x128xf32, #tpu.memory_space<hbm>> -> memref<640x128xf32, #tpu.memory_space<hbm>>
        %dma_wait3A_77 = arith.constant 0 : i32
        %dma_wait3A_78 = tpu.memref_slice %arg7[%multiple_of3A, %dma_wait3A_77] : memref<10240x128xf32, #tpu.memory_space<vmem_shared>> -> memref<640x128xf32, #tpu.memory_space<vmem_shared>>
        tpu.wait_dma2 semaphore(%run_scoped3A : memref<!tpu.dma_semaphore, #tpu.memory_space<semaphore_mem>>) src(%dma_wait3A_78 : memref<640x128xf32, #tpu.memory_space<vmem_shared>>) dst(%dma_wait3A_76 : memref<640x128xf32, #tpu.memory_space<hbm>>)
        tpu.yield
      }) : () -> ()
    } else {
    }
    return
  }
}

#map = affine_map<(d0, d1) -> (0, 0)>
module attributes {stable_mosaic.version = 14 : i64} {
  func.func @gcn_sc_agg(%arg0: i32, %arg1: i32, %arg2: memref<10240x128xf32, #tpu.memory_space<hbm>>, %arg3: memref<1280x128xi32, #tpu.memory_space<hbm>>, %arg4: memref<1280x128xi32, #tpu.memory_space<hbm>>, %arg5: memref<10240x128xf32, #tpu.memory_space<hbm>>, %arg6: memref<10240x128xf32, #tpu.memory_space<hbm>>, %arg7: memref<10240x128xf32, #tpu.memory_space<vmem_shared>>, %arg8: memref<40x128xi32, #tpu.memory_space<vmem>>, %arg9: memref<40x128xi32, #tpu.memory_space<vmem>>, %arg10: memref<128x128xf32, #tpu.memory_space<vmem>>, %arg11: memref<128x128xf32, #tpu.memory_space<vmem>>, %arg12: memref<!tpu.dma_semaphore, #tpu.memory_space<semaphore_mem>>, %arg13: memref<!tpu.dma_semaphore, #tpu.memory_space<semaphore_mem>>, %arg14: memref<!tpu.dma_semaphore, #tpu.memory_space<semaphore_mem>>, %arg15: memref<!tpu.dma_semaphore, #tpu.memory_space<semaphore_mem>>) attributes {dimension_semantics = [#tpu.dimension_semantics<core_parallel>, #tpu.dimension_semantics<subcore_parallel>], iteration_bounds = array<i64: 2, 16>, scalar_prefetch = 0 : i64, scratch_operands = 9 : i64, tpu.core_type = #tpu.core_type<sc_vector_subcore>, window_params = [{transform_indices = #map}, {transform_indices = #map}, {transform_indices = #map}, {transform_indices = #map}, {transform_indices = #map}]} {
    %mul3A = arith.constant 640 : i32
    %mul3A_0 = arith.muli %arg1, %mul3A : i32
    %multiple_of3A = tpu.assume_multiple %mul3A_0, 8 : i32
    %mul3A_1 = arith.constant 16 : i32
    %mul3A_2 = arith.muli %arg0, %mul3A_1 : i32
    %add3A = arith.addi %mul3A_2, %arg1 : i32
    %mul3A_3 = arith.constant 40 : i32
    %mul3A_4 = arith.muli %add3A, %mul3A_3 : i32
    %broadcast_in_dim3A = arith.constant 0.000000e+00 : f32
    %broadcast_in_dim3A_5 = vector.broadcast %broadcast_in_dim3A : f32 to vector<16xf32>
    %scan3A = arith.constant 0 : i32
    %scan3A_6 = arith.constant 0 : i32
    %scan3A_7 = arith.constant 128 : i32
    %scan3A_8 = arith.addi %scan3A_6, %scan3A_7 : i32
    %scan3A_9 = arith.constant 1 : i32
    %scan3A_10 = scf.for %scan3A_71 = %scan3A_6 to %scan3A_8 step %scan3A_9 iter_args(%scan3A_72 = %scan3A) -> (i32)  : i32 {
      %swap3A = arith.index_cast %scan3A_71 : i32 to index
      %swap3A_73 = arith.constant 0 : index
      %swap3A_74 = tpu.vector_load %arg10[%swap3A, %swap3A_73] {strides = array<i32>} : memref<128x128xf32, #tpu.memory_space<vmem>>, vector<16xf32>,
      tpu.vector_store %arg10[%swap3A, %swap3A_73], %broadcast_in_dim3A_5 {strides = array<i32>} : memref<128x128xf32, #tpu.memory_space<vmem>>, vector<16xf32>,
      %swap3A_75 = arith.index_cast %scan3A_71 : i32 to index
      %swap3A_76 = arith.constant 16 : index
      %swap3A_77 = tpu.vector_load %arg10[%swap3A_75, %swap3A_76] {strides = array<i32>} : memref<128x128xf32, #tpu.memory_space<vmem>>, vector<16xf32>,
      tpu.vector_store %arg10[%swap3A_75, %swap3A_76], %broadcast_in_dim3A_5 {strides = array<i32>} : memref<128x128xf32, #tpu.memory_space<vmem>>, vector<16xf32>,
      %swap3A_78 = arith.index_cast %scan3A_71 : i32 to index
      %swap3A_79 = arith.constant 32 : index
      %swap3A_80 = tpu.vector_load %arg10[%swap3A_78, %swap3A_79] {strides = array<i32>} : memref<128x128xf32, #tpu.memory_space<vmem>>, vector<16xf32>,
      tpu.vector_store %arg10[%swap3A_78, %swap3A_79], %broadcast_in_dim3A_5 {strides = array<i32>} : memref<128x128xf32, #tpu.memory_space<vmem>>, vector<16xf32>,
      %swap3A_81 = arith.index_cast %scan3A_71 : i32 to index
      %swap3A_82 = arith.constant 48 : index
      %swap3A_83 = tpu.vector_load %arg10[%swap3A_81, %swap3A_82] {strides = array<i32>} : memref<128x128xf32, #tpu.memory_space<vmem>>, vector<16xf32>,
      tpu.vector_store %arg10[%swap3A_81, %swap3A_82], %broadcast_in_dim3A_5 {strides = array<i32>} : memref<128x128xf32, #tpu.memory_space<vmem>>, vector<16xf32>,
      %swap3A_84 = arith.index_cast %scan3A_71 : i32 to index
      %swap3A_85 = arith.constant 64 : index
      %swap3A_86 = tpu.vector_load %arg10[%swap3A_84, %swap3A_85] {strides = array<i32>} : memref<128x128xf32, #tpu.memory_space<vmem>>, vector<16xf32>,
      tpu.vector_store %arg10[%swap3A_84, %swap3A_85], %broadcast_in_dim3A_5 {strides = array<i32>} : memref<128x128xf32, #tpu.memory_space<vmem>>, vector<16xf32>,
      %swap3A_87 = arith.index_cast %scan3A_71 : i32 to index
      %swap3A_88 = arith.constant 80 : index
      %swap3A_89 = tpu.vector_load %arg10[%swap3A_87, %swap3A_88] {strides = array<i32>} : memref<128x128xf32, #tpu.memory_space<vmem>>, vector<16xf32>,
      tpu.vector_store %arg10[%swap3A_87, %swap3A_88], %broadcast_in_dim3A_5 {strides = array<i32>} : memref<128x128xf32, #tpu.memory_space<vmem>>, vector<16xf32>,
      %swap3A_90 = arith.index_cast %scan3A_71 : i32 to index
      %swap3A_91 = arith.constant 96 : index
      %swap3A_92 = tpu.vector_load %arg10[%swap3A_90, %swap3A_91] {strides = array<i32>} : memref<128x128xf32, #tpu.memory_space<vmem>>, vector<16xf32>,
      tpu.vector_store %arg10[%swap3A_90, %swap3A_91], %broadcast_in_dim3A_5 {strides = array<i32>} : memref<128x128xf32, #tpu.memory_space<vmem>>, vector<16xf32>,
      %swap3A_93 = arith.index_cast %scan3A_71 : i32 to index
      %swap3A_94 = arith.constant 112 : index
      %swap3A_95 = tpu.vector_load %arg10[%swap3A_93, %swap3A_94] {strides = array<i32>} : memref<128x128xf32, #tpu.memory_space<vmem>>, vector<16xf32>,
      tpu.vector_store %arg10[%swap3A_93, %swap3A_94], %broadcast_in_dim3A_5 {strides = array<i32>} : memref<128x128xf32, #tpu.memory_space<vmem>>, vector<16xf32>,
      %scan3A_96 = arith.constant 0 : i32
      scf.yield %scan3A_96 : i32
    }
    %scan3A_11 = arith.constant 128 : i32
    %add3A_12 = arith.constant 0 : i32
    %add3A_13 = arith.addi %multiple_of3A, %add3A_12 : i32
    "tpu.region"() ({
      %run_scoped3A = tpu.sem_alloc : memref<!tpu.dma_semaphore, #tpu.memory_space<semaphore_mem>>
      %dma_start3A_71 = arith.constant 0 : i32
      %dma_start3A_72 = tpu.memref_slice %arg7[%add3A_13, %dma_start3A_71] : memref<10240x128xf32, #tpu.memory_space<vmem_shared>> -> memref<128x128xf32, #tpu.memory_space<vmem_shared>>
      %dma_start3A_73 = arith.constant 0 : i32
      %dma_start3A_74 = tpu.memref_slice %arg7[%add3A_13, %dma_start3A_73] : memref<10240x128xf32, #tpu.memory_space<vmem_shared>> -> memref<128x128xf32, #tpu.memory_space<vmem_shared>>
      tpu.enqueue_dma source(%arg10 : memref<128x128xf32, #tpu.memory_space<vmem>>) target(%dma_start3A_74 : memref<128x128xf32, #tpu.memory_space<vmem_shared>>) target_semaphore(%run_scoped3A : memref<!tpu.dma_semaphore, #tpu.memory_space<semaphore_mem>>)
      %dma_wait3A_75 = arith.constant 0 : i32
      %dma_wait3A_76 = tpu.memref_slice %arg7[%add3A_13, %dma_wait3A_75] : memref<10240x128xf32, #tpu.memory_space<vmem_shared>> -> memref<128x128xf32, #tpu.memory_space<vmem_shared>>
      %dma_wait3A_77 = arith.constant 0 : i32
      %dma_wait3A_78 = tpu.memref_slice %arg7[%add3A_13, %dma_wait3A_77] : memref<10240x128xf32, #tpu.memory_space<vmem_shared>> -> memref<128x128xf32, #tpu.memory_space<vmem_shared>>
      tpu.wait_dma2 semaphore(%run_scoped3A : memref<!tpu.dma_semaphore, #tpu.memory_space<semaphore_mem>>) src(%arg10 : memref<128x128xf32, #tpu.memory_space<vmem>>) dst(%dma_wait3A_78 : memref<128x128xf32, #tpu.memory_space<vmem_shared>>)
      tpu.yield
    }) : () -> ()
    %add3A_14 = arith.constant 128 : i32
    %add3A_15 = arith.addi %multiple_of3A, %add3A_14 : i32
    "tpu.region"() ({
      %run_scoped3A = tpu.sem_alloc : memref<!tpu.dma_semaphore, #tpu.memory_space<semaphore_mem>>
      %dma_start3A_71 = arith.constant 0 : i32
      %dma_start3A_72 = tpu.memref_slice %arg7[%add3A_15, %dma_start3A_71] : memref<10240x128xf32, #tpu.memory_space<vmem_shared>> -> memref<128x128xf32, #tpu.memory_space<vmem_shared>>
      %dma_start3A_73 = arith.constant 0 : i32
      %dma_start3A_74 = tpu.memref_slice %arg7[%add3A_15, %dma_start3A_73] : memref<10240x128xf32, #tpu.memory_space<vmem_shared>> -> memref<128x128xf32, #tpu.memory_space<vmem_shared>>
      tpu.enqueue_dma source(%arg10 : memref<128x128xf32, #tpu.memory_space<vmem>>) target(%dma_start3A_74 : memref<128x128xf32, #tpu.memory_space<vmem_shared>>) target_semaphore(%run_scoped3A : memref<!tpu.dma_semaphore, #tpu.memory_space<semaphore_mem>>)
      %dma_wait3A_75 = arith.constant 0 : i32
      %dma_wait3A_76 = tpu.memref_slice %arg7[%add3A_15, %dma_wait3A_75] : memref<10240x128xf32, #tpu.memory_space<vmem_shared>> -> memref<128x128xf32, #tpu.memory_space<vmem_shared>>
      %dma_wait3A_77 = arith.constant 0 : i32
      %dma_wait3A_78 = tpu.memref_slice %arg7[%add3A_15, %dma_wait3A_77] : memref<10240x128xf32, #tpu.memory_space<vmem_shared>> -> memref<128x128xf32, #tpu.memory_space<vmem_shared>>
      tpu.wait_dma2 semaphore(%run_scoped3A : memref<!tpu.dma_semaphore, #tpu.memory_space<semaphore_mem>>) src(%arg10 : memref<128x128xf32, #tpu.memory_space<vmem>>) dst(%dma_wait3A_78 : memref<128x128xf32, #tpu.memory_space<vmem_shared>>)
      tpu.yield
    }) : () -> ()
    %add3A_16 = arith.constant 256 : i32
    %add3A_17 = arith.addi %multiple_of3A, %add3A_16 : i32
    "tpu.region"() ({
      %run_scoped3A = tpu.sem_alloc : memref<!tpu.dma_semaphore, #tpu.memory_space<semaphore_mem>>
      %dma_start3A_71 = arith.constant 0 : i32
      %dma_start3A_72 = tpu.memref_slice %arg7[%add3A_17, %dma_start3A_71] : memref<10240x128xf32, #tpu.memory_space<vmem_shared>> -> memref<128x128xf32, #tpu.memory_space<vmem_shared>>
      %dma_start3A_73 = arith.constant 0 : i32
      %dma_start3A_74 = tpu.memref_slice %arg7[%add3A_17, %dma_start3A_73] : memref<10240x128xf32, #tpu.memory_space<vmem_shared>> -> memref<128x128xf32, #tpu.memory_space<vmem_shared>>
      tpu.enqueue_dma source(%arg10 : memref<128x128xf32, #tpu.memory_space<vmem>>) target(%dma_start3A_74 : memref<128x128xf32, #tpu.memory_space<vmem_shared>>) target_semaphore(%run_scoped3A : memref<!tpu.dma_semaphore, #tpu.memory_space<semaphore_mem>>)
      %dma_wait3A_75 = arith.constant 0 : i32
      %dma_wait3A_76 = tpu.memref_slice %arg7[%add3A_17, %dma_wait3A_75] : memref<10240x128xf32, #tpu.memory_space<vmem_shared>> -> memref<128x128xf32, #tpu.memory_space<vmem_shared>>
      %dma_wait3A_77 = arith.constant 0 : i32
      %dma_wait3A_78 = tpu.memref_slice %arg7[%add3A_17, %dma_wait3A_77] : memref<10240x128xf32, #tpu.memory_space<vmem_shared>> -> memref<128x128xf32, #tpu.memory_space<vmem_shared>>
      tpu.wait_dma2 semaphore(%run_scoped3A : memref<!tpu.dma_semaphore, #tpu.memory_space<semaphore_mem>>) src(%arg10 : memref<128x128xf32, #tpu.memory_space<vmem>>) dst(%dma_wait3A_78 : memref<128x128xf32, #tpu.memory_space<vmem_shared>>)
      tpu.yield
    }) : () -> ()
    %add3A_18 = arith.constant 384 : i32
    %add3A_19 = arith.addi %multiple_of3A, %add3A_18 : i32
    "tpu.region"() ({
      %run_scoped3A = tpu.sem_alloc : memref<!tpu.dma_semaphore, #tpu.memory_space<semaphore_mem>>
      %dma_start3A_71 = arith.constant 0 : i32
      %dma_start3A_72 = tpu.memref_slice %arg7[%add3A_19, %dma_start3A_71] : memref<10240x128xf32, #tpu.memory_space<vmem_shared>> -> memref<128x128xf32, #tpu.memory_space<vmem_shared>>
      %dma_start3A_73 = arith.constant 0 : i32
      %dma_start3A_74 = tpu.memref_slice %arg7[%add3A_19, %dma_start3A_73] : memref<10240x128xf32, #tpu.memory_space<vmem_shared>> -> memref<128x128xf32, #tpu.memory_space<vmem_shared>>
      tpu.enqueue_dma source(%arg10 : memref<128x128xf32, #tpu.memory_space<vmem>>) target(%dma_start3A_74 : memref<128x128xf32, #tpu.memory_space<vmem_shared>>) target_semaphore(%run_scoped3A : memref<!tpu.dma_semaphore, #tpu.memory_space<semaphore_mem>>)
      %dma_wait3A_75 = arith.constant 0 : i32
      %dma_wait3A_76 = tpu.memref_slice %arg7[%add3A_19, %dma_wait3A_75] : memref<10240x128xf32, #tpu.memory_space<vmem_shared>> -> memref<128x128xf32, #tpu.memory_space<vmem_shared>>
      %dma_wait3A_77 = arith.constant 0 : i32
      %dma_wait3A_78 = tpu.memref_slice %arg7[%add3A_19, %dma_wait3A_77] : memref<10240x128xf32, #tpu.memory_space<vmem_shared>> -> memref<128x128xf32, #tpu.memory_space<vmem_shared>>
      tpu.wait_dma2 semaphore(%run_scoped3A : memref<!tpu.dma_semaphore, #tpu.memory_space<semaphore_mem>>) src(%arg10 : memref<128x128xf32, #tpu.memory_space<vmem>>) dst(%dma_wait3A_78 : memref<128x128xf32, #tpu.memory_space<vmem_shared>>)
      tpu.yield
    }) : () -> ()
    %add3A_20 = arith.constant 512 : i32
    %add3A_21 = arith.addi %multiple_of3A, %add3A_20 : i32
    "tpu.region"() ({
      %run_scoped3A = tpu.sem_alloc : memref<!tpu.dma_semaphore, #tpu.memory_space<semaphore_mem>>
      %dma_start3A_71 = arith.constant 0 : i32
      %dma_start3A_72 = tpu.memref_slice %arg7[%add3A_21, %dma_start3A_71] : memref<10240x128xf32, #tpu.memory_space<vmem_shared>> -> memref<128x128xf32, #tpu.memory_space<vmem_shared>>
      %dma_start3A_73 = arith.constant 0 : i32
      %dma_start3A_74 = tpu.memref_slice %arg7[%add3A_21, %dma_start3A_73] : memref<10240x128xf32, #tpu.memory_space<vmem_shared>> -> memref<128x128xf32, #tpu.memory_space<vmem_shared>>
      tpu.enqueue_dma source(%arg10 : memref<128x128xf32, #tpu.memory_space<vmem>>) target(%dma_start3A_74 : memref<128x128xf32, #tpu.memory_space<vmem_shared>>) target_semaphore(%run_scoped3A : memref<!tpu.dma_semaphore, #tpu.memory_space<semaphore_mem>>)
      %dma_wait3A_75 = arith.constant 0 : i32
      %dma_wait3A_76 = tpu.memref_slice %arg7[%add3A_21, %dma_wait3A_75] : memref<10240x128xf32, #tpu.memory_space<vmem_shared>> -> memref<128x128xf32, #tpu.memory_space<vmem_shared>>
      %dma_wait3A_77 = arith.constant 0 : i32
      %dma_wait3A_78 = tpu.memref_slice %arg7[%add3A_21, %dma_wait3A_77] : memref<10240x128xf32, #tpu.memory_space<vmem_shared>> -> memref<128x128xf32, #tpu.memory_space<vmem_shared>>
      tpu.wait_dma2 semaphore(%run_scoped3A : memref<!tpu.dma_semaphore, #tpu.memory_space<semaphore_mem>>) src(%arg10 : memref<128x128xf32, #tpu.memory_space<vmem>>) dst(%dma_wait3A_78 : memref<128x128xf32, #tpu.memory_space<vmem_shared>>)
      tpu.yield
    }) : () -> ()
    %barrier3A = arith.constant 0 : index
    tpu.barrier barrier_id(%barrier3A)
    %scan3A_22 = arith.constant 0 : i32
    %scan3A_23 = arith.constant 0 : i32
    %mul3A_24 = arith.constant 40 : i32
    %mul3A_25 = arith.muli %scan3A_23, %mul3A_24 : i32
    %add3A_26 = arith.addi %mul3A_4, %mul3A_25 : i32
    %multiple_of3A_27 = tpu.assume_multiple %add3A_26, 8 : i32
    "tpu.region"() ({
      %run_scoped3A = tpu.sem_alloc : memref<!tpu.dma_semaphore, #tpu.memory_space<semaphore_mem>>
      %dma_start3A_71 = arith.constant 0 : i32
      %dma_start3A_72 = tpu.memref_slice %arg3[%multiple_of3A_27, %dma_start3A_71] : memref<1280x128xi32, #tpu.memory_space<hbm>> -> memref<40x128xi32, #tpu.memory_space<hbm>>
      %dma_start3A_73 = arith.constant 0 : i32
      %dma_start3A_74 = tpu.memref_slice %arg3[%multiple_of3A_27, %dma_start3A_73] : memref<1280x128xi32, #tpu.memory_space<hbm>> -> memref<40x128xi32, #tpu.memory_space<hbm>>
      tpu.enqueue_dma source(%dma_start3A_74 : memref<40x128xi32, #tpu.memory_space<hbm>>) target(%arg8 : memref<40x128xi32, #tpu.memory_space<vmem>>) target_semaphore(%run_scoped3A : memref<!tpu.dma_semaphore, #tpu.memory_space<semaphore_mem>>)
      %dma_wait3A_75 = arith.constant 0 : i32
      %dma_wait3A_76 = tpu.memref_slice %arg3[%multiple_of3A_27, %dma_wait3A_75] : memref<1280x128xi32, #tpu.memory_space<hbm>> -> memref<40x128xi32, #tpu.memory_space<hbm>>
      %dma_wait3A_77 = arith.constant 0 : i32
      %dma_wait3A_78 = tpu.memref_slice %arg3[%multiple_of3A_27, %dma_wait3A_77] : memref<1280x128xi32, #tpu.memory_space<hbm>> -> memref<40x128xi32, #tpu.memory_space<hbm>>
      tpu.wait_dma2 semaphore(%run_scoped3A : memref<!tpu.dma_semaphore, #tpu.memory_space<semaphore_mem>>) src(%dma_wait3A_78 : memref<40x128xi32, #tpu.memory_space<hbm>>) dst(%arg8 : memref<40x128xi32, #tpu.memory_space<vmem>>)
      tpu.yield
    }) : () -> ()
    "tpu.region"() ({
      %run_scoped3A = tpu.sem_alloc : memref<!tpu.dma_semaphore, #tpu.memory_space<semaphore_mem>>
      %dma_start3A_71 = arith.constant 0 : i32
      %dma_start3A_72 = tpu.memref_slice %arg4[%multiple_of3A_27, %dma_start3A_71] : memref<1280x128xi32, #tpu.memory_space<hbm>> -> memref<40x128xi32, #tpu.memory_space<hbm>>
      %dma_start3A_73 = arith.constant 0 : i32
      %dma_start3A_74 = tpu.memref_slice %arg4[%multiple_of3A_27, %dma_start3A_73] : memref<1280x128xi32, #tpu.memory_space<hbm>> -> memref<40x128xi32, #tpu.memory_space<hbm>>
      tpu.enqueue_dma source(%dma_start3A_74 : memref<40x128xi32, #tpu.memory_space<hbm>>) target(%arg9 : memref<40x128xi32, #tpu.memory_space<vmem>>) target_semaphore(%run_scoped3A : memref<!tpu.dma_semaphore, #tpu.memory_space<semaphore_mem>>)
      %dma_wait3A_75 = arith.constant 0 : i32
      %dma_wait3A_76 = tpu.memref_slice %arg4[%multiple_of3A_27, %dma_wait3A_75] : memref<1280x128xi32, #tpu.memory_space<hbm>> -> memref<40x128xi32, #tpu.memory_space<hbm>>
      %dma_wait3A_77 = arith.constant 0 : i32
      %dma_wait3A_78 = tpu.memref_slice %arg4[%multiple_of3A_27, %dma_wait3A_77] : memref<1280x128xi32, #tpu.memory_space<hbm>> -> memref<40x128xi32, #tpu.memory_space<hbm>>
      tpu.wait_dma2 semaphore(%run_scoped3A : memref<!tpu.dma_semaphore, #tpu.memory_space<semaphore_mem>>) src(%dma_wait3A_78 : memref<40x128xi32, #tpu.memory_space<hbm>>) dst(%arg9 : memref<40x128xi32, #tpu.memory_space<vmem>>)
      tpu.yield
    }) : () -> ()
    %dma_start3A = arith.constant 0 : i32
    %dma_start3A_28 = arith.constant 0 : i32
    %dma_start3A_29 = tpu.memref_slice %arg9[%dma_start3A, %dma_start3A_28] : memref<40x128xi32, #tpu.memory_space<vmem>> -> memref<1x128xi32, #tpu.memory_space<vmem>>
    %dma_start3A_30 = tpu.memref_squeeze %dma_start3A_29 : memref<1x128xi32, #tpu.memory_space<vmem>> -> memref<128xi32, #tpu.memory_space<vmem>>
    %dma_start3A_31 = arith.constant 0 : i32
    %dma_start3A_32 = arith.constant 0 : i32
    %dma_start3A_33 = tpu.memref_slice %arg2[%dma_start3A_31, %dma_start3A_32] : memref<10240x128xf32, #tpu.memory_space<hbm>> -> memref<10240x128xf32, #tpu.memory_space<hbm>>
    tpu.enqueue_indirect_dma source(%dma_start3A_33 : memref<10240x128xf32, #tpu.memory_space<hbm>>) target(%arg10 : memref<128x128xf32, #tpu.memory_space<vmem>>) offsets(%dma_start3A_30 : memref<128xi32, #tpu.memory_space<vmem>>) semaphore(%arg12 : memref<!tpu.dma_semaphore, #tpu.memory_space<semaphore_mem>>)
    %dma_start3A_34 = arith.constant 1 : i32
    %dma_start3A_35 = arith.constant 0 : i32
    %dma_start3A_36 = tpu.memref_slice %arg9[%dma_start3A_34, %dma_start3A_35] : memref<40x128xi32, #tpu.memory_space<vmem>> -> memref<1x128xi32, #tpu.memory_space<vmem>>
    %dma_start3A_37 = tpu.memref_squeeze %dma_start3A_36 : memref<1x128xi32, #tpu.memory_space<vmem>> -> memref<128xi32, #tpu.memory_space<vmem>>
    %dma_start3A_38 = arith.constant 0 : i32
    %dma_start3A_39 = arith.constant 0 : i32
    %dma_start3A_40 = tpu.memref_slice %arg2[%dma_start3A_38, %dma_start3A_39] : memref<10240x128xf32, #tpu.memory_space<hbm>> -> memref<10240x128xf32, #tpu.memory_space<hbm>>
    tpu.enqueue_indirect_dma source(%dma_start3A_40 : memref<10240x128xf32, #tpu.memory_space<hbm>>) target(%arg11 : memref<128x128xf32, #tpu.memory_space<vmem>>) offsets(%dma_start3A_37 : memref<128xi32, #tpu.memory_space<vmem>>) semaphore(%arg13 : memref<!tpu.dma_semaphore, #tpu.memory_space<semaphore_mem>>)
    %scan3A_41 = arith.constant 0 : i32
    %scan3A_42 = arith.constant 0 : i32
    %scan3A_43 = arith.constant 20 : i32
    %scan3A_44 = arith.addi %scan3A_42, %scan3A_43 : i32
    %scan3A_45 = arith.constant 1 : i32
    %scan3A_46 = scf.for %scan3A_71 = %scan3A_42 to %scan3A_44 step %scan3A_45 iter_args(%scan3A_72 = %scan3A_41) -> (i32)  : i32 {
      %mul3A_73 = arith.constant 2 : i32
      %mul3A_74 = arith.muli %scan3A_71, %mul3A_73 : i32
      %add3A_75 = arith.constant 0 : i32
      %add3A_76 = arith.addi %mul3A_74, %add3A_75 : i32
      %dma_wait3A_77 = arith.constant 0 : i32
      %dma_wait3A_78 = tpu.memref_slice %arg9[%add3A_76, %dma_wait3A_77] : memref<40x128xi32, #tpu.memory_space<vmem>> -> memref<1x128xi32, #tpu.memory_space<vmem>>
      %dma_wait3A_79 = tpu.memref_squeeze %dma_wait3A_78 : memref<1x128xi32, #tpu.memory_space<vmem>> -> memref<128xi32, #tpu.memory_space<vmem>>
      %dma_wait3A_80 = arith.constant 0 : i32
      %dma_wait3A_81 = arith.constant 0 : i32
      %dma_wait3A_82 = tpu.memref_slice %arg2[%dma_wait3A_80, %dma_wait3A_81] : memref<10240x128xf32, #tpu.memory_space<hbm>> -> memref<10240x128xf32, #tpu.memory_space<hbm>>
      tpu.wait_indirect_dma semaphore(%arg12 : memref<!tpu.dma_semaphore, #tpu.memory_space<semaphore_mem>>) src(%dma_wait3A_82 : memref<10240x128xf32, #tpu.memory_space<hbm>>) dst(%arg10 : memref<128x128xf32, #tpu.memory_space<vmem>>)
      %dma_start3A_83 = arith.constant 0 : i32
      %dma_start3A_84 = tpu.memref_slice %arg8[%add3A_76, %dma_start3A_83] : memref<40x128xi32, #tpu.memory_space<vmem>> -> memref<1x128xi32, #tpu.memory_space<vmem>>
      %dma_start3A_85 = tpu.memref_squeeze %dma_start3A_84 : memref<1x128xi32, #tpu.memory_space<vmem>> -> memref<128xi32, #tpu.memory_space<vmem>>
      %dma_start3A_86 = arith.constant 0 : i32
      %dma_start3A_87 = arith.constant 0 : i32
      %dma_start3A_88 = tpu.memref_slice %arg7[%dma_start3A_86, %dma_start3A_87] : memref<10240x128xf32, #tpu.memory_space<vmem_shared>> -> memref<10240x128xf32, #tpu.memory_space<vmem_shared>>
      tpu.enqueue_indirect_dma source(%arg10 : memref<128x128xf32, #tpu.memory_space<vmem>>) target(%dma_start3A_88 : memref<10240x128xf32, #tpu.memory_space<vmem_shared>>) offsets(%dma_start3A_85 : memref<128xi32, #tpu.memory_space<vmem>>) semaphore(%arg14 : memref<!tpu.dma_semaphore, #tpu.memory_space<semaphore_mem>>) {add = true}
      %add3A_89 = arith.constant 2 : i32
      %add3A_90 = arith.addi %add3A_76, %add3A_89 : i32
      %lt3A = arith.constant 40 : i32
      %lt3A_91 = arith.cmpi slt, %add3A_90, %lt3A : i32
      %convert_element_type3A_92 = arith.extui %lt3A_91 : i1 to i32
      %cond3A_93 = arith.constant 0 : i32
      %cond3A_94 = arith.cmpi ne, %convert_element_type3A_92, %cond3A_93 : i32
      scf.if %cond3A_94 {
        %dma_wait3A_119 = arith.constant 0 : i32
        %dma_wait3A_120 = tpu.memref_slice %arg8[%add3A_76, %dma_wait3A_119] : memref<40x128xi32, #tpu.memory_space<vmem>> -> memref<1x128xi32, #tpu.memory_space<vmem>>
        %dma_wait3A_121 = tpu.memref_squeeze %dma_wait3A_120 : memref<1x128xi32, #tpu.memory_space<vmem>> -> memref<128xi32, #tpu.memory_space<vmem>>
        %dma_wait3A_122 = arith.constant 0 : i32
        %dma_wait3A_123 = arith.constant 0 : i32
        %dma_wait3A_124 = tpu.memref_slice %arg7[%dma_wait3A_122, %dma_wait3A_123] : memref<10240x128xf32, #tpu.memory_space<vmem_shared>> -> memref<10240x128xf32, #tpu.memory_space<vmem_shared>>
        tpu.wait_indirect_dma semaphore(%arg14 : memref<!tpu.dma_semaphore, #tpu.memory_space<semaphore_mem>>) src(%arg10 : memref<128x128xf32, #tpu.memory_space<vmem>>) dst(%dma_wait3A_124 : memref<10240x128xf32, #tpu.memory_space<vmem_shared>>)
        %add3A_125 = arith.constant 2 : i32
        %add3A_126 = arith.addi %add3A_76, %add3A_125 : i32
        %dma_start3A_127 = arith.constant 0 : i32
        %dma_start3A_128 = tpu.memref_slice %arg9[%add3A_126, %dma_start3A_127] : memref<40x128xi32, #tpu.memory_space<vmem>> -> memref<1x128xi32, #tpu.memory_space<vmem>>
        %dma_start3A_129 = tpu.memref_squeeze %dma_start3A_128 : memref<1x128xi32, #tpu.memory_space<vmem>> -> memref<128xi32, #tpu.memory_space<vmem>>
        %dma_start3A_130 = arith.constant 0 : i32
        %dma_start3A_131 = arith.constant 0 : i32
        %dma_start3A_132 = tpu.memref_slice %arg2[%dma_start3A_130, %dma_start3A_131] : memref<10240x128xf32, #tpu.memory_space<hbm>> -> memref<10240x128xf32, #tpu.memory_space<hbm>>
        tpu.enqueue_indirect_dma source(%dma_start3A_132 : memref<10240x128xf32, #tpu.memory_space<hbm>>) target(%arg10 : memref<128x128xf32, #tpu.memory_space<vmem>>) offsets(%dma_start3A_129 : memref<128xi32, #tpu.memory_space<vmem>>) semaphore(%arg12 : memref<!tpu.dma_semaphore, #tpu.memory_space<semaphore_mem>>)
      } else {
      }
      %mul3A_95 = arith.constant 2 : i32
      %mul3A_96 = arith.muli %scan3A_71, %mul3A_95 : i32
      %add3A_97 = arith.constant 1 : i32
      %add3A_98 = arith.addi %mul3A_96, %add3A_97 : i32
      %dma_wait3A_99 = arith.constant 0 : i32
      %dma_wait3A_100 = tpu.memref_slice %arg9[%add3A_98, %dma_wait3A_99] : memref<40x128xi32, #tpu.memory_space<vmem>> -> memref<1x128xi32, #tpu.memory_space<vmem>>
      %dma_wait3A_101 = tpu.memref_squeeze %dma_wait3A_100 : memref<1x128xi32, #tpu.memory_space<vmem>> -> memref<128xi32, #tpu.memory_space<vmem>>
      %dma_wait3A_102 = arith.constant 0 : i32
      %dma_wait3A_103 = arith.constant 0 : i32
      %dma_wait3A_104 = tpu.memref_slice %arg2[%dma_wait3A_102, %dma_wait3A_103] : memref<10240x128xf32, #tpu.memory_space<hbm>> -> memref<10240x128xf32, #tpu.memory_space<hbm>>
      tpu.wait_indirect_dma semaphore(%arg13 : memref<!tpu.dma_semaphore, #tpu.memory_space<semaphore_mem>>) src(%dma_wait3A_104 : memref<10240x128xf32, #tpu.memory_space<hbm>>) dst(%arg11 : memref<128x128xf32, #tpu.memory_space<vmem>>)
      %dma_start3A_105 = arith.constant 0 : i32
      %dma_start3A_106 = tpu.memref_slice %arg8[%add3A_98, %dma_start3A_105] : memref<40x128xi32, #tpu.memory_space<vmem>> -> memref<1x128xi32, #tpu.memory_space<vmem>>
      %dma_start3A_107 = tpu.memref_squeeze %dma_start3A_106 : memref<1x128xi32, #tpu.memory_space<vmem>> -> memref<128xi32, #tpu.memory_space<vmem>>
      %dma_start3A_108 = arith.constant 0 : i32
      %dma_start3A_109 = arith.constant 0 : i32
      %dma_start3A_110 = tpu.memref_slice %arg7[%dma_start3A_108, %dma_start3A_109] : memref<10240x128xf32, #tpu.memory_space<vmem_shared>> -> memref<10240x128xf32, #tpu.memory_space<vmem_shared>>
      tpu.enqueue_indirect_dma source(%arg11 : memref<128x128xf32, #tpu.memory_space<vmem>>) target(%dma_start3A_110 : memref<10240x128xf32, #tpu.memory_space<vmem_shared>>) offsets(%dma_start3A_107 : memref<128xi32, #tpu.memory_space<vmem>>) semaphore(%arg15 : memref<!tpu.dma_semaphore, #tpu.memory_space<semaphore_mem>>) {add = true}
      %add3A_111 = arith.constant 2 : i32
      %add3A_112 = arith.addi %add3A_98, %add3A_111 : i32
      %lt3A_113 = arith.constant 40 : i32
      %lt3A_114 = arith.cmpi slt, %add3A_112, %lt3A_113 : i32
      %convert_element_type3A_115 = arith.extui %lt3A_114 : i1 to i32
      %cond3A_116 = arith.constant 0 : i32
      %cond3A_117 = arith.cmpi ne, %convert_element_type3A_115, %cond3A_116 : i32
      scf.if %cond3A_117 {
        %dma_wait3A_119 = arith.constant 0 : i32
        %dma_wait3A_120 = tpu.memref_slice %arg8[%add3A_98, %dma_wait3A_119] : memref<40x128xi32, #tpu.memory_space<vmem>> -> memref<1x128xi32, #tpu.memory_space<vmem>>
        %dma_wait3A_121 = tpu.memref_squeeze %dma_wait3A_120 : memref<1x128xi32, #tpu.memory_space<vmem>> -> memref<128xi32, #tpu.memory_space<vmem>>
        %dma_wait3A_122 = arith.constant 0 : i32
        %dma_wait3A_123 = arith.constant 0 : i32
        %dma_wait3A_124 = tpu.memref_slice %arg7[%dma_wait3A_122, %dma_wait3A_123] : memref<10240x128xf32, #tpu.memory_space<vmem_shared>> -> memref<10240x128xf32, #tpu.memory_space<vmem_shared>>
        tpu.wait_indirect_dma semaphore(%arg15 : memref<!tpu.dma_semaphore, #tpu.memory_space<semaphore_mem>>) src(%arg11 : memref<128x128xf32, #tpu.memory_space<vmem>>) dst(%dma_wait3A_124 : memref<10240x128xf32, #tpu.memory_space<vmem_shared>>)
        %add3A_125 = arith.constant 2 : i32
        %add3A_126 = arith.addi %add3A_98, %add3A_125 : i32
        %dma_start3A_127 = arith.constant 0 : i32
        %dma_start3A_128 = tpu.memref_slice %arg9[%add3A_126, %dma_start3A_127] : memref<40x128xi32, #tpu.memory_space<vmem>> -> memref<1x128xi32, #tpu.memory_space<vmem>>
        %dma_start3A_129 = tpu.memref_squeeze %dma_start3A_128 : memref<1x128xi32, #tpu.memory_space<vmem>> -> memref<128xi32, #tpu.memory_space<vmem>>
        %dma_start3A_130 = arith.constant 0 : i32
        %dma_start3A_131 = arith.constant 0 : i32
        %dma_start3A_132 = tpu.memref_slice %arg2[%dma_start3A_130, %dma_start3A_131] : memref<10240x128xf32, #tpu.memory_space<hbm>> -> memref<10240x128xf32, #tpu.memory_space<hbm>>
        tpu.enqueue_indirect_dma source(%dma_start3A_132 : memref<10240x128xf32, #tpu.memory_space<hbm>>) target(%arg11 : memref<128x128xf32, #tpu.memory_space<vmem>>) offsets(%dma_start3A_129 : memref<128xi32, #tpu.memory_space<vmem>>) semaphore(%arg13 : memref<!tpu.dma_semaphore, #tpu.memory_space<semaphore_mem>>)
      } else {
      }
      %scan3A_118 = arith.constant 0 : i32
      scf.yield %scan3A_118 : i32
    }
    %scan3A_47 = arith.constant 20 : i32
    %dma_wait3A = arith.constant 38 : i32
    %dma_wait3A_48 = arith.constant 0 : i32
    %dma_wait3A_49 = tpu.memref_slice %arg8[%dma_wait3A, %dma_wait3A_48] : memref<40x128xi32, #tpu.memory_space<vmem>> -> memref<1x128xi32, #tpu.memory_space<vmem>>
    %dma_wait3A_50 = tpu.memref_squeeze %dma_wait3A_49 : memref<1x128xi32, #tpu.memory_space<vmem>> -> memref<128xi32, #tpu.memory_space<vmem>>
    %dma_wait3A_51 = arith.constant 0 : i32
    %dma_wait3A_52 = arith.constant 0 : i32
    %dma_wait3A_53 = tpu.memref_slice %arg7[%dma_wait3A_51, %dma_wait3A_52] : memref<10240x128xf32, #tpu.memory_space<vmem_shared>> -> memref<10240x128xf32, #tpu.memory_space<vmem_shared>>
    tpu.wait_indirect_dma semaphore(%arg14 : memref<!tpu.dma_semaphore, #tpu.memory_space<semaphore_mem>>) src(%arg10 : memref<128x128xf32, #tpu.memory_space<vmem>>) dst(%dma_wait3A_53 : memref<10240x128xf32, #tpu.memory_space<vmem_shared>>)
    %dma_wait3A_54 = arith.constant 39 : i32
    %dma_wait3A_55 = arith.constant 0 : i32
    %dma_wait3A_56 = tpu.memref_slice %arg8[%dma_wait3A_54, %dma_wait3A_55] : memref<40x128xi32, #tpu.memory_space<vmem>> -> memref<1x128xi32, #tpu.memory_space<vmem>>
    %dma_wait3A_57 = tpu.memref_squeeze %dma_wait3A_56 : memref<1x128xi32, #tpu.memory_space<vmem>> -> memref<128xi32, #tpu.memory_space<vmem>>
    %dma_wait3A_58 = arith.constant 0 : i32
    %dma_wait3A_59 = arith.constant 0 : i32
    %dma_wait3A_60 = tpu.memref_slice %arg7[%dma_wait3A_58, %dma_wait3A_59] : memref<10240x128xf32, #tpu.memory_space<vmem_shared>> -> memref<10240x128xf32, #tpu.memory_space<vmem_shared>>
    tpu.wait_indirect_dma semaphore(%arg15 : memref<!tpu.dma_semaphore, #tpu.memory_space<semaphore_mem>>) src(%arg11 : memref<128x128xf32, #tpu.memory_space<vmem>>) dst(%dma_wait3A_60 : memref<10240x128xf32, #tpu.memory_space<vmem_shared>>)
    %scan3A_61 = arith.constant 0 : i32
    %scan3A_62 = arith.constant 1 : i32
    %barrier3A_63 = arith.constant 0 : index
    tpu.barrier barrier_id(%barrier3A_63)
    %eq3A = arith.constant 0 : i32
    %eq3A_64 = arith.cmpi eq, %arg0, %eq3A : i32
    %convert_element_type3A = arith.extui %eq3A_64 : i1 to i32
    %cond3A = arith.constant 0 : i32
    %cond3A_65 = arith.cmpi ne, %convert_element_type3A, %cond3A : i32
    scf.if %cond3A_65 {
      "tpu.region"() ({
        %run_scoped3A = tpu.sem_alloc : memref<!tpu.dma_semaphore, #tpu.memory_space<semaphore_mem>>
        %dma_start3A_71 = arith.constant 0 : i32
        %dma_start3A_72 = tpu.memref_slice %arg5[%multiple_of3A, %dma_start3A_71] : memref<10240x128xf32, #tpu.memory_space<hbm>> -> memref<640x128xf32, #tpu.memory_space<hbm>>
        %dma_start3A_73 = arith.constant 0 : i32
        %dma_start3A_74 = tpu.memref_slice %arg7[%multiple_of3A, %dma_start3A_73] : memref<10240x128xf32, #tpu.memory_space<vmem_shared>> -> memref<640x128xf32, #tpu.memory_space<vmem_shared>>
        tpu.enqueue_dma source(%dma_start3A_74 : memref<640x128xf32, #tpu.memory_space<vmem_shared>>) target(%dma_start3A_72 : memref<640x128xf32, #tpu.memory_space<hbm>>) target_semaphore(%run_scoped3A : memref<!tpu.dma_semaphore, #tpu.memory_space<semaphore_mem>>)
        %dma_wait3A_75 = arith.constant 0 : i32
        %dma_wait3A_76 = tpu.memref_slice %arg5[%multiple_of3A, %dma_wait3A_75] : memref<10240x128xf32, #tpu.memory_space<hbm>> -> memref<640x128xf32, #tpu.memory_space<hbm>>
        %dma_wait3A_77 = arith.constant 0 : i32
        %dma_wait3A_78 = tpu.memref_slice %arg7[%multiple_of3A, %dma_wait3A_77] : memref<10240x128xf32, #tpu.memory_space<vmem_shared>> -> memref<640x128xf32, #tpu.memory_space<vmem_shared>>
        tpu.wait_dma2 semaphore(%run_scoped3A : memref<!tpu.dma_semaphore, #tpu.memory_space<semaphore_mem>>) src(%dma_wait3A_78 : memref<640x128xf32, #tpu.memory_space<vmem_shared>>) dst(%dma_wait3A_76 : memref<640x128xf32, #tpu.memory_space<hbm>>)
        tpu.yield
      }) : () -> ()
    } else {
    }
    %eq3A_66 = arith.constant 1 : i32
    %eq3A_67 = arith.cmpi eq, %arg0, %eq3A_66 : i32
    %convert_element_type3A_68 = arith.extui %eq3A_67 : i1 to i32
    %cond3A_69 = arith.constant 0 : i32
    %cond3A_70 = arith.cmpi ne, %convert_element_type3A_68, %cond3A_69 : i32
    scf.if %cond3A_70 {
      "tpu.region"() ({
        %run_scoped3A = tpu.sem_alloc : memref<!tpu.dma_semaphore, #tpu.memory_space<semaphore_mem>>
        %dma_start3A_71 = arith.constant 0 : i32
        %dma_start3A_72 = tpu.memref_slice %arg6[%multiple_of3A, %dma_start3A_71] : memref<10240x128xf32, #tpu.memory_space<hbm>> -> memref<640x128xf32, #tpu.memory_space<hbm>>
        %dma_start3A_73 = arith.constant 0 : i32
        %dma_start3A_74 = tpu.memref_slice %arg7[%multiple_of3A, %dma_start3A_73] : memref<10240x128xf32, #tpu.memory_space<vmem_shared>> -> memref<640x128xf32, #tpu.memory_space<vmem_shared>>
        tpu.enqueue_dma source(%dma_start3A_74 : memref<640x128xf32, #tpu.memory_space<vmem_shared>>) target(%dma_start3A_72 : memref<640x128xf32, #tpu.memory_space<hbm>>) target_semaphore(%run_scoped3A : memref<!tpu.dma_semaphore, #tpu.memory_space<semaphore_mem>>)
        %dma_wait3A_75 = arith.constant 0 : i32
        %dma_wait3A_76 = tpu.memref_slice %arg6[%multiple_of3A, %dma_wait3A_75] : memref<10240x128xf32, #tpu.memory_space<hbm>> -> memref<640x128xf32, #tpu.memory_space<hbm>>
        %dma_wait3A_77 = arith.constant 0 : i32
        %dma_wait3A_78 = tpu.memref_slice %arg7[%multiple_of3A, %dma_wait3A_77] : memref<10240x128xf32, #tpu.memory_space<vmem_shared>> -> memref<640x128xf32, #tpu.memory_space<vmem_shared>>
        tpu.wait_dma2 semaphore(%run_scoped3A : memref<!tpu.dma_semaphore, #tpu.memory_space<semaphore_mem>>) src(%dma_wait3A_78 : memref<640x128xf32, #tpu.memory_space<vmem_shared>>) dst(%dma_wait3A_76 : memref<640x128xf32, #tpu.memory_space<hbm>>)
        tpu.yield
      }) : () -> ()
    } else {
    }
    return
  }
}

#map = affine_map<(d0, d1) -> (0, 0)>
module attributes {stable_mosaic.version = 14 : i64} {
  func.func @gcn_sc_agg(%arg0: i32, %arg1: i32, %arg2: memref<10240x128xf32, #tpu.memory_space<hbm>>, %arg3: memref<10240x128xf32, #tpu.memory_space<hbm>>, %arg4: memref<10240x128xf32, #tpu.memory_space<hbm>>, %arg5: memref<10240x128xf32, #tpu.memory_space<hbm>>, %arg6: memref<1280x128xi32, #tpu.memory_space<hbm>>, %arg7: memref<1280x128xi32, #tpu.memory_space<hbm>>, %arg8: memref<10240x128xf32, #tpu.memory_space<hbm>>, %arg9: memref<10240x128xf32, #tpu.memory_space<hbm>>, %arg10: memref<10240x128xf32, #tpu.memory_space<hbm>>, %arg11: memref<10240x128xf32, #tpu.memory_space<hbm>>, %arg12: memref<10240x128xf32, #tpu.memory_space<vmem_shared>>, %arg13: memref<40x128xi32, #tpu.memory_space<vmem>>, %arg14: memref<40x128xi32, #tpu.memory_space<vmem>>, %arg15: memref<128x128xf32, #tpu.memory_space<vmem>>, %arg16: memref<128x128xf32, #tpu.memory_space<vmem>>, %arg17: memref<!tpu.dma_semaphore, #tpu.memory_space<semaphore_mem>>, %arg18: memref<!tpu.dma_semaphore, #tpu.memory_space<semaphore_mem>>, %arg19: memref<!tpu.dma_semaphore, #tpu.memory_space<semaphore_mem>>, %arg20: memref<!tpu.dma_semaphore, #tpu.memory_space<semaphore_mem>>) attributes {dimension_semantics = [#tpu.dimension_semantics<core_parallel>, #tpu.dimension_semantics<subcore_parallel>], iteration_bounds = array<i64: 2, 16>, scalar_prefetch = 0 : i64, scratch_operands = 9 : i64, tpu.core_type = #tpu.core_type<sc_vector_subcore>, window_params = [{transform_indices = #map}, {transform_indices = #map}, {transform_indices = #map}, {transform_indices = #map}, {transform_indices = #map}, {transform_indices = #map}, {transform_indices = #map}, {transform_indices = #map}, {transform_indices = #map}, {transform_indices = #map}]} {
    %mul3A = arith.constant 640 : i32
    %mul3A_0 = arith.muli %arg1, %mul3A : i32
    %multiple_of3A = tpu.assume_multiple %mul3A_0, 8 : i32
    %mul3A_1 = arith.constant 80 : i32
    %mul3A_2 = arith.muli %arg1, %mul3A_1 : i32
    %eq3A = arith.constant 0 : i32
    %eq3A_3 = arith.cmpi eq, %arg0, %eq3A : i32
    %convert_element_type3A = arith.extui %eq3A_3 : i1 to i32
    %cond3A = arith.constant 0 : i32
    %cond3A_4 = arith.cmpi ne, %convert_element_type3A, %cond3A : i32
    scf.if %cond3A_4 {
      %broadcast_in_dim3A = arith.constant 0.000000e+00 : f32
      %broadcast_in_dim3A_20 = vector.broadcast %broadcast_in_dim3A : f32 to vector<16xf32>
      %scan3A = arith.constant 0 : i32
      %scan3A_21 = arith.constant 0 : i32
      %scan3A_22 = arith.constant 128 : i32
      %scan3A_23 = arith.addi %scan3A_21, %scan3A_22 : i32
      %scan3A_24 = arith.constant 1 : i32
      %scan3A_25 = scf.for %scan3A_44 = %scan3A_21 to %scan3A_23 step %scan3A_24 iter_args(%scan3A_45 = %scan3A) -> (i32)  : i32 {
        %swap3A = arith.index_cast %scan3A_44 : i32 to index
        %swap3A_46 = arith.constant 0 : index
        %swap3A_47 = tpu.vector_load %arg15[%swap3A, %swap3A_46] {strides = array<i32>} : memref<128x128xf32, #tpu.memory_space<vmem>>, vector<16xf32>,
        tpu.vector_store %arg15[%swap3A, %swap3A_46], %broadcast_in_dim3A_20 {strides = array<i32>} : memref<128x128xf32, #tpu.memory_space<vmem>>, vector<16xf32>,
        %swap3A_48 = arith.index_cast %scan3A_44 : i32 to index
        %swap3A_49 = arith.constant 16 : index
        %swap3A_50 = tpu.vector_load %arg15[%swap3A_48, %swap3A_49] {strides = array<i32>} : memref<128x128xf32, #tpu.memory_space<vmem>>, vector<16xf32>,
        tpu.vector_store %arg15[%swap3A_48, %swap3A_49], %broadcast_in_dim3A_20 {strides = array<i32>} : memref<128x128xf32, #tpu.memory_space<vmem>>, vector<16xf32>,
        %swap3A_51 = arith.index_cast %scan3A_44 : i32 to index
        %swap3A_52 = arith.constant 32 : index
        %swap3A_53 = tpu.vector_load %arg15[%swap3A_51, %swap3A_52] {strides = array<i32>} : memref<128x128xf32, #tpu.memory_space<vmem>>, vector<16xf32>,
        tpu.vector_store %arg15[%swap3A_51, %swap3A_52], %broadcast_in_dim3A_20 {strides = array<i32>} : memref<128x128xf32, #tpu.memory_space<vmem>>, vector<16xf32>,
        %swap3A_54 = arith.index_cast %scan3A_44 : i32 to index
        %swap3A_55 = arith.constant 48 : index
        %swap3A_56 = tpu.vector_load %arg15[%swap3A_54, %swap3A_55] {strides = array<i32>} : memref<128x128xf32, #tpu.memory_space<vmem>>, vector<16xf32>,
        tpu.vector_store %arg15[%swap3A_54, %swap3A_55], %broadcast_in_dim3A_20 {strides = array<i32>} : memref<128x128xf32, #tpu.memory_space<vmem>>, vector<16xf32>,
        %swap3A_57 = arith.index_cast %scan3A_44 : i32 to index
        %swap3A_58 = arith.constant 64 : index
        %swap3A_59 = tpu.vector_load %arg15[%swap3A_57, %swap3A_58] {strides = array<i32>} : memref<128x128xf32, #tpu.memory_space<vmem>>, vector<16xf32>,
        tpu.vector_store %arg15[%swap3A_57, %swap3A_58], %broadcast_in_dim3A_20 {strides = array<i32>} : memref<128x128xf32, #tpu.memory_space<vmem>>, vector<16xf32>,
        %swap3A_60 = arith.index_cast %scan3A_44 : i32 to index
        %swap3A_61 = arith.constant 80 : index
        %swap3A_62 = tpu.vector_load %arg15[%swap3A_60, %swap3A_61] {strides = array<i32>} : memref<128x128xf32, #tpu.memory_space<vmem>>, vector<16xf32>,
        tpu.vector_store %arg15[%swap3A_60, %swap3A_61], %broadcast_in_dim3A_20 {strides = array<i32>} : memref<128x128xf32, #tpu.memory_space<vmem>>, vector<16xf32>,
        %swap3A_63 = arith.index_cast %scan3A_44 : i32 to index
        %swap3A_64 = arith.constant 96 : index
        %swap3A_65 = tpu.vector_load %arg15[%swap3A_63, %swap3A_64] {strides = array<i32>} : memref<128x128xf32, #tpu.memory_space<vmem>>, vector<16xf32>,
        tpu.vector_store %arg15[%swap3A_63, %swap3A_64], %broadcast_in_dim3A_20 {strides = array<i32>} : memref<128x128xf32, #tpu.memory_space<vmem>>, vector<16xf32>,
        %swap3A_66 = arith.index_cast %scan3A_44 : i32 to index
        %swap3A_67 = arith.constant 112 : index
        %swap3A_68 = tpu.vector_load %arg15[%swap3A_66, %swap3A_67] {strides = array<i32>} : memref<128x128xf32, #tpu.memory_space<vmem>>, vector<16xf32>,
        tpu.vector_store %arg15[%swap3A_66, %swap3A_67], %broadcast_in_dim3A_20 {strides = array<i32>} : memref<128x128xf32, #tpu.memory_space<vmem>>, vector<16xf32>,
        %scan3A_69 = arith.constant 0 : i32
        scf.yield %scan3A_69 : i32
      }
      %scan3A_26 = arith.constant 128 : i32
      %add3A = arith.constant 0 : i32
      %add3A_27 = arith.addi %multiple_of3A, %add3A : i32
      "tpu.region"() ({
        %run_scoped3A = tpu.sem_alloc : memref<!tpu.dma_semaphore, #tpu.memory_space<semaphore_mem>>
        %dma_start3A = arith.constant 0 : i32
        %dma_start3A_44 = tpu.memref_slice %arg12[%add3A_27, %dma_start3A] : memref<10240x128xf32, #tpu.memory_space<vmem_shared>> -> memref<128x128xf32, #tpu.memory_space<vmem_shared>>
        %dma_start3A_45 = arith.constant 0 : i32
        %dma_start3A_46 = tpu.memref_slice %arg12[%add3A_27, %dma_start3A_45] : memref<10240x128xf32, #tpu.memory_space<vmem_shared>> -> memref<128x128xf32, #tpu.memory_space<vmem_shared>>
        tpu.enqueue_dma source(%arg15 : memref<128x128xf32, #tpu.memory_space<vmem>>) target(%dma_start3A_46 : memref<128x128xf32, #tpu.memory_space<vmem_shared>>) target_semaphore(%run_scoped3A : memref<!tpu.dma_semaphore, #tpu.memory_space<semaphore_mem>>)
        %dma_wait3A = arith.constant 0 : i32
        %dma_wait3A_47 = tpu.memref_slice %arg12[%add3A_27, %dma_wait3A] : memref<10240x128xf32, #tpu.memory_space<vmem_shared>> -> memref<128x128xf32, #tpu.memory_space<vmem_shared>>
        %dma_wait3A_48 = arith.constant 0 : i32
        %dma_wait3A_49 = tpu.memref_slice %arg12[%add3A_27, %dma_wait3A_48] : memref<10240x128xf32, #tpu.memory_space<vmem_shared>> -> memref<128x128xf32, #tpu.memory_space<vmem_shared>>
        tpu.wait_dma2 semaphore(%run_scoped3A : memref<!tpu.dma_semaphore, #tpu.memory_space<semaphore_mem>>) src(%arg15 : memref<128x128xf32, #tpu.memory_space<vmem>>) dst(%dma_wait3A_49 : memref<128x128xf32, #tpu.memory_space<vmem_shared>>)
        tpu.yield
      }) : () -> ()
      %add3A_28 = arith.constant 128 : i32
      %add3A_29 = arith.addi %multiple_of3A, %add3A_28 : i32
      "tpu.region"() ({
        %run_scoped3A = tpu.sem_alloc : memref<!tpu.dma_semaphore, #tpu.memory_space<semaphore_mem>>
        %dma_start3A = arith.constant 0 : i32
        %dma_start3A_44 = tpu.memref_slice %arg12[%add3A_29, %dma_start3A] : memref<10240x128xf32, #tpu.memory_space<vmem_shared>> -> memref<128x128xf32, #tpu.memory_space<vmem_shared>>
        %dma_start3A_45 = arith.constant 0 : i32
        %dma_start3A_46 = tpu.memref_slice %arg12[%add3A_29, %dma_start3A_45] : memref<10240x128xf32, #tpu.memory_space<vmem_shared>> -> memref<128x128xf32, #tpu.memory_space<vmem_shared>>
        tpu.enqueue_dma source(%arg15 : memref<128x128xf32, #tpu.memory_space<vmem>>) target(%dma_start3A_46 : memref<128x128xf32, #tpu.memory_space<vmem_shared>>) target_semaphore(%run_scoped3A : memref<!tpu.dma_semaphore, #tpu.memory_space<semaphore_mem>>)
        %dma_wait3A = arith.constant 0 : i32
        %dma_wait3A_47 = tpu.memref_slice %arg12[%add3A_29, %dma_wait3A] : memref<10240x128xf32, #tpu.memory_space<vmem_shared>> -> memref<128x128xf32, #tpu.memory_space<vmem_shared>>
        %dma_wait3A_48 = arith.constant 0 : i32
        %dma_wait3A_49 = tpu.memref_slice %arg12[%add3A_29, %dma_wait3A_48] : memref<10240x128xf32, #tpu.memory_space<vmem_shared>> -> memref<128x128xf32, #tpu.memory_space<vmem_shared>>
        tpu.wait_dma2 semaphore(%run_scoped3A : memref<!tpu.dma_semaphore, #tpu.memory_space<semaphore_mem>>) src(%arg15 : memref<128x128xf32, #tpu.memory_space<vmem>>) dst(%dma_wait3A_49 : memref<128x128xf32, #tpu.memory_space<vmem_shared>>)
        tpu.yield
      }) : () -> ()
      %add3A_30 = arith.constant 256 : i32
      %add3A_31 = arith.addi %multiple_of3A, %add3A_30 : i32
      "tpu.region"() ({
        %run_scoped3A = tpu.sem_alloc : memref<!tpu.dma_semaphore, #tpu.memory_space<semaphore_mem>>
        %dma_start3A = arith.constant 0 : i32
        %dma_start3A_44 = tpu.memref_slice %arg12[%add3A_31, %dma_start3A] : memref<10240x128xf32, #tpu.memory_space<vmem_shared>> -> memref<128x128xf32, #tpu.memory_space<vmem_shared>>
        %dma_start3A_45 = arith.constant 0 : i32
        %dma_start3A_46 = tpu.memref_slice %arg12[%add3A_31, %dma_start3A_45] : memref<10240x128xf32, #tpu.memory_space<vmem_shared>> -> memref<128x128xf32, #tpu.memory_space<vmem_shared>>
        tpu.enqueue_dma source(%arg15 : memref<128x128xf32, #tpu.memory_space<vmem>>) target(%dma_start3A_46 : memref<128x128xf32, #tpu.memory_space<vmem_shared>>) target_semaphore(%run_scoped3A : memref<!tpu.dma_semaphore, #tpu.memory_space<semaphore_mem>>)
        %dma_wait3A = arith.constant 0 : i32
        %dma_wait3A_47 = tpu.memref_slice %arg12[%add3A_31, %dma_wait3A] : memref<10240x128xf32, #tpu.memory_space<vmem_shared>> -> memref<128x128xf32, #tpu.memory_space<vmem_shared>>
        %dma_wait3A_48 = arith.constant 0 : i32
        %dma_wait3A_49 = tpu.memref_slice %arg12[%add3A_31, %dma_wait3A_48] : memref<10240x128xf32, #tpu.memory_space<vmem_shared>> -> memref<128x128xf32, #tpu.memory_space<vmem_shared>>
        tpu.wait_dma2 semaphore(%run_scoped3A : memref<!tpu.dma_semaphore, #tpu.memory_space<semaphore_mem>>) src(%arg15 : memref<128x128xf32, #tpu.memory_space<vmem>>) dst(%dma_wait3A_49 : memref<128x128xf32, #tpu.memory_space<vmem_shared>>)
        tpu.yield
      }) : () -> ()
      %add3A_32 = arith.constant 384 : i32
      %add3A_33 = arith.addi %multiple_of3A, %add3A_32 : i32
      "tpu.region"() ({
        %run_scoped3A = tpu.sem_alloc : memref<!tpu.dma_semaphore, #tpu.memory_space<semaphore_mem>>
        %dma_start3A = arith.constant 0 : i32
        %dma_start3A_44 = tpu.memref_slice %arg12[%add3A_33, %dma_start3A] : memref<10240x128xf32, #tpu.memory_space<vmem_shared>> -> memref<128x128xf32, #tpu.memory_space<vmem_shared>>
        %dma_start3A_45 = arith.constant 0 : i32
        %dma_start3A_46 = tpu.memref_slice %arg12[%add3A_33, %dma_start3A_45] : memref<10240x128xf32, #tpu.memory_space<vmem_shared>> -> memref<128x128xf32, #tpu.memory_space<vmem_shared>>
        tpu.enqueue_dma source(%arg15 : memref<128x128xf32, #tpu.memory_space<vmem>>) target(%dma_start3A_46 : memref<128x128xf32, #tpu.memory_space<vmem_shared>>) target_semaphore(%run_scoped3A : memref<!tpu.dma_semaphore, #tpu.memory_space<semaphore_mem>>)
        %dma_wait3A = arith.constant 0 : i32
        %dma_wait3A_47 = tpu.memref_slice %arg12[%add3A_33, %dma_wait3A] : memref<10240x128xf32, #tpu.memory_space<vmem_shared>> -> memref<128x128xf32, #tpu.memory_space<vmem_shared>>
        %dma_wait3A_48 = arith.constant 0 : i32
        %dma_wait3A_49 = tpu.memref_slice %arg12[%add3A_33, %dma_wait3A_48] : memref<10240x128xf32, #tpu.memory_space<vmem_shared>> -> memref<128x128xf32, #tpu.memory_space<vmem_shared>>
        tpu.wait_dma2 semaphore(%run_scoped3A : memref<!tpu.dma_semaphore, #tpu.memory_space<semaphore_mem>>) src(%arg15 : memref<128x128xf32, #tpu.memory_space<vmem>>) dst(%dma_wait3A_49 : memref<128x128xf32, #tpu.memory_space<vmem_shared>>)
        tpu.yield
      }) : () -> ()
      %add3A_34 = arith.constant 512 : i32
      %add3A_35 = arith.addi %multiple_of3A, %add3A_34 : i32
      "tpu.region"() ({
        %run_scoped3A = tpu.sem_alloc : memref<!tpu.dma_semaphore, #tpu.memory_space<semaphore_mem>>
        %dma_start3A = arith.constant 0 : i32
        %dma_start3A_44 = tpu.memref_slice %arg12[%add3A_35, %dma_start3A] : memref<10240x128xf32, #tpu.memory_space<vmem_shared>> -> memref<128x128xf32, #tpu.memory_space<vmem_shared>>
        %dma_start3A_45 = arith.constant 0 : i32
        %dma_start3A_46 = tpu.memref_slice %arg12[%add3A_35, %dma_start3A_45] : memref<10240x128xf32, #tpu.memory_space<vmem_shared>> -> memref<128x128xf32, #tpu.memory_space<vmem_shared>>
        tpu.enqueue_dma source(%arg15 : memref<128x128xf32, #tpu.memory_space<vmem>>) target(%dma_start3A_46 : memref<128x128xf32, #tpu.memory_space<vmem_shared>>) target_semaphore(%run_scoped3A : memref<!tpu.dma_semaphore, #tpu.memory_space<semaphore_mem>>)
        %dma_wait3A = arith.constant 0 : i32
        %dma_wait3A_47 = tpu.memref_slice %arg12[%add3A_35, %dma_wait3A] : memref<10240x128xf32, #tpu.memory_space<vmem_shared>> -> memref<128x128xf32, #tpu.memory_space<vmem_shared>>
        %dma_wait3A_48 = arith.constant 0 : i32
        %dma_wait3A_49 = tpu.memref_slice %arg12[%add3A_35, %dma_wait3A_48] : memref<10240x128xf32, #tpu.memory_space<vmem_shared>> -> memref<128x128xf32, #tpu.memory_space<vmem_shared>>
        tpu.wait_dma2 semaphore(%run_scoped3A : memref<!tpu.dma_semaphore, #tpu.memory_space<semaphore_mem>>) src(%arg15 : memref<128x128xf32, #tpu.memory_space<vmem>>) dst(%dma_wait3A_49 : memref<128x128xf32, #tpu.memory_space<vmem_shared>>)
        tpu.yield
      }) : () -> ()
      %barrier3A = arith.constant 0 : index
      tpu.barrier barrier_id(%barrier3A)
      %scan3A_36 = arith.constant 0 : i32
      %scan3A_37 = arith.constant 0 : i32
      %scan3A_38 = arith.constant 2 : i32
      %scan3A_39 = arith.addi %scan3A_37, %scan3A_38 : i32
      %scan3A_40 = arith.constant 1 : i32
      %scan3A_41 = scf.for %scan3A_44 = %scan3A_37 to %scan3A_39 step %scan3A_40 iter_args(%scan3A_45 = %scan3A_36) -> (i32)  : i32 {
        %mul3A_46 = arith.constant 40 : i32
        %mul3A_47 = arith.muli %scan3A_44, %mul3A_46 : i32
        %add3A_48 = arith.addi %mul3A_2, %mul3A_47 : i32
        %multiple_of3A_49 = tpu.assume_multiple %add3A_48, 8 : i32
        "tpu.region"() ({
          %run_scoped3A = tpu.sem_alloc : memref<!tpu.dma_semaphore, #tpu.memory_space<semaphore_mem>>
          %dma_start3A_84 = arith.constant 0 : i32
          %dma_start3A_85 = tpu.memref_slice %arg6[%multiple_of3A_49, %dma_start3A_84] : memref<1280x128xi32, #tpu.memory_space<hbm>> -> memref<40x128xi32, #tpu.memory_space<hbm>>
          %dma_start3A_86 = arith.constant 0 : i32
          %dma_start3A_87 = tpu.memref_slice %arg6[%multiple_of3A_49, %dma_start3A_86] : memref<1280x128xi32, #tpu.memory_space<hbm>> -> memref<40x128xi32, #tpu.memory_space<hbm>>
          tpu.enqueue_dma source(%dma_start3A_87 : memref<40x128xi32, #tpu.memory_space<hbm>>) target(%arg13 : memref<40x128xi32, #tpu.memory_space<vmem>>) target_semaphore(%run_scoped3A : memref<!tpu.dma_semaphore, #tpu.memory_space<semaphore_mem>>)
          %dma_wait3A_88 = arith.constant 0 : i32
          %dma_wait3A_89 = tpu.memref_slice %arg6[%multiple_of3A_49, %dma_wait3A_88] : memref<1280x128xi32, #tpu.memory_space<hbm>> -> memref<40x128xi32, #tpu.memory_space<hbm>>
          %dma_wait3A_90 = arith.constant 0 : i32
          %dma_wait3A_91 = tpu.memref_slice %arg6[%multiple_of3A_49, %dma_wait3A_90] : memref<1280x128xi32, #tpu.memory_space<hbm>> -> memref<40x128xi32, #tpu.memory_space<hbm>>
          tpu.wait_dma2 semaphore(%run_scoped3A : memref<!tpu.dma_semaphore, #tpu.memory_space<semaphore_mem>>) src(%dma_wait3A_91 : memref<40x128xi32, #tpu.memory_space<hbm>>) dst(%arg13 : memref<40x128xi32, #tpu.memory_space<vmem>>)
          tpu.yield
        }) : () -> ()
        "tpu.region"() ({
          %run_scoped3A = tpu.sem_alloc : memref<!tpu.dma_semaphore, #tpu.memory_space<semaphore_mem>>
          %dma_start3A_84 = arith.constant 0 : i32
          %dma_start3A_85 = tpu.memref_slice %arg7[%multiple_of3A_49, %dma_start3A_84] : memref<1280x128xi32, #tpu.memory_space<hbm>> -> memref<40x128xi32, #tpu.memory_space<hbm>>
          %dma_start3A_86 = arith.constant 0 : i32
          %dma_start3A_87 = tpu.memref_slice %arg7[%multiple_of3A_49, %dma_start3A_86] : memref<1280x128xi32, #tpu.memory_space<hbm>> -> memref<40x128xi32, #tpu.memory_space<hbm>>
          tpu.enqueue_dma source(%dma_start3A_87 : memref<40x128xi32, #tpu.memory_space<hbm>>) target(%arg14 : memref<40x128xi32, #tpu.memory_space<vmem>>) target_semaphore(%run_scoped3A : memref<!tpu.dma_semaphore, #tpu.memory_space<semaphore_mem>>)
          %dma_wait3A_88 = arith.constant 0 : i32
          %dma_wait3A_89 = tpu.memref_slice %arg7[%multiple_of3A_49, %dma_wait3A_88] : memref<1280x128xi32, #tpu.memory_space<hbm>> -> memref<40x128xi32, #tpu.memory_space<hbm>>
          %dma_wait3A_90 = arith.constant 0 : i32
          %dma_wait3A_91 = tpu.memref_slice %arg7[%multiple_of3A_49, %dma_wait3A_90] : memref<1280x128xi32, #tpu.memory_space<hbm>> -> memref<40x128xi32, #tpu.memory_space<hbm>>
          tpu.wait_dma2 semaphore(%run_scoped3A : memref<!tpu.dma_semaphore, #tpu.memory_space<semaphore_mem>>) src(%dma_wait3A_91 : memref<40x128xi32, #tpu.memory_space<hbm>>) dst(%arg14 : memref<40x128xi32, #tpu.memory_space<vmem>>)
          tpu.yield
        }) : () -> ()
        %dma_start3A = arith.constant 0 : i32
        %dma_start3A_50 = arith.constant 0 : i32
        %dma_start3A_51 = tpu.memref_slice %arg14[%dma_start3A, %dma_start3A_50] : memref<40x128xi32, #tpu.memory_space<vmem>> -> memref<1x128xi32, #tpu.memory_space<vmem>>
        %dma_start3A_52 = tpu.memref_squeeze %dma_start3A_51 : memref<1x128xi32, #tpu.memory_space<vmem>> -> memref<128xi32, #tpu.memory_space<vmem>>
        %dma_start3A_53 = arith.constant 0 : i32
        %dma_start3A_54 = arith.constant 0 : i32
        %dma_start3A_55 = tpu.memref_slice %arg2[%dma_start3A_53, %dma_start3A_54] : memref<10240x128xf32, #tpu.memory_space<hbm>> -> memref<10240x128xf32, #tpu.memory_space<hbm>>
        tpu.enqueue_indirect_dma source(%dma_start3A_55 : memref<10240x128xf32, #tpu.memory_space<hbm>>) target(%arg15 : memref<128x128xf32, #tpu.memory_space<vmem>>) offsets(%dma_start3A_52 : memref<128xi32, #tpu.memory_space<vmem>>) semaphore(%arg17 : memref<!tpu.dma_semaphore, #tpu.memory_space<semaphore_mem>>)
        %dma_start3A_56 = arith.constant 1 : i32
        %dma_start3A_57 = arith.constant 0 : i32
        %dma_start3A_58 = tpu.memref_slice %arg14[%dma_start3A_56, %dma_start3A_57] : memref<40x128xi32, #tpu.memory_space<vmem>> -> memref<1x128xi32, #tpu.memory_space<vmem>>
        %dma_start3A_59 = tpu.memref_squeeze %dma_start3A_58 : memref<1x128xi32, #tpu.memory_space<vmem>> -> memref<128xi32, #tpu.memory_space<vmem>>
        %dma_start3A_60 = arith.constant 0 : i32
        %dma_start3A_61 = arith.constant 0 : i32
        %dma_start3A_62 = tpu.memref_slice %arg2[%dma_start3A_60, %dma_start3A_61] : memref<10240x128xf32, #tpu.memory_space<hbm>> -> memref<10240x128xf32, #tpu.memory_space<hbm>>
        tpu.enqueue_indirect_dma source(%dma_start3A_62 : memref<10240x128xf32, #tpu.memory_space<hbm>>) target(%arg16 : memref<128x128xf32, #tpu.memory_space<vmem>>) offsets(%dma_start3A_59 : memref<128xi32, #tpu.memory_space<vmem>>) semaphore(%arg18 : memref<!tpu.dma_semaphore, #tpu.memory_space<semaphore_mem>>)
        %scan3A_63 = arith.constant 0 : i32
        %scan3A_64 = arith.constant 0 : i32
        %scan3A_65 = arith.constant 20 : i32
        %scan3A_66 = arith.addi %scan3A_64, %scan3A_65 : i32
        %scan3A_67 = arith.constant 1 : i32
        %scan3A_68 = scf.for %scan3A_84 = %scan3A_64 to %scan3A_66 step %scan3A_67 iter_args(%scan3A_85 = %scan3A_63) -> (i32)  : i32 {
          %mul3A_86 = arith.constant 2 : i32
          %mul3A_87 = arith.muli %scan3A_84, %mul3A_86 : i32
          %add3A_88 = arith.constant 0 : i32
          %add3A_89 = arith.addi %mul3A_87, %add3A_88 : i32
          %dma_wait3A_90 = arith.constant 0 : i32
          %dma_wait3A_91 = tpu.memref_slice %arg14[%add3A_89, %dma_wait3A_90] : memref<40x128xi32, #tpu.memory_space<vmem>> -> memref<1x128xi32, #tpu.memory_space<vmem>>
          %dma_wait3A_92 = tpu.memref_squeeze %dma_wait3A_91 : memref<1x128xi32, #tpu.memory_space<vmem>> -> memref<128xi32, #tpu.memory_space<vmem>>
          %dma_wait3A_93 = arith.constant 0 : i32
          %dma_wait3A_94 = arith.constant 0 : i32
          %dma_wait3A_95 = tpu.memref_slice %arg2[%dma_wait3A_93, %dma_wait3A_94] : memref<10240x128xf32, #tpu.memory_space<hbm>> -> memref<10240x128xf32, #tpu.memory_space<hbm>>
          tpu.wait_indirect_dma semaphore(%arg17 : memref<!tpu.dma_semaphore, #tpu.memory_space<semaphore_mem>>) src(%dma_wait3A_95 : memref<10240x128xf32, #tpu.memory_space<hbm>>) dst(%arg15 : memref<128x128xf32, #tpu.memory_space<vmem>>)
          %dma_start3A_96 = arith.constant 0 : i32
          %dma_start3A_97 = tpu.memref_slice %arg13[%add3A_89, %dma_start3A_96] : memref<40x128xi32, #tpu.memory_space<vmem>> -> memref<1x128xi32, #tpu.memory_space<vmem>>
          %dma_start3A_98 = tpu.memref_squeeze %dma_start3A_97 : memref<1x128xi32, #tpu.memory_space<vmem>> -> memref<128xi32, #tpu.memory_space<vmem>>
          %dma_start3A_99 = arith.constant 0 : i32
          %dma_start3A_100 = arith.constant 0 : i32
          %dma_start3A_101 = tpu.memref_slice %arg12[%dma_start3A_99, %dma_start3A_100] : memref<10240x128xf32, #tpu.memory_space<vmem_shared>> -> memref<10240x128xf32, #tpu.memory_space<vmem_shared>>
          tpu.enqueue_indirect_dma source(%arg15 : memref<128x128xf32, #tpu.memory_space<vmem>>) target(%dma_start3A_101 : memref<10240x128xf32, #tpu.memory_space<vmem_shared>>) offsets(%dma_start3A_98 : memref<128xi32, #tpu.memory_space<vmem>>) semaphore(%arg19 : memref<!tpu.dma_semaphore, #tpu.memory_space<semaphore_mem>>) {add = true}
          %add3A_102 = arith.constant 2 : i32
          %add3A_103 = arith.addi %add3A_89, %add3A_102 : i32
          %lt3A = arith.constant 40 : i32
          %lt3A_104 = arith.cmpi slt, %add3A_103, %lt3A : i32
          %convert_element_type3A_105 = arith.extui %lt3A_104 : i1 to i32
          %cond3A_106 = arith.constant 0 : i32
          %cond3A_107 = arith.cmpi ne, %convert_element_type3A_105, %cond3A_106 : i32
          scf.if %cond3A_107 {
            %dma_wait3A_132 = arith.constant 0 : i32
            %dma_wait3A_133 = tpu.memref_slice %arg13[%add3A_89, %dma_wait3A_132] : memref<40x128xi32, #tpu.memory_space<vmem>> -> memref<1x128xi32, #tpu.memory_space<vmem>>
            %dma_wait3A_134 = tpu.memref_squeeze %dma_wait3A_133 : memref<1x128xi32, #tpu.memory_space<vmem>> -> memref<128xi32, #tpu.memory_space<vmem>>
            %dma_wait3A_135 = arith.constant 0 : i32
            %dma_wait3A_136 = arith.constant 0 : i32
            %dma_wait3A_137 = tpu.memref_slice %arg12[%dma_wait3A_135, %dma_wait3A_136] : memref<10240x128xf32, #tpu.memory_space<vmem_shared>> -> memref<10240x128xf32, #tpu.memory_space<vmem_shared>>
            tpu.wait_indirect_dma semaphore(%arg19 : memref<!tpu.dma_semaphore, #tpu.memory_space<semaphore_mem>>) src(%arg15 : memref<128x128xf32, #tpu.memory_space<vmem>>) dst(%dma_wait3A_137 : memref<10240x128xf32, #tpu.memory_space<vmem_shared>>)
            %add3A_138 = arith.constant 2 : i32
            %add3A_139 = arith.addi %add3A_89, %add3A_138 : i32
            %dma_start3A_140 = arith.constant 0 : i32
            %dma_start3A_141 = tpu.memref_slice %arg14[%add3A_139, %dma_start3A_140] : memref<40x128xi32, #tpu.memory_space<vmem>> -> memref<1x128xi32, #tpu.memory_space<vmem>>
            %dma_start3A_142 = tpu.memref_squeeze %dma_start3A_141 : memref<1x128xi32, #tpu.memory_space<vmem>> -> memref<128xi32, #tpu.memory_space<vmem>>
            %dma_start3A_143 = arith.constant 0 : i32
            %dma_start3A_144 = arith.constant 0 : i32
            %dma_start3A_145 = tpu.memref_slice %arg2[%dma_start3A_143, %dma_start3A_144] : memref<10240x128xf32, #tpu.memory_space<hbm>> -> memref<10240x128xf32, #tpu.memory_space<hbm>>
            tpu.enqueue_indirect_dma source(%dma_start3A_145 : memref<10240x128xf32, #tpu.memory_space<hbm>>) target(%arg15 : memref<128x128xf32, #tpu.memory_space<vmem>>) offsets(%dma_start3A_142 : memref<128xi32, #tpu.memory_space<vmem>>) semaphore(%arg17 : memref<!tpu.dma_semaphore, #tpu.memory_space<semaphore_mem>>)
          } else {
          }
          %mul3A_108 = arith.constant 2 : i32
          %mul3A_109 = arith.muli %scan3A_84, %mul3A_108 : i32
          %add3A_110 = arith.constant 1 : i32
          %add3A_111 = arith.addi %mul3A_109, %add3A_110 : i32
          %dma_wait3A_112 = arith.constant 0 : i32
          %dma_wait3A_113 = tpu.memref_slice %arg14[%add3A_111, %dma_wait3A_112] : memref<40x128xi32, #tpu.memory_space<vmem>> -> memref<1x128xi32, #tpu.memory_space<vmem>>
          %dma_wait3A_114 = tpu.memref_squeeze %dma_wait3A_113 : memref<1x128xi32, #tpu.memory_space<vmem>> -> memref<128xi32, #tpu.memory_space<vmem>>
          %dma_wait3A_115 = arith.constant 0 : i32
          %dma_wait3A_116 = arith.constant 0 : i32
          %dma_wait3A_117 = tpu.memref_slice %arg2[%dma_wait3A_115, %dma_wait3A_116] : memref<10240x128xf32, #tpu.memory_space<hbm>> -> memref<10240x128xf32, #tpu.memory_space<hbm>>
          tpu.wait_indirect_dma semaphore(%arg18 : memref<!tpu.dma_semaphore, #tpu.memory_space<semaphore_mem>>) src(%dma_wait3A_117 : memref<10240x128xf32, #tpu.memory_space<hbm>>) dst(%arg16 : memref<128x128xf32, #tpu.memory_space<vmem>>)
          %dma_start3A_118 = arith.constant 0 : i32
          %dma_start3A_119 = tpu.memref_slice %arg13[%add3A_111, %dma_start3A_118] : memref<40x128xi32, #tpu.memory_space<vmem>> -> memref<1x128xi32, #tpu.memory_space<vmem>>
          %dma_start3A_120 = tpu.memref_squeeze %dma_start3A_119 : memref<1x128xi32, #tpu.memory_space<vmem>> -> memref<128xi32, #tpu.memory_space<vmem>>
          %dma_start3A_121 = arith.constant 0 : i32
          %dma_start3A_122 = arith.constant 0 : i32
          %dma_start3A_123 = tpu.memref_slice %arg12[%dma_start3A_121, %dma_start3A_122] : memref<10240x128xf32, #tpu.memory_space<vmem_shared>> -> memref<10240x128xf32, #tpu.memory_space<vmem_shared>>
          tpu.enqueue_indirect_dma source(%arg16 : memref<128x128xf32, #tpu.memory_space<vmem>>) target(%dma_start3A_123 : memref<10240x128xf32, #tpu.memory_space<vmem_shared>>) offsets(%dma_start3A_120 : memref<128xi32, #tpu.memory_space<vmem>>) semaphore(%arg20 : memref<!tpu.dma_semaphore, #tpu.memory_space<semaphore_mem>>) {add = true}
          %add3A_124 = arith.constant 2 : i32
          %add3A_125 = arith.addi %add3A_111, %add3A_124 : i32
          %lt3A_126 = arith.constant 40 : i32
          %lt3A_127 = arith.cmpi slt, %add3A_125, %lt3A_126 : i32
          %convert_element_type3A_128 = arith.extui %lt3A_127 : i1 to i32
          %cond3A_129 = arith.constant 0 : i32
          %cond3A_130 = arith.cmpi ne, %convert_element_type3A_128, %cond3A_129 : i32
          scf.if %cond3A_130 {
            %dma_wait3A_132 = arith.constant 0 : i32
            %dma_wait3A_133 = tpu.memref_slice %arg13[%add3A_111, %dma_wait3A_132] : memref<40x128xi32, #tpu.memory_space<vmem>> -> memref<1x128xi32, #tpu.memory_space<vmem>>
            %dma_wait3A_134 = tpu.memref_squeeze %dma_wait3A_133 : memref<1x128xi32, #tpu.memory_space<vmem>> -> memref<128xi32, #tpu.memory_space<vmem>>
            %dma_wait3A_135 = arith.constant 0 : i32
            %dma_wait3A_136 = arith.constant 0 : i32
            %dma_wait3A_137 = tpu.memref_slice %arg12[%dma_wait3A_135, %dma_wait3A_136] : memref<10240x128xf32, #tpu.memory_space<vmem_shared>> -> memref<10240x128xf32, #tpu.memory_space<vmem_shared>>
            tpu.wait_indirect_dma semaphore(%arg20 : memref<!tpu.dma_semaphore, #tpu.memory_space<semaphore_mem>>) src(%arg16 : memref<128x128xf32, #tpu.memory_space<vmem>>) dst(%dma_wait3A_137 : memref<10240x128xf32, #tpu.memory_space<vmem_shared>>)
            %add3A_138 = arith.constant 2 : i32
            %add3A_139 = arith.addi %add3A_111, %add3A_138 : i32
            %dma_start3A_140 = arith.constant 0 : i32
            %dma_start3A_141 = tpu.memref_slice %arg14[%add3A_139, %dma_start3A_140] : memref<40x128xi32, #tpu.memory_space<vmem>> -> memref<1x128xi32, #tpu.memory_space<vmem>>
            %dma_start3A_142 = tpu.memref_squeeze %dma_start3A_141 : memref<1x128xi32, #tpu.memory_space<vmem>> -> memref<128xi32, #tpu.memory_space<vmem>>
            %dma_start3A_143 = arith.constant 0 : i32
            %dma_start3A_144 = arith.constant 0 : i32
            %dma_start3A_145 = tpu.memref_slice %arg2[%dma_start3A_143, %dma_start3A_144] : memref<10240x128xf32, #tpu.memory_space<hbm>> -> memref<10240x128xf32, #tpu.memory_space<hbm>>
            tpu.enqueue_indirect_dma source(%dma_start3A_145 : memref<10240x128xf32, #tpu.memory_space<hbm>>) target(%arg16 : memref<128x128xf32, #tpu.memory_space<vmem>>) offsets(%dma_start3A_142 : memref<128xi32, #tpu.memory_space<vmem>>) semaphore(%arg18 : memref<!tpu.dma_semaphore, #tpu.memory_space<semaphore_mem>>)
          } else {
          }
          %scan3A_131 = arith.constant 0 : i32
          scf.yield %scan3A_131 : i32
        }
        %scan3A_69 = arith.constant 20 : i32
        %dma_wait3A = arith.constant 38 : i32
        %dma_wait3A_70 = arith.constant 0 : i32
        %dma_wait3A_71 = tpu.memref_slice %arg13[%dma_wait3A, %dma_wait3A_70] : memref<40x128xi32, #tpu.memory_space<vmem>> -> memref<1x128xi32, #tpu.memory_space<vmem>>
        %dma_wait3A_72 = tpu.memref_squeeze %dma_wait3A_71 : memref<1x128xi32, #tpu.memory_space<vmem>> -> memref<128xi32, #tpu.memory_space<vmem>>
        %dma_wait3A_73 = arith.constant 0 : i32
        %dma_wait3A_74 = arith.constant 0 : i32
        %dma_wait3A_75 = tpu.memref_slice %arg12[%dma_wait3A_73, %dma_wait3A_74] : memref<10240x128xf32, #tpu.memory_space<vmem_shared>> -> memref<10240x128xf32, #tpu.memory_space<vmem_shared>>
        tpu.wait_indirect_dma semaphore(%arg19 : memref<!tpu.dma_semaphore, #tpu.memory_space<semaphore_mem>>) src(%arg15 : memref<128x128xf32, #tpu.memory_space<vmem>>) dst(%dma_wait3A_75 : memref<10240x128xf32, #tpu.memory_space<vmem_shared>>)
        %dma_wait3A_76 = arith.constant 39 : i32
        %dma_wait3A_77 = arith.constant 0 : i32
        %dma_wait3A_78 = tpu.memref_slice %arg13[%dma_wait3A_76, %dma_wait3A_77] : memref<40x128xi32, #tpu.memory_space<vmem>> -> memref<1x128xi32, #tpu.memory_space<vmem>>
        %dma_wait3A_79 = tpu.memref_squeeze %dma_wait3A_78 : memref<1x128xi32, #tpu.memory_space<vmem>> -> memref<128xi32, #tpu.memory_space<vmem>>
        %dma_wait3A_80 = arith.constant 0 : i32
        %dma_wait3A_81 = arith.constant 0 : i32
        %dma_wait3A_82 = tpu.memref_slice %arg12[%dma_wait3A_80, %dma_wait3A_81] : memref<10240x128xf32, #tpu.memory_space<vmem_shared>> -> memref<10240x128xf32, #tpu.memory_space<vmem_shared>>
        tpu.wait_indirect_dma semaphore(%arg20 : memref<!tpu.dma_semaphore, #tpu.memory_space<semaphore_mem>>) src(%arg16 : memref<128x128xf32, #tpu.memory_space<vmem>>) dst(%dma_wait3A_82 : memref<10240x128xf32, #tpu.memory_space<vmem_shared>>)
        %scan3A_83 = arith.constant 0 : i32
        scf.yield %scan3A_83 : i32
      }
      %scan3A_42 = arith.constant 2 : i32
      %barrier3A_43 = arith.constant 0 : index
      tpu.barrier barrier_id(%barrier3A_43)
      "tpu.region"() ({
        %run_scoped3A = tpu.sem_alloc : memref<!tpu.dma_semaphore, #tpu.memory_space<semaphore_mem>>
        %dma_start3A = arith.constant 0 : i32
        %dma_start3A_44 = tpu.memref_slice %arg8[%multiple_of3A, %dma_start3A] : memref<10240x128xf32, #tpu.memory_space<hbm>> -> memref<640x128xf32, #tpu.memory_space<hbm>>
        %dma_start3A_45 = arith.constant 0 : i32
        %dma_start3A_46 = tpu.memref_slice %arg12[%multiple_of3A, %dma_start3A_45] : memref<10240x128xf32, #tpu.memory_space<vmem_shared>> -> memref<640x128xf32, #tpu.memory_space<vmem_shared>>
        tpu.enqueue_dma source(%dma_start3A_46 : memref<640x128xf32, #tpu.memory_space<vmem_shared>>) target(%dma_start3A_44 : memref<640x128xf32, #tpu.memory_space<hbm>>) target_semaphore(%run_scoped3A : memref<!tpu.dma_semaphore, #tpu.memory_space<semaphore_mem>>)
        %dma_wait3A = arith.constant 0 : i32
        %dma_wait3A_47 = tpu.memref_slice %arg8[%multiple_of3A, %dma_wait3A] : memref<10240x128xf32, #tpu.memory_space<hbm>> -> memref<640x128xf32, #tpu.memory_space<hbm>>
        %dma_wait3A_48 = arith.constant 0 : i32
        %dma_wait3A_49 = tpu.memref_slice %arg12[%multiple_of3A, %dma_wait3A_48] : memref<10240x128xf32, #tpu.memory_space<vmem_shared>> -> memref<640x128xf32, #tpu.memory_space<vmem_shared>>
        tpu.wait_dma2 semaphore(%run_scoped3A : memref<!tpu.dma_semaphore, #tpu.memory_space<semaphore_mem>>) src(%dma_wait3A_49 : memref<640x128xf32, #tpu.memory_space<vmem_shared>>) dst(%dma_wait3A_47 : memref<640x128xf32, #tpu.memory_space<hbm>>)
        tpu.yield
      }) : () -> ()
    } else {
    }
    %eq3A_5 = arith.constant 1 : i32
    %eq3A_6 = arith.cmpi eq, %arg0, %eq3A_5 : i32
    %convert_element_type3A_7 = arith.extui %eq3A_6 : i1 to i32
    %cond3A_8 = arith.constant 0 : i32
    %cond3A_9 = arith.cmpi ne, %convert_element_type3A_7, %cond3A_8 : i32
    scf.if %cond3A_9 {
      %broadcast_in_dim3A = arith.constant 0.000000e+00 : f32
      %broadcast_in_dim3A_20 = vector.broadcast %broadcast_in_dim3A : f32 to vector<16xf32>
      %scan3A = arith.constant 0 : i32
      %scan3A_21 = arith.constant 0 : i32
      %scan3A_22 = arith.constant 128 : i32
      %scan3A_23 = arith.addi %scan3A_21, %scan3A_22 : i32
      %scan3A_24 = arith.constant 1 : i32
      %scan3A_25 = scf.for %scan3A_44 = %scan3A_21 to %scan3A_23 step %scan3A_24 iter_args(%scan3A_45 = %scan3A) -> (i32)  : i32 {
        %swap3A = arith.index_cast %scan3A_44 : i32 to index
        %swap3A_46 = arith.constant 0 : index
        %swap3A_47 = tpu.vector_load %arg15[%swap3A, %swap3A_46] {strides = array<i32>} : memref<128x128xf32, #tpu.memory_space<vmem>>, vector<16xf32>,
        tpu.vector_store %arg15[%swap3A, %swap3A_46], %broadcast_in_dim3A_20 {strides = array<i32>} : memref<128x128xf32, #tpu.memory_space<vmem>>, vector<16xf32>,
        %swap3A_48 = arith.index_cast %scan3A_44 : i32 to index
        %swap3A_49 = arith.constant 16 : index
        %swap3A_50 = tpu.vector_load %arg15[%swap3A_48, %swap3A_49] {strides = array<i32>} : memref<128x128xf32, #tpu.memory_space<vmem>>, vector<16xf32>,
        tpu.vector_store %arg15[%swap3A_48, %swap3A_49], %broadcast_in_dim3A_20 {strides = array<i32>} : memref<128x128xf32, #tpu.memory_space<vmem>>, vector<16xf32>,
        %swap3A_51 = arith.index_cast %scan3A_44 : i32 to index
        %swap3A_52 = arith.constant 32 : index
        %swap3A_53 = tpu.vector_load %arg15[%swap3A_51, %swap3A_52] {strides = array<i32>} : memref<128x128xf32, #tpu.memory_space<vmem>>, vector<16xf32>,
        tpu.vector_store %arg15[%swap3A_51, %swap3A_52], %broadcast_in_dim3A_20 {strides = array<i32>} : memref<128x128xf32, #tpu.memory_space<vmem>>, vector<16xf32>,
        %swap3A_54 = arith.index_cast %scan3A_44 : i32 to index
        %swap3A_55 = arith.constant 48 : index
        %swap3A_56 = tpu.vector_load %arg15[%swap3A_54, %swap3A_55] {strides = array<i32>} : memref<128x128xf32, #tpu.memory_space<vmem>>, vector<16xf32>,
        tpu.vector_store %arg15[%swap3A_54, %swap3A_55], %broadcast_in_dim3A_20 {strides = array<i32>} : memref<128x128xf32, #tpu.memory_space<vmem>>, vector<16xf32>,
        %swap3A_57 = arith.index_cast %scan3A_44 : i32 to index
        %swap3A_58 = arith.constant 64 : index
        %swap3A_59 = tpu.vector_load %arg15[%swap3A_57, %swap3A_58] {strides = array<i32>} : memref<128x128xf32, #tpu.memory_space<vmem>>, vector<16xf32>,
        tpu.vector_store %arg15[%swap3A_57, %swap3A_58], %broadcast_in_dim3A_20 {strides = array<i32>} : memref<128x128xf32, #tpu.memory_space<vmem>>, vector<16xf32>,
        %swap3A_60 = arith.index_cast %scan3A_44 : i32 to index
        %swap3A_61 = arith.constant 80 : index
        %swap3A_62 = tpu.vector_load %arg15[%swap3A_60, %swap3A_61] {strides = array<i32>} : memref<128x128xf32, #tpu.memory_space<vmem>>, vector<16xf32>,
        tpu.vector_store %arg15[%swap3A_60, %swap3A_61], %broadcast_in_dim3A_20 {strides = array<i32>} : memref<128x128xf32, #tpu.memory_space<vmem>>, vector<16xf32>,
        %swap3A_63 = arith.index_cast %scan3A_44 : i32 to index
        %swap3A_64 = arith.constant 96 : index
        %swap3A_65 = tpu.vector_load %arg15[%swap3A_63, %swap3A_64] {strides = array<i32>} : memref<128x128xf32, #tpu.memory_space<vmem>>, vector<16xf32>,
        tpu.vector_store %arg15[%swap3A_63, %swap3A_64], %broadcast_in_dim3A_20 {strides = array<i32>} : memref<128x128xf32, #tpu.memory_space<vmem>>, vector<16xf32>,
        %swap3A_66 = arith.index_cast %scan3A_44 : i32 to index
        %swap3A_67 = arith.constant 112 : index
        %swap3A_68 = tpu.vector_load %arg15[%swap3A_66, %swap3A_67] {strides = array<i32>} : memref<128x128xf32, #tpu.memory_space<vmem>>, vector<16xf32>,
        tpu.vector_store %arg15[%swap3A_66, %swap3A_67], %broadcast_in_dim3A_20 {strides = array<i32>} : memref<128x128xf32, #tpu.memory_space<vmem>>, vector<16xf32>,
        %scan3A_69 = arith.constant 0 : i32
        scf.yield %scan3A_69 : i32
      }
      %scan3A_26 = arith.constant 128 : i32
      %add3A = arith.constant 0 : i32
      %add3A_27 = arith.addi %multiple_of3A, %add3A : i32
      "tpu.region"() ({
        %run_scoped3A = tpu.sem_alloc : memref<!tpu.dma_semaphore, #tpu.memory_space<semaphore_mem>>
        %dma_start3A = arith.constant 0 : i32
        %dma_start3A_44 = tpu.memref_slice %arg12[%add3A_27, %dma_start3A] : memref<10240x128xf32, #tpu.memory_space<vmem_shared>> -> memref<128x128xf32, #tpu.memory_space<vmem_shared>>
        %dma_start3A_45 = arith.constant 0 : i32
        %dma_start3A_46 = tpu.memref_slice %arg12[%add3A_27, %dma_start3A_45] : memref<10240x128xf32, #tpu.memory_space<vmem_shared>> -> memref<128x128xf32, #tpu.memory_space<vmem_shared>>
        tpu.enqueue_dma source(%arg15 : memref<128x128xf32, #tpu.memory_space<vmem>>) target(%dma_start3A_46 : memref<128x128xf32, #tpu.memory_space<vmem_shared>>) target_semaphore(%run_scoped3A : memref<!tpu.dma_semaphore, #tpu.memory_space<semaphore_mem>>)
        %dma_wait3A = arith.constant 0 : i32
        %dma_wait3A_47 = tpu.memref_slice %arg12[%add3A_27, %dma_wait3A] : memref<10240x128xf32, #tpu.memory_space<vmem_shared>> -> memref<128x128xf32, #tpu.memory_space<vmem_shared>>
        %dma_wait3A_48 = arith.constant 0 : i32
        %dma_wait3A_49 = tpu.memref_slice %arg12[%add3A_27, %dma_wait3A_48] : memref<10240x128xf32, #tpu.memory_space<vmem_shared>> -> memref<128x128xf32, #tpu.memory_space<vmem_shared>>
        tpu.wait_dma2 semaphore(%run_scoped3A : memref<!tpu.dma_semaphore, #tpu.memory_space<semaphore_mem>>) src(%arg15 : memref<128x128xf32, #tpu.memory_space<vmem>>) dst(%dma_wait3A_49 : memref<128x128xf32, #tpu.memory_space<vmem_shared>>)
        tpu.yield
      }) : () -> ()
      %add3A_28 = arith.constant 128 : i32
      %add3A_29 = arith.addi %multiple_of3A, %add3A_28 : i32
      "tpu.region"() ({
        %run_scoped3A = tpu.sem_alloc : memref<!tpu.dma_semaphore, #tpu.memory_space<semaphore_mem>>
        %dma_start3A = arith.constant 0 : i32
        %dma_start3A_44 = tpu.memref_slice %arg12[%add3A_29, %dma_start3A] : memref<10240x128xf32, #tpu.memory_space<vmem_shared>> -> memref<128x128xf32, #tpu.memory_space<vmem_shared>>
        %dma_start3A_45 = arith.constant 0 : i32
        %dma_start3A_46 = tpu.memref_slice %arg12[%add3A_29, %dma_start3A_45] : memref<10240x128xf32, #tpu.memory_space<vmem_shared>> -> memref<128x128xf32, #tpu.memory_space<vmem_shared>>
        tpu.enqueue_dma source(%arg15 : memref<128x128xf32, #tpu.memory_space<vmem>>) target(%dma_start3A_46 : memref<128x128xf32, #tpu.memory_space<vmem_shared>>) target_semaphore(%run_scoped3A : memref<!tpu.dma_semaphore, #tpu.memory_space<semaphore_mem>>)
        %dma_wait3A = arith.constant 0 : i32
        %dma_wait3A_47 = tpu.memref_slice %arg12[%add3A_29, %dma_wait3A] : memref<10240x128xf32, #tpu.memory_space<vmem_shared>> -> memref<128x128xf32, #tpu.memory_space<vmem_shared>>
        %dma_wait3A_48 = arith.constant 0 : i32
        %dma_wait3A_49 = tpu.memref_slice %arg12[%add3A_29, %dma_wait3A_48] : memref<10240x128xf32, #tpu.memory_space<vmem_shared>> -> memref<128x128xf32, #tpu.memory_space<vmem_shared>>
        tpu.wait_dma2 semaphore(%run_scoped3A : memref<!tpu.dma_semaphore, #tpu.memory_space<semaphore_mem>>) src(%arg15 : memref<128x128xf32, #tpu.memory_space<vmem>>) dst(%dma_wait3A_49 : memref<128x128xf32, #tpu.memory_space<vmem_shared>>)
        tpu.yield
      }) : () -> ()
      %add3A_30 = arith.constant 256 : i32
      %add3A_31 = arith.addi %multiple_of3A, %add3A_30 : i32
      "tpu.region"() ({
        %run_scoped3A = tpu.sem_alloc : memref<!tpu.dma_semaphore, #tpu.memory_space<semaphore_mem>>
        %dma_start3A = arith.constant 0 : i32
        %dma_start3A_44 = tpu.memref_slice %arg12[%add3A_31, %dma_start3A] : memref<10240x128xf32, #tpu.memory_space<vmem_shared>> -> memref<128x128xf32, #tpu.memory_space<vmem_shared>>
        %dma_start3A_45 = arith.constant 0 : i32
        %dma_start3A_46 = tpu.memref_slice %arg12[%add3A_31, %dma_start3A_45] : memref<10240x128xf32, #tpu.memory_space<vmem_shared>> -> memref<128x128xf32, #tpu.memory_space<vmem_shared>>
        tpu.enqueue_dma source(%arg15 : memref<128x128xf32, #tpu.memory_space<vmem>>) target(%dma_start3A_46 : memref<128x128xf32, #tpu.memory_space<vmem_shared>>) target_semaphore(%run_scoped3A : memref<!tpu.dma_semaphore, #tpu.memory_space<semaphore_mem>>)
        %dma_wait3A = arith.constant 0 : i32
        %dma_wait3A_47 = tpu.memref_slice %arg12[%add3A_31, %dma_wait3A] : memref<10240x128xf32, #tpu.memory_space<vmem_shared>> -> memref<128x128xf32, #tpu.memory_space<vmem_shared>>
        %dma_wait3A_48 = arith.constant 0 : i32
        %dma_wait3A_49 = tpu.memref_slice %arg12[%add3A_31, %dma_wait3A_48] : memref<10240x128xf32, #tpu.memory_space<vmem_shared>> -> memref<128x128xf32, #tpu.memory_space<vmem_shared>>
        tpu.wait_dma2 semaphore(%run_scoped3A : memref<!tpu.dma_semaphore, #tpu.memory_space<semaphore_mem>>) src(%arg15 : memref<128x128xf32, #tpu.memory_space<vmem>>) dst(%dma_wait3A_49 : memref<128x128xf32, #tpu.memory_space<vmem_shared>>)
        tpu.yield
      }) : () -> ()
      %add3A_32 = arith.constant 384 : i32
      %add3A_33 = arith.addi %multiple_of3A, %add3A_32 : i32
      "tpu.region"() ({
        %run_scoped3A = tpu.sem_alloc : memref<!tpu.dma_semaphore, #tpu.memory_space<semaphore_mem>>
        %dma_start3A = arith.constant 0 : i32
        %dma_start3A_44 = tpu.memref_slice %arg12[%add3A_33, %dma_start3A] : memref<10240x128xf32, #tpu.memory_space<vmem_shared>> -> memref<128x128xf32, #tpu.memory_space<vmem_shared>>
        %dma_start3A_45 = arith.constant 0 : i32
        %dma_start3A_46 = tpu.memref_slice %arg12[%add3A_33, %dma_start3A_45] : memref<10240x128xf32, #tpu.memory_space<vmem_shared>> -> memref<128x128xf32, #tpu.memory_space<vmem_shared>>
        tpu.enqueue_dma source(%arg15 : memref<128x128xf32, #tpu.memory_space<vmem>>) target(%dma_start3A_46 : memref<128x128xf32, #tpu.memory_space<vmem_shared>>) target_semaphore(%run_scoped3A : memref<!tpu.dma_semaphore, #tpu.memory_space<semaphore_mem>>)
        %dma_wait3A = arith.constant 0 : i32
        %dma_wait3A_47 = tpu.memref_slice %arg12[%add3A_33, %dma_wait3A] : memref<10240x128xf32, #tpu.memory_space<vmem_shared>> -> memref<128x128xf32, #tpu.memory_space<vmem_shared>>
        %dma_wait3A_48 = arith.constant 0 : i32
        %dma_wait3A_49 = tpu.memref_slice %arg12[%add3A_33, %dma_wait3A_48] : memref<10240x128xf32, #tpu.memory_space<vmem_shared>> -> memref<128x128xf32, #tpu.memory_space<vmem_shared>>
        tpu.wait_dma2 semaphore(%run_scoped3A : memref<!tpu.dma_semaphore, #tpu.memory_space<semaphore_mem>>) src(%arg15 : memref<128x128xf32, #tpu.memory_space<vmem>>) dst(%dma_wait3A_49 : memref<128x128xf32, #tpu.memory_space<vmem_shared>>)
        tpu.yield
      }) : () -> ()
      %add3A_34 = arith.constant 512 : i32
      %add3A_35 = arith.addi %multiple_of3A, %add3A_34 : i32
      "tpu.region"() ({
        %run_scoped3A = tpu.sem_alloc : memref<!tpu.dma_semaphore, #tpu.memory_space<semaphore_mem>>
        %dma_start3A = arith.constant 0 : i32
        %dma_start3A_44 = tpu.memref_slice %arg12[%add3A_35, %dma_start3A] : memref<10240x128xf32, #tpu.memory_space<vmem_shared>> -> memref<128x128xf32, #tpu.memory_space<vmem_shared>>
        %dma_start3A_45 = arith.constant 0 : i32
        %dma_start3A_46 = tpu.memref_slice %arg12[%add3A_35, %dma_start3A_45] : memref<10240x128xf32, #tpu.memory_space<vmem_shared>> -> memref<128x128xf32, #tpu.memory_space<vmem_shared>>
        tpu.enqueue_dma source(%arg15 : memref<128x128xf32, #tpu.memory_space<vmem>>) target(%dma_start3A_46 : memref<128x128xf32, #tpu.memory_space<vmem_shared>>) target_semaphore(%run_scoped3A : memref<!tpu.dma_semaphore, #tpu.memory_space<semaphore_mem>>)
        %dma_wait3A = arith.constant 0 : i32
        %dma_wait3A_47 = tpu.memref_slice %arg12[%add3A_35, %dma_wait3A] : memref<10240x128xf32, #tpu.memory_space<vmem_shared>> -> memref<128x128xf32, #tpu.memory_space<vmem_shared>>
        %dma_wait3A_48 = arith.constant 0 : i32
        %dma_wait3A_49 = tpu.memref_slice %arg12[%add3A_35, %dma_wait3A_48] : memref<10240x128xf32, #tpu.memory_space<vmem_shared>> -> memref<128x128xf32, #tpu.memory_space<vmem_shared>>
        tpu.wait_dma2 semaphore(%run_scoped3A : memref<!tpu.dma_semaphore, #tpu.memory_space<semaphore_mem>>) src(%arg15 : memref<128x128xf32, #tpu.memory_space<vmem>>) dst(%dma_wait3A_49 : memref<128x128xf32, #tpu.memory_space<vmem_shared>>)
        tpu.yield
      }) : () -> ()
      %barrier3A = arith.constant 0 : index
      tpu.barrier barrier_id(%barrier3A)
      %scan3A_36 = arith.constant 0 : i32
      %scan3A_37 = arith.constant 0 : i32
      %scan3A_38 = arith.constant 2 : i32
      %scan3A_39 = arith.addi %scan3A_37, %scan3A_38 : i32
      %scan3A_40 = arith.constant 1 : i32
      %scan3A_41 = scf.for %scan3A_44 = %scan3A_37 to %scan3A_39 step %scan3A_40 iter_args(%scan3A_45 = %scan3A_36) -> (i32)  : i32 {
        %mul3A_46 = arith.constant 40 : i32
        %mul3A_47 = arith.muli %scan3A_44, %mul3A_46 : i32
        %add3A_48 = arith.addi %mul3A_2, %mul3A_47 : i32
        %multiple_of3A_49 = tpu.assume_multiple %add3A_48, 8 : i32
        "tpu.region"() ({
          %run_scoped3A = tpu.sem_alloc : memref<!tpu.dma_semaphore, #tpu.memory_space<semaphore_mem>>
          %dma_start3A_84 = arith.constant 0 : i32
          %dma_start3A_85 = tpu.memref_slice %arg6[%multiple_of3A_49, %dma_start3A_84] : memref<1280x128xi32, #tpu.memory_space<hbm>> -> memref<40x128xi32, #tpu.memory_space<hbm>>
          %dma_start3A_86 = arith.constant 0 : i32
          %dma_start3A_87 = tpu.memref_slice %arg6[%multiple_of3A_49, %dma_start3A_86] : memref<1280x128xi32, #tpu.memory_space<hbm>> -> memref<40x128xi32, #tpu.memory_space<hbm>>
          tpu.enqueue_dma source(%dma_start3A_87 : memref<40x128xi32, #tpu.memory_space<hbm>>) target(%arg13 : memref<40x128xi32, #tpu.memory_space<vmem>>) target_semaphore(%run_scoped3A : memref<!tpu.dma_semaphore, #tpu.memory_space<semaphore_mem>>)
          %dma_wait3A_88 = arith.constant 0 : i32
          %dma_wait3A_89 = tpu.memref_slice %arg6[%multiple_of3A_49, %dma_wait3A_88] : memref<1280x128xi32, #tpu.memory_space<hbm>> -> memref<40x128xi32, #tpu.memory_space<hbm>>
          %dma_wait3A_90 = arith.constant 0 : i32
          %dma_wait3A_91 = tpu.memref_slice %arg6[%multiple_of3A_49, %dma_wait3A_90] : memref<1280x128xi32, #tpu.memory_space<hbm>> -> memref<40x128xi32, #tpu.memory_space<hbm>>
          tpu.wait_dma2 semaphore(%run_scoped3A : memref<!tpu.dma_semaphore, #tpu.memory_space<semaphore_mem>>) src(%dma_wait3A_91 : memref<40x128xi32, #tpu.memory_space<hbm>>) dst(%arg13 : memref<40x128xi32, #tpu.memory_space<vmem>>)
          tpu.yield
        }) : () -> ()
        "tpu.region"() ({
          %run_scoped3A = tpu.sem_alloc : memref<!tpu.dma_semaphore, #tpu.memory_space<semaphore_mem>>
          %dma_start3A_84 = arith.constant 0 : i32
          %dma_start3A_85 = tpu.memref_slice %arg7[%multiple_of3A_49, %dma_start3A_84] : memref<1280x128xi32, #tpu.memory_space<hbm>> -> memref<40x128xi32, #tpu.memory_space<hbm>>
          %dma_start3A_86 = arith.constant 0 : i32
          %dma_start3A_87 = tpu.memref_slice %arg7[%multiple_of3A_49, %dma_start3A_86] : memref<1280x128xi32, #tpu.memory_space<hbm>> -> memref<40x128xi32, #tpu.memory_space<hbm>>
          tpu.enqueue_dma source(%dma_start3A_87 : memref<40x128xi32, #tpu.memory_space<hbm>>) target(%arg14 : memref<40x128xi32, #tpu.memory_space<vmem>>) target_semaphore(%run_scoped3A : memref<!tpu.dma_semaphore, #tpu.memory_space<semaphore_mem>>)
          %dma_wait3A_88 = arith.constant 0 : i32
          %dma_wait3A_89 = tpu.memref_slice %arg7[%multiple_of3A_49, %dma_wait3A_88] : memref<1280x128xi32, #tpu.memory_space<hbm>> -> memref<40x128xi32, #tpu.memory_space<hbm>>
          %dma_wait3A_90 = arith.constant 0 : i32
          %dma_wait3A_91 = tpu.memref_slice %arg7[%multiple_of3A_49, %dma_wait3A_90] : memref<1280x128xi32, #tpu.memory_space<hbm>> -> memref<40x128xi32, #tpu.memory_space<hbm>>
          tpu.wait_dma2 semaphore(%run_scoped3A : memref<!tpu.dma_semaphore, #tpu.memory_space<semaphore_mem>>) src(%dma_wait3A_91 : memref<40x128xi32, #tpu.memory_space<hbm>>) dst(%arg14 : memref<40x128xi32, #tpu.memory_space<vmem>>)
          tpu.yield
        }) : () -> ()
        %dma_start3A = arith.constant 0 : i32
        %dma_start3A_50 = arith.constant 0 : i32
        %dma_start3A_51 = tpu.memref_slice %arg14[%dma_start3A, %dma_start3A_50] : memref<40x128xi32, #tpu.memory_space<vmem>> -> memref<1x128xi32, #tpu.memory_space<vmem>>
        %dma_start3A_52 = tpu.memref_squeeze %dma_start3A_51 : memref<1x128xi32, #tpu.memory_space<vmem>> -> memref<128xi32, #tpu.memory_space<vmem>>
        %dma_start3A_53 = arith.constant 0 : i32
        %dma_start3A_54 = arith.constant 0 : i32
        %dma_start3A_55 = tpu.memref_slice %arg3[%dma_start3A_53, %dma_start3A_54] : memref<10240x128xf32, #tpu.memory_space<hbm>> -> memref<10240x128xf32, #tpu.memory_space<hbm>>
        tpu.enqueue_indirect_dma source(%dma_start3A_55 : memref<10240x128xf32, #tpu.memory_space<hbm>>) target(%arg15 : memref<128x128xf32, #tpu.memory_space<vmem>>) offsets(%dma_start3A_52 : memref<128xi32, #tpu.memory_space<vmem>>) semaphore(%arg17 : memref<!tpu.dma_semaphore, #tpu.memory_space<semaphore_mem>>)
        %dma_start3A_56 = arith.constant 1 : i32
        %dma_start3A_57 = arith.constant 0 : i32
        %dma_start3A_58 = tpu.memref_slice %arg14[%dma_start3A_56, %dma_start3A_57] : memref<40x128xi32, #tpu.memory_space<vmem>> -> memref<1x128xi32, #tpu.memory_space<vmem>>
        %dma_start3A_59 = tpu.memref_squeeze %dma_start3A_58 : memref<1x128xi32, #tpu.memory_space<vmem>> -> memref<128xi32, #tpu.memory_space<vmem>>
        %dma_start3A_60 = arith.constant 0 : i32
        %dma_start3A_61 = arith.constant 0 : i32
        %dma_start3A_62 = tpu.memref_slice %arg3[%dma_start3A_60, %dma_start3A_61] : memref<10240x128xf32, #tpu.memory_space<hbm>> -> memref<10240x128xf32, #tpu.memory_space<hbm>>
        tpu.enqueue_indirect_dma source(%dma_start3A_62 : memref<10240x128xf32, #tpu.memory_space<hbm>>) target(%arg16 : memref<128x128xf32, #tpu.memory_space<vmem>>) offsets(%dma_start3A_59 : memref<128xi32, #tpu.memory_space<vmem>>) semaphore(%arg18 : memref<!tpu.dma_semaphore, #tpu.memory_space<semaphore_mem>>)
        %scan3A_63 = arith.constant 0 : i32
        %scan3A_64 = arith.constant 0 : i32
        %scan3A_65 = arith.constant 20 : i32
        %scan3A_66 = arith.addi %scan3A_64, %scan3A_65 : i32
        %scan3A_67 = arith.constant 1 : i32
        %scan3A_68 = scf.for %scan3A_84 = %scan3A_64 to %scan3A_66 step %scan3A_67 iter_args(%scan3A_85 = %scan3A_63) -> (i32)  : i32 {
          %mul3A_86 = arith.constant 2 : i32
          %mul3A_87 = arith.muli %scan3A_84, %mul3A_86 : i32
          %add3A_88 = arith.constant 0 : i32
          %add3A_89 = arith.addi %mul3A_87, %add3A_88 : i32
          %dma_wait3A_90 = arith.constant 0 : i32
          %dma_wait3A_91 = tpu.memref_slice %arg14[%add3A_89, %dma_wait3A_90] : memref<40x128xi32, #tpu.memory_space<vmem>> -> memref<1x128xi32, #tpu.memory_space<vmem>>
          %dma_wait3A_92 = tpu.memref_squeeze %dma_wait3A_91 : memref<1x128xi32, #tpu.memory_space<vmem>> -> memref<128xi32, #tpu.memory_space<vmem>>
          %dma_wait3A_93 = arith.constant 0 : i32
          %dma_wait3A_94 = arith.constant 0 : i32
          %dma_wait3A_95 = tpu.memref_slice %arg3[%dma_wait3A_93, %dma_wait3A_94] : memref<10240x128xf32, #tpu.memory_space<hbm>> -> memref<10240x128xf32, #tpu.memory_space<hbm>>
          tpu.wait_indirect_dma semaphore(%arg17 : memref<!tpu.dma_semaphore, #tpu.memory_space<semaphore_mem>>) src(%dma_wait3A_95 : memref<10240x128xf32, #tpu.memory_space<hbm>>) dst(%arg15 : memref<128x128xf32, #tpu.memory_space<vmem>>)
          %dma_start3A_96 = arith.constant 0 : i32
          %dma_start3A_97 = tpu.memref_slice %arg13[%add3A_89, %dma_start3A_96] : memref<40x128xi32, #tpu.memory_space<vmem>> -> memref<1x128xi32, #tpu.memory_space<vmem>>
          %dma_start3A_98 = tpu.memref_squeeze %dma_start3A_97 : memref<1x128xi32, #tpu.memory_space<vmem>> -> memref<128xi32, #tpu.memory_space<vmem>>
          %dma_start3A_99 = arith.constant 0 : i32
          %dma_start3A_100 = arith.constant 0 : i32
          %dma_start3A_101 = tpu.memref_slice %arg12[%dma_start3A_99, %dma_start3A_100] : memref<10240x128xf32, #tpu.memory_space<vmem_shared>> -> memref<10240x128xf32, #tpu.memory_space<vmem_shared>>
          tpu.enqueue_indirect_dma source(%arg15 : memref<128x128xf32, #tpu.memory_space<vmem>>) target(%dma_start3A_101 : memref<10240x128xf32, #tpu.memory_space<vmem_shared>>) offsets(%dma_start3A_98 : memref<128xi32, #tpu.memory_space<vmem>>) semaphore(%arg19 : memref<!tpu.dma_semaphore, #tpu.memory_space<semaphore_mem>>) {add = true}
          %add3A_102 = arith.constant 2 : i32
          %add3A_103 = arith.addi %add3A_89, %add3A_102 : i32
          %lt3A = arith.constant 40 : i32
          %lt3A_104 = arith.cmpi slt, %add3A_103, %lt3A : i32
          %convert_element_type3A_105 = arith.extui %lt3A_104 : i1 to i32
          %cond3A_106 = arith.constant 0 : i32
          %cond3A_107 = arith.cmpi ne, %convert_element_type3A_105, %cond3A_106 : i32
          scf.if %cond3A_107 {
            %dma_wait3A_132 = arith.constant 0 : i32
            %dma_wait3A_133 = tpu.memref_slice %arg13[%add3A_89, %dma_wait3A_132] : memref<40x128xi32, #tpu.memory_space<vmem>> -> memref<1x128xi32, #tpu.memory_space<vmem>>
            %dma_wait3A_134 = tpu.memref_squeeze %dma_wait3A_133 : memref<1x128xi32, #tpu.memory_space<vmem>> -> memref<128xi32, #tpu.memory_space<vmem>>
            %dma_wait3A_135 = arith.constant 0 : i32
            %dma_wait3A_136 = arith.constant 0 : i32
            %dma_wait3A_137 = tpu.memref_slice %arg12[%dma_wait3A_135, %dma_wait3A_136] : memref<10240x128xf32, #tpu.memory_space<vmem_shared>> -> memref<10240x128xf32, #tpu.memory_space<vmem_shared>>
            tpu.wait_indirect_dma semaphore(%arg19 : memref<!tpu.dma_semaphore, #tpu.memory_space<semaphore_mem>>) src(%arg15 : memref<128x128xf32, #tpu.memory_space<vmem>>) dst(%dma_wait3A_137 : memref<10240x128xf32, #tpu.memory_space<vmem_shared>>)
            %add3A_138 = arith.constant 2 : i32
            %add3A_139 = arith.addi %add3A_89, %add3A_138 : i32
            %dma_start3A_140 = arith.constant 0 : i32
            %dma_start3A_141 = tpu.memref_slice %arg14[%add3A_139, %dma_start3A_140] : memref<40x128xi32, #tpu.memory_space<vmem>> -> memref<1x128xi32, #tpu.memory_space<vmem>>
            %dma_start3A_142 = tpu.memref_squeeze %dma_start3A_141 : memref<1x128xi32, #tpu.memory_space<vmem>> -> memref<128xi32, #tpu.memory_space<vmem>>
            %dma_start3A_143 = arith.constant 0 : i32
            %dma_start3A_144 = arith.constant 0 : i32
            %dma_start3A_145 = tpu.memref_slice %arg3[%dma_start3A_143, %dma_start3A_144] : memref<10240x128xf32, #tpu.memory_space<hbm>> -> memref<10240x128xf32, #tpu.memory_space<hbm>>
            tpu.enqueue_indirect_dma source(%dma_start3A_145 : memref<10240x128xf32, #tpu.memory_space<hbm>>) target(%arg15 : memref<128x128xf32, #tpu.memory_space<vmem>>) offsets(%dma_start3A_142 : memref<128xi32, #tpu.memory_space<vmem>>) semaphore(%arg17 : memref<!tpu.dma_semaphore, #tpu.memory_space<semaphore_mem>>)
          } else {
          }
          %mul3A_108 = arith.constant 2 : i32
          %mul3A_109 = arith.muli %scan3A_84, %mul3A_108 : i32
          %add3A_110 = arith.constant 1 : i32
          %add3A_111 = arith.addi %mul3A_109, %add3A_110 : i32
          %dma_wait3A_112 = arith.constant 0 : i32
          %dma_wait3A_113 = tpu.memref_slice %arg14[%add3A_111, %dma_wait3A_112] : memref<40x128xi32, #tpu.memory_space<vmem>> -> memref<1x128xi32, #tpu.memory_space<vmem>>
          %dma_wait3A_114 = tpu.memref_squeeze %dma_wait3A_113 : memref<1x128xi32, #tpu.memory_space<vmem>> -> memref<128xi32, #tpu.memory_space<vmem>>
          %dma_wait3A_115 = arith.constant 0 : i32
          %dma_wait3A_116 = arith.constant 0 : i32
          %dma_wait3A_117 = tpu.memref_slice %arg3[%dma_wait3A_115, %dma_wait3A_116] : memref<10240x128xf32, #tpu.memory_space<hbm>> -> memref<10240x128xf32, #tpu.memory_space<hbm>>
          tpu.wait_indirect_dma semaphore(%arg18 : memref<!tpu.dma_semaphore, #tpu.memory_space<semaphore_mem>>) src(%dma_wait3A_117 : memref<10240x128xf32, #tpu.memory_space<hbm>>) dst(%arg16 : memref<128x128xf32, #tpu.memory_space<vmem>>)
          %dma_start3A_118 = arith.constant 0 : i32
          %dma_start3A_119 = tpu.memref_slice %arg13[%add3A_111, %dma_start3A_118] : memref<40x128xi32, #tpu.memory_space<vmem>> -> memref<1x128xi32, #tpu.memory_space<vmem>>
          %dma_start3A_120 = tpu.memref_squeeze %dma_start3A_119 : memref<1x128xi32, #tpu.memory_space<vmem>> -> memref<128xi32, #tpu.memory_space<vmem>>
          %dma_start3A_121 = arith.constant 0 : i32
          %dma_start3A_122 = arith.constant 0 : i32
          %dma_start3A_123 = tpu.memref_slice %arg12[%dma_start3A_121, %dma_start3A_122] : memref<10240x128xf32, #tpu.memory_space<vmem_shared>> -> memref<10240x128xf32, #tpu.memory_space<vmem_shared>>
          tpu.enqueue_indirect_dma source(%arg16 : memref<128x128xf32, #tpu.memory_space<vmem>>) target(%dma_start3A_123 : memref<10240x128xf32, #tpu.memory_space<vmem_shared>>) offsets(%dma_start3A_120 : memref<128xi32, #tpu.memory_space<vmem>>) semaphore(%arg20 : memref<!tpu.dma_semaphore, #tpu.memory_space<semaphore_mem>>) {add = true}
          %add3A_124 = arith.constant 2 : i32
          %add3A_125 = arith.addi %add3A_111, %add3A_124 : i32
          %lt3A_126 = arith.constant 40 : i32
          %lt3A_127 = arith.cmpi slt, %add3A_125, %lt3A_126 : i32
          %convert_element_type3A_128 = arith.extui %lt3A_127 : i1 to i32
          %cond3A_129 = arith.constant 0 : i32
          %cond3A_130 = arith.cmpi ne, %convert_element_type3A_128, %cond3A_129 : i32
          scf.if %cond3A_130 {
            %dma_wait3A_132 = arith.constant 0 : i32
            %dma_wait3A_133 = tpu.memref_slice %arg13[%add3A_111, %dma_wait3A_132] : memref<40x128xi32, #tpu.memory_space<vmem>> -> memref<1x128xi32, #tpu.memory_space<vmem>>
            %dma_wait3A_134 = tpu.memref_squeeze %dma_wait3A_133 : memref<1x128xi32, #tpu.memory_space<vmem>> -> memref<128xi32, #tpu.memory_space<vmem>>
            %dma_wait3A_135 = arith.constant 0 : i32
            %dma_wait3A_136 = arith.constant 0 : i32
            %dma_wait3A_137 = tpu.memref_slice %arg12[%dma_wait3A_135, %dma_wait3A_136] : memref<10240x128xf32, #tpu.memory_space<vmem_shared>> -> memref<10240x128xf32, #tpu.memory_space<vmem_shared>>
            tpu.wait_indirect_dma semaphore(%arg20 : memref<!tpu.dma_semaphore, #tpu.memory_space<semaphore_mem>>) src(%arg16 : memref<128x128xf32, #tpu.memory_space<vmem>>) dst(%dma_wait3A_137 : memref<10240x128xf32, #tpu.memory_space<vmem_shared>>)
            %add3A_138 = arith.constant 2 : i32
            %add3A_139 = arith.addi %add3A_111, %add3A_138 : i32
            %dma_start3A_140 = arith.constant 0 : i32
            %dma_start3A_141 = tpu.memref_slice %arg14[%add3A_139, %dma_start3A_140] : memref<40x128xi32, #tpu.memory_space<vmem>> -> memref<1x128xi32, #tpu.memory_space<vmem>>
            %dma_start3A_142 = tpu.memref_squeeze %dma_start3A_141 : memref<1x128xi32, #tpu.memory_space<vmem>> -> memref<128xi32, #tpu.memory_space<vmem>>
            %dma_start3A_143 = arith.constant 0 : i32
            %dma_start3A_144 = arith.constant 0 : i32
            %dma_start3A_145 = tpu.memref_slice %arg3[%dma_start3A_143, %dma_start3A_144] : memref<10240x128xf32, #tpu.memory_space<hbm>> -> memref<10240x128xf32, #tpu.memory_space<hbm>>
            tpu.enqueue_indirect_dma source(%dma_start3A_145 : memref<10240x128xf32, #tpu.memory_space<hbm>>) target(%arg16 : memref<128x128xf32, #tpu.memory_space<vmem>>) offsets(%dma_start3A_142 : memref<128xi32, #tpu.memory_space<vmem>>) semaphore(%arg18 : memref<!tpu.dma_semaphore, #tpu.memory_space<semaphore_mem>>)
          } else {
          }
          %scan3A_131 = arith.constant 0 : i32
          scf.yield %scan3A_131 : i32
        }
        %scan3A_69 = arith.constant 20 : i32
        %dma_wait3A = arith.constant 38 : i32
        %dma_wait3A_70 = arith.constant 0 : i32
        %dma_wait3A_71 = tpu.memref_slice %arg13[%dma_wait3A, %dma_wait3A_70] : memref<40x128xi32, #tpu.memory_space<vmem>> -> memref<1x128xi32, #tpu.memory_space<vmem>>
        %dma_wait3A_72 = tpu.memref_squeeze %dma_wait3A_71 : memref<1x128xi32, #tpu.memory_space<vmem>> -> memref<128xi32, #tpu.memory_space<vmem>>
        %dma_wait3A_73 = arith.constant 0 : i32
        %dma_wait3A_74 = arith.constant 0 : i32
        %dma_wait3A_75 = tpu.memref_slice %arg12[%dma_wait3A_73, %dma_wait3A_74] : memref<10240x128xf32, #tpu.memory_space<vmem_shared>> -> memref<10240x128xf32, #tpu.memory_space<vmem_shared>>
        tpu.wait_indirect_dma semaphore(%arg19 : memref<!tpu.dma_semaphore, #tpu.memory_space<semaphore_mem>>) src(%arg15 : memref<128x128xf32, #tpu.memory_space<vmem>>) dst(%dma_wait3A_75 : memref<10240x128xf32, #tpu.memory_space<vmem_shared>>)
        %dma_wait3A_76 = arith.constant 39 : i32
        %dma_wait3A_77 = arith.constant 0 : i32
        %dma_wait3A_78 = tpu.memref_slice %arg13[%dma_wait3A_76, %dma_wait3A_77] : memref<40x128xi32, #tpu.memory_space<vmem>> -> memref<1x128xi32, #tpu.memory_space<vmem>>
        %dma_wait3A_79 = tpu.memref_squeeze %dma_wait3A_78 : memref<1x128xi32, #tpu.memory_space<vmem>> -> memref<128xi32, #tpu.memory_space<vmem>>
        %dma_wait3A_80 = arith.constant 0 : i32
        %dma_wait3A_81 = arith.constant 0 : i32
        %dma_wait3A_82 = tpu.memref_slice %arg12[%dma_wait3A_80, %dma_wait3A_81] : memref<10240x128xf32, #tpu.memory_space<vmem_shared>> -> memref<10240x128xf32, #tpu.memory_space<vmem_shared>>
        tpu.wait_indirect_dma semaphore(%arg20 : memref<!tpu.dma_semaphore, #tpu.memory_space<semaphore_mem>>) src(%arg16 : memref<128x128xf32, #tpu.memory_space<vmem>>) dst(%dma_wait3A_82 : memref<10240x128xf32, #tpu.memory_space<vmem_shared>>)
        %scan3A_83 = arith.constant 0 : i32
        scf.yield %scan3A_83 : i32
      }
      %scan3A_42 = arith.constant 2 : i32
      %barrier3A_43 = arith.constant 0 : index
      tpu.barrier barrier_id(%barrier3A_43)
      "tpu.region"() ({
        %run_scoped3A = tpu.sem_alloc : memref<!tpu.dma_semaphore, #tpu.memory_space<semaphore_mem>>
        %dma_start3A = arith.constant 0 : i32
        %dma_start3A_44 = tpu.memref_slice %arg9[%multiple_of3A, %dma_start3A] : memref<10240x128xf32, #tpu.memory_space<hbm>> -> memref<640x128xf32, #tpu.memory_space<hbm>>
        %dma_start3A_45 = arith.constant 0 : i32
        %dma_start3A_46 = tpu.memref_slice %arg12[%multiple_of3A, %dma_start3A_45] : memref<10240x128xf32, #tpu.memory_space<vmem_shared>> -> memref<640x128xf32, #tpu.memory_space<vmem_shared>>
        tpu.enqueue_dma source(%dma_start3A_46 : memref<640x128xf32, #tpu.memory_space<vmem_shared>>) target(%dma_start3A_44 : memref<640x128xf32, #tpu.memory_space<hbm>>) target_semaphore(%run_scoped3A : memref<!tpu.dma_semaphore, #tpu.memory_space<semaphore_mem>>)
        %dma_wait3A = arith.constant 0 : i32
        %dma_wait3A_47 = tpu.memref_slice %arg9[%multiple_of3A, %dma_wait3A] : memref<10240x128xf32, #tpu.memory_space<hbm>> -> memref<640x128xf32, #tpu.memory_space<hbm>>
        %dma_wait3A_48 = arith.constant 0 : i32
        %dma_wait3A_49 = tpu.memref_slice %arg12[%multiple_of3A, %dma_wait3A_48] : memref<10240x128xf32, #tpu.memory_space<vmem_shared>> -> memref<640x128xf32, #tpu.memory_space<vmem_shared>>
        tpu.wait_dma2 semaphore(%run_scoped3A : memref<!tpu.dma_semaphore, #tpu.memory_space<semaphore_mem>>) src(%dma_wait3A_49 : memref<640x128xf32, #tpu.memory_space<vmem_shared>>) dst(%dma_wait3A_47 : memref<640x128xf32, #tpu.memory_space<hbm>>)
        tpu.yield
      }) : () -> ()
    } else {
    }
    %eq3A_10 = arith.constant 0 : i32
    %eq3A_11 = arith.cmpi eq, %arg0, %eq3A_10 : i32
    %convert_element_type3A_12 = arith.extui %eq3A_11 : i1 to i32
    %cond3A_13 = arith.constant 0 : i32
    %cond3A_14 = arith.cmpi ne, %convert_element_type3A_12, %cond3A_13 : i32
    scf.if %cond3A_14 {
      %broadcast_in_dim3A = arith.constant 0.000000e+00 : f32
      %broadcast_in_dim3A_20 = vector.broadcast %broadcast_in_dim3A : f32 to vector<16xf32>
      %scan3A = arith.constant 0 : i32
      %scan3A_21 = arith.constant 0 : i32
      %scan3A_22 = arith.constant 128 : i32
      %scan3A_23 = arith.addi %scan3A_21, %scan3A_22 : i32
      %scan3A_24 = arith.constant 1 : i32
      %scan3A_25 = scf.for %scan3A_44 = %scan3A_21 to %scan3A_23 step %scan3A_24 iter_args(%scan3A_45 = %scan3A) -> (i32)  : i32 {
        %swap3A = arith.index_cast %scan3A_44 : i32 to index
        %swap3A_46 = arith.constant 0 : index
        %swap3A_47 = tpu.vector_load %arg15[%swap3A, %swap3A_46] {strides = array<i32>} : memref<128x128xf32, #tpu.memory_space<vmem>>, vector<16xf32>,
        tpu.vector_store %arg15[%swap3A, %swap3A_46], %broadcast_in_dim3A_20 {strides = array<i32>} : memref<128x128xf32, #tpu.memory_space<vmem>>, vector<16xf32>,
        %swap3A_48 = arith.index_cast %scan3A_44 : i32 to index
        %swap3A_49 = arith.constant 16 : index
        %swap3A_50 = tpu.vector_load %arg15[%swap3A_48, %swap3A_49] {strides = array<i32>} : memref<128x128xf32, #tpu.memory_space<vmem>>, vector<16xf32>,
        tpu.vector_store %arg15[%swap3A_48, %swap3A_49], %broadcast_in_dim3A_20 {strides = array<i32>} : memref<128x128xf32, #tpu.memory_space<vmem>>, vector<16xf32>,
        %swap3A_51 = arith.index_cast %scan3A_44 : i32 to index
        %swap3A_52 = arith.constant 32 : index
        %swap3A_53 = tpu.vector_load %arg15[%swap3A_51, %swap3A_52] {strides = array<i32>} : memref<128x128xf32, #tpu.memory_space<vmem>>, vector<16xf32>,
        tpu.vector_store %arg15[%swap3A_51, %swap3A_52], %broadcast_in_dim3A_20 {strides = array<i32>} : memref<128x128xf32, #tpu.memory_space<vmem>>, vector<16xf32>,
        %swap3A_54 = arith.index_cast %scan3A_44 : i32 to index
        %swap3A_55 = arith.constant 48 : index
        %swap3A_56 = tpu.vector_load %arg15[%swap3A_54, %swap3A_55] {strides = array<i32>} : memref<128x128xf32, #tpu.memory_space<vmem>>, vector<16xf32>,
        tpu.vector_store %arg15[%swap3A_54, %swap3A_55], %broadcast_in_dim3A_20 {strides = array<i32>} : memref<128x128xf32, #tpu.memory_space<vmem>>, vector<16xf32>,
        %swap3A_57 = arith.index_cast %scan3A_44 : i32 to index
        %swap3A_58 = arith.constant 64 : index
        %swap3A_59 = tpu.vector_load %arg15[%swap3A_57, %swap3A_58] {strides = array<i32>} : memref<128x128xf32, #tpu.memory_space<vmem>>, vector<16xf32>,
        tpu.vector_store %arg15[%swap3A_57, %swap3A_58], %broadcast_in_dim3A_20 {strides = array<i32>} : memref<128x128xf32, #tpu.memory_space<vmem>>, vector<16xf32>,
        %swap3A_60 = arith.index_cast %scan3A_44 : i32 to index
        %swap3A_61 = arith.constant 80 : index
        %swap3A_62 = tpu.vector_load %arg15[%swap3A_60, %swap3A_61] {strides = array<i32>} : memref<128x128xf32, #tpu.memory_space<vmem>>, vector<16xf32>,
        tpu.vector_store %arg15[%swap3A_60, %swap3A_61], %broadcast_in_dim3A_20 {strides = array<i32>} : memref<128x128xf32, #tpu.memory_space<vmem>>, vector<16xf32>,
        %swap3A_63 = arith.index_cast %scan3A_44 : i32 to index
        %swap3A_64 = arith.constant 96 : index
        %swap3A_65 = tpu.vector_load %arg15[%swap3A_63, %swap3A_64] {strides = array<i32>} : memref<128x128xf32, #tpu.memory_space<vmem>>, vector<16xf32>,
        tpu.vector_store %arg15[%swap3A_63, %swap3A_64], %broadcast_in_dim3A_20 {strides = array<i32>} : memref<128x128xf32, #tpu.memory_space<vmem>>, vector<16xf32>,
        %swap3A_66 = arith.index_cast %scan3A_44 : i32 to index
        %swap3A_67 = arith.constant 112 : index
        %swap3A_68 = tpu.vector_load %arg15[%swap3A_66, %swap3A_67] {strides = array<i32>} : memref<128x128xf32, #tpu.memory_space<vmem>>, vector<16xf32>,
        tpu.vector_store %arg15[%swap3A_66, %swap3A_67], %broadcast_in_dim3A_20 {strides = array<i32>} : memref<128x128xf32, #tpu.memory_space<vmem>>, vector<16xf32>,
        %scan3A_69 = arith.constant 0 : i32
        scf.yield %scan3A_69 : i32
      }
      %scan3A_26 = arith.constant 128 : i32
      %add3A = arith.constant 0 : i32
      %add3A_27 = arith.addi %multiple_of3A, %add3A : i32
      "tpu.region"() ({
        %run_scoped3A = tpu.sem_alloc : memref<!tpu.dma_semaphore, #tpu.memory_space<semaphore_mem>>
        %dma_start3A = arith.constant 0 : i32
        %dma_start3A_44 = tpu.memref_slice %arg12[%add3A_27, %dma_start3A] : memref<10240x128xf32, #tpu.memory_space<vmem_shared>> -> memref<128x128xf32, #tpu.memory_space<vmem_shared>>
        %dma_start3A_45 = arith.constant 0 : i32
        %dma_start3A_46 = tpu.memref_slice %arg12[%add3A_27, %dma_start3A_45] : memref<10240x128xf32, #tpu.memory_space<vmem_shared>> -> memref<128x128xf32, #tpu.memory_space<vmem_shared>>
        tpu.enqueue_dma source(%arg15 : memref<128x128xf32, #tpu.memory_space<vmem>>) target(%dma_start3A_46 : memref<128x128xf32, #tpu.memory_space<vmem_shared>>) target_semaphore(%run_scoped3A : memref<!tpu.dma_semaphore, #tpu.memory_space<semaphore_mem>>)
        %dma_wait3A = arith.constant 0 : i32
        %dma_wait3A_47 = tpu.memref_slice %arg12[%add3A_27, %dma_wait3A] : memref<10240x128xf32, #tpu.memory_space<vmem_shared>> -> memref<128x128xf32, #tpu.memory_space<vmem_shared>>
        %dma_wait3A_48 = arith.constant 0 : i32
        %dma_wait3A_49 = tpu.memref_slice %arg12[%add3A_27, %dma_wait3A_48] : memref<10240x128xf32, #tpu.memory_space<vmem_shared>> -> memref<128x128xf32, #tpu.memory_space<vmem_shared>>
        tpu.wait_dma2 semaphore(%run_scoped3A : memref<!tpu.dma_semaphore, #tpu.memory_space<semaphore_mem>>) src(%arg15 : memref<128x128xf32, #tpu.memory_space<vmem>>) dst(%dma_wait3A_49 : memref<128x128xf32, #tpu.memory_space<vmem_shared>>)
        tpu.yield
      }) : () -> ()
      %add3A_28 = arith.constant 128 : i32
      %add3A_29 = arith.addi %multiple_of3A, %add3A_28 : i32
      "tpu.region"() ({
        %run_scoped3A = tpu.sem_alloc : memref<!tpu.dma_semaphore, #tpu.memory_space<semaphore_mem>>
        %dma_start3A = arith.constant 0 : i32
        %dma_start3A_44 = tpu.memref_slice %arg12[%add3A_29, %dma_start3A] : memref<10240x128xf32, #tpu.memory_space<vmem_shared>> -> memref<128x128xf32, #tpu.memory_space<vmem_shared>>
        %dma_start3A_45 = arith.constant 0 : i32
        %dma_start3A_46 = tpu.memref_slice %arg12[%add3A_29, %dma_start3A_45] : memref<10240x128xf32, #tpu.memory_space<vmem_shared>> -> memref<128x128xf32, #tpu.memory_space<vmem_shared>>
        tpu.enqueue_dma source(%arg15 : memref<128x128xf32, #tpu.memory_space<vmem>>) target(%dma_start3A_46 : memref<128x128xf32, #tpu.memory_space<vmem_shared>>) target_semaphore(%run_scoped3A : memref<!tpu.dma_semaphore, #tpu.memory_space<semaphore_mem>>)
        %dma_wait3A = arith.constant 0 : i32
        %dma_wait3A_47 = tpu.memref_slice %arg12[%add3A_29, %dma_wait3A] : memref<10240x128xf32, #tpu.memory_space<vmem_shared>> -> memref<128x128xf32, #tpu.memory_space<vmem_shared>>
        %dma_wait3A_48 = arith.constant 0 : i32
        %dma_wait3A_49 = tpu.memref_slice %arg12[%add3A_29, %dma_wait3A_48] : memref<10240x128xf32, #tpu.memory_space<vmem_shared>> -> memref<128x128xf32, #tpu.memory_space<vmem_shared>>
        tpu.wait_dma2 semaphore(%run_scoped3A : memref<!tpu.dma_semaphore, #tpu.memory_space<semaphore_mem>>) src(%arg15 : memref<128x128xf32, #tpu.memory_space<vmem>>) dst(%dma_wait3A_49 : memref<128x128xf32, #tpu.memory_space<vmem_shared>>)
        tpu.yield
      }) : () -> ()
      %add3A_30 = arith.constant 256 : i32
      %add3A_31 = arith.addi %multiple_of3A, %add3A_30 : i32
      "tpu.region"() ({
        %run_scoped3A = tpu.sem_alloc : memref<!tpu.dma_semaphore, #tpu.memory_space<semaphore_mem>>
        %dma_start3A = arith.constant 0 : i32
        %dma_start3A_44 = tpu.memref_slice %arg12[%add3A_31, %dma_start3A] : memref<10240x128xf32, #tpu.memory_space<vmem_shared>> -> memref<128x128xf32, #tpu.memory_space<vmem_shared>>
        %dma_start3A_45 = arith.constant 0 : i32
        %dma_start3A_46 = tpu.memref_slice %arg12[%add3A_31, %dma_start3A_45] : memref<10240x128xf32, #tpu.memory_space<vmem_shared>> -> memref<128x128xf32, #tpu.memory_space<vmem_shared>>
        tpu.enqueue_dma source(%arg15 : memref<128x128xf32, #tpu.memory_space<vmem>>) target(%dma_start3A_46 : memref<128x128xf32, #tpu.memory_space<vmem_shared>>) target_semaphore(%run_scoped3A : memref<!tpu.dma_semaphore, #tpu.memory_space<semaphore_mem>>)
        %dma_wait3A = arith.constant 0 : i32
        %dma_wait3A_47 = tpu.memref_slice %arg12[%add3A_31, %dma_wait3A] : memref<10240x128xf32, #tpu.memory_space<vmem_shared>> -> memref<128x128xf32, #tpu.memory_space<vmem_shared>>
        %dma_wait3A_48 = arith.constant 0 : i32
        %dma_wait3A_49 = tpu.memref_slice %arg12[%add3A_31, %dma_wait3A_48] : memref<10240x128xf32, #tpu.memory_space<vmem_shared>> -> memref<128x128xf32, #tpu.memory_space<vmem_shared>>
        tpu.wait_dma2 semaphore(%run_scoped3A : memref<!tpu.dma_semaphore, #tpu.memory_space<semaphore_mem>>) src(%arg15 : memref<128x128xf32, #tpu.memory_space<vmem>>) dst(%dma_wait3A_49 : memref<128x128xf32, #tpu.memory_space<vmem_shared>>)
        tpu.yield
      }) : () -> ()
      %add3A_32 = arith.constant 384 : i32
      %add3A_33 = arith.addi %multiple_of3A, %add3A_32 : i32
      "tpu.region"() ({
        %run_scoped3A = tpu.sem_alloc : memref<!tpu.dma_semaphore, #tpu.memory_space<semaphore_mem>>
        %dma_start3A = arith.constant 0 : i32
        %dma_start3A_44 = tpu.memref_slice %arg12[%add3A_33, %dma_start3A] : memref<10240x128xf32, #tpu.memory_space<vmem_shared>> -> memref<128x128xf32, #tpu.memory_space<vmem_shared>>
        %dma_start3A_45 = arith.constant 0 : i32
        %dma_start3A_46 = tpu.memref_slice %arg12[%add3A_33, %dma_start3A_45] : memref<10240x128xf32, #tpu.memory_space<vmem_shared>> -> memref<128x128xf32, #tpu.memory_space<vmem_shared>>
        tpu.enqueue_dma source(%arg15 : memref<128x128xf32, #tpu.memory_space<vmem>>) target(%dma_start3A_46 : memref<128x128xf32, #tpu.memory_space<vmem_shared>>) target_semaphore(%run_scoped3A : memref<!tpu.dma_semaphore, #tpu.memory_space<semaphore_mem>>)
        %dma_wait3A = arith.constant 0 : i32
        %dma_wait3A_47 = tpu.memref_slice %arg12[%add3A_33, %dma_wait3A] : memref<10240x128xf32, #tpu.memory_space<vmem_shared>> -> memref<128x128xf32, #tpu.memory_space<vmem_shared>>
        %dma_wait3A_48 = arith.constant 0 : i32
        %dma_wait3A_49 = tpu.memref_slice %arg12[%add3A_33, %dma_wait3A_48] : memref<10240x128xf32, #tpu.memory_space<vmem_shared>> -> memref<128x128xf32, #tpu.memory_space<vmem_shared>>
        tpu.wait_dma2 semaphore(%run_scoped3A : memref<!tpu.dma_semaphore, #tpu.memory_space<semaphore_mem>>) src(%arg15 : memref<128x128xf32, #tpu.memory_space<vmem>>) dst(%dma_wait3A_49 : memref<128x128xf32, #tpu.memory_space<vmem_shared>>)
        tpu.yield
      }) : () -> ()
      %add3A_34 = arith.constant 512 : i32
      %add3A_35 = arith.addi %multiple_of3A, %add3A_34 : i32
      "tpu.region"() ({
        %run_scoped3A = tpu.sem_alloc : memref<!tpu.dma_semaphore, #tpu.memory_space<semaphore_mem>>
        %dma_start3A = arith.constant 0 : i32
        %dma_start3A_44 = tpu.memref_slice %arg12[%add3A_35, %dma_start3A] : memref<10240x128xf32, #tpu.memory_space<vmem_shared>> -> memref<128x128xf32, #tpu.memory_space<vmem_shared>>
        %dma_start3A_45 = arith.constant 0 : i32
        %dma_start3A_46 = tpu.memref_slice %arg12[%add3A_35, %dma_start3A_45] : memref<10240x128xf32, #tpu.memory_space<vmem_shared>> -> memref<128x128xf32, #tpu.memory_space<vmem_shared>>
        tpu.enqueue_dma source(%arg15 : memref<128x128xf32, #tpu.memory_space<vmem>>) target(%dma_start3A_46 : memref<128x128xf32, #tpu.memory_space<vmem_shared>>) target_semaphore(%run_scoped3A : memref<!tpu.dma_semaphore, #tpu.memory_space<semaphore_mem>>)
        %dma_wait3A = arith.constant 0 : i32
        %dma_wait3A_47 = tpu.memref_slice %arg12[%add3A_35, %dma_wait3A] : memref<10240x128xf32, #tpu.memory_space<vmem_shared>> -> memref<128x128xf32, #tpu.memory_space<vmem_shared>>
        %dma_wait3A_48 = arith.constant 0 : i32
        %dma_wait3A_49 = tpu.memref_slice %arg12[%add3A_35, %dma_wait3A_48] : memref<10240x128xf32, #tpu.memory_space<vmem_shared>> -> memref<128x128xf32, #tpu.memory_space<vmem_shared>>
        tpu.wait_dma2 semaphore(%run_scoped3A : memref<!tpu.dma_semaphore, #tpu.memory_space<semaphore_mem>>) src(%arg15 : memref<128x128xf32, #tpu.memory_space<vmem>>) dst(%dma_wait3A_49 : memref<128x128xf32, #tpu.memory_space<vmem_shared>>)
        tpu.yield
      }) : () -> ()
      %barrier3A = arith.constant 0 : index
      tpu.barrier barrier_id(%barrier3A)
      %scan3A_36 = arith.constant 0 : i32
      %scan3A_37 = arith.constant 0 : i32
      %scan3A_38 = arith.constant 2 : i32
      %scan3A_39 = arith.addi %scan3A_37, %scan3A_38 : i32
      %scan3A_40 = arith.constant 1 : i32
      %scan3A_41 = scf.for %scan3A_44 = %scan3A_37 to %scan3A_39 step %scan3A_40 iter_args(%scan3A_45 = %scan3A_36) -> (i32)  : i32 {
        %mul3A_46 = arith.constant 40 : i32
        %mul3A_47 = arith.muli %scan3A_44, %mul3A_46 : i32
        %add3A_48 = arith.addi %mul3A_2, %mul3A_47 : i32
        %multiple_of3A_49 = tpu.assume_multiple %add3A_48, 8 : i32
        "tpu.region"() ({
          %run_scoped3A = tpu.sem_alloc : memref<!tpu.dma_semaphore, #tpu.memory_space<semaphore_mem>>
          %dma_start3A_84 = arith.constant 0 : i32
          %dma_start3A_85 = tpu.memref_slice %arg6[%multiple_of3A_49, %dma_start3A_84] : memref<1280x128xi32, #tpu.memory_space<hbm>> -> memref<40x128xi32, #tpu.memory_space<hbm>>
          %dma_start3A_86 = arith.constant 0 : i32
          %dma_start3A_87 = tpu.memref_slice %arg6[%multiple_of3A_49, %dma_start3A_86] : memref<1280x128xi32, #tpu.memory_space<hbm>> -> memref<40x128xi32, #tpu.memory_space<hbm>>
          tpu.enqueue_dma source(%dma_start3A_87 : memref<40x128xi32, #tpu.memory_space<hbm>>) target(%arg13 : memref<40x128xi32, #tpu.memory_space<vmem>>) target_semaphore(%run_scoped3A : memref<!tpu.dma_semaphore, #tpu.memory_space<semaphore_mem>>)
          %dma_wait3A_88 = arith.constant 0 : i32
          %dma_wait3A_89 = tpu.memref_slice %arg6[%multiple_of3A_49, %dma_wait3A_88] : memref<1280x128xi32, #tpu.memory_space<hbm>> -> memref<40x128xi32, #tpu.memory_space<hbm>>
          %dma_wait3A_90 = arith.constant 0 : i32
          %dma_wait3A_91 = tpu.memref_slice %arg6[%multiple_of3A_49, %dma_wait3A_90] : memref<1280x128xi32, #tpu.memory_space<hbm>> -> memref<40x128xi32, #tpu.memory_space<hbm>>
          tpu.wait_dma2 semaphore(%run_scoped3A : memref<!tpu.dma_semaphore, #tpu.memory_space<semaphore_mem>>) src(%dma_wait3A_91 : memref<40x128xi32, #tpu.memory_space<hbm>>) dst(%arg13 : memref<40x128xi32, #tpu.memory_space<vmem>>)
          tpu.yield
        }) : () -> ()
        "tpu.region"() ({
          %run_scoped3A = tpu.sem_alloc : memref<!tpu.dma_semaphore, #tpu.memory_space<semaphore_mem>>
          %dma_start3A_84 = arith.constant 0 : i32
          %dma_start3A_85 = tpu.memref_slice %arg7[%multiple_of3A_49, %dma_start3A_84] : memref<1280x128xi32, #tpu.memory_space<hbm>> -> memref<40x128xi32, #tpu.memory_space<hbm>>
          %dma_start3A_86 = arith.constant 0 : i32
          %dma_start3A_87 = tpu.memref_slice %arg7[%multiple_of3A_49, %dma_start3A_86] : memref<1280x128xi32, #tpu.memory_space<hbm>> -> memref<40x128xi32, #tpu.memory_space<hbm>>
          tpu.enqueue_dma source(%dma_start3A_87 : memref<40x128xi32, #tpu.memory_space<hbm>>) target(%arg14 : memref<40x128xi32, #tpu.memory_space<vmem>>) target_semaphore(%run_scoped3A : memref<!tpu.dma_semaphore, #tpu.memory_space<semaphore_mem>>)
          %dma_wait3A_88 = arith.constant 0 : i32
          %dma_wait3A_89 = tpu.memref_slice %arg7[%multiple_of3A_49, %dma_wait3A_88] : memref<1280x128xi32, #tpu.memory_space<hbm>> -> memref<40x128xi32, #tpu.memory_space<hbm>>
          %dma_wait3A_90 = arith.constant 0 : i32
          %dma_wait3A_91 = tpu.memref_slice %arg7[%multiple_of3A_49, %dma_wait3A_90] : memref<1280x128xi32, #tpu.memory_space<hbm>> -> memref<40x128xi32, #tpu.memory_space<hbm>>
          tpu.wait_dma2 semaphore(%run_scoped3A : memref<!tpu.dma_semaphore, #tpu.memory_space<semaphore_mem>>) src(%dma_wait3A_91 : memref<40x128xi32, #tpu.memory_space<hbm>>) dst(%arg14 : memref<40x128xi32, #tpu.memory_space<vmem>>)
          tpu.yield
        }) : () -> ()
        %dma_start3A = arith.constant 0 : i32
        %dma_start3A_50 = arith.constant 0 : i32
        %dma_start3A_51 = tpu.memref_slice %arg14[%dma_start3A, %dma_start3A_50] : memref<40x128xi32, #tpu.memory_space<vmem>> -> memref<1x128xi32, #tpu.memory_space<vmem>>
        %dma_start3A_52 = tpu.memref_squeeze %dma_start3A_51 : memref<1x128xi32, #tpu.memory_space<vmem>> -> memref<128xi32, #tpu.memory_space<vmem>>
        %dma_start3A_53 = arith.constant 0 : i32
        %dma_start3A_54 = arith.constant 0 : i32
        %dma_start3A_55 = tpu.memref_slice %arg4[%dma_start3A_53, %dma_start3A_54] : memref<10240x128xf32, #tpu.memory_space<hbm>> -> memref<10240x128xf32, #tpu.memory_space<hbm>>
        tpu.enqueue_indirect_dma source(%dma_start3A_55 : memref<10240x128xf32, #tpu.memory_space<hbm>>) target(%arg15 : memref<128x128xf32, #tpu.memory_space<vmem>>) offsets(%dma_start3A_52 : memref<128xi32, #tpu.memory_space<vmem>>) semaphore(%arg17 : memref<!tpu.dma_semaphore, #tpu.memory_space<semaphore_mem>>)
        %dma_start3A_56 = arith.constant 1 : i32
        %dma_start3A_57 = arith.constant 0 : i32
        %dma_start3A_58 = tpu.memref_slice %arg14[%dma_start3A_56, %dma_start3A_57] : memref<40x128xi32, #tpu.memory_space<vmem>> -> memref<1x128xi32, #tpu.memory_space<vmem>>
        %dma_start3A_59 = tpu.memref_squeeze %dma_start3A_58 : memref<1x128xi32, #tpu.memory_space<vmem>> -> memref<128xi32, #tpu.memory_space<vmem>>
        %dma_start3A_60 = arith.constant 0 : i32
        %dma_start3A_61 = arith.constant 0 : i32
        %dma_start3A_62 = tpu.memref_slice %arg4[%dma_start3A_60, %dma_start3A_61] : memref<10240x128xf32, #tpu.memory_space<hbm>> -> memref<10240x128xf32, #tpu.memory_space<hbm>>
        tpu.enqueue_indirect_dma source(%dma_start3A_62 : memref<10240x128xf32, #tpu.memory_space<hbm>>) target(%arg16 : memref<128x128xf32, #tpu.memory_space<vmem>>) offsets(%dma_start3A_59 : memref<128xi32, #tpu.memory_space<vmem>>) semaphore(%arg18 : memref<!tpu.dma_semaphore, #tpu.memory_space<semaphore_mem>>)
        %scan3A_63 = arith.constant 0 : i32
        %scan3A_64 = arith.constant 0 : i32
        %scan3A_65 = arith.constant 20 : i32
        %scan3A_66 = arith.addi %scan3A_64, %scan3A_65 : i32
        %scan3A_67 = arith.constant 1 : i32
        %scan3A_68 = scf.for %scan3A_84 = %scan3A_64 to %scan3A_66 step %scan3A_67 iter_args(%scan3A_85 = %scan3A_63) -> (i32)  : i32 {
          %mul3A_86 = arith.constant 2 : i32
          %mul3A_87 = arith.muli %scan3A_84, %mul3A_86 : i32
          %add3A_88 = arith.constant 0 : i32
          %add3A_89 = arith.addi %mul3A_87, %add3A_88 : i32
          %dma_wait3A_90 = arith.constant 0 : i32
          %dma_wait3A_91 = tpu.memref_slice %arg14[%add3A_89, %dma_wait3A_90] : memref<40x128xi32, #tpu.memory_space<vmem>> -> memref<1x128xi32, #tpu.memory_space<vmem>>
          %dma_wait3A_92 = tpu.memref_squeeze %dma_wait3A_91 : memref<1x128xi32, #tpu.memory_space<vmem>> -> memref<128xi32, #tpu.memory_space<vmem>>
          %dma_wait3A_93 = arith.constant 0 : i32
          %dma_wait3A_94 = arith.constant 0 : i32
          %dma_wait3A_95 = tpu.memref_slice %arg4[%dma_wait3A_93, %dma_wait3A_94] : memref<10240x128xf32, #tpu.memory_space<hbm>> -> memref<10240x128xf32, #tpu.memory_space<hbm>>
          tpu.wait_indirect_dma semaphore(%arg17 : memref<!tpu.dma_semaphore, #tpu.memory_space<semaphore_mem>>) src(%dma_wait3A_95 : memref<10240x128xf32, #tpu.memory_space<hbm>>) dst(%arg15 : memref<128x128xf32, #tpu.memory_space<vmem>>)
          %dma_start3A_96 = arith.constant 0 : i32
          %dma_start3A_97 = tpu.memref_slice %arg13[%add3A_89, %dma_start3A_96] : memref<40x128xi32, #tpu.memory_space<vmem>> -> memref<1x128xi32, #tpu.memory_space<vmem>>
          %dma_start3A_98 = tpu.memref_squeeze %dma_start3A_97 : memref<1x128xi32, #tpu.memory_space<vmem>> -> memref<128xi32, #tpu.memory_space<vmem>>
          %dma_start3A_99 = arith.constant 0 : i32
          %dma_start3A_100 = arith.constant 0 : i32
          %dma_start3A_101 = tpu.memref_slice %arg12[%dma_start3A_99, %dma_start3A_100] : memref<10240x128xf32, #tpu.memory_space<vmem_shared>> -> memref<10240x128xf32, #tpu.memory_space<vmem_shared>>
          tpu.enqueue_indirect_dma source(%arg15 : memref<128x128xf32, #tpu.memory_space<vmem>>) target(%dma_start3A_101 : memref<10240x128xf32, #tpu.memory_space<vmem_shared>>) offsets(%dma_start3A_98 : memref<128xi32, #tpu.memory_space<vmem>>) semaphore(%arg19 : memref<!tpu.dma_semaphore, #tpu.memory_space<semaphore_mem>>) {add = true}
          %add3A_102 = arith.constant 2 : i32
          %add3A_103 = arith.addi %add3A_89, %add3A_102 : i32
          %lt3A = arith.constant 40 : i32
          %lt3A_104 = arith.cmpi slt, %add3A_103, %lt3A : i32
          %convert_element_type3A_105 = arith.extui %lt3A_104 : i1 to i32
          %cond3A_106 = arith.constant 0 : i32
          %cond3A_107 = arith.cmpi ne, %convert_element_type3A_105, %cond3A_106 : i32
          scf.if %cond3A_107 {
            %dma_wait3A_132 = arith.constant 0 : i32
            %dma_wait3A_133 = tpu.memref_slice %arg13[%add3A_89, %dma_wait3A_132] : memref<40x128xi32, #tpu.memory_space<vmem>> -> memref<1x128xi32, #tpu.memory_space<vmem>>
            %dma_wait3A_134 = tpu.memref_squeeze %dma_wait3A_133 : memref<1x128xi32, #tpu.memory_space<vmem>> -> memref<128xi32, #tpu.memory_space<vmem>>
            %dma_wait3A_135 = arith.constant 0 : i32
            %dma_wait3A_136 = arith.constant 0 : i32
            %dma_wait3A_137 = tpu.memref_slice %arg12[%dma_wait3A_135, %dma_wait3A_136] : memref<10240x128xf32, #tpu.memory_space<vmem_shared>> -> memref<10240x128xf32, #tpu.memory_space<vmem_shared>>
            tpu.wait_indirect_dma semaphore(%arg19 : memref<!tpu.dma_semaphore, #tpu.memory_space<semaphore_mem>>) src(%arg15 : memref<128x128xf32, #tpu.memory_space<vmem>>) dst(%dma_wait3A_137 : memref<10240x128xf32, #tpu.memory_space<vmem_shared>>)
            %add3A_138 = arith.constant 2 : i32
            %add3A_139 = arith.addi %add3A_89, %add3A_138 : i32
            %dma_start3A_140 = arith.constant 0 : i32
            %dma_start3A_141 = tpu.memref_slice %arg14[%add3A_139, %dma_start3A_140] : memref<40x128xi32, #tpu.memory_space<vmem>> -> memref<1x128xi32, #tpu.memory_space<vmem>>
            %dma_start3A_142 = tpu.memref_squeeze %dma_start3A_141 : memref<1x128xi32, #tpu.memory_space<vmem>> -> memref<128xi32, #tpu.memory_space<vmem>>
            %dma_start3A_143 = arith.constant 0 : i32
            %dma_start3A_144 = arith.constant 0 : i32
            %dma_start3A_145 = tpu.memref_slice %arg4[%dma_start3A_143, %dma_start3A_144] : memref<10240x128xf32, #tpu.memory_space<hbm>> -> memref<10240x128xf32, #tpu.memory_space<hbm>>
            tpu.enqueue_indirect_dma source(%dma_start3A_145 : memref<10240x128xf32, #tpu.memory_space<hbm>>) target(%arg15 : memref<128x128xf32, #tpu.memory_space<vmem>>) offsets(%dma_start3A_142 : memref<128xi32, #tpu.memory_space<vmem>>) semaphore(%arg17 : memref<!tpu.dma_semaphore, #tpu.memory_space<semaphore_mem>>)
          } else {
          }
          %mul3A_108 = arith.constant 2 : i32
          %mul3A_109 = arith.muli %scan3A_84, %mul3A_108 : i32
          %add3A_110 = arith.constant 1 : i32
          %add3A_111 = arith.addi %mul3A_109, %add3A_110 : i32
          %dma_wait3A_112 = arith.constant 0 : i32
          %dma_wait3A_113 = tpu.memref_slice %arg14[%add3A_111, %dma_wait3A_112] : memref<40x128xi32, #tpu.memory_space<vmem>> -> memref<1x128xi32, #tpu.memory_space<vmem>>
          %dma_wait3A_114 = tpu.memref_squeeze %dma_wait3A_113 : memref<1x128xi32, #tpu.memory_space<vmem>> -> memref<128xi32, #tpu.memory_space<vmem>>
          %dma_wait3A_115 = arith.constant 0 : i32
          %dma_wait3A_116 = arith.constant 0 : i32
          %dma_wait3A_117 = tpu.memref_slice %arg4[%dma_wait3A_115, %dma_wait3A_116] : memref<10240x128xf32, #tpu.memory_space<hbm>> -> memref<10240x128xf32, #tpu.memory_space<hbm>>
          tpu.wait_indirect_dma semaphore(%arg18 : memref<!tpu.dma_semaphore, #tpu.memory_space<semaphore_mem>>) src(%dma_wait3A_117 : memref<10240x128xf32, #tpu.memory_space<hbm>>) dst(%arg16 : memref<128x128xf32, #tpu.memory_space<vmem>>)
          %dma_start3A_118 = arith.constant 0 : i32
          %dma_start3A_119 = tpu.memref_slice %arg13[%add3A_111, %dma_start3A_118] : memref<40x128xi32, #tpu.memory_space<vmem>> -> memref<1x128xi32, #tpu.memory_space<vmem>>
          %dma_start3A_120 = tpu.memref_squeeze %dma_start3A_119 : memref<1x128xi32, #tpu.memory_space<vmem>> -> memref<128xi32, #tpu.memory_space<vmem>>
          %dma_start3A_121 = arith.constant 0 : i32
          %dma_start3A_122 = arith.constant 0 : i32
          %dma_start3A_123 = tpu.memref_slice %arg12[%dma_start3A_121, %dma_start3A_122] : memref<10240x128xf32, #tpu.memory_space<vmem_shared>> -> memref<10240x128xf32, #tpu.memory_space<vmem_shared>>
          tpu.enqueue_indirect_dma source(%arg16 : memref<128x128xf32, #tpu.memory_space<vmem>>) target(%dma_start3A_123 : memref<10240x128xf32, #tpu.memory_space<vmem_shared>>) offsets(%dma_start3A_120 : memref<128xi32, #tpu.memory_space<vmem>>) semaphore(%arg20 : memref<!tpu.dma_semaphore, #tpu.memory_space<semaphore_mem>>) {add = true}
          %add3A_124 = arith.constant 2 : i32
          %add3A_125 = arith.addi %add3A_111, %add3A_124 : i32
          %lt3A_126 = arith.constant 40 : i32
          %lt3A_127 = arith.cmpi slt, %add3A_125, %lt3A_126 : i32
          %convert_element_type3A_128 = arith.extui %lt3A_127 : i1 to i32
          %cond3A_129 = arith.constant 0 : i32
          %cond3A_130 = arith.cmpi ne, %convert_element_type3A_128, %cond3A_129 : i32
          scf.if %cond3A_130 {
            %dma_wait3A_132 = arith.constant 0 : i32
            %dma_wait3A_133 = tpu.memref_slice %arg13[%add3A_111, %dma_wait3A_132] : memref<40x128xi32, #tpu.memory_space<vmem>> -> memref<1x128xi32, #tpu.memory_space<vmem>>
            %dma_wait3A_134 = tpu.memref_squeeze %dma_wait3A_133 : memref<1x128xi32, #tpu.memory_space<vmem>> -> memref<128xi32, #tpu.memory_space<vmem>>
            %dma_wait3A_135 = arith.constant 0 : i32
            %dma_wait3A_136 = arith.constant 0 : i32
            %dma_wait3A_137 = tpu.memref_slice %arg12[%dma_wait3A_135, %dma_wait3A_136] : memref<10240x128xf32, #tpu.memory_space<vmem_shared>> -> memref<10240x128xf32, #tpu.memory_space<vmem_shared>>
            tpu.wait_indirect_dma semaphore(%arg20 : memref<!tpu.dma_semaphore, #tpu.memory_space<semaphore_mem>>) src(%arg16 : memref<128x128xf32, #tpu.memory_space<vmem>>) dst(%dma_wait3A_137 : memref<10240x128xf32, #tpu.memory_space<vmem_shared>>)
            %add3A_138 = arith.constant 2 : i32
            %add3A_139 = arith.addi %add3A_111, %add3A_138 : i32
            %dma_start3A_140 = arith.constant 0 : i32
            %dma_start3A_141 = tpu.memref_slice %arg14[%add3A_139, %dma_start3A_140] : memref<40x128xi32, #tpu.memory_space<vmem>> -> memref<1x128xi32, #tpu.memory_space<vmem>>
            %dma_start3A_142 = tpu.memref_squeeze %dma_start3A_141 : memref<1x128xi32, #tpu.memory_space<vmem>> -> memref<128xi32, #tpu.memory_space<vmem>>
            %dma_start3A_143 = arith.constant 0 : i32
            %dma_start3A_144 = arith.constant 0 : i32
            %dma_start3A_145 = tpu.memref_slice %arg4[%dma_start3A_143, %dma_start3A_144] : memref<10240x128xf32, #tpu.memory_space<hbm>> -> memref<10240x128xf32, #tpu.memory_space<hbm>>
            tpu.enqueue_indirect_dma source(%dma_start3A_145 : memref<10240x128xf32, #tpu.memory_space<hbm>>) target(%arg16 : memref<128x128xf32, #tpu.memory_space<vmem>>) offsets(%dma_start3A_142 : memref<128xi32, #tpu.memory_space<vmem>>) semaphore(%arg18 : memref<!tpu.dma_semaphore, #tpu.memory_space<semaphore_mem>>)
          } else {
          }
          %scan3A_131 = arith.constant 0 : i32
          scf.yield %scan3A_131 : i32
        }
        %scan3A_69 = arith.constant 20 : i32
        %dma_wait3A = arith.constant 38 : i32
        %dma_wait3A_70 = arith.constant 0 : i32
        %dma_wait3A_71 = tpu.memref_slice %arg13[%dma_wait3A, %dma_wait3A_70] : memref<40x128xi32, #tpu.memory_space<vmem>> -> memref<1x128xi32, #tpu.memory_space<vmem>>
        %dma_wait3A_72 = tpu.memref_squeeze %dma_wait3A_71 : memref<1x128xi32, #tpu.memory_space<vmem>> -> memref<128xi32, #tpu.memory_space<vmem>>
        %dma_wait3A_73 = arith.constant 0 : i32
        %dma_wait3A_74 = arith.constant 0 : i32
        %dma_wait3A_75 = tpu.memref_slice %arg12[%dma_wait3A_73, %dma_wait3A_74] : memref<10240x128xf32, #tpu.memory_space<vmem_shared>> -> memref<10240x128xf32, #tpu.memory_space<vmem_shared>>
        tpu.wait_indirect_dma semaphore(%arg19 : memref<!tpu.dma_semaphore, #tpu.memory_space<semaphore_mem>>) src(%arg15 : memref<128x128xf32, #tpu.memory_space<vmem>>) dst(%dma_wait3A_75 : memref<10240x128xf32, #tpu.memory_space<vmem_shared>>)
        %dma_wait3A_76 = arith.constant 39 : i32
        %dma_wait3A_77 = arith.constant 0 : i32
        %dma_wait3A_78 = tpu.memref_slice %arg13[%dma_wait3A_76, %dma_wait3A_77] : memref<40x128xi32, #tpu.memory_space<vmem>> -> memref<1x128xi32, #tpu.memory_space<vmem>>
        %dma_wait3A_79 = tpu.memref_squeeze %dma_wait3A_78 : memref<1x128xi32, #tpu.memory_space<vmem>> -> memref<128xi32, #tpu.memory_space<vmem>>
        %dma_wait3A_80 = arith.constant 0 : i32
        %dma_wait3A_81 = arith.constant 0 : i32
        %dma_wait3A_82 = tpu.memref_slice %arg12[%dma_wait3A_80, %dma_wait3A_81] : memref<10240x128xf32, #tpu.memory_space<vmem_shared>> -> memref<10240x128xf32, #tpu.memory_space<vmem_shared>>
        tpu.wait_indirect_dma semaphore(%arg20 : memref<!tpu.dma_semaphore, #tpu.memory_space<semaphore_mem>>) src(%arg16 : memref<128x128xf32, #tpu.memory_space<vmem>>) dst(%dma_wait3A_82 : memref<10240x128xf32, #tpu.memory_space<vmem_shared>>)
        %scan3A_83 = arith.constant 0 : i32
        scf.yield %scan3A_83 : i32
      }
      %scan3A_42 = arith.constant 2 : i32
      %barrier3A_43 = arith.constant 0 : index
      tpu.barrier barrier_id(%barrier3A_43)
      "tpu.region"() ({
        %run_scoped3A = tpu.sem_alloc : memref<!tpu.dma_semaphore, #tpu.memory_space<semaphore_mem>>
        %dma_start3A = arith.constant 0 : i32
        %dma_start3A_44 = tpu.memref_slice %arg10[%multiple_of3A, %dma_start3A] : memref<10240x128xf32, #tpu.memory_space<hbm>> -> memref<640x128xf32, #tpu.memory_space<hbm>>
        %dma_start3A_45 = arith.constant 0 : i32
        %dma_start3A_46 = tpu.memref_slice %arg12[%multiple_of3A, %dma_start3A_45] : memref<10240x128xf32, #tpu.memory_space<vmem_shared>> -> memref<640x128xf32, #tpu.memory_space<vmem_shared>>
        tpu.enqueue_dma source(%dma_start3A_46 : memref<640x128xf32, #tpu.memory_space<vmem_shared>>) target(%dma_start3A_44 : memref<640x128xf32, #tpu.memory_space<hbm>>) target_semaphore(%run_scoped3A : memref<!tpu.dma_semaphore, #tpu.memory_space<semaphore_mem>>)
        %dma_wait3A = arith.constant 0 : i32
        %dma_wait3A_47 = tpu.memref_slice %arg10[%multiple_of3A, %dma_wait3A] : memref<10240x128xf32, #tpu.memory_space<hbm>> -> memref<640x128xf32, #tpu.memory_space<hbm>>
        %dma_wait3A_48 = arith.constant 0 : i32
        %dma_wait3A_49 = tpu.memref_slice %arg12[%multiple_of3A, %dma_wait3A_48] : memref<10240x128xf32, #tpu.memory_space<vmem_shared>> -> memref<640x128xf32, #tpu.memory_space<vmem_shared>>
        tpu.wait_dma2 semaphore(%run_scoped3A : memref<!tpu.dma_semaphore, #tpu.memory_space<semaphore_mem>>) src(%dma_wait3A_49 : memref<640x128xf32, #tpu.memory_space<vmem_shared>>) dst(%dma_wait3A_47 : memref<640x128xf32, #tpu.memory_space<hbm>>)
        tpu.yield
      }) : () -> ()
    } else {
    }
    %eq3A_15 = arith.constant 1 : i32
    %eq3A_16 = arith.cmpi eq, %arg0, %eq3A_15 : i32
    %convert_element_type3A_17 = arith.extui %eq3A_16 : i1 to i32
    %cond3A_18 = arith.constant 0 : i32
    %cond3A_19 = arith.cmpi ne, %convert_element_type3A_17, %cond3A_18 : i32
    scf.if %cond3A_19 {
      %broadcast_in_dim3A = arith.constant 0.000000e+00 : f32
      %broadcast_in_dim3A_20 = vector.broadcast %broadcast_in_dim3A : f32 to vector<16xf32>
      %scan3A = arith.constant 0 : i32
      %scan3A_21 = arith.constant 0 : i32
      %scan3A_22 = arith.constant 128 : i32
      %scan3A_23 = arith.addi %scan3A_21, %scan3A_22 : i32
      %scan3A_24 = arith.constant 1 : i32
      %scan3A_25 = scf.for %scan3A_44 = %scan3A_21 to %scan3A_23 step %scan3A_24 iter_args(%scan3A_45 = %scan3A) -> (i32)  : i32 {
        %swap3A = arith.index_cast %scan3A_44 : i32 to index
        %swap3A_46 = arith.constant 0 : index
        %swap3A_47 = tpu.vector_load %arg15[%swap3A, %swap3A_46] {strides = array<i32>} : memref<128x128xf32, #tpu.memory_space<vmem>>, vector<16xf32>,
        tpu.vector_store %arg15[%swap3A, %swap3A_46], %broadcast_in_dim3A_20 {strides = array<i32>} : memref<128x128xf32, #tpu.memory_space<vmem>>, vector<16xf32>,
        %swap3A_48 = arith.index_cast %scan3A_44 : i32 to index
        %swap3A_49 = arith.constant 16 : index
        %swap3A_50 = tpu.vector_load %arg15[%swap3A_48, %swap3A_49] {strides = array<i32>} : memref<128x128xf32, #tpu.memory_space<vmem>>, vector<16xf32>,
        tpu.vector_store %arg15[%swap3A_48, %swap3A_49], %broadcast_in_dim3A_20 {strides = array<i32>} : memref<128x128xf32, #tpu.memory_space<vmem>>, vector<16xf32>,
        %swap3A_51 = arith.index_cast %scan3A_44 : i32 to index
        %swap3A_52 = arith.constant 32 : index
        %swap3A_53 = tpu.vector_load %arg15[%swap3A_51, %swap3A_52] {strides = array<i32>} : memref<128x128xf32, #tpu.memory_space<vmem>>, vector<16xf32>,
        tpu.vector_store %arg15[%swap3A_51, %swap3A_52], %broadcast_in_dim3A_20 {strides = array<i32>} : memref<128x128xf32, #tpu.memory_space<vmem>>, vector<16xf32>,
        %swap3A_54 = arith.index_cast %scan3A_44 : i32 to index
        %swap3A_55 = arith.constant 48 : index
        %swap3A_56 = tpu.vector_load %arg15[%swap3A_54, %swap3A_55] {strides = array<i32>} : memref<128x128xf32, #tpu.memory_space<vmem>>, vector<16xf32>,
        tpu.vector_store %arg15[%swap3A_54, %swap3A_55], %broadcast_in_dim3A_20 {strides = array<i32>} : memref<128x128xf32, #tpu.memory_space<vmem>>, vector<16xf32>,
        %swap3A_57 = arith.index_cast %scan3A_44 : i32 to index
        %swap3A_58 = arith.constant 64 : index
        %swap3A_59 = tpu.vector_load %arg15[%swap3A_57, %swap3A_58] {strides = array<i32>} : memref<128x128xf32, #tpu.memory_space<vmem>>, vector<16xf32>,
        tpu.vector_store %arg15[%swap3A_57, %swap3A_58], %broadcast_in_dim3A_20 {strides = array<i32>} : memref<128x128xf32, #tpu.memory_space<vmem>>, vector<16xf32>,
        %swap3A_60 = arith.index_cast %scan3A_44 : i32 to index
        %swap3A_61 = arith.constant 80 : index
        %swap3A_62 = tpu.vector_load %arg15[%swap3A_60, %swap3A_61] {strides = array<i32>} : memref<128x128xf32, #tpu.memory_space<vmem>>, vector<16xf32>,
        tpu.vector_store %arg15[%swap3A_60, %swap3A_61], %broadcast_in_dim3A_20 {strides = array<i32>} : memref<128x128xf32, #tpu.memory_space<vmem>>, vector<16xf32>,
        %swap3A_63 = arith.index_cast %scan3A_44 : i32 to index
        %swap3A_64 = arith.constant 96 : index
        %swap3A_65 = tpu.vector_load %arg15[%swap3A_63, %swap3A_64] {strides = array<i32>} : memref<128x128xf32, #tpu.memory_space<vmem>>, vector<16xf32>,
        tpu.vector_store %arg15[%swap3A_63, %swap3A_64], %broadcast_in_dim3A_20 {strides = array<i32>} : memref<128x128xf32, #tpu.memory_space<vmem>>, vector<16xf32>,
        %swap3A_66 = arith.index_cast %scan3A_44 : i32 to index
        %swap3A_67 = arith.constant 112 : index
        %swap3A_68 = tpu.vector_load %arg15[%swap3A_66, %swap3A_67] {strides = array<i32>} : memref<128x128xf32, #tpu.memory_space<vmem>>, vector<16xf32>,
        tpu.vector_store %arg15[%swap3A_66, %swap3A_67], %broadcast_in_dim3A_20 {strides = array<i32>} : memref<128x128xf32, #tpu.memory_space<vmem>>, vector<16xf32>,
        %scan3A_69 = arith.constant 0 : i32
        scf.yield %scan3A_69 : i32
      }
      %scan3A_26 = arith.constant 128 : i32
      %add3A = arith.constant 0 : i32
      %add3A_27 = arith.addi %multiple_of3A, %add3A : i32
      "tpu.region"() ({
        %run_scoped3A = tpu.sem_alloc : memref<!tpu.dma_semaphore, #tpu.memory_space<semaphore_mem>>
        %dma_start3A = arith.constant 0 : i32
        %dma_start3A_44 = tpu.memref_slice %arg12[%add3A_27, %dma_start3A] : memref<10240x128xf32, #tpu.memory_space<vmem_shared>> -> memref<128x128xf32, #tpu.memory_space<vmem_shared>>
        %dma_start3A_45 = arith.constant 0 : i32
        %dma_start3A_46 = tpu.memref_slice %arg12[%add3A_27, %dma_start3A_45] : memref<10240x128xf32, #tpu.memory_space<vmem_shared>> -> memref<128x128xf32, #tpu.memory_space<vmem_shared>>
        tpu.enqueue_dma source(%arg15 : memref<128x128xf32, #tpu.memory_space<vmem>>) target(%dma_start3A_46 : memref<128x128xf32, #tpu.memory_space<vmem_shared>>) target_semaphore(%run_scoped3A : memref<!tpu.dma_semaphore, #tpu.memory_space<semaphore_mem>>)
        %dma_wait3A = arith.constant 0 : i32
        %dma_wait3A_47 = tpu.memref_slice %arg12[%add3A_27, %dma_wait3A] : memref<10240x128xf32, #tpu.memory_space<vmem_shared>> -> memref<128x128xf32, #tpu.memory_space<vmem_shared>>
        %dma_wait3A_48 = arith.constant 0 : i32
        %dma_wait3A_49 = tpu.memref_slice %arg12[%add3A_27, %dma_wait3A_48] : memref<10240x128xf32, #tpu.memory_space<vmem_shared>> -> memref<128x128xf32, #tpu.memory_space<vmem_shared>>
        tpu.wait_dma2 semaphore(%run_scoped3A : memref<!tpu.dma_semaphore, #tpu.memory_space<semaphore_mem>>) src(%arg15 : memref<128x128xf32, #tpu.memory_space<vmem>>) dst(%dma_wait3A_49 : memref<128x128xf32, #tpu.memory_space<vmem_shared>>)
        tpu.yield
      }) : () -> ()
      %add3A_28 = arith.constant 128 : i32
      %add3A_29 = arith.addi %multiple_of3A, %add3A_28 : i32
      "tpu.region"() ({
        %run_scoped3A = tpu.sem_alloc : memref<!tpu.dma_semaphore, #tpu.memory_space<semaphore_mem>>
        %dma_start3A = arith.constant 0 : i32
        %dma_start3A_44 = tpu.memref_slice %arg12[%add3A_29, %dma_start3A] : memref<10240x128xf32, #tpu.memory_space<vmem_shared>> -> memref<128x128xf32, #tpu.memory_space<vmem_shared>>
        %dma_start3A_45 = arith.constant 0 : i32
        %dma_start3A_46 = tpu.memref_slice %arg12[%add3A_29, %dma_start3A_45] : memref<10240x128xf32, #tpu.memory_space<vmem_shared>> -> memref<128x128xf32, #tpu.memory_space<vmem_shared>>
        tpu.enqueue_dma source(%arg15 : memref<128x128xf32, #tpu.memory_space<vmem>>) target(%dma_start3A_46 : memref<128x128xf32, #tpu.memory_space<vmem_shared>>) target_semaphore(%run_scoped3A : memref<!tpu.dma_semaphore, #tpu.memory_space<semaphore_mem>>)
        %dma_wait3A = arith.constant 0 : i32
        %dma_wait3A_47 = tpu.memref_slice %arg12[%add3A_29, %dma_wait3A] : memref<10240x128xf32, #tpu.memory_space<vmem_shared>> -> memref<128x128xf32, #tpu.memory_space<vmem_shared>>
        %dma_wait3A_48 = arith.constant 0 : i32
        %dma_wait3A_49 = tpu.memref_slice %arg12[%add3A_29, %dma_wait3A_48] : memref<10240x128xf32, #tpu.memory_space<vmem_shared>> -> memref<128x128xf32, #tpu.memory_space<vmem_shared>>
        tpu.wait_dma2 semaphore(%run_scoped3A : memref<!tpu.dma_semaphore, #tpu.memory_space<semaphore_mem>>) src(%arg15 : memref<128x128xf32, #tpu.memory_space<vmem>>) dst(%dma_wait3A_49 : memref<128x128xf32, #tpu.memory_space<vmem_shared>>)
        tpu.yield
      }) : () -> ()
      %add3A_30 = arith.constant 256 : i32
      %add3A_31 = arith.addi %multiple_of3A, %add3A_30 : i32
      "tpu.region"() ({
        %run_scoped3A = tpu.sem_alloc : memref<!tpu.dma_semaphore, #tpu.memory_space<semaphore_mem>>
        %dma_start3A = arith.constant 0 : i32
        %dma_start3A_44 = tpu.memref_slice %arg12[%add3A_31, %dma_start3A] : memref<10240x128xf32, #tpu.memory_space<vmem_shared>> -> memref<128x128xf32, #tpu.memory_space<vmem_shared>>
        %dma_start3A_45 = arith.constant 0 : i32
        %dma_start3A_46 = tpu.memref_slice %arg12[%add3A_31, %dma_start3A_45] : memref<10240x128xf32, #tpu.memory_space<vmem_shared>> -> memref<128x128xf32, #tpu.memory_space<vmem_shared>>
        tpu.enqueue_dma source(%arg15 : memref<128x128xf32, #tpu.memory_space<vmem>>) target(%dma_start3A_46 : memref<128x128xf32, #tpu.memory_space<vmem_shared>>) target_semaphore(%run_scoped3A : memref<!tpu.dma_semaphore, #tpu.memory_space<semaphore_mem>>)
        %dma_wait3A = arith.constant 0 : i32
        %dma_wait3A_47 = tpu.memref_slice %arg12[%add3A_31, %dma_wait3A] : memref<10240x128xf32, #tpu.memory_space<vmem_shared>> -> memref<128x128xf32, #tpu.memory_space<vmem_shared>>
        %dma_wait3A_48 = arith.constant 0 : i32
        %dma_wait3A_49 = tpu.memref_slice %arg12[%add3A_31, %dma_wait3A_48] : memref<10240x128xf32, #tpu.memory_space<vmem_shared>> -> memref<128x128xf32, #tpu.memory_space<vmem_shared>>
        tpu.wait_dma2 semaphore(%run_scoped3A : memref<!tpu.dma_semaphore, #tpu.memory_space<semaphore_mem>>) src(%arg15 : memref<128x128xf32, #tpu.memory_space<vmem>>) dst(%dma_wait3A_49 : memref<128x128xf32, #tpu.memory_space<vmem_shared>>)
        tpu.yield
      }) : () -> ()
      %add3A_32 = arith.constant 384 : i32
      %add3A_33 = arith.addi %multiple_of3A, %add3A_32 : i32
      "tpu.region"() ({
        %run_scoped3A = tpu.sem_alloc : memref<!tpu.dma_semaphore, #tpu.memory_space<semaphore_mem>>
        %dma_start3A = arith.constant 0 : i32
        %dma_start3A_44 = tpu.memref_slice %arg12[%add3A_33, %dma_start3A] : memref<10240x128xf32, #tpu.memory_space<vmem_shared>> -> memref<128x128xf32, #tpu.memory_space<vmem_shared>>
        %dma_start3A_45 = arith.constant 0 : i32
        %dma_start3A_46 = tpu.memref_slice %arg12[%add3A_33, %dma_start3A_45] : memref<10240x128xf32, #tpu.memory_space<vmem_shared>> -> memref<128x128xf32, #tpu.memory_space<vmem_shared>>
        tpu.enqueue_dma source(%arg15 : memref<128x128xf32, #tpu.memory_space<vmem>>) target(%dma_start3A_46 : memref<128x128xf32, #tpu.memory_space<vmem_shared>>) target_semaphore(%run_scoped3A : memref<!tpu.dma_semaphore, #tpu.memory_space<semaphore_mem>>)
        %dma_wait3A = arith.constant 0 : i32
        %dma_wait3A_47 = tpu.memref_slice %arg12[%add3A_33, %dma_wait3A] : memref<10240x128xf32, #tpu.memory_space<vmem_shared>> -> memref<128x128xf32, #tpu.memory_space<vmem_shared>>
        %dma_wait3A_48 = arith.constant 0 : i32
        %dma_wait3A_49 = tpu.memref_slice %arg12[%add3A_33, %dma_wait3A_48] : memref<10240x128xf32, #tpu.memory_space<vmem_shared>> -> memref<128x128xf32, #tpu.memory_space<vmem_shared>>
        tpu.wait_dma2 semaphore(%run_scoped3A : memref<!tpu.dma_semaphore, #tpu.memory_space<semaphore_mem>>) src(%arg15 : memref<128x128xf32, #tpu.memory_space<vmem>>) dst(%dma_wait3A_49 : memref<128x128xf32, #tpu.memory_space<vmem_shared>>)
        tpu.yield
      }) : () -> ()
      %add3A_34 = arith.constant 512 : i32
      %add3A_35 = arith.addi %multiple_of3A, %add3A_34 : i32
      "tpu.region"() ({
        %run_scoped3A = tpu.sem_alloc : memref<!tpu.dma_semaphore, #tpu.memory_space<semaphore_mem>>
        %dma_start3A = arith.constant 0 : i32
        %dma_start3A_44 = tpu.memref_slice %arg12[%add3A_35, %dma_start3A] : memref<10240x128xf32, #tpu.memory_space<vmem_shared>> -> memref<128x128xf32, #tpu.memory_space<vmem_shared>>
        %dma_start3A_45 = arith.constant 0 : i32
        %dma_start3A_46 = tpu.memref_slice %arg12[%add3A_35, %dma_start3A_45] : memref<10240x128xf32, #tpu.memory_space<vmem_shared>> -> memref<128x128xf32, #tpu.memory_space<vmem_shared>>
        tpu.enqueue_dma source(%arg15 : memref<128x128xf32, #tpu.memory_space<vmem>>) target(%dma_start3A_46 : memref<128x128xf32, #tpu.memory_space<vmem_shared>>) target_semaphore(%run_scoped3A : memref<!tpu.dma_semaphore, #tpu.memory_space<semaphore_mem>>)
        %dma_wait3A = arith.constant 0 : i32
        %dma_wait3A_47 = tpu.memref_slice %arg12[%add3A_35, %dma_wait3A] : memref<10240x128xf32, #tpu.memory_space<vmem_shared>> -> memref<128x128xf32, #tpu.memory_space<vmem_shared>>
        %dma_wait3A_48 = arith.constant 0 : i32
        %dma_wait3A_49 = tpu.memref_slice %arg12[%add3A_35, %dma_wait3A_48] : memref<10240x128xf32, #tpu.memory_space<vmem_shared>> -> memref<128x128xf32, #tpu.memory_space<vmem_shared>>
        tpu.wait_dma2 semaphore(%run_scoped3A : memref<!tpu.dma_semaphore, #tpu.memory_space<semaphore_mem>>) src(%arg15 : memref<128x128xf32, #tpu.memory_space<vmem>>) dst(%dma_wait3A_49 : memref<128x128xf32, #tpu.memory_space<vmem_shared>>)
        tpu.yield
      }) : () -> ()
      %barrier3A = arith.constant 0 : index
      tpu.barrier barrier_id(%barrier3A)
      %scan3A_36 = arith.constant 0 : i32
      %scan3A_37 = arith.constant 0 : i32
      %scan3A_38 = arith.constant 2 : i32
      %scan3A_39 = arith.addi %scan3A_37, %scan3A_38 : i32
      %scan3A_40 = arith.constant 1 : i32
      %scan3A_41 = scf.for %scan3A_44 = %scan3A_37 to %scan3A_39 step %scan3A_40 iter_args(%scan3A_45 = %scan3A_36) -> (i32)  : i32 {
        %mul3A_46 = arith.constant 40 : i32
        %mul3A_47 = arith.muli %scan3A_44, %mul3A_46 : i32
        %add3A_48 = arith.addi %mul3A_2, %mul3A_47 : i32
        %multiple_of3A_49 = tpu.assume_multiple %add3A_48, 8 : i32
        "tpu.region"() ({
          %run_scoped3A = tpu.sem_alloc : memref<!tpu.dma_semaphore, #tpu.memory_space<semaphore_mem>>
          %dma_start3A_84 = arith.constant 0 : i32
          %dma_start3A_85 = tpu.memref_slice %arg6[%multiple_of3A_49, %dma_start3A_84] : memref<1280x128xi32, #tpu.memory_space<hbm>> -> memref<40x128xi32, #tpu.memory_space<hbm>>
          %dma_start3A_86 = arith.constant 0 : i32
          %dma_start3A_87 = tpu.memref_slice %arg6[%multiple_of3A_49, %dma_start3A_86] : memref<1280x128xi32, #tpu.memory_space<hbm>> -> memref<40x128xi32, #tpu.memory_space<hbm>>
          tpu.enqueue_dma source(%dma_start3A_87 : memref<40x128xi32, #tpu.memory_space<hbm>>) target(%arg13 : memref<40x128xi32, #tpu.memory_space<vmem>>) target_semaphore(%run_scoped3A : memref<!tpu.dma_semaphore, #tpu.memory_space<semaphore_mem>>)
          %dma_wait3A_88 = arith.constant 0 : i32
          %dma_wait3A_89 = tpu.memref_slice %arg6[%multiple_of3A_49, %dma_wait3A_88] : memref<1280x128xi32, #tpu.memory_space<hbm>> -> memref<40x128xi32, #tpu.memory_space<hbm>>
          %dma_wait3A_90 = arith.constant 0 : i32
          %dma_wait3A_91 = tpu.memref_slice %arg6[%multiple_of3A_49, %dma_wait3A_90] : memref<1280x128xi32, #tpu.memory_space<hbm>> -> memref<40x128xi32, #tpu.memory_space<hbm>>
          tpu.wait_dma2 semaphore(%run_scoped3A : memref<!tpu.dma_semaphore, #tpu.memory_space<semaphore_mem>>) src(%dma_wait3A_91 : memref<40x128xi32, #tpu.memory_space<hbm>>) dst(%arg13 : memref<40x128xi32, #tpu.memory_space<vmem>>)
          tpu.yield
        }) : () -> ()
        "tpu.region"() ({
          %run_scoped3A = tpu.sem_alloc : memref<!tpu.dma_semaphore, #tpu.memory_space<semaphore_mem>>
          %dma_start3A_84 = arith.constant 0 : i32
          %dma_start3A_85 = tpu.memref_slice %arg7[%multiple_of3A_49, %dma_start3A_84] : memref<1280x128xi32, #tpu.memory_space<hbm>> -> memref<40x128xi32, #tpu.memory_space<hbm>>
          %dma_start3A_86 = arith.constant 0 : i32
          %dma_start3A_87 = tpu.memref_slice %arg7[%multiple_of3A_49, %dma_start3A_86] : memref<1280x128xi32, #tpu.memory_space<hbm>> -> memref<40x128xi32, #tpu.memory_space<hbm>>
          tpu.enqueue_dma source(%dma_start3A_87 : memref<40x128xi32, #tpu.memory_space<hbm>>) target(%arg14 : memref<40x128xi32, #tpu.memory_space<vmem>>) target_semaphore(%run_scoped3A : memref<!tpu.dma_semaphore, #tpu.memory_space<semaphore_mem>>)
          %dma_wait3A_88 = arith.constant 0 : i32
          %dma_wait3A_89 = tpu.memref_slice %arg7[%multiple_of3A_49, %dma_wait3A_88] : memref<1280x128xi32, #tpu.memory_space<hbm>> -> memref<40x128xi32, #tpu.memory_space<hbm>>
          %dma_wait3A_90 = arith.constant 0 : i32
          %dma_wait3A_91 = tpu.memref_slice %arg7[%multiple_of3A_49, %dma_wait3A_90] : memref<1280x128xi32, #tpu.memory_space<hbm>> -> memref<40x128xi32, #tpu.memory_space<hbm>>
          tpu.wait_dma2 semaphore(%run_scoped3A : memref<!tpu.dma_semaphore, #tpu.memory_space<semaphore_mem>>) src(%dma_wait3A_91 : memref<40x128xi32, #tpu.memory_space<hbm>>) dst(%arg14 : memref<40x128xi32, #tpu.memory_space<vmem>>)
          tpu.yield
        }) : () -> ()
        %dma_start3A = arith.constant 0 : i32
        %dma_start3A_50 = arith.constant 0 : i32
        %dma_start3A_51 = tpu.memref_slice %arg14[%dma_start3A, %dma_start3A_50] : memref<40x128xi32, #tpu.memory_space<vmem>> -> memref<1x128xi32, #tpu.memory_space<vmem>>
        %dma_start3A_52 = tpu.memref_squeeze %dma_start3A_51 : memref<1x128xi32, #tpu.memory_space<vmem>> -> memref<128xi32, #tpu.memory_space<vmem>>
        %dma_start3A_53 = arith.constant 0 : i32
        %dma_start3A_54 = arith.constant 0 : i32
        %dma_start3A_55 = tpu.memref_slice %arg5[%dma_start3A_53, %dma_start3A_54] : memref<10240x128xf32, #tpu.memory_space<hbm>> -> memref<10240x128xf32, #tpu.memory_space<hbm>>
        tpu.enqueue_indirect_dma source(%dma_start3A_55 : memref<10240x128xf32, #tpu.memory_space<hbm>>) target(%arg15 : memref<128x128xf32, #tpu.memory_space<vmem>>) offsets(%dma_start3A_52 : memref<128xi32, #tpu.memory_space<vmem>>) semaphore(%arg17 : memref<!tpu.dma_semaphore, #tpu.memory_space<semaphore_mem>>)
        %dma_start3A_56 = arith.constant 1 : i32
        %dma_start3A_57 = arith.constant 0 : i32
        %dma_start3A_58 = tpu.memref_slice %arg14[%dma_start3A_56, %dma_start3A_57] : memref<40x128xi32, #tpu.memory_space<vmem>> -> memref<1x128xi32, #tpu.memory_space<vmem>>
        %dma_start3A_59 = tpu.memref_squeeze %dma_start3A_58 : memref<1x128xi32, #tpu.memory_space<vmem>> -> memref<128xi32, #tpu.memory_space<vmem>>
        %dma_start3A_60 = arith.constant 0 : i32
        %dma_start3A_61 = arith.constant 0 : i32
        %dma_start3A_62 = tpu.memref_slice %arg5[%dma_start3A_60, %dma_start3A_61] : memref<10240x128xf32, #tpu.memory_space<hbm>> -> memref<10240x128xf32, #tpu.memory_space<hbm>>
        tpu.enqueue_indirect_dma source(%dma_start3A_62 : memref<10240x128xf32, #tpu.memory_space<hbm>>) target(%arg16 : memref<128x128xf32, #tpu.memory_space<vmem>>) offsets(%dma_start3A_59 : memref<128xi32, #tpu.memory_space<vmem>>) semaphore(%arg18 : memref<!tpu.dma_semaphore, #tpu.memory_space<semaphore_mem>>)
        %scan3A_63 = arith.constant 0 : i32
        %scan3A_64 = arith.constant 0 : i32
        %scan3A_65 = arith.constant 20 : i32
        %scan3A_66 = arith.addi %scan3A_64, %scan3A_65 : i32
        %scan3A_67 = arith.constant 1 : i32
        %scan3A_68 = scf.for %scan3A_84 = %scan3A_64 to %scan3A_66 step %scan3A_67 iter_args(%scan3A_85 = %scan3A_63) -> (i32)  : i32 {
          %mul3A_86 = arith.constant 2 : i32
          %mul3A_87 = arith.muli %scan3A_84, %mul3A_86 : i32
          %add3A_88 = arith.constant 0 : i32
          %add3A_89 = arith.addi %mul3A_87, %add3A_88 : i32
          %dma_wait3A_90 = arith.constant 0 : i32
          %dma_wait3A_91 = tpu.memref_slice %arg14[%add3A_89, %dma_wait3A_90] : memref<40x128xi32, #tpu.memory_space<vmem>> -> memref<1x128xi32, #tpu.memory_space<vmem>>
          %dma_wait3A_92 = tpu.memref_squeeze %dma_wait3A_91 : memref<1x128xi32, #tpu.memory_space<vmem>> -> memref<128xi32, #tpu.memory_space<vmem>>
          %dma_wait3A_93 = arith.constant 0 : i32
          %dma_wait3A_94 = arith.constant 0 : i32
          %dma_wait3A_95 = tpu.memref_slice %arg5[%dma_wait3A_93, %dma_wait3A_94] : memref<10240x128xf32, #tpu.memory_space<hbm>> -> memref<10240x128xf32, #tpu.memory_space<hbm>>
          tpu.wait_indirect_dma semaphore(%arg17 : memref<!tpu.dma_semaphore, #tpu.memory_space<semaphore_mem>>) src(%dma_wait3A_95 : memref<10240x128xf32, #tpu.memory_space<hbm>>) dst(%arg15 : memref<128x128xf32, #tpu.memory_space<vmem>>)
          %dma_start3A_96 = arith.constant 0 : i32
          %dma_start3A_97 = tpu.memref_slice %arg13[%add3A_89, %dma_start3A_96] : memref<40x128xi32, #tpu.memory_space<vmem>> -> memref<1x128xi32, #tpu.memory_space<vmem>>
          %dma_start3A_98 = tpu.memref_squeeze %dma_start3A_97 : memref<1x128xi32, #tpu.memory_space<vmem>> -> memref<128xi32, #tpu.memory_space<vmem>>
          %dma_start3A_99 = arith.constant 0 : i32
          %dma_start3A_100 = arith.constant 0 : i32
          %dma_start3A_101 = tpu.memref_slice %arg12[%dma_start3A_99, %dma_start3A_100] : memref<10240x128xf32, #tpu.memory_space<vmem_shared>> -> memref<10240x128xf32, #tpu.memory_space<vmem_shared>>
          tpu.enqueue_indirect_dma source(%arg15 : memref<128x128xf32, #tpu.memory_space<vmem>>) target(%dma_start3A_101 : memref<10240x128xf32, #tpu.memory_space<vmem_shared>>) offsets(%dma_start3A_98 : memref<128xi32, #tpu.memory_space<vmem>>) semaphore(%arg19 : memref<!tpu.dma_semaphore, #tpu.memory_space<semaphore_mem>>) {add = true}
          %add3A_102 = arith.constant 2 : i32
          %add3A_103 = arith.addi %add3A_89, %add3A_102 : i32
          %lt3A = arith.constant 40 : i32
          %lt3A_104 = arith.cmpi slt, %add3A_103, %lt3A : i32
          %convert_element_type3A_105 = arith.extui %lt3A_104 : i1 to i32
          %cond3A_106 = arith.constant 0 : i32
          %cond3A_107 = arith.cmpi ne, %convert_element_type3A_105, %cond3A_106 : i32
          scf.if %cond3A_107 {
            %dma_wait3A_132 = arith.constant 0 : i32
            %dma_wait3A_133 = tpu.memref_slice %arg13[%add3A_89, %dma_wait3A_132] : memref<40x128xi32, #tpu.memory_space<vmem>> -> memref<1x128xi32, #tpu.memory_space<vmem>>
            %dma_wait3A_134 = tpu.memref_squeeze %dma_wait3A_133 : memref<1x128xi32, #tpu.memory_space<vmem>> -> memref<128xi32, #tpu.memory_space<vmem>>
            %dma_wait3A_135 = arith.constant 0 : i32
            %dma_wait3A_136 = arith.constant 0 : i32
            %dma_wait3A_137 = tpu.memref_slice %arg12[%dma_wait3A_135, %dma_wait3A_136] : memref<10240x128xf32, #tpu.memory_space<vmem_shared>> -> memref<10240x128xf32, #tpu.memory_space<vmem_shared>>
            tpu.wait_indirect_dma semaphore(%arg19 : memref<!tpu.dma_semaphore, #tpu.memory_space<semaphore_mem>>) src(%arg15 : memref<128x128xf32, #tpu.memory_space<vmem>>) dst(%dma_wait3A_137 : memref<10240x128xf32, #tpu.memory_space<vmem_shared>>)
            %add3A_138 = arith.constant 2 : i32
            %add3A_139 = arith.addi %add3A_89, %add3A_138 : i32
            %dma_start3A_140 = arith.constant 0 : i32
            %dma_start3A_141 = tpu.memref_slice %arg14[%add3A_139, %dma_start3A_140] : memref<40x128xi32, #tpu.memory_space<vmem>> -> memref<1x128xi32, #tpu.memory_space<vmem>>
            %dma_start3A_142 = tpu.memref_squeeze %dma_start3A_141 : memref<1x128xi32, #tpu.memory_space<vmem>> -> memref<128xi32, #tpu.memory_space<vmem>>
            %dma_start3A_143 = arith.constant 0 : i32
            %dma_start3A_144 = arith.constant 0 : i32
            %dma_start3A_145 = tpu.memref_slice %arg5[%dma_start3A_143, %dma_start3A_144] : memref<10240x128xf32, #tpu.memory_space<hbm>> -> memref<10240x128xf32, #tpu.memory_space<hbm>>
            tpu.enqueue_indirect_dma source(%dma_start3A_145 : memref<10240x128xf32, #tpu.memory_space<hbm>>) target(%arg15 : memref<128x128xf32, #tpu.memory_space<vmem>>) offsets(%dma_start3A_142 : memref<128xi32, #tpu.memory_space<vmem>>) semaphore(%arg17 : memref<!tpu.dma_semaphore, #tpu.memory_space<semaphore_mem>>)
          } else {
          }
          %mul3A_108 = arith.constant 2 : i32
          %mul3A_109 = arith.muli %scan3A_84, %mul3A_108 : i32
          %add3A_110 = arith.constant 1 : i32
          %add3A_111 = arith.addi %mul3A_109, %add3A_110 : i32
          %dma_wait3A_112 = arith.constant 0 : i32
          %dma_wait3A_113 = tpu.memref_slice %arg14[%add3A_111, %dma_wait3A_112] : memref<40x128xi32, #tpu.memory_space<vmem>> -> memref<1x128xi32, #tpu.memory_space<vmem>>
          %dma_wait3A_114 = tpu.memref_squeeze %dma_wait3A_113 : memref<1x128xi32, #tpu.memory_space<vmem>> -> memref<128xi32, #tpu.memory_space<vmem>>
          %dma_wait3A_115 = arith.constant 0 : i32
          %dma_wait3A_116 = arith.constant 0 : i32
          %dma_wait3A_117 = tpu.memref_slice %arg5[%dma_wait3A_115, %dma_wait3A_116] : memref<10240x128xf32, #tpu.memory_space<hbm>> -> memref<10240x128xf32, #tpu.memory_space<hbm>>
          tpu.wait_indirect_dma semaphore(%arg18 : memref<!tpu.dma_semaphore, #tpu.memory_space<semaphore_mem>>) src(%dma_wait3A_117 : memref<10240x128xf32, #tpu.memory_space<hbm>>) dst(%arg16 : memref<128x128xf32, #tpu.memory_space<vmem>>)
          %dma_start3A_118 = arith.constant 0 : i32
          %dma_start3A_119 = tpu.memref_slice %arg13[%add3A_111, %dma_start3A_118] : memref<40x128xi32, #tpu.memory_space<vmem>> -> memref<1x128xi32, #tpu.memory_space<vmem>>
          %dma_start3A_120 = tpu.memref_squeeze %dma_start3A_119 : memref<1x128xi32, #tpu.memory_space<vmem>> -> memref<128xi32, #tpu.memory_space<vmem>>
          %dma_start3A_121 = arith.constant 0 : i32
          %dma_start3A_122 = arith.constant 0 : i32
          %dma_start3A_123 = tpu.memref_slice %arg12[%dma_start3A_121, %dma_start3A_122] : memref<10240x128xf32, #tpu.memory_space<vmem_shared>> -> memref<10240x128xf32, #tpu.memory_space<vmem_shared>>
          tpu.enqueue_indirect_dma source(%arg16 : memref<128x128xf32, #tpu.memory_space<vmem>>) target(%dma_start3A_123 : memref<10240x128xf32, #tpu.memory_space<vmem_shared>>) offsets(%dma_start3A_120 : memref<128xi32, #tpu.memory_space<vmem>>) semaphore(%arg20 : memref<!tpu.dma_semaphore, #tpu.memory_space<semaphore_mem>>) {add = true}
          %add3A_124 = arith.constant 2 : i32
          %add3A_125 = arith.addi %add3A_111, %add3A_124 : i32
          %lt3A_126 = arith.constant 40 : i32
          %lt3A_127 = arith.cmpi slt, %add3A_125, %lt3A_126 : i32
          %convert_element_type3A_128 = arith.extui %lt3A_127 : i1 to i32
          %cond3A_129 = arith.constant 0 : i32
          %cond3A_130 = arith.cmpi ne, %convert_element_type3A_128, %cond3A_129 : i32
          scf.if %cond3A_130 {
            %dma_wait3A_132 = arith.constant 0 : i32
            %dma_wait3A_133 = tpu.memref_slice %arg13[%add3A_111, %dma_wait3A_132] : memref<40x128xi32, #tpu.memory_space<vmem>> -> memref<1x128xi32, #tpu.memory_space<vmem>>
            %dma_wait3A_134 = tpu.memref_squeeze %dma_wait3A_133 : memref<1x128xi32, #tpu.memory_space<vmem>> -> memref<128xi32, #tpu.memory_space<vmem>>
            %dma_wait3A_135 = arith.constant 0 : i32
            %dma_wait3A_136 = arith.constant 0 : i32
            %dma_wait3A_137 = tpu.memref_slice %arg12[%dma_wait3A_135, %dma_wait3A_136] : memref<10240x128xf32, #tpu.memory_space<vmem_shared>> -> memref<10240x128xf32, #tpu.memory_space<vmem_shared>>
            tpu.wait_indirect_dma semaphore(%arg20 : memref<!tpu.dma_semaphore, #tpu.memory_space<semaphore_mem>>) src(%arg16 : memref<128x128xf32, #tpu.memory_space<vmem>>) dst(%dma_wait3A_137 : memref<10240x128xf32, #tpu.memory_space<vmem_shared>>)
            %add3A_138 = arith.constant 2 : i32
            %add3A_139 = arith.addi %add3A_111, %add3A_138 : i32
            %dma_start3A_140 = arith.constant 0 : i32
            %dma_start3A_141 = tpu.memref_slice %arg14[%add3A_139, %dma_start3A_140] : memref<40x128xi32, #tpu.memory_space<vmem>> -> memref<1x128xi32, #tpu.memory_space<vmem>>
            %dma_start3A_142 = tpu.memref_squeeze %dma_start3A_141 : memref<1x128xi32, #tpu.memory_space<vmem>> -> memref<128xi32, #tpu.memory_space<vmem>>
            %dma_start3A_143 = arith.constant 0 : i32
            %dma_start3A_144 = arith.constant 0 : i32
            %dma_start3A_145 = tpu.memref_slice %arg5[%dma_start3A_143, %dma_start3A_144] : memref<10240x128xf32, #tpu.memory_space<hbm>> -> memref<10240x128xf32, #tpu.memory_space<hbm>>
            tpu.enqueue_indirect_dma source(%dma_start3A_145 : memref<10240x128xf32, #tpu.memory_space<hbm>>) target(%arg16 : memref<128x128xf32, #tpu.memory_space<vmem>>) offsets(%dma_start3A_142 : memref<128xi32, #tpu.memory_space<vmem>>) semaphore(%arg18 : memref<!tpu.dma_semaphore, #tpu.memory_space<semaphore_mem>>)
          } else {
          }
          %scan3A_131 = arith.constant 0 : i32
          scf.yield %scan3A_131 : i32
        }
        %scan3A_69 = arith.constant 20 : i32
        %dma_wait3A = arith.constant 38 : i32
        %dma_wait3A_70 = arith.constant 0 : i32
        %dma_wait3A_71 = tpu.memref_slice %arg13[%dma_wait3A, %dma_wait3A_70] : memref<40x128xi32, #tpu.memory_space<vmem>> -> memref<1x128xi32, #tpu.memory_space<vmem>>
        %dma_wait3A_72 = tpu.memref_squeeze %dma_wait3A_71 : memref<1x128xi32, #tpu.memory_space<vmem>> -> memref<128xi32, #tpu.memory_space<vmem>>
        %dma_wait3A_73 = arith.constant 0 : i32
        %dma_wait3A_74 = arith.constant 0 : i32
        %dma_wait3A_75 = tpu.memref_slice %arg12[%dma_wait3A_73, %dma_wait3A_74] : memref<10240x128xf32, #tpu.memory_space<vmem_shared>> -> memref<10240x128xf32, #tpu.memory_space<vmem_shared>>
        tpu.wait_indirect_dma semaphore(%arg19 : memref<!tpu.dma_semaphore, #tpu.memory_space<semaphore_mem>>) src(%arg15 : memref<128x128xf32, #tpu.memory_space<vmem>>) dst(%dma_wait3A_75 : memref<10240x128xf32, #tpu.memory_space<vmem_shared>>)
        %dma_wait3A_76 = arith.constant 39 : i32
        %dma_wait3A_77 = arith.constant 0 : i32
        %dma_wait3A_78 = tpu.memref_slice %arg13[%dma_wait3A_76, %dma_wait3A_77] : memref<40x128xi32, #tpu.memory_space<vmem>> -> memref<1x128xi32, #tpu.memory_space<vmem>>
        %dma_wait3A_79 = tpu.memref_squeeze %dma_wait3A_78 : memref<1x128xi32, #tpu.memory_space<vmem>> -> memref<128xi32, #tpu.memory_space<vmem>>
        %dma_wait3A_80 = arith.constant 0 : i32
        %dma_wait3A_81 = arith.constant 0 : i32
        %dma_wait3A_82 = tpu.memref_slice %arg12[%dma_wait3A_80, %dma_wait3A_81] : memref<10240x128xf32, #tpu.memory_space<vmem_shared>> -> memref<10240x128xf32, #tpu.memory_space<vmem_shared>>
        tpu.wait_indirect_dma semaphore(%arg20 : memref<!tpu.dma_semaphore, #tpu.memory_space<semaphore_mem>>) src(%arg16 : memref<128x128xf32, #tpu.memory_space<vmem>>) dst(%dma_wait3A_82 : memref<10240x128xf32, #tpu.memory_space<vmem_shared>>)
        %scan3A_83 = arith.constant 0 : i32
        scf.yield %scan3A_83 : i32
      }
      %scan3A_42 = arith.constant 2 : i32
      %barrier3A_43 = arith.constant 0 : index
      tpu.barrier barrier_id(%barrier3A_43)
      "tpu.region"() ({
        %run_scoped3A = tpu.sem_alloc : memref<!tpu.dma_semaphore, #tpu.memory_space<semaphore_mem>>
        %dma_start3A = arith.constant 0 : i32
        %dma_start3A_44 = tpu.memref_slice %arg11[%multiple_of3A, %dma_start3A] : memref<10240x128xf32, #tpu.memory_space<hbm>> -> memref<640x128xf32, #tpu.memory_space<hbm>>
        %dma_start3A_45 = arith.constant 0 : i32
        %dma_start3A_46 = tpu.memref_slice %arg12[%multiple_of3A, %dma_start3A_45] : memref<10240x128xf32, #tpu.memory_space<vmem_shared>> -> memref<640x128xf32, #tpu.memory_space<vmem_shared>>
        tpu.enqueue_dma source(%dma_start3A_46 : memref<640x128xf32, #tpu.memory_space<vmem_shared>>) target(%dma_start3A_44 : memref<640x128xf32, #tpu.memory_space<hbm>>) target_semaphore(%run_scoped3A : memref<!tpu.dma_semaphore, #tpu.memory_space<semaphore_mem>>)
        %dma_wait3A = arith.constant 0 : i32
        %dma_wait3A_47 = tpu.memref_slice %arg11[%multiple_of3A, %dma_wait3A] : memref<10240x128xf32, #tpu.memory_space<hbm>> -> memref<640x128xf32, #tpu.memory_space<hbm>>
        %dma_wait3A_48 = arith.constant 0 : i32
        %dma_wait3A_49 = tpu.memref_slice %arg12[%multiple_of3A, %dma_wait3A_48] : memref<10240x128xf32, #tpu.memory_space<vmem_shared>> -> memref<640x128xf32, #tpu.memory_space<vmem_shared>>
        tpu.wait_dma2 semaphore(%run_scoped3A : memref<!tpu.dma_semaphore, #tpu.memory_space<semaphore_mem>>) src(%dma_wait3A_49 : memref<640x128xf32, #tpu.memory_space<vmem_shared>>) dst(%dma_wait3A_47 : memref<640x128xf32, #tpu.memory_space<hbm>>)
        tpu.yield
      }) : () -> ()
    } else {
    }
    return
  }
}

module attributes {stable_mosaic.version = 14 : i64} {
  func.func @body(%arg0: memref<80x128xf32, #tpu.memory_space<vmem>>, %arg1: memref<80x128xf32, #tpu.memory_space<vmem>>, %arg2: memref<80x128xf32, #tpu.memory_space<vmem>>) attributes {dimension_semantics = [], scalar_prefetch = 0 : i64, scratch_operands = 0 : i64, tpu.core_type = #tpu.core_type<tc>} {
    %get3A = arith.constant 0 : index
    %get3A_0 = arith.constant 0 : index
    %get3A_1 = vector.load %arg0[%get3A, %get3A_0] : memref<80x128xf32, #tpu.memory_space<vmem>>, vector<80x128xf32>
    %get3A_2 = arith.constant 0 : index
    %get3A_3 = arith.constant 0 : index
    %get3A_4 = vector.load %arg1[%get3A_2, %get3A_3] : memref<80x128xf32, #tpu.memory_space<vmem>>, vector<80x128xf32>
    %add3A = arith.addf %get3A_1, %get3A_4 : vector<80x128xf32>
    %add3A_5 = arith.constant 1.000000e+00 : f32
    %add3A_6 = vector.broadcast %add3A_5 : f32 to vector<80x128xf32>
    %add3A_7 = arith.addf %add3A, %add3A_6 : vector<80x128xf32>
    %rsqrt3A = math.rsqrt %add3A_7 : vector<80x128xf32>
    %swap3A = arith.constant 0 : index
    %swap3A_8 = arith.constant 0 : index
    %swap3A_9 = vector.load %arg2[%swap3A, %swap3A_8] : memref<80x128xf32, #tpu.memory_space<vmem>>, vector<80x128xf32>
    tpu.vector_store %arg2[%swap3A, %swap3A_8], %rsqrt3A {strides = array<i32>} : memref<80x128xf32, #tpu.memory_space<vmem>>, vector<80x128xf32>,
    return
  }
}

module attributes {stable_mosaic.version = 14 : i64} {
  func.func @body(%arg0: i32, %arg1: memref<256x3703xf32, #tpu.memory_space<vmem>>, %arg2: memref<3703x512xf32, #tpu.memory_space<vmem>>, %arg3: memref<1x512xf32, #tpu.memory_space<vmem>>, %arg4: memref<256x1xf32, #tpu.memory_space<vmem>>, %arg5: memref<256x128xf32, #tpu.memory_space<vmem>>, %arg6: memref<256x128xf32, #tpu.memory_space<vmem>>, %arg7: memref<256x128xf32, #tpu.memory_space<vmem>>, %arg8: memref<256x128xf32, #tpu.memory_space<vmem>>) attributes {dimension_semantics = [#tpu.dimension_semantics<arbitrary>], iteration_bounds = array<i64: 40>, scalar_prefetch = 0 : i64, scratch_operands = 0 : i64, tpu.core_type = #tpu.core_type<tc>, window_params = [{transform_indices = @transform_0, window_bounds = array<i64: 256, 3703>}, {pipeline_mode = #tpu.pipeline_mode<synchronous>, transform_indices = @transform_1, window_bounds = array<i64: 3703, 512>}, {pipeline_mode = #tpu.pipeline_mode<synchronous>, transform_indices = @transform_2, window_bounds = array<i64: 1, 512>}, {transform_indices = @transform_3, window_bounds = array<i64: 256, 1>}, {transform_indices = @transform_4, window_bounds = array<i64: 256, 128>}, {transform_indices = @transform_5, window_bounds = array<i64: 256, 128>}, {transform_indices = @transform_6, window_bounds = array<i64: 256, 128>}, {transform_indices = @transform_7, window_bounds = array<i64: 256, 128>}]} {
    %get3A = arith.constant 0 : index
    %get3A_0 = arith.constant 0 : index
    %get3A_1 = vector.load %arg1[%get3A, %get3A_0] : memref<256x3703xf32, #tpu.memory_space<vmem>>, vector<256x3703xf32>
    %get3A_2 = arith.constant 0 : index
    %get3A_3 = arith.constant 0 : index
    %get3A_4 = vector.load %arg2[%get3A_2, %get3A_3] : memref<3703x512xf32, #tpu.memory_space<vmem>>, vector<3703x512xf32>
    %dot_general3A = arith.constant dense<0.000000e+00> : vector<256x512xf32>
    %dot_general3A_5 = tpu.matmul %get3A_1, %get3A_4, %dot_general3A {dimension_numbers = #tpu.dot_dimension_numbers<[1], [0], [0], [1], [0, 0, 1, 1], [], []>, transpose_lhs_hint = false} : vector<256x3703xf32>, vector<3703x512xf32>, vector<256x512xf32> -> vector<256x512xf32>
    %get3A_6 = arith.constant 0 : index
    %get3A_7 = arith.constant 0 : index
    %get3A_8 = vector.load %arg3[%get3A_6, %get3A_7] : memref<1x512xf32, #tpu.memory_space<vmem>>, vector<1x512xf32>
    %add3A = vector.broadcast %get3A_8 : vector<1x512xf32> to vector<256x512xf32>
    %add3A_9 = arith.addf %dot_general3A_5, %add3A : vector<256x512xf32>
    %mul3A = arith.constant 256 : i32
    %mul3A_10 = arith.muli %arg0, %mul3A : i32
    %iota3A = tpu.iota {dimensions = array<i32: 0>} : vector<256x1xi32>
    %add3A_11 = vector.broadcast %mul3A_10 : i32 to vector<256x1xi32>
    %add3A_12 = arith.addi %add3A_11, %iota3A : vector<256x1xi32>
    %lt3A = arith.constant 10000 : i32
    %lt3A_13 = vector.broadcast %lt3A : i32 to vector<256x1xi32>
    %lt3A_14 = arith.cmpi slt, %add3A_12, %lt3A_13 : vector<256x1xi32>
    %get3A_15 = arith.constant 0 : index
    %get3A_16 = arith.constant 0 : index
    %get3A_17 = vector.load %arg4[%get3A_15, %get3A_16] : memref<256x1xf32, #tpu.memory_space<vmem>>, vector<256x1xf32>
    %mul3A_18 = vector.broadcast %get3A_17 : vector<256x1xf32> to vector<256x512xf32>
    %mul3A_19 = arith.mulf %mul3A_18, %add3A_9 : vector<256x512xf32>
    %jit3A = arith.constant 0.000000e+00 : f32
    %broadcast_in_dim3A = vector.shape_cast %lt3A_14 : vector<256x1xi1> to vector<256x1xi1>
    %broadcast_in_dim3A_20 = vector.broadcast %broadcast_in_dim3A : vector<256x1xi1> to vector<256x512xi1>
    %broadcast_in_dim3A_21 = vector.broadcast %jit3A : f32 to vector<256x512xf32>
    %select_n3A = arith.select %broadcast_in_dim3A_20, %mul3A_19, %broadcast_in_dim3A_21 : vector<256x512xi1>, vector<256x512xf32>
    %slice3A = vector.extract_strided_slice %select_n3A {offsets = [0, 0], sizes = [256, 128], strides = [1, 1]} : vector<256x512xf32> to vector<256x128xf32>
    %swap3A = arith.constant 0 : index
    %swap3A_22 = arith.constant 0 : index
    %swap3A_23 = vector.load %arg5[%swap3A, %swap3A_22] : memref<256x128xf32, #tpu.memory_space<vmem>>, vector<256x128xf32>
    tpu.vector_store %arg5[%swap3A, %swap3A_22], %slice3A {strides = array<i32>} : memref<256x128xf32, #tpu.memory_space<vmem>>, vector<256x128xf32>,
    %slice3A_24 = vector.extract_strided_slice %select_n3A {offsets = [0, 128], sizes = [256, 128], strides = [1, 1]} : vector<256x512xf32> to vector<256x128xf32>
    %swap3A_25 = arith.constant 0 : index
    %swap3A_26 = arith.constant 0 : index
    %swap3A_27 = vector.load %arg6[%swap3A_25, %swap3A_26] : memref<256x128xf32, #tpu.memory_space<vmem>>, vector<256x128xf32>
    tpu.vector_store %arg6[%swap3A_25, %swap3A_26], %slice3A_24 {strides = array<i32>} : memref<256x128xf32, #tpu.memory_space<vmem>>, vector<256x128xf32>,
    %slice3A_28 = vector.extract_strided_slice %select_n3A {offsets = [0, 256], sizes = [256, 128], strides = [1, 1]} : vector<256x512xf32> to vector<256x128xf32>
    %swap3A_29 = arith.constant 0 : index
    %swap3A_30 = arith.constant 0 : index
    %swap3A_31 = vector.load %arg7[%swap3A_29, %swap3A_30] : memref<256x128xf32, #tpu.memory_space<vmem>>, vector<256x128xf32>
    tpu.vector_store %arg7[%swap3A_29, %swap3A_30], %slice3A_28 {strides = array<i32>} : memref<256x128xf32, #tpu.memory_space<vmem>>, vector<256x128xf32>,
    %slice3A_32 = vector.extract_strided_slice %select_n3A {offsets = [0, 384], sizes = [256, 128], strides = [1, 1]} : vector<256x512xf32> to vector<256x128xf32>
    %swap3A_33 = arith.constant 0 : index
    %swap3A_34 = arith.constant 0 : index
    %swap3A_35 = vector.load %arg8[%swap3A_33, %swap3A_34] : memref<256x128xf32, #tpu.memory_space<vmem>>, vector<256x128xf32>
    tpu.vector_store %arg8[%swap3A_33, %swap3A_34], %slice3A_32 {strides = array<i32>} : memref<256x128xf32, #tpu.memory_space<vmem>>, vector<256x128xf32>,
    return
  }
  func.func @transform_0(%arg0: i32) -> (i32, i32) {
    %c0_i32 = arith.constant 0 : i32
    %c0_i32_0 = arith.constant 0 : i32
    return %arg0, %c0_i32 : i32, i32
  }
  func.func @transform_1(%arg0: i32) -> (i32, i32) {
    %c0_i32 = arith.constant 0 : i32
    %c0_i32_0 = arith.constant 0 : i32
    %c0_i32_1 = arith.constant 0 : i32
    return %c0_i32, %c0_i32_0 : i32, i32
  }
  func.func @transform_2(%arg0: i32) -> (i32, i32) {
    %c0_i32 = arith.constant 0 : i32
    %c0_i32_0 = arith.constant 0 : i32
    %c0_i32_1 = arith.constant 0 : i32
    return %c0_i32, %c0_i32_0 : i32, i32
  }
  func.func @transform_3(%arg0: i32) -> (i32, i32) {
    %c0_i32 = arith.constant 0 : i32
    %c0_i32_0 = arith.constant 0 : i32
    return %arg0, %c0_i32 : i32, i32
  }
  func.func @transform_4(%arg0: i32) -> (i32, i32) {
    %c0_i32 = arith.constant 0 : i32
    %c0_i32_0 = arith.constant 0 : i32
    return %arg0, %c0_i32 : i32, i32
  }
  func.func @transform_5(%arg0: i32) -> (i32, i32) {
    %c0_i32 = arith.constant 0 : i32
    %c0_i32_0 = arith.constant 0 : i32
    return %arg0, %c0_i32 : i32, i32
  }
  func.func @transform_6(%arg0: i32) -> (i32, i32) {
    %c0_i32 = arith.constant 0 : i32
    %c0_i32_0 = arith.constant 0 : i32
    return %arg0, %c0_i32 : i32, i32
  }
  func.func @transform_7(%arg0: i32) -> (i32, i32) {
    %c0_i32 = arith.constant 0 : i32
    %c0_i32_0 = arith.constant 0 : i32
    return %arg0, %c0_i32 : i32, i32
  }
}

module attributes {stable_mosaic.version = 14 : i64} {
  func.func @body(%arg0: i32, %arg1: memref<256x128xf32, #tpu.memory_space<vmem>>, %arg2: memref<256x128xf32, #tpu.memory_space<vmem>>, %arg3: memref<256x128xf32, #tpu.memory_space<vmem>>, %arg4: memref<256x128xf32, #tpu.memory_space<vmem>>, %arg5: memref<256x128xf32, #tpu.memory_space<vmem>>, %arg6: memref<256x128xf32, #tpu.memory_space<vmem>>, %arg7: memref<256x128xf32, #tpu.memory_space<vmem>>, %arg8: memref<256x128xf32, #tpu.memory_space<vmem>>, %arg9: memref<256x1xf32, #tpu.memory_space<vmem>>, %arg10: memref<128x128xf32, #tpu.memory_space<vmem>>, %arg11: memref<128x128xf32, #tpu.memory_space<vmem>>, %arg12: memref<128x128xf32, #tpu.memory_space<vmem>>, %arg13: memref<128x128xf32, #tpu.memory_space<vmem>>, %arg14: memref<1x128xf32, #tpu.memory_space<vmem>>, %arg15: memref<256x128xf32, #tpu.memory_space<vmem>>) attributes {dimension_semantics = [#tpu.dimension_semantics<arbitrary>], iteration_bounds = array<i64: 40>, scalar_prefetch = 0 : i64, scratch_operands = 0 : i64, tpu.core_type = #tpu.core_type<tc>, window_params = [{transform_indices = @transform_0, window_bounds = array<i64: 256, 128>}, {transform_indices = @transform_1, window_bounds = array<i64: 256, 128>}, {transform_indices = @transform_2, window_bounds = array<i64: 256, 128>}, {transform_indices = @transform_3, window_bounds = array<i64: 256, 128>}, {transform_indices = @transform_4, window_bounds = array<i64: 256, 128>}, {transform_indices = @transform_5, window_bounds = array<i64: 256, 128>}, {transform_indices = @transform_6, window_bounds = array<i64: 256, 128>}, {transform_indices = @transform_7, window_bounds = array<i64: 256, 128>}, {transform_indices = @transform_8, window_bounds = array<i64: 256, 1>}, {pipeline_mode = #tpu.pipeline_mode<synchronous>, transform_indices = @transform_9, window_bounds = array<i64: 128, 128>}, {pipeline_mode = #tpu.pipeline_mode<synchronous>, transform_indices = @transform_10, window_bounds = array<i64: 128, 128>}, {pipeline_mode = #tpu.pipeline_mode<synchronous>, transform_indices = @transform_11, window_bounds = array<i64: 128, 128>}, {pipeline_mode = #tpu.pipeline_mode<synchronous>, transform_indices = @transform_12, window_bounds = array<i64: 128, 128>}, {pipeline_mode = #tpu.pipeline_mode<synchronous>, transform_indices = @transform_13, window_bounds = array<i64: 1, 128>}, {transform_indices = @transform_14, window_bounds = array<i64: 256, 128>}]} {
    %get3A = arith.constant 0 : index
    %get3A_0 = arith.constant 0 : index
    %get3A_1 = vector.load %arg14[%get3A, %get3A_0] : memref<1x128xf32, #tpu.memory_space<vmem>>, vector<1x128xf32>
    %broadcast_in_dim3A = vector.shape_cast %get3A_1 : vector<1x128xf32> to vector<1x128xf32>
    %broadcast_in_dim3A_2 = vector.broadcast %broadcast_in_dim3A : vector<1x128xf32> to vector<256x128xf32>
    %get3A_3 = arith.constant 0 : index
    %get3A_4 = arith.constant 0 : index
    %get3A_5 = vector.load %arg9[%get3A_3, %get3A_4] : memref<256x1xf32, #tpu.memory_space<vmem>>, vector<256x1xf32>
    %get3A_6 = arith.constant 0 : index
    %get3A_7 = arith.constant 0 : index
    %get3A_8 = vector.load %arg1[%get3A_6, %get3A_7] : memref<256x128xf32, #tpu.memory_space<vmem>>, vector<256x128xf32>
    %get3A_9 = arith.constant 0 : index
    %get3A_10 = arith.constant 0 : index
    %get3A_11 = vector.load %arg5[%get3A_9, %get3A_10] : memref<256x128xf32, #tpu.memory_space<vmem>>, vector<256x128xf32>
    %add3A = arith.addf %get3A_8, %get3A_11 : vector<256x128xf32>
    %mul3A = vector.broadcast %get3A_5 : vector<256x1xf32> to vector<256x128xf32>
    %mul3A_12 = arith.mulf %mul3A, %add3A : vector<256x128xf32>
    %tanh3A = math.tanh %mul3A_12 : vector<256x128xf32>
    %get3A_13 = arith.constant 0 : index
    %get3A_14 = arith.constant 0 : index
    %get3A_15 = vector.load %arg10[%get3A_13, %get3A_14] : memref<128x128xf32, #tpu.memory_space<vmem>>, vector<128x128xf32>
    %dot_general3A = arith.constant dense<0.000000e+00> : vector<256x128xf32>
    %dot_general3A_16 = tpu.matmul %tanh3A, %get3A_15, %dot_general3A {dimension_numbers = #tpu.dot_dimension_numbers<[1], [0], [0], [1], [0, 0, 1, 1], [], []>, transpose_lhs_hint = false} : vector<256x128xf32>, vector<128x128xf32>, vector<256x128xf32> -> vector<256x128xf32>
    %add3A_17 = arith.addf %broadcast_in_dim3A_2, %dot_general3A_16 : vector<256x128xf32>
    %get3A_18 = arith.constant 0 : index
    %get3A_19 = arith.constant 0 : index
    %get3A_20 = vector.load %arg2[%get3A_18, %get3A_19] : memref<256x128xf32, #tpu.memory_space<vmem>>, vector<256x128xf32>
    %get3A_21 = arith.constant 0 : index
    %get3A_22 = arith.constant 0 : index
    %get3A_23 = vector.load %arg6[%get3A_21, %get3A_22] : memref<256x128xf32, #tpu.memory_space<vmem>>, vector<256x128xf32>
    %add3A_24 = arith.addf %get3A_20, %get3A_23 : vector<256x128xf32>
    %mul3A_25 = vector.broadcast %get3A_5 : vector<256x1xf32> to vector<256x128xf32>
    %mul3A_26 = arith.mulf %mul3A_25, %add3A_24 : vector<256x128xf32>
    %tanh3A_27 = math.tanh %mul3A_26 : vector<256x128xf32>
    %get3A_28 = arith.constant 0 : index
    %get3A_29 = arith.constant 0 : index
    %get3A_30 = vector.load %arg11[%get3A_28, %get3A_29] : memref<128x128xf32, #tpu.memory_space<vmem>>, vector<128x128xf32>
    %dot_general3A_31 = arith.constant dense<0.000000e+00> : vector<256x128xf32>
    %dot_general3A_32 = tpu.matmul %tanh3A_27, %get3A_30, %dot_general3A_31 {dimension_numbers = #tpu.dot_dimension_numbers<[1], [0], [0], [1], [0, 0, 1, 1], [], []>, transpose_lhs_hint = false} : vector<256x128xf32>, vector<128x128xf32>, vector<256x128xf32> -> vector<256x128xf32>
    %add3A_33 = arith.addf %add3A_17, %dot_general3A_32 : vector<256x128xf32>
    %get3A_34 = arith.constant 0 : index
    %get3A_35 = arith.constant 0 : index
    %get3A_36 = vector.load %arg3[%get3A_34, %get3A_35] : memref<256x128xf32, #tpu.memory_space<vmem>>, vector<256x128xf32>
    %get3A_37 = arith.constant 0 : index
    %get3A_38 = arith.constant 0 : index
    %get3A_39 = vector.load %arg7[%get3A_37, %get3A_38] : memref<256x128xf32, #tpu.memory_space<vmem>>, vector<256x128xf32>
    %add3A_40 = arith.addf %get3A_36, %get3A_39 : vector<256x128xf32>
    %mul3A_41 = vector.broadcast %get3A_5 : vector<256x1xf32> to vector<256x128xf32>
    %mul3A_42 = arith.mulf %mul3A_41, %add3A_40 : vector<256x128xf32>
    %tanh3A_43 = math.tanh %mul3A_42 : vector<256x128xf32>
    %get3A_44 = arith.constant 0 : index
    %get3A_45 = arith.constant 0 : index
    %get3A_46 = vector.load %arg12[%get3A_44, %get3A_45] : memref<128x128xf32, #tpu.memory_space<vmem>>, vector<128x128xf32>
    %dot_general3A_47 = arith.constant dense<0.000000e+00> : vector<256x128xf32>
    %dot_general3A_48 = tpu.matmul %tanh3A_43, %get3A_46, %dot_general3A_47 {dimension_numbers = #tpu.dot_dimension_numbers<[1], [0], [0], [1], [0, 0, 1, 1], [], []>, transpose_lhs_hint = false} : vector<256x128xf32>, vector<128x128xf32>, vector<256x128xf32> -> vector<256x128xf32>
    %add3A_49 = arith.addf %add3A_33, %dot_general3A_48 : vector<256x128xf32>
    %get3A_50 = arith.constant 0 : index
    %get3A_51 = arith.constant 0 : index
    %get3A_52 = vector.load %arg4[%get3A_50, %get3A_51] : memref<256x128xf32, #tpu.memory_space<vmem>>, vector<256x128xf32>
    %get3A_53 = arith.constant 0 : index
    %get3A_54 = arith.constant 0 : index
    %get3A_55 = vector.load %arg8[%get3A_53, %get3A_54] : memref<256x128xf32, #tpu.memory_space<vmem>>, vector<256x128xf32>
    %add3A_56 = arith.addf %get3A_52, %get3A_55 : vector<256x128xf32>
    %mul3A_57 = vector.broadcast %get3A_5 : vector<256x1xf32> to vector<256x128xf32>
    %mul3A_58 = arith.mulf %mul3A_57, %add3A_56 : vector<256x128xf32>
    %tanh3A_59 = math.tanh %mul3A_58 : vector<256x128xf32>
    %get3A_60 = arith.constant 0 : index
    %get3A_61 = arith.constant 0 : index
    %get3A_62 = vector.load %arg13[%get3A_60, %get3A_61] : memref<128x128xf32, #tpu.memory_space<vmem>>, vector<128x128xf32>
    %dot_general3A_63 = arith.constant dense<0.000000e+00> : vector<256x128xf32>
    %dot_general3A_64 = tpu.matmul %tanh3A_59, %get3A_62, %dot_general3A_63 {dimension_numbers = #tpu.dot_dimension_numbers<[1], [0], [0], [1], [0, 0, 1, 1], [], []>, transpose_lhs_hint = false} : vector<256x128xf32>, vector<128x128xf32>, vector<256x128xf32> -> vector<256x128xf32>
    %add3A_65 = arith.addf %add3A_49, %dot_general3A_64 : vector<256x128xf32>
    %mul3A_66 = arith.constant 256 : i32
    %mul3A_67 = arith.muli %arg0, %mul3A_66 : i32
    %iota3A = tpu.iota {dimensions = array<i32: 0>} : vector<256x1xi32>
    %add3A_68 = vector.broadcast %mul3A_67 : i32 to vector<256x1xi32>
    %add3A_69 = arith.addi %add3A_68, %iota3A : vector<256x1xi32>
    %lt3A = arith.constant 10000 : i32
    %lt3A_70 = vector.broadcast %lt3A : i32 to vector<256x1xi32>
    %lt3A_71 = arith.cmpi slt, %add3A_69, %lt3A_70 : vector<256x1xi32>
    %mul3A_72 = vector.broadcast %get3A_5 : vector<256x1xf32> to vector<256x128xf32>
    %mul3A_73 = arith.mulf %mul3A_72, %add3A_65 : vector<256x128xf32>
    %jit3A = arith.constant 0.000000e+00 : f32
    %broadcast_in_dim3A_74 = vector.shape_cast %lt3A_71 : vector<256x1xi1> to vector<256x1xi1>
    %broadcast_in_dim3A_75 = vector.broadcast %broadcast_in_dim3A_74 : vector<256x1xi1> to vector<256x128xi1>
    %broadcast_in_dim3A_76 = vector.broadcast %jit3A : f32 to vector<256x128xf32>
    %select_n3A = arith.select %broadcast_in_dim3A_75, %mul3A_73, %broadcast_in_dim3A_76 : vector<256x128xi1>, vector<256x128xf32>
    %swap3A = arith.constant 0 : index
    %swap3A_77 = arith.constant 0 : index
    %swap3A_78 = vector.load %arg15[%swap3A, %swap3A_77] : memref<256x128xf32, #tpu.memory_space<vmem>>, vector<256x128xf32>
    tpu.vector_store %arg15[%swap3A, %swap3A_77], %select_n3A {strides = array<i32>} : memref<256x128xf32, #tpu.memory_space<vmem>>, vector<256x128xf32>,
    return
  }
  func.func @transform_0(%arg0: i32) -> (i32, i32) {
    %c0_i32 = arith.constant 0 : i32
    %c0_i32_0 = arith.constant 0 : i32
    return %arg0, %c0_i32 : i32, i32
  }
  func.func @transform_1(%arg0: i32) -> (i32, i32) {
    %c0_i32 = arith.constant 0 : i32
    %c0_i32_0 = arith.constant 0 : i32
    return %arg0, %c0_i32 : i32, i32
  }
  func.func @transform_2(%arg0: i32) -> (i32, i32) {
    %c0_i32 = arith.constant 0 : i32
    %c0_i32_0 = arith.constant 0 : i32
    return %arg0, %c0_i32 : i32, i32
  }
  func.func @transform_3(%arg0: i32) -> (i32, i32) {
    %c0_i32 = arith.constant 0 : i32
    %c0_i32_0 = arith.constant 0 : i32
    return %arg0, %c0_i32 : i32, i32
  }
  func.func @transform_4(%arg0: i32) -> (i32, i32) {
    %c0_i32 = arith.constant 0 : i32
    %c0_i32_0 = arith.constant 0 : i32
    return %arg0, %c0_i32 : i32, i32
  }
  func.func @transform_5(%arg0: i32) -> (i32, i32) {
    %c0_i32 = arith.constant 0 : i32
    %c0_i32_0 = arith.constant 0 : i32
    return %arg0, %c0_i32 : i32, i32
  }
  func.func @transform_6(%arg0: i32) -> (i32, i32) {
    %c0_i32 = arith.constant 0 : i32
    %c0_i32_0 = arith.constant 0 : i32
    return %arg0, %c0_i32 : i32, i32
  }
  func.func @transform_7(%arg0: i32) -> (i32, i32) {
    %c0_i32 = arith.constant 0 : i32
    %c0_i32_0 = arith.constant 0 : i32
    return %arg0, %c0_i32 : i32, i32
  }
  func.func @transform_8(%arg0: i32) -> (i32, i32) {
    %c0_i32 = arith.constant 0 : i32
    %c0_i32_0 = arith.constant 0 : i32
    return %arg0, %c0_i32 : i32, i32
  }
  func.func @transform_9(%arg0: i32) -> (i32, i32) {
    %c0_i32 = arith.constant 0 : i32
    %c0_i32_0 = arith.constant 0 : i32
    %c0_i32_1 = arith.constant 0 : i32
    return %c0_i32, %c0_i32_0 : i32, i32
  }
  func.func @transform_10(%arg0: i32) -> (i32, i32) {
    %c0_i32 = arith.constant 0 : i32
    %c0_i32_0 = arith.constant 0 : i32
    %c0_i32_1 = arith.constant 0 : i32
    return %c0_i32, %c0_i32_0 : i32, i32
  }
  func.func @transform_11(%arg0: i32) -> (i32, i32) {
    %c0_i32 = arith.constant 0 : i32
    %c0_i32_0 = arith.constant 0 : i32
    %c0_i32_1 = arith.constant 0 : i32
    return %c0_i32, %c0_i32_0 : i32, i32
  }
  func.func @transform_12(%arg0: i32) -> (i32, i32) {
    %c0_i32 = arith.constant 0 : i32
    %c0_i32_0 = arith.constant 0 : i32
    %c0_i32_1 = arith.constant 0 : i32
    return %c0_i32, %c0_i32_0 : i32, i32
  }
  func.func @transform_13(%arg0: i32) -> (i32, i32) {
    %c0_i32 = arith.constant 0 : i32
    %c0_i32_0 = arith.constant 0 : i32
    %c0_i32_1 = arith.constant 0 : i32
    return %c0_i32, %c0_i32_0 : i32, i32
  }
  func.func @transform_14(%arg0: i32) -> (i32, i32) {
    %c0_i32 = arith.constant 0 : i32
    %c0_i32_0 = arith.constant 0 : i32
    return %arg0, %c0_i32 : i32, i32
  }
}

module attributes {stable_mosaic.version = 14 : i64} {
  func.func @body(%arg0: i32, %arg1: memref<256x128xf32, #tpu.memory_space<vmem>>, %arg2: memref<256x128xf32, #tpu.memory_space<vmem>>, %arg3: memref<256x128xf32, #tpu.memory_space<vmem>>, %arg4: memref<256x1xf32, #tpu.memory_space<vmem>>, %arg5: memref<128x128xf32, #tpu.memory_space<vmem>>, %arg6: memref<1x128xf32, #tpu.memory_space<vmem>>, %arg7: memref<256x128xf32, #tpu.memory_space<vmem>>) attributes {dimension_semantics = [#tpu.dimension_semantics<arbitrary>], iteration_bounds = array<i64: 40>, scalar_prefetch = 0 : i64, scratch_operands = 0 : i64, tpu.core_type = #tpu.core_type<tc>, window_params = [{transform_indices = @transform_0, window_bounds = array<i64: 256, 128>}, {transform_indices = @transform_1, window_bounds = array<i64: 256, 128>}, {transform_indices = @transform_2, window_bounds = array<i64: 256, 128>}, {transform_indices = @transform_3, window_bounds = array<i64: 256, 1>}, {pipeline_mode = #tpu.pipeline_mode<synchronous>, transform_indices = @transform_4, window_bounds = array<i64: 128, 128>}, {pipeline_mode = #tpu.pipeline_mode<synchronous>, transform_indices = @transform_5, window_bounds = array<i64: 1, 128>}, {transform_indices = @transform_6, window_bounds = array<i64: 256, 128>}]} {
    %get3A = arith.constant 0 : index
    %get3A_0 = arith.constant 0 : index
    %get3A_1 = vector.load %arg4[%get3A, %get3A_0] : memref<256x1xf32, #tpu.memory_space<vmem>>, vector<256x1xf32>
    %get3A_2 = arith.constant 0 : index
    %get3A_3 = arith.constant 0 : index
    %get3A_4 = vector.load %arg1[%get3A_2, %get3A_3] : memref<256x128xf32, #tpu.memory_space<vmem>>, vector<256x128xf32>
    %get3A_5 = arith.constant 0 : index
    %get3A_6 = arith.constant 0 : index
    %get3A_7 = vector.load %arg2[%get3A_5, %get3A_6] : memref<256x128xf32, #tpu.memory_space<vmem>>, vector<256x128xf32>
    %add3A = arith.addf %get3A_4, %get3A_7 : vector<256x128xf32>
    %get3A_8 = arith.constant 0 : index
    %get3A_9 = arith.constant 0 : index
    %get3A_10 = vector.load %arg3[%get3A_8, %get3A_9] : memref<256x128xf32, #tpu.memory_space<vmem>>, vector<256x128xf32>
    %add3A_11 = arith.addf %add3A, %get3A_10 : vector<256x128xf32>
    %mul3A = vector.broadcast %get3A_1 : vector<256x1xf32> to vector<256x128xf32>
    %mul3A_12 = arith.mulf %mul3A, %add3A_11 : vector<256x128xf32>
    %tanh3A = math.tanh %mul3A_12 : vector<256x128xf32>
    %get3A_13 = arith.constant 0 : index
    %get3A_14 = arith.constant 0 : index
    %get3A_15 = vector.load %arg5[%get3A_13, %get3A_14] : memref<128x128xf32, #tpu.memory_space<vmem>>, vector<128x128xf32>
    %dot_general3A = arith.constant dense<0.000000e+00> : vector<256x128xf32>
    %dot_general3A_16 = tpu.matmul %tanh3A, %get3A_15, %dot_general3A {dimension_numbers = #tpu.dot_dimension_numbers<[1], [0], [0], [1], [0, 0, 1, 1], [], []>, transpose_lhs_hint = false} : vector<256x128xf32>, vector<128x128xf32>, vector<256x128xf32> -> vector<256x128xf32>
    %get3A_17 = arith.constant 0 : index
    %get3A_18 = arith.constant 0 : index
    %get3A_19 = vector.load %arg6[%get3A_17, %get3A_18] : memref<1x128xf32, #tpu.memory_space<vmem>>, vector<1x128xf32>
    %add3A_20 = vector.broadcast %get3A_19 : vector<1x128xf32> to vector<256x128xf32>
    %add3A_21 = arith.addf %dot_general3A_16, %add3A_20 : vector<256x128xf32>
    %mul3A_22 = arith.constant 256 : i32
    %mul3A_23 = arith.muli %arg0, %mul3A_22 : i32
    %iota3A = tpu.iota {dimensions = array<i32: 0>} : vector<256x1xi32>
    %add3A_24 = vector.broadcast %mul3A_23 : i32 to vector<256x1xi32>
    %add3A_25 = arith.addi %add3A_24, %iota3A : vector<256x1xi32>
    %lt3A = arith.constant 10000 : i32
    %lt3A_26 = vector.broadcast %lt3A : i32 to vector<256x1xi32>
    %lt3A_27 = arith.cmpi slt, %add3A_25, %lt3A_26 : vector<256x1xi32>
    %mul3A_28 = vector.broadcast %get3A_1 : vector<256x1xf32> to vector<256x128xf32>
    %mul3A_29 = arith.mulf %mul3A_28, %add3A_21 : vector<256x128xf32>
    %jit3A = arith.constant 0.000000e+00 : f32
    %broadcast_in_dim3A = vector.shape_cast %lt3A_27 : vector<256x1xi1> to vector<256x1xi1>
    %broadcast_in_dim3A_30 = vector.broadcast %broadcast_in_dim3A : vector<256x1xi1> to vector<256x128xi1>
    %broadcast_in_dim3A_31 = vector.broadcast %jit3A : f32 to vector<256x128xf32>
    %select_n3A = arith.select %broadcast_in_dim3A_30, %mul3A_29, %broadcast_in_dim3A_31 : vector<256x128xi1>, vector<256x128xf32>
    %swap3A = arith.constant 0 : index
    %swap3A_32 = arith.constant 0 : index
    %swap3A_33 = vector.load %arg7[%swap3A, %swap3A_32] : memref<256x128xf32, #tpu.memory_space<vmem>>, vector<256x128xf32>
    tpu.vector_store %arg7[%swap3A, %swap3A_32], %select_n3A {strides = array<i32>} : memref<256x128xf32, #tpu.memory_space<vmem>>, vector<256x128xf32>,
    return
  }
  func.func @transform_0(%arg0: i32) -> (i32, i32) {
    %c0_i32 = arith.constant 0 : i32
    %c0_i32_0 = arith.constant 0 : i32
    return %arg0, %c0_i32 : i32, i32
  }
  func.func @transform_1(%arg0: i32) -> (i32, i32) {
    %c0_i32 = arith.constant 0 : i32
    %c0_i32_0 = arith.constant 0 : i32
    return %arg0, %c0_i32 : i32, i32
  }
  func.func @transform_2(%arg0: i32) -> (i32, i32) {
    %c0_i32 = arith.constant 0 : i32
    %c0_i32_0 = arith.constant 0 : i32
    return %arg0, %c0_i32 : i32, i32
  }
  func.func @transform_3(%arg0: i32) -> (i32, i32) {
    %c0_i32 = arith.constant 0 : i32
    %c0_i32_0 = arith.constant 0 : i32
    return %arg0, %c0_i32 : i32, i32
  }
  func.func @transform_4(%arg0: i32) -> (i32, i32) {
    %c0_i32 = arith.constant 0 : i32
    %c0_i32_0 = arith.constant 0 : i32
    %c0_i32_1 = arith.constant 0 : i32
    return %c0_i32, %c0_i32_0 : i32, i32
  }
  func.func @transform_5(%arg0: i32) -> (i32, i32) {
    %c0_i32 = arith.constant 0 : i32
    %c0_i32_0 = arith.constant 0 : i32
    %c0_i32_1 = arith.constant 0 : i32
    return %c0_i32, %c0_i32_0 : i32, i32
  }
  func.func @transform_6(%arg0: i32) -> (i32, i32) {
    %c0_i32 = arith.constant 0 : i32
    %c0_i32_0 = arith.constant 0 : i32
    return %arg0, %c0_i32 : i32, i32
  }
}

module attributes {stable_mosaic.version = 14 : i64} {
  func.func @body(%arg0: i32, %arg1: memref<256x128xf32, #tpu.memory_space<vmem>>, %arg2: memref<256x128xf32, #tpu.memory_space<vmem>>, %arg3: memref<256x128xf32, #tpu.memory_space<vmem>>, %arg4: memref<256x1xf32, #tpu.memory_space<vmem>>, %arg5: memref<256x6xf32, #tpu.memory_space<vmem>>) attributes {dimension_semantics = [#tpu.dimension_semantics<arbitrary>], iteration_bounds = array<i64: 40>, scalar_prefetch = 0 : i64, scratch_operands = 0 : i64, tpu.core_type = #tpu.core_type<tc>, window_params = [{transform_indices = @transform_0, window_bounds = array<i64: 256, 128>}, {transform_indices = @transform_1, window_bounds = array<i64: 256, 128>}, {transform_indices = @transform_2, window_bounds = array<i64: 256, 128>}, {transform_indices = @transform_3, window_bounds = array<i64: 256, 1>}, {transform_indices = @transform_4, window_bounds = array<i64: 256, 6>}]} {
    %get3A = arith.constant 0 : index
    %get3A_0 = arith.constant 0 : index
    %get3A_1 = vector.load %arg4[%get3A, %get3A_0] : memref<256x1xf32, #tpu.memory_space<vmem>>, vector<256x1xf32>
    %get3A_2 = arith.constant 0 : index
    %get3A_3 = arith.constant 0 : index
    %get3A_4 = vector.load %arg1[%get3A_2, %get3A_3] : memref<256x128xf32, #tpu.memory_space<vmem>>, vector<256x128xf32>
    %get3A_5 = arith.constant 0 : index
    %get3A_6 = arith.constant 0 : index
    %get3A_7 = vector.load %arg2[%get3A_5, %get3A_6] : memref<256x128xf32, #tpu.memory_space<vmem>>, vector<256x128xf32>
    %add3A = arith.addf %get3A_4, %get3A_7 : vector<256x128xf32>
    %get3A_8 = arith.constant 0 : index
    %get3A_9 = arith.constant 0 : index
    %get3A_10 = vector.load %arg3[%get3A_8, %get3A_9] : memref<256x128xf32, #tpu.memory_space<vmem>>, vector<256x128xf32>
    %add3A_11 = arith.addf %add3A, %get3A_10 : vector<256x128xf32>
    %mul3A = vector.broadcast %get3A_1 : vector<256x1xf32> to vector<256x128xf32>
    %mul3A_12 = arith.mulf %mul3A, %add3A_11 : vector<256x128xf32>
    %tanh3A = math.tanh %mul3A_12 : vector<256x128xf32>
    %iota3A = tpu.iota {dimensions = array<i32: 1>} : vector<256x128xi32>
    %lt3A = arith.constant 6 : i32
    %lt3A_13 = vector.broadcast %lt3A : i32 to vector<256x128xi32>
    %lt3A_14 = arith.cmpi slt, %iota3A, %lt3A_13 : vector<256x128xi32>
    %jit3A = arith.constant -1.000000e+30 : f32
    %broadcast_in_dim3A = vector.broadcast %jit3A : f32 to vector<256x128xf32>
    %select_n3A = arith.select %lt3A_14, %tanh3A, %broadcast_in_dim3A : vector<256x128xi1>, vector<256x128xf32>
    %reduce_max3A = arith.constant dense<0xFF800000> : vector<256xf32>
    %reduce_max3A_15 = vector.multi_reduction <maximumf>, %select_n3A, %reduce_max3A [1] : vector<256x128xf32> to vector<256xf32>
    %broadcast_in_dim3A_16 = vector.shape_cast %reduce_max3A_15 : vector<256xf32> to vector<256x1xf32>
    %sub3A = vector.broadcast %broadcast_in_dim3A_16 : vector<256x1xf32> to vector<256x128xf32>
    %sub3A_17 = arith.subf %select_n3A, %sub3A : vector<256x128xf32>
    %exp3A = math.exp %sub3A_17 : vector<256x128xf32>
    %reduce_sum3A = arith.constant dense<0.000000e+00> : vector<256xf32>
    %reduce_sum3A_18 = vector.multi_reduction <add>, %exp3A, %reduce_sum3A [1] : vector<256x128xf32> to vector<256xf32>
    %broadcast_in_dim3A_19 = vector.shape_cast %reduce_sum3A_18 : vector<256xf32> to vector<256x1xf32>
    %div3A = vector.broadcast %broadcast_in_dim3A_19 : vector<256x1xf32> to vector<256x128xf32>
    %div3A_20 = arith.divf %exp3A, %div3A : vector<256x128xf32>
    %slice3A = vector.extract_strided_slice %div3A_20 {offsets = [0, 0], sizes = [256, 6], strides = [1, 1]} : vector<256x128xf32> to vector<256x6xf32>
    %swap3A = arith.constant 0 : index
    %swap3A_21 = arith.constant 0 : index
    %swap3A_22 = vector.load %arg5[%swap3A, %swap3A_21] : memref<256x6xf32, #tpu.memory_space<vmem>>, vector<256x6xf32>
    tpu.vector_store %arg5[%swap3A, %swap3A_21], %slice3A {strides = array<i32>} : memref<256x6xf32, #tpu.memory_space<vmem>>, vector<256x6xf32>,
    return
  }
  func.func @transform_0(%arg0: i32) -> (i32, i32) {
    %c0_i32 = arith.constant 0 : i32
    %c0_i32_0 = arith.constant 0 : i32
    return %arg0, %c0_i32 : i32, i32
  }
  func.func @transform_1(%arg0: i32) -> (i32, i32) {
    %c0_i32 = arith.constant 0 : i32
    %c0_i32_0 = arith.constant 0 : i32
    return %arg0, %c0_i32 : i32, i32
  }
  func.func @transform_2(%arg0: i32) -> (i32, i32) {
    %c0_i32 = arith.constant 0 : i32
    %c0_i32_0 = arith.constant 0 : i32
    return %arg0, %c0_i32 : i32, i32
  }
  func.func @transform_3(%arg0: i32) -> (i32, i32) {
    %c0_i32 = arith.constant 0 : i32
    %c0_i32_0 = arith.constant 0 : i32
    return %arg0, %c0_i32 : i32, i32
  }
  func.func @transform_4(%arg0: i32) -> (i32, i32) {
    %c0_i32 = arith.constant 0 : i32
    %c0_i32_0 = arith.constant 0 : i32
    return %arg0, %c0_i32 : i32, i32
  }
}

</mosaic_0001>

<sc_bundles>
// kernel: gcn_sc_agg.11.cloned.1.call-start
scs
__scs_entry_jumppad:
0x0: {  	(pc) =	sbr.rel $0x88, $3  }
0x1: {  	(tag) =	ssettag $0x0;
	lr =	simm.s32 $0x1  }
0x2: {  	[smem:$0x3F99] =	sst lr;
	_ =	strace $0xD0000000  }
0x3: {  	_ = 	snop  }
0x4: {  	_ = 	snop  }
0x5: {  	_ = 	snop  }
0x6: {  	_ = 	snop  }
0x7: {  	_ = 	snop  }
__scs_overlays_trampoline_lowered:
0x8: {  	[smem:$0x3FA8] =	sst s0  }
0x9: {  	[smem:$0x3FA9] =	sst s1  }
0xa: {  	[smem:$0x3FAA] =	sst s2  }
0xb: {  	[smem:$0x3FAB] =	sst s3  }
0xc: {  	[smem:$0x3FAC] =	sst s4  }
0xd: {  	[smem:$0x3FAD] =	sst s5  }
0xe: {  	[smem:$0x3FAE] =	sst s6  }
0xf: {  	[smem:$0x3FAF] =	sst s7  }
0x10: {  	[smem:$0x3FB0] =	sst s8  }
0x11: {  	[smem:$0x3FB1] =	sst s9;
	s0 =	simm.s32 @!p0 $0x0  }
0x12: {  	s1 =	sld [smem:$0x3F97];
	s0 =	simm.s32 @p0 $0x1  }
0x13: {  	[smem:$0x3FB2] =	sst s0;
	s0 =	simm.s32 @!p1 $0x0  }
0x14: {  	s2 =	sld [smem:$0x3F96];
	s0 =	simm.s32 @p1 $0x1  }
0x15: {  	[smem:$0x3FB3] =	sst s0;
	s0 =	simm.s32 @!p2 $0x0  }
0x16: {  	s3 =	sld [smem:$0x3FDB];
	s0 =	simm.s32 @p2 $0x1  }
0x17: {  	s4 =	simm.s32 $0x1BF5;
	[smem:$0x3FB5] =	sst s0  }
0x18: {  	s0 =	sld [smem:$0x3F98];
	_ =	swait.ge [sflag:s4], $0x0  }
0x19: {  	s7 =	sld [smem:$0x3F99]  }
0x1a: {  	s8 =	sadd.s32 $0xFFFFE003, lr  }
0x1b: {  	s9 =	sadd.s32 $0xFFFFFEF7, lr;
	s5 =	simm.s32 $0xFFFFFFFF;
	p2 =	slt.u32 s8, $0xFFFFF086  }
0x1c: {  	p1 =	slt.u32 s9, $0xF7A;
	s5 =	simm.s32 @!p2 $0x0  }
0x1d: {  	s5 =	simm.s32 @p1 $0x1;
	p0 =	seq.s32 s7, s2  }
0x1e: {  	s7 =	smul.u32 @!p0 $0xF7A, s2;
	p2 =	seq.s32 @!p0 s5, $0x0  }
0x1f: {  	s9 =	smul.u32 $0xF7A, s1;
	s8 =	simm.s32 @!p0 $0x1BF5;
	p2 =	por !p2, p0  }
0x20: {  	[sflag:s8] =	ssyncset.s32 @!p0 $0xFFFFF086;
	s6 =	sadd.s32 @!p0 s3, s7;
	s7 =	simm.s32 @!p0 $0x108  }
0x21: {  	s3 =	sadd.s32 s3, s9;
	s6 =	sadd.s32 @!p0 $0x88, s6;
	s7 =	simm.s32 @p2 $0x1082  }
0x22: {  	[simem:s7], [sflag:s8] =	dma.local @!p0 [hbm:s6], $0xF7A  }
0x23: {  	s9 =	sor.u32 $0xD0000000, s2;
	s6 =	simm.s32 $0x108;
	_ =	swait.ge @!p0 [sflag:s8], $0x0  }
0x24: {  	s3 =	sadd.s32 $0x88, s3;
	s6 =	simm.s32 @!p1 $0x1082;
	[sflag:s4] =	ssyncset.s32 $0xFFFFF086  }
0x25: {  	[simem:s6], [sflag:s4] =	dma.local [hbm:s3], $0xF7A  }
0x26: {  	[smem:$0x3F99] =	sst s1;
	(tag) =	ssettag s2;
	_ =	strace s9  }
0x27: {  	s1 =	sld [smem:$0x3FA9]  }
0x28: {  	s2 =	sld [smem:$0x3FAA]  }
0x29: {  	s4 =	sld [smem:$0x3FAC]  }
0x2a: {  	p0 =	seq.s32 s5, $0x0;
	s5 =	sld [smem:$0x3FAD]  }
0x2b: {  	s6 =	sld [smem:$0x3FAE]  }
0x2c: {  	s7 =	sld [smem:$0x3FAF]  }
0x2d: {  	s3 =	simm.s32 $0x108;
	s8 =	sld [smem:$0x3FB0]  }
0x2e: {  	s3 =	simm.s32 @!p0 $0x1082;
	s9 =	sld [smem:$0x3FB1]  }
0x2f: {  	lr =	sadd.s32 s0, s3;
	s0 =	sld [smem:$0x3FA8]  }
0x30: {  	s3 =	sld [smem:$0x3FAB]  }
0x31: {  	[smem:$0x3FB4] =	sst s10  }
0x32: {  	s10 =	sld [smem:$0x3FB2];
	_ =	sdelay $0x3  }
0x33: {  	p0 =	seq.s32 s10, $0x1;
	s10 =	sld [smem:$0x3FB4];
	_ =	sdelay $0x3  }
0x34: {  	[smem:$0x3FB4] =	sst s10  }
0x35: {  	s10 =	sld [smem:$0x3FB3];
	_ =	sdelay $0x3  }
0x36: {  	p1 =	seq.s32 s10, $0x1;
	s10 =	sld [smem:$0x3FB4];
	_ =	sdelay $0x3  }
0x37: {  	[smem:$0x3FB4] =	sst s10  }
0x38: {  	s10 =	sld [smem:$0x3FB5]  }
0x39: {  	_ = 	snop;
	(pc) =	sbr.ind lr, $3  }
0x3a: {  	_ = 	snop  }
0x3b: {  	_ = 	snop  }
0x3c: {  	p2 =	seq.s32 s10, $0x1;
	s10 =	sld [smem:$0x3FB4]  }
0x3d: {  	_ =	shalt  }
0x3e: {  	_ =	shalt  }
0x3f: {  	_ =	shalt  }
0x40: {  	_ =	shalt  }
0x41: {  	_ =	shalt  }
0x42: {  	_ =	shalt  }
0x43: {  	_ =	shalt  }
0x44: {  	_ =	shalt  }
0x45: {  	_ =	shalt  }
0x46: {  	_ =	shalt  }
0x47: {  	_ =	shalt  }
0x48: {  	_ =	shalt  }
0x49: {  	_ =	shalt  }
0x4a: {  	_ =	shalt  }
0x4b: {  	_ =	shalt  }
0x4c: {  	_ =	shalt  }
0x4d: {  	_ =	shalt  }
0x4e: {  	_ =	shalt  }
0x4f: {  	_ =	shalt  }
0x50: {  	_ =	shalt  }
0x51: {  	_ =	shalt  }
0x52: {  	_ =	shalt  }
0x53: {  	_ =	shalt  }
0x54: {  	_ =	shalt  }
0x55: {  	_ =	shalt  }
0x56: {  	_ =	shalt  }
0x57: {  	_ =	shalt  }
0x58: {  	_ =	shalt  }
0x59: {  	_ =	shalt  }
0x5a: {  	_ =	shalt  }
0x5b: {  	_ =	shalt  }
0x5c: {  	_ =	shalt  }
0x5d: {  	_ =	shalt  }
0x5e: {  	_ =	shalt  }
0x5f: {  	_ =	shalt  }
0x60: {  	_ =	shalt  }
0x61: {  	_ =	shalt  }
0x62: {  	_ =	shalt  }
0x63: {  	_ =	shalt  }
0x64: {  	_ =	shalt  }
0x65: {  	_ =	shalt  }
0x66: {  	_ =	shalt  }
0x67: {  	_ =	shalt  }
0x68: {  	_ =	shalt  }
0x69: {  	_ =	shalt  }
0x6a: {  	_ =	shalt  }
0x6b: {  	_ =	shalt  }
0x6c: {  	_ =	shalt  }
0x6d: {  	_ =	shalt  }
0x6e: {  	_ =	shalt  }
0x6f: {  	_ =	shalt  }
0x70: {  	_ =	shalt  }
0x71: {  	_ =	shalt  }
0x72: {  	_ =	shalt  }
0x73: {  	_ =	shalt  }
0x74: {  	_ =	shalt  }
0x75: {  	_ =	shalt  }
0x76: {  	_ =	shalt  }
0x77: {  	_ =	shalt  }
0x78: {  	_ =	shalt  }
0x79: {  	_ =	shalt  }
0x7a: {  	_ =	shalt  }
0x7b: {  	_ =	shalt  }
0x7c: {  	_ =	shalt  }
0x7d: {  	_ =	shalt  }
0x7e: {  	_ =	shalt  }
0x7f: {  	_ =	shalt  }
0x80: {  	_ =	shalt  }
0x81: {  	_ =	shalt  }
0x82: {  	_ =	shalt  }
0x83: {  	_ =	shalt  }
0x84: {  	_ =	shalt  }
0x85: {  	_ =	shalt  }
0x86: {  	_ =	shalt  }
0x87: {  	_ =	shalt  }
.Lfunc_end0:
.L_simem_size_0:
called_computation.3_lowered:
.L_overlay_start_0:
0x88: {  	s2 =	sld [smem:$0x3FD9]  }
0x89: {  	s3 =	sld [smem:$0x3FFE];
	_ =	sdelay $0x1  }
0x8a: {  	s1 =	srdreg.scid  }
0x8b: {  	s0 =	sand.u32 $0x1, s1  }
0x8c: {  	s16 =	sshll.u32 s0, $0xA;
	s2 =	sadd.s32 s3, s2  }
0x8d: {  	s2 =	sadd.s32 s2, s16  }
0x8e: {  	[smem:$0x3FC0] =	sst s2  }
0x8f: {  	_ = 	snop  }
0x90: {  	(tm) =	ssettm $0x1  }
0x91: {  	s17 =	sld [smem:$0x3FFB];
	_ =	sdelay $0x3  }
0x92: {  	_ =	strace s17  }
0x93: {  	s2 =	sld [smem:$0x3FFC];
	_ =	sdelay $0x3  }
0x94: {  	_ =	strace s2  }
0x95: {  	s2 =	sld [smem:$0x3FFD];
	_ =	sdelay $0x3  }
0x96: {  	_ =	strace s2  }
0x97: {  	_ =	strace $0x8FFFFFFF  }
0x98: {  	s18 =	sld [smem:$0x3FDB];
	_ =	sdelay $0x1  }
0x99: {  	s19 =	simm.s32 $_scs_section_size  }
0x9a: {  	s4 =	simm.s32 $_size__tile_overlayer_lowered;
	s5 =	simm.s32 $_tile_overlayer_lowered  }
0x9b: {  	s22 =	simm.s32 $0x1BFF;
	s21 =	sshll.u32 s5, $0x1;
	s2 =	sadd.s32 s19, s18  }
0x9c: {  	s6 =	simm.s32 $0x0;
	s20 =	sshll.u32 s4, $0x1;
	s4 =	sadd.s32 s21, s2  }
0x9d: {  	[timem:s6], [sflag:s22] =	dma.local [hbm:s4], s20  }
0x9e: {  	_ =	swait.ge [sflag:s22], s20  }
0x9f: {  	s3 =	ssub.s32 $0x0, s20;
	[sflag:s22] =	ssyncset.done $0x0  }
0xa0: {  	[sflag:s22] =	ssyncadd.s32 s3;
	_ =	sdelay $0x1  }
0xa1: {  	s23 =	simm.s32 $0x1B8B  }
0xa2: {  	_ =	swait.ge [sflag:s23], $0x1  }
0xa3: {  	[sflag:s23] =	ssyncset.done $0x0  }
0xa4: {  	s25 =	simm.s32 $0x1B8E;
	s24 =	sld [smem:$0x3FFE];
	[sflag:s23] =	ssyncadd.s32 $0xFFFFFFFF  }
0xa5: {  	s26 =	simm.s32 $execute0_lowered;
	[smem:$0x3FD2] =	sst s25  }
0xa6: {  	s4 =	sshll.u32 s26, $0x1;
	_ =	strace $0x8000004F;
	[dreg:$0x1] =	wrdreg $0xFFFFFFFF  }
0xa7: {  	s28 =	simm.s32 $_size_execute0_lowered;
	s2 =	sadd.s32 s2, s4;
	[dreg:$0x0] =	wrdreg $0x0  }
0xa8: {  	s4 =	sshll.u32 s28, $0x1;
	[dreg:$0x2] =	wrdreg s2  }
0xa9: {  	[dreg:$0x3] =	wrdreg s4  }
0xaa: {  	[dreg:$0x4] =	wrdreg $0xC0  }
0xab: {  	_ =	task [dreg:s6], $0x5FFFF  }
0xac: {  	[dreg:$0x1] =	wrdreg $0xFFFFFFFF  }
0xad: {  	[dreg:$0x0] =	wrdreg $0x60  }
0xae: {  	[dreg:$0x2] =	wrdreg s24  }
0xaf: {  	[dreg:$0x3] =	wrdreg $0x0  }
0xb0: {  	[dreg:$0x4] =	wrdreg $0x9  }
0xb1: {  	_ =	task.clear_ibuf [dreg:s6], $0x5FFFF;
	_ =	strace $0x9000004F  }
0xb2: {  	s29 =	simm.s32 $0x9;
	_ =	strace $0x80000051  }
0xb3: {  	_ =	swait.ge [sflag:s29], $0x1  }
0xb4: {  	[sflag:s29] =	ssyncadd.s32 $0xFFFFFFFF  }
0xb5: {  	_ =	strace $0x90000051  }
0xb6: {  	_ =	sfence  }
0xb7: {  	s30 =	sld [smem:$0x0];
	_ =	sdelay $0x2  }
0xb8: {  	s31 =	sshll.u32 s1, $0xD;
	s1 =	sshrl.u32 s1, $0x2  }
0xb9: {  	s3 =	sand.u32 $0x4000, s31;
	s1 =	sadd.s32 s1, s30  }
0xba: {  	s0 =	sor.u32 s3, s0;
	s1 =	sshll.u32 s1, $0x11  }
0xbb: {  	s0 =	sor.u32 s1, s0  }
0xbc: {  	s0 =	sadd.s32 $0x8F2B, s0  }
0xbd: {  	[sflag:s0] =	ssyncadd.remote.s32 $0x1  }
0xbe: {  	_ =	sfence.sel $0xFFFF  }
0xbf: {  	[dreg:$0x0] =	wrdreg $0xFFFFFFFF;
	(pc) =	sbr.abs _section_cstart, $3  }
0xc0: {  	[dreg:$0x1] =	wrdreg $0xFFFFFFFF  }
0xc1: {  	_ =	task.clear_ibuf [dreg:s6], $0x2FFFF;
	_ =	strace $0x9FFFFFFF  }
0xc2: {  	(tm) =	ssettm $0x7FFFFFFF  }
0xc3: {  	_ =	shalt  }
tec
execute0_lowered:
.L_overlay_start_1:
0x0: {  	(tag) =	ssettag $0x1  }
0x1: {  	s12 =	rddreg [dreg:$0x0]  }
0x2: {  	s1 =	rddreg [dreg:$0x1]  }
0x3: {  	s2 =	srdreg.scid;
	s0 =	rddreg [dreg:$0x2]  }
0x4: {  	s3 =	simm.s32 $0x0;
	s14 =	simm.s32 $0x98E00;
	s16 =	simm.s32 $0x14000  }
0x5: {  	s17 =	simm.s32 $0x15400;
	s18 =	simm.s32 $0x80;
	s19 =	simm.s32 $0x15480  }
0x6: {  	s20 =	simm.s32 $0x1A800;
	s21 =	simm.s32 $0x1;
	s22 =	simm.s32 $0x3  }
0x7: {  	s23 =	simm.s32 $0x2;
	s24 =	simm.s32 $0x4;
	s25 =	simm.s32 $0x15300  }
0x8: {  	s26 =	simm.s32 $0x15380;
	s9 =	sand.u32 $0x1, s2;
	s2 =	stileid.u32  }
0x9: {  	[smem:$0x7FF] =	sst s3;
	s4 =	sshll.u32 s9, $0x4;
	s5 =	smul.u32 $0x50000, s2  }
0xa: {  	_ =	strace $0x80000050;
	s7 =	ssub.s32 $0x2, s9;
	p0 =	seq.s32 s9, $0x1  }
0xb: {  	s15 =	smul.u32 $0x2800, s2;
	s4 =	sor.u32 s2, s4;
	s31 =	sshrl.u32 s7, $0x1  }
0xc: {  	s14 =	simm.s32 @!p0 $0x70E00;
	s6 =	smul.u32 $0x280, s4;
	s5 =	sshrl.u32 s5, $0x2  }
0xd: {  	s4 =	sadd.s32 $0xEA00, s12;
	s13 =	ssub.s32 s7, s31;
	s5 =	sadd.s32 s5, s1  }
0xe: {  	s14 =	sadd.s32 s14, s12;
	s11 =	sadd.s32 s6, s12;
	s6 =	sadd.s32 $0x4000, s5  }
0xf: {  	s7 =	sadd.s32 $0x8000, s5;
	s8 =	sadd.s32 $0xC000, s5;
	s9 =	sadd.s32 $0x10000, s5  }
0x10: {  	s12 =	smax.u32 s13, $0x1;
	s13 =	sadd.s32 s14, s15;
	s14 =	simm.s32 $0x16800  }
0x11: {  	v0 =	vimm.f32 $0.0e+00;
	s15 =	simm.s32 $0x5;
	s10 =	sadd.s32 $0x9A00, s11;
	s11 =	sadd.s32 $0x4A00, s11  }
.LBB2_1:
0x12: {  	s28 =	simm.s32 $0x0;
	s29 =	simm.s32 $0x200  }
.LBB2_2:
0x13: {  	p0 =	sne.s32 s29, $0xFE00;
	[tilespmem:s28+$0x16870] =	vst v0  }
0x14: {  	[tilespmem:s28+$0x16800] =	vst v0  }
0x15: {  	[tilespmem:s28+$0x16810] =	vst v0  }
.Ltmp0:
0x16: {  	[tilespmem:s28+$0x16820] =	vst v0;
	(pc) =	sbr.rel @p0 .LBB2_2-.Ltmp0, $4  }
0x17: {  	[tilespmem:s28+$0x16830] =	vst v0  }
0x18: {  	[tilespmem:s28+$0x16840] =	vst v0  }
0x19: {  	[tilespmem:s28+$0x16850] =	vst v0  }
0x1a: {  	[tilespmem:s28+$0x16860] =	vst v0;
	s28 =	sshra.s32 s29, $0x2;
	s29 =	sadd.s32 $0x200, s29  }
0x1b: {  	[tilespmem:s28+$0x16870] =	vst v0  }
0x1c: {  	[tilespmem:s28+$0x16800] =	vst v0  }
0x1d: {  	[tilespmem:s28+$0x16810] =	vst v0  }
0x1e: {  	[tilespmem:s28+$0x16820] =	vst v0  }
0x1f: {  	[tilespmem:s28+$0x16830] =	vst v0  }
0x20: {  	[tilespmem:s28+$0x16840] =	vst v0  }
0x21: {  	[tilespmem:s28+$0x16850] =	vst v0  }
0x22: {  	[tilespmem:s28+$0x16860] =	vst v0  }
0x23: {  	[spmem:s5] =	stream.linear.scatter [tilespmem:s14], [sflag:$0x5], $0x4000, $0x38;
	[tilespmem:$0x1E800] =	vst v63  }
0x24: {  	_ =	swait.ge [sflag:s15], $0x4000  }
0x25: {  	[sflag:s15] =	ssyncset.done $0x0  }
0x26: {  	[sflag:s15] =	ssyncadd.s32 $0xFFFFC000  }
0x27: {  	[spmem:s6] =	stream.linear.scatter [tilespmem:s14], [sflag:$0x5], $0x4000, $0x38;
	[tilespmem:$0x1E800] =	vst v63  }
0x28: {  	_ =	swait.ge [sflag:s15], $0x4000  }
0x29: {  	[sflag:s15] =	ssyncset.done $0x0  }
0x2a: {  	[sflag:s15] =	ssyncadd.s32 $0xFFFFC000  }
0x2b: {  	[spmem:s7] =	stream.linear.scatter [tilespmem:s14], [sflag:$0x5], $0x4000, $0x38;
	[tilespmem:$0x1E800] =	vst v63  }
0x2c: {  	_ =	swait.ge [sflag:s15], $0x4000  }
0x2d: {  	[sflag:s15] =	ssyncset.done $0x0  }
0x2e: {  	[sflag:s15] =	ssyncadd.s32 $0xFFFFC000  }
0x2f: {  	[spmem:s8] =	stream.linear.scatter [tilespmem:s14], [sflag:$0x5], $0x4000, $0x38;
	[tilespmem:$0x1E800] =	vst v63  }
0x30: {  	_ =	swait.ge [sflag:s15], $0x4000  }
0x31: {  	[sflag:s15] =	ssyncset.done $0x0  }
0x32: {  	[sflag:s15] =	ssyncadd.s32 $0xFFFFC000  }
0x33: {  	[spmem:s9] =	stream.linear.scatter [tilespmem:s14], [sflag:$0x5], $0x4000, $0x38;
	[tilespmem:$0x1E800] =	vst v63  }
0x34: {  	_ =	swait.ge [sflag:s15], $0x4000  }
0x35: {  	[sflag:s15] =	ssyncset.done $0x0  }
0x36: {  	[sflag:s15] =	ssyncadd.s32 $0xFFFFC000  }
0x37: {  	s28 =	simm.s32 $0x0;
	[bflag:$0x0] =	sbarrier.arrive $0xFFFF  }
0x38: {  	[tilespmem:s16], [sflag:$0x5] =	stream.linear.gather [hbm4b:s10+s28], $0x1400, $0x38;
	[tilespmem:$0x1E800] =	vst v63  }
0x39: {  	_ =	swait.ge [sflag:s15], $0x1400  }
0x3a: {  	[sflag:s15] =	ssyncset.done $0x0  }
0x3b: {  	[sflag:s15] =	ssyncadd.s32 $0xFFFFEC00  }
0x3c: {  	[tilespmem:s17], [sflag:$0x5] =	stream.linear.gather [hbm4b:s11+s28], $0x1400, $0x38;
	[tilespmem:$0x1E800] =	vst v63  }
0x3d: {  	_ =	swait.ge [sflag:s15], $0x1400  }
0x3e: {  	[sflag:s15] =	ssyncset.done $0x0  }
0x3f: {  	[sflag:s15] =	ssyncadd.s32 $0xFFFFEC00  }
0x40: {  	[tilespmem:s14], [sflag:$0x1] =	stream.indirect.gather [hbm4b:s4+s18], $0x80, s17, s18, $0xb8;
	[tilespmem:$0x1E800] =	vst v63  }
0x41: {  	_ = 	snop  }
0x42: {  	[tilespmem:s20], [sflag:$0x2] =	stream.indirect.gather [hbm4b:s4+s18], $0x80, s19, s18, $0xb8;
	[tilespmem:$0x1E800] =	vst v63  }
0x43: {  	_ =	swait.ge [sflag:s21], $0x4000  }
0x44: {  	[sflag:s21] =	ssyncset.done $0x0  }
0x45: {  	s28 =	simm.s32 $0x14000;
	[sflag:s21] =	ssyncadd.s32 $0xFFFFC000  }
0x46: {  	[spmem:s1] =	stream.indirect.scatter.add.f32 [tilespmem:s14], [sflag:$0x3], $0x80, s28, s18, $0xb8;
	[tilespmem:$0x1E800] =	vst v63  }
0x47: {  	_ =	swait.ge [sflag:s22], $0x4000  }
0x48: {  	[sflag:s22] =	ssyncset.done $0x0  }
0x49: {  	s28 =	simm.s32 $0x15500;
	[sflag:s22] =	ssyncadd.s32 $0xFFFFC000  }
0x4a: {  	[tilespmem:s14], [sflag:$0x1] =	stream.indirect.gather [hbm4b:s4+s18], $0x80, s28, s18, $0xb8;
	[tilespmem:$0x1E800] =	vst v63  }
0x4b: {  	_ =	swait.ge [sflag:s23], $0x4000  }
0x4c: {  	[sflag:s23] =	ssyncset.done $0x0  }
0x4d: {  	s28 =	simm.s32 $0x14080;
	[sflag:s23] =	ssyncadd.s32 $0xFFFFC000  }
0x4e: {  	[spmem:s1] =	stream.indirect.scatter.add.f32 [tilespmem:s20], [sflag:$0x4], $0x80, s28, s18, $0xb8;
	[tilespmem:$0x1E800] =	vst v63  }
0x4f: {  	_ =	swait.ge [sflag:s24], $0x4000  }
0x50: {  	[sflag:s24] =	ssyncset.done $0x0  }
0x51: {  	s29 =	simm.s32 $0x15580;
	s28 =	simm.s32 $0x400;
	[sflag:s24] =	ssyncadd.s32 $0xFFFFC000  }
.LBB2_4:
0x52: {  	[tilespmem:s20], [sflag:$0x2] =	stream.indirect.gather [hbm4b:s4+s18], $0x80, s29, s18, $0xb8;
	[tilespmem:$0x1E800] =	vst v63  }
0x53: {  	s29 =	smov.u32 s28  }
0x54: {  	p0 =	sne.s32 s28, $0x4800;
	s28 =	sadd.s32 $0x400, s28;
	_ =	swait.ge [sflag:s21], $0x4000  }
0x55: {  	s29 =	sshra.s32 s29, $0x2;
	[sflag:s21] =	ssyncset.done $0x0  }
0x56: {  	s30 =	sadd.s32 $0x14000, s29;
	[sflag:s21] =	ssyncadd.s32 $0xFFFFC000  }
0x57: {  	[spmem:s1] =	stream.indirect.scatter.add.f32 [tilespmem:s14], [sflag:$0x3], $0x80, s30, s18, $0xb8;
	[tilespmem:$0x1E800] =	vst v63  }
0x58: {  	_ =	swait.ge [sflag:s22], $0x4000  }
0x59: {  	[sflag:s22] =	ssyncset.done $0x0  }
0x5a: {  	s30 =	sadd.s32 $0x15500, s29;
	[sflag:s22] =	ssyncadd.s32 $0xFFFFC000  }
0x5b: {  	[tilespmem:s14], [sflag:$0x1] =	stream.indirect.gather [hbm4b:s4+s18], $0x80, s30, s18, $0xb8;
	[tilespmem:$0x1E800] =	vst v63  }
0x5c: {  	_ =	swait.ge [sflag:s23], $0x4000  }
0x5d: {  	[sflag:s23] =	ssyncset.done $0x0  }
.Ltmp1:
0x5e: {  	s30 =	sadd.s32 $0x14080, s29;
	[sflag:s23] =	ssyncadd.s32 $0xFFFFC000;
	(pc) =	sbr.rel @p0 .LBB2_4-.Ltmp1, $4  }
0x5f: {  	[spmem:s1] =	stream.indirect.scatter.add.f32 [tilespmem:s20], [sflag:$0x4], $0x80, s30, s18, $0xb8;
	[tilespmem:$0x1E800] =	vst v63  }
0x60: {  	_ =	swait.ge [sflag:s24], $0x4000  }
0x61: {  	[sflag:s24] =	ssyncset.done $0x0  }
0x62: {  	s29 =	sadd.s32 $0x15580, s29;
	[sflag:s24] =	ssyncadd.s32 $0xFFFFC000  }
0x63: {  	[tilespmem:s20], [sflag:$0x2] =	stream.indirect.gather [hbm4b:s4+s18], $0x80, s29, s18, $0xb8;
	[tilespmem:$0x1E800] =	vst v63  }
0x64: {  	_ =	swait.ge [sflag:s21], $0x4000  }
0x65: {  	[sflag:s21] =	ssyncset.done $0x0  }
0x66: {  	[sflag:s21] =	ssyncadd.s32 $0xFFFFC000  }
0x67: {  	[spmem:s1] =	stream.indirect.scatter.add.f32 [tilespmem:s14], [sflag:$0x3], $0x80, s25, s18, $0xb8;
	[tilespmem:$0x1E800] =	vst v63  }
0x68: {  	_ =	swait.ge [sflag:s23], $0x4000  }
0x69: {  	[sflag:s23] =	ssyncset.done $0x0  }
0x6a: {  	[sflag:s23] =	ssyncadd.s32 $0xFFFFC000  }
0x6b: {  	[spmem:s1] =	stream.indirect.scatter.add.f32 [tilespmem:s20], [sflag:$0x4], $0x80, s26, s18, $0xb8;
	[tilespmem:$0x1E800] =	vst v63  }
0x6c: {  	_ =	swait.ge [sflag:s22], $0x4000  }
0x6d: {  	[sflag:s22] =	ssyncset.done $0x0  }
0x6e: {  	[sflag:s22] =	ssyncadd.s32 $0xFFFFC000  }
0x6f: {  	_ =	swait.ge [sflag:s24], $0x4000  }
0x70: {  	s28 =	sshll.u32 s2, $0x6;
	s3 =	sadd.s32 $0x1, s3;
	[sflag:s24] =	ssyncset.done $0x0  }
0x71: {  	s31 =	sshrl.u32 s5, $0x3;
	p0 =	sne.s32 s3, s12;
	[sflag:s24] =	ssyncadd.s32 $0xFFFFC000  }
.Ltmp2:
0x72: {  	s28 =	sor.u32 $0x1C05, s28;
	[bflag:$0x0] =	sbarrier.arrive $0xFFFF;
	(pc) =	sbr.rel @p0 .LBB2_1-.Ltmp2, $4  }
0x73: {  	[hbm:s13], [sflag:s28] =	dma.local [spmem:s31], $0x2800  }
0x74: {  	_ =	swait.ge [sflag:s15], $0x2800  }
0x75: {  	[sflag:s15] =	ssyncset.done $0x0  }
0x76: {  	[sflag:s15] =	ssyncadd.s32 $0xFFFFD800  }
0x77: {  	_ =	sfence.sel $0x180000  }
0x78: {  	[bflag:$0x0] =	sbarrier.arrive $0xFFFF  }
0x79: {  	p0 =	sne.s32 s2, $0x0;
	_ =	strace $0x90000050  }
0x7a: {  	s0 =	sadd.s32 @!p0 $0x100000, s0;
	[bflag:$0x2] =	sbarrier.arrive $0xFFFF  }
0x7b: {  	[sflag:s0] =	ssyncadd.tile.s32 @!p0 $0x1;
	_ =	shalt  }
.Lfunc_end2:
_tile_overlayer_lowered:
.L_overlay_start_2:
0x7c: {  	(tag) =	ssettag $0x2  }
0x7d: {  	s0 =	rddreg [dreg:$0x0];
	s2 =	stileid.u32  }
0x7e: {  	s1 =	rddreg [dreg:$0x1];
	p0 =	sne.s32 s2, $0x0  }
0x7f: {  	s3 =	rddreg [dreg:$0x2];
	[bflag:$0x3] =	sbarrier.arrive $0xFFFF;
	s2 =	simm.s32 @!p0 $0x1C05  }
0x80: {  	[timem:s3], [sflag:s2] =	dma.local @!p0 [hbm:s0], s1  }
0x81: {  	s0 =	simm.s32 @!p0 $0x5  }
0x82: {  	_ =	swait.ge @!p0 [sflag:s0], s1  }
0x83: {  	s1 =	ssub.s32 @!p0 $0x0, s1;
	[sflag:s0] =	ssyncset.done @!p0 $0x0  }
0x84: {  	[sflag:s0] =	ssyncadd.s32 @!p0 s1  }
0x85: {  	[bflag:$0x3] =	sbarrier.arrive $0xFFFF  }
0x86: {  	_ =	shalt  }

// kernel: gcn_sc_agg.5.cloned.1.call-start
scs
__scs_entry_jumppad:
0x0: {  	(pc) =	sbr.rel $0x88, $3  }
0x1: {  	(tag) =	ssettag $0x0;
	lr =	simm.s32 $0x1  }
0x2: {  	[smem:$0x3F99] =	sst lr;
	_ =	strace $0xD0000000  }
0x3: {  	_ = 	snop  }
0x4: {  	_ = 	snop  }
0x5: {  	_ = 	snop  }
0x6: {  	_ = 	snop  }
0x7: {  	_ = 	snop  }
__scs_overlays_trampoline_lowered:
0x8: {  	[smem:$0x3FA8] =	sst s0  }
0x9: {  	[smem:$0x3FA9] =	sst s1  }
0xa: {  	[smem:$0x3FAA] =	sst s2  }
0xb: {  	[smem:$0x3FAB] =	sst s3  }
0xc: {  	[smem:$0x3FAC] =	sst s4  }
0xd: {  	[smem:$0x3FAD] =	sst s5  }
0xe: {  	[smem:$0x3FAE] =	sst s6  }
0xf: {  	[smem:$0x3FAF] =	sst s7  }
0x10: {  	[smem:$0x3FB0] =	sst s8  }
0x11: {  	[smem:$0x3FB1] =	sst s9;
	s0 =	simm.s32 @!p0 $0x0  }
0x12: {  	s1 =	sld [smem:$0x3F97];
	s0 =	simm.s32 @p0 $0x1  }
0x13: {  	[smem:$0x3FB2] =	sst s0;
	s0 =	simm.s32 @!p1 $0x0  }
0x14: {  	s2 =	sld [smem:$0x3F96];
	s0 =	simm.s32 @p1 $0x1  }
0x15: {  	[smem:$0x3FB3] =	sst s0;
	s0 =	simm.s32 @!p2 $0x0  }
0x16: {  	s3 =	sld [smem:$0x3FDB];
	s0 =	simm.s32 @p2 $0x1  }
0x17: {  	s4 =	simm.s32 $0x1BF5;
	[smem:$0x3FB5] =	sst s0  }
0x18: {  	s0 =	sld [smem:$0x3F98];
	_ =	swait.ge [sflag:s4], $0x0  }
0x19: {  	s7 =	sld [smem:$0x3F99]  }
0x1a: {  	s8 =	sadd.s32 $0xFFFFE003, lr  }
0x1b: {  	s9 =	sadd.s32 $0xFFFFFEF7, lr;
	s5 =	simm.s32 $0xFFFFFFFF;
	p2 =	slt.u32 s8, $0xFFFFF086  }
0x1c: {  	p1 =	slt.u32 s9, $0xF7A;
	s5 =	simm.s32 @!p2 $0x0  }
0x1d: {  	s5 =	simm.s32 @p1 $0x1;
	p0 =	seq.s32 s7, s2  }
0x1e: {  	s7 =	smul.u32 @!p0 $0xF7A, s2;
	p2 =	seq.s32 @!p0 s5, $0x0  }
0x1f: {  	s9 =	smul.u32 $0xF7A, s1;
	s8 =	simm.s32 @!p0 $0x1BF5;
	p2 =	por !p2, p0  }
0x20: {  	[sflag:s8] =	ssyncset.s32 @!p0 $0xFFFFF086;
	s6 =	sadd.s32 @!p0 s3, s7;
	s7 =	simm.s32 @!p0 $0x108  }
0x21: {  	s3 =	sadd.s32 s3, s9;
	s6 =	sadd.s32 @!p0 $0x88, s6;
	s7 =	simm.s32 @p2 $0x1082  }
0x22: {  	[simem:s7], [sflag:s8] =	dma.local @!p0 [hbm:s6], $0xF7A  }
0x23: {  	s9 =	sor.u32 $0xD0000000, s2;
	s6 =	simm.s32 $0x108;
	_ =	swait.ge @!p0 [sflag:s8], $0x0  }
0x24: {  	s3 =	sadd.s32 $0x88, s3;
	s6 =	simm.s32 @!p1 $0x1082;
	[sflag:s4] =	ssyncset.s32 $0xFFFFF086  }
0x25: {  	[simem:s6], [sflag:s4] =	dma.local [hbm:s3], $0xF7A  }
0x26: {  	[smem:$0x3F99] =	sst s1;
	(tag) =	ssettag s2;
	_ =	strace s9  }
0x27: {  	s1 =	sld [smem:$0x3FA9]  }
0x28: {  	s2 =	sld [smem:$0x3FAA]  }
0x29: {  	s4 =	sld [smem:$0x3FAC]  }
0x2a: {  	p0 =	seq.s32 s5, $0x0;
	s5 =	sld [smem:$0x3FAD]  }
0x2b: {  	s6 =	sld [smem:$0x3FAE]  }
0x2c: {  	s7 =	sld [smem:$0x3FAF]  }
0x2d: {  	s3 =	simm.s32 $0x108;
	s8 =	sld [smem:$0x3FB0]  }
0x2e: {  	s3 =	simm.s32 @!p0 $0x1082;
	s9 =	sld [smem:$0x3FB1]  }
0x2f: {  	lr =	sadd.s32 s0, s3;
	s0 =	sld [smem:$0x3FA8]  }
0x30: {  	s3 =	sld [smem:$0x3FAB]  }
0x31: {  	[smem:$0x3FB4] =	sst s10  }
0x32: {  	s10 =	sld [smem:$0x3FB2];
	_ =	sdelay $0x3  }
0x33: {  	p0 =	seq.s32 s10, $0x1;
	s10 =	sld [smem:$0x3FB4];
	_ =	sdelay $0x3  }
0x34: {  	[smem:$0x3FB4] =	sst s10  }
0x35: {  	s10 =	sld [smem:$0x3FB3];
	_ =	sdelay $0x3  }
0x36: {  	p1 =	seq.s32 s10, $0x1;
	s10 =	sld [smem:$0x3FB4];
	_ =	sdelay $0x3  }
0x37: {  	[smem:$0x3FB4] =	sst s10  }
0x38: {  	s10 =	sld [smem:$0x3FB5]  }
0x39: {  	_ = 	snop;
	(pc) =	sbr.ind lr, $3  }
0x3a: {  	_ = 	snop  }
0x3b: {  	_ = 	snop  }
0x3c: {  	p2 =	seq.s32 s10, $0x1;
	s10 =	sld [smem:$0x3FB4]  }
0x3d: {  	_ =	shalt  }
0x3e: {  	_ =	shalt  }
0x3f: {  	_ =	shalt  }
0x40: {  	_ =	shalt  }
0x41: {  	_ =	shalt  }
0x42: {  	_ =	shalt  }
0x43: {  	_ =	shalt  }
0x44: {  	_ =	shalt  }
0x45: {  	_ =	shalt  }
0x46: {  	_ =	shalt  }
0x47: {  	_ =	shalt  }
0x48: {  	_ =	shalt  }
0x49: {  	_ =	shalt  }
0x4a: {  	_ =	shalt  }
0x4b: {  	_ =	shalt  }
0x4c: {  	_ =	shalt  }
0x4d: {  	_ =	shalt  }
0x4e: {  	_ =	shalt  }
0x4f: {  	_ =	shalt  }
0x50: {  	_ =	shalt  }
0x51: {  	_ =	shalt  }
0x52: {  	_ =	shalt  }
0x53: {  	_ =	shalt  }
0x54: {  	_ =	shalt  }
0x55: {  	_ =	shalt  }
0x56: {  	_ =	shalt  }
0x57: {  	_ =	shalt  }
0x58: {  	_ =	shalt  }
0x59: {  	_ =	shalt  }
0x5a: {  	_ =	shalt  }
0x5b: {  	_ =	shalt  }
0x5c: {  	_ =	shalt  }
0x5d: {  	_ =	shalt  }
0x5e: {  	_ =	shalt  }
0x5f: {  	_ =	shalt  }
0x60: {  	_ =	shalt  }
0x61: {  	_ =	shalt  }
0x62: {  	_ =	shalt  }
0x63: {  	_ =	shalt  }
0x64: {  	_ =	shalt  }
0x65: {  	_ =	shalt  }
0x66: {  	_ =	shalt  }
0x67: {  	_ =	shalt  }
0x68: {  	_ =	shalt  }
0x69: {  	_ =	shalt  }
0x6a: {  	_ =	shalt  }
0x6b: {  	_ =	shalt  }
0x6c: {  	_ =	shalt  }
0x6d: {  	_ =	shalt  }
0x6e: {  	_ =	shalt  }
0x6f: {  	_ =	shalt  }
0x70: {  	_ =	shalt  }
0x71: {  	_ =	shalt  }
0x72: {  	_ =	shalt  }
0x73: {  	_ =	shalt  }
0x74: {  	_ =	shalt  }
0x75: {  	_ =	shalt  }
0x76: {  	_ =	shalt  }
0x77: {  	_ =	shalt  }
0x78: {  	_ =	shalt  }
0x79: {  	_ =	shalt  }
0x7a: {  	_ =	shalt  }
0x7b: {  	_ =	shalt  }
0x7c: {  	_ =	shalt  }
0x7d: {  	_ =	shalt  }
0x7e: {  	_ =	shalt  }
0x7f: {  	_ =	shalt  }
0x80: {  	_ =	shalt  }
0x81: {  	_ =	shalt  }
0x82: {  	_ =	shalt  }
0x83: {  	_ =	shalt  }
0x84: {  	_ =	shalt  }
0x85: {  	_ =	shalt  }
0x86: {  	_ =	shalt  }
0x87: {  	_ =	shalt  }
.Lfunc_end0:
.L_simem_size_0:
called_computation.1_lowered:
.L_overlay_start_0:
0x88: {  	s2 =	sld [smem:$0x3FD9]  }
0x89: {  	s3 =	sld [smem:$0x3FFE];
	_ =	sdelay $0x1  }
0x8a: {  	s1 =	srdreg.scid  }
0x8b: {  	s0 =	sand.u32 $0x1, s1  }
0x8c: {  	s16 =	sshll.u32 s0, $0xA;
	s2 =	sadd.s32 s3, s2  }
0x8d: {  	s2 =	sadd.s32 s2, s16  }
0x8e: {  	[smem:$0x3FC0] =	sst s2  }
0x8f: {  	_ = 	snop  }
0x90: {  	(tm) =	ssettm $0x1  }
0x91: {  	s17 =	sld [smem:$0x3FFB];
	_ =	sdelay $0x3  }
0x92: {  	_ =	strace s17  }
0x93: {  	s2 =	sld [smem:$0x3FFC];
	_ =	sdelay $0x3  }
0x94: {  	_ =	strace s2  }
0x95: {  	s2 =	sld [smem:$0x3FFD];
	_ =	sdelay $0x3  }
0x96: {  	_ =	strace s2  }
0x97: {  	_ =	strace $0x8FFFFFFF  }
0x98: {  	s18 =	sld [smem:$0x3FDB];
	_ =	sdelay $0x1  }
0x99: {  	s19 =	simm.s32 $_scs_section_size  }
0x9a: {  	s4 =	simm.s32 $_size__tile_overlayer_lowered;
	s5 =	simm.s32 $_tile_overlayer_lowered  }
0x9b: {  	s22 =	simm.s32 $0x1BFF;
	s21 =	sshll.u32 s5, $0x1;
	s2 =	sadd.s32 s19, s18  }
0x9c: {  	s6 =	simm.s32 $0x0;
	s20 =	sshll.u32 s4, $0x1;
	s4 =	sadd.s32 s21, s2  }
0x9d: {  	[timem:s6], [sflag:s22] =	dma.local [hbm:s4], s20  }
0x9e: {  	_ =	swait.ge [sflag:s22], s20  }
0x9f: {  	s3 =	ssub.s32 $0x0, s20;
	[sflag:s22] =	ssyncset.done $0x0  }
0xa0: {  	[sflag:s22] =	ssyncadd.s32 s3;
	_ =	sdelay $0x1  }
0xa1: {  	s23 =	simm.s32 $0x1B8B  }
0xa2: {  	_ =	swait.ge [sflag:s23], $0x1  }
0xa3: {  	[sflag:s23] =	ssyncset.done $0x0  }
0xa4: {  	s25 =	simm.s32 $0x1B8E;
	s24 =	sld [smem:$0x3FFE];
	[sflag:s23] =	ssyncadd.s32 $0xFFFFFFFF  }
0xa5: {  	s26 =	simm.s32 $execute0_lowered;
	[smem:$0x3FD2] =	sst s25  }
0xa6: {  	s4 =	sshll.u32 s26, $0x1;
	_ =	strace $0x80000049;
	[dreg:$0x1] =	wrdreg $0xFFFFFFFF  }
0xa7: {  	s28 =	simm.s32 $_size_execute0_lowered;
	s2 =	sadd.s32 s2, s4;
	[dreg:$0x0] =	wrdreg $0x0  }
0xa8: {  	s4 =	sshll.u32 s28, $0x1;
	[dreg:$0x2] =	wrdreg s2  }
0xa9: {  	[dreg:$0x3] =	wrdreg s4  }
0xaa: {  	[dreg:$0x4] =	wrdreg $0xC0  }
0xab: {  	_ =	task [dreg:s6], $0x5FFFF  }
0xac: {  	[dreg:$0x1] =	wrdreg $0xFFFFFFFF  }
0xad: {  	[dreg:$0x0] =	wrdreg $0x60  }
0xae: {  	[dreg:$0x2] =	wrdreg s24  }
0xaf: {  	[dreg:$0x3] =	wrdreg $0x0  }
0xb0: {  	[dreg:$0x4] =	wrdreg $0x9  }
0xb1: {  	_ =	task.clear_ibuf [dreg:s6], $0x5FFFF;
	_ =	strace $0x90000049  }
0xb2: {  	s29 =	simm.s32 $0x9;
	_ =	strace $0x8000004B  }
0xb3: {  	_ =	swait.ge [sflag:s29], $0x1  }
0xb4: {  	[sflag:s29] =	ssyncadd.s32 $0xFFFFFFFF  }
0xb5: {  	_ =	strace $0x9000004B  }
0xb6: {  	_ =	sfence  }
0xb7: {  	s30 =	sld [smem:$0x0];
	_ =	sdelay $0x2  }
0xb8: {  	s31 =	sshll.u32 s1, $0xD;
	s1 =	sshrl.u32 s1, $0x2  }
0xb9: {  	s3 =	sand.u32 $0x4000, s31;
	s1 =	sadd.s32 s1, s30  }
0xba: {  	s0 =	sor.u32 s3, s0;
	s1 =	sshll.u32 s1, $0x11  }
0xbb: {  	s0 =	sor.u32 s1, s0  }
0xbc: {  	s0 =	sadd.s32 $0x8F2B, s0  }
0xbd: {  	[sflag:s0] =	ssyncadd.remote.s32 $0x1  }
0xbe: {  	_ =	sfence.sel $0xFFFF  }
0xbf: {  	[dreg:$0x0] =	wrdreg $0xFFFFFFFF;
	(pc) =	sbr.abs _section_cstart, $3  }
0xc0: {  	[dreg:$0x1] =	wrdreg $0xFFFFFFFF  }
0xc1: {  	_ =	task.clear_ibuf [dreg:s6], $0x2FFFF;
	_ =	strace $0x9FFFFFFF  }
0xc2: {  	(tm) =	ssettm $0x7FFFFFFF  }
0xc3: {  	_ =	shalt  }
tec
execute0_lowered:
.L_overlay_start_1:
0x0: {  	(tag) =	ssettag $0x1  }
0x1: {  	s0 =	rddreg [dreg:$0x0]  }
0x2: {  	s1 =	rddreg [dreg:$0x1];
	s2 =	simm.s32 $0x0  }
0x3: {  	s10 =	stileid.u32;
	s8 =	srdreg.scid;
	s28 =	simm.s32 $0x15480  }
0x4: {  	s29 =	simm.s32 $0x1A800;
	s30 =	simm.s32 $0x1;
	s31 =	simm.s32 $0x3  }
0x5: {  	s16 =	simm.s32 $0x0;
	[smem:$0x7FF] =	sst s2;
	s4 =	sadd.s32 $0xEA00, s0  }
0x6: {  	s5 =	sadd.s32 $0x70E00, s0;
	s6 =	sadd.s32 $0x98E00, s0;
	s17 =	smul.u32 $0x50000, s10  }
0x7: {  	s7 =	sadd.s32 $0xC0E00, s0;
	s3 =	sadd.s32 $0x9A00, s0;
	s9 =	smul.u32 $0x2800, s10  }
0x8: {  	s13 =	sand.u32 $0x1, s8;
	s14 =	sadd.s32 $0x4A00, s0;
	s23 =	smul.u32 $0x500, s10  }
0x9: {  	_ =	strace $0x8000004A;
	s15 =	ssub.s32 $0x2, s13;
	p0 =	sne.s32 s13, $0x0  }
0xa: {  	s13 =	simm.s32 $0x4;
	s2 =	sshrl.u32 s17, $0x2;
	s0 =	sadd.s32 s9, s0  }
0xb: {  	s18 =	sshrl.u32 s15, $0x1;
	s26 =	sadd.s32 $0x280, s23;
	s8 =	sadd.s32 s2, s1  }
0xc: {  	s21 =	sadd.s32 $0x110E00, s0;
	s22 =	sadd.s32 $0xE8E00, s0;
	s2 =	ssub.s32 s15, s18  }
0xd: {  	s24 =	sadd.s32 $0x138E00, s0;
	s0 =	sadd.s32 $0x160E00, s0;
	[dreg:$0x5] =	wrdreg s21  }
0xe: {  	s18 =	sadd.s32 s3, s23;
	s15 =	simm.s32 $0x15380;
	[dreg:$0x6] =	wrdreg s22  }
0xf: {  	s19 =	sadd.s32 $0x4000, s8;
	s20 =	sadd.s32 $0x8000, s8;
	[dreg:$0x7] =	wrdreg s24  }
0x10: {  	s11 =	sadd.s32 $0xC000, s8;
	s12 =	sadd.s32 $0x10000, s8;
	[dreg:$0x8] =	wrdreg s0  }
.Ltmp0:
0x11: {  	s25 =	smax.u32 s2, $0x1;
	[dreg:$0x3] =	wrdreg s19;
	(pc) =	sbr.rel .LBB2_1-.Ltmp0, $4  }
0x12: {  	s21 =	sadd.s32 s14, s26;
	s22 =	simm.s32 $0x16800;
	[dreg:$0x4] =	wrdreg s20  }
0x13: {  	s24 =	simm.s32 $0x14000;
	s0 =	simm.s32 $0x2;
	[dreg:$0x9] =	wrdreg s25  }
0x14: {  	s19 =	sadd.s32 s14, s23;
	s20 =	sadd.s32 s3, s26;
	s23 =	simm.s32 $0x5  }
0x15: {  	v0 =	vimm.f32 $0.0e+00;
	s25 =	simm.s32 $0x15400;
	s26 =	simm.s32 $0x80;
	s14 =	simm.s32 $0x15300  }
.LBB2_25:
0x16: {  	[tilespmem:s29], [sflag:$0x2] =	stream.indirect.gather [hbm4b:s7+s26], $0x80, s9, s26, $0xb8;
	[tilespmem:$0x1E800] =	vst v63  }
0x17: {  	_ =	swait.ge [sflag:s30], $0x4000  }
0x18: {  	[sflag:s30] =	ssyncset.done $0x0  }
0x19: {  	[sflag:s30] =	ssyncadd.s32 $0xFFFFC000  }
0x1a: {  	[spmem:s1] =	stream.indirect.scatter.add.f32 [tilespmem:s22], [sflag:$0x3], $0x80, s14, s26, $0xb8;
	[tilespmem:$0x1E800] =	vst v63  }
0x1b: {  	_ =	swait.ge [sflag:s0], $0x4000  }
0x1c: {  	[sflag:s0] =	ssyncset.done $0x0  }
0x1d: {  	[sflag:s0] =	ssyncadd.s32 $0xFFFFC000  }
0x1e: {  	[spmem:s1] =	stream.indirect.scatter.add.f32 [tilespmem:s29], [sflag:$0x4], $0x80, s15, s26, $0xb8;
	[tilespmem:$0x1E800] =	vst v63  }
0x1f: {  	_ =	swait.ge [sflag:s31], $0x4000  }
0x20: {  	[sflag:s31] =	ssyncset.done $0x0  }
0x21: {  	[sflag:s31] =	ssyncadd.s32 $0xFFFFC000  }
0x22: {  	_ =	swait.ge [sflag:s13], $0x4000  }
0x23: {  	[sflag:s13] =	ssyncset.done $0x0  }
0x24: {  	[sflag:s13] =	ssyncadd.s32 $0xFFFFC000  }
0x25: {  	[bflag:$0x0] =	sbarrier.arrive $0xFFFF  }
0x26: {  	s17 =	rddreg [dreg:$0x8]  }
0x27: {  	[hbm:s17], [sflag:s2] =	dma.local [spmem:s3], $0x2800  }
.LBB2_26:
0x28: {  	_ =	swait.ge [sflag:s23], $0x2800  }
0x29: {  	s16 =	sadd.s32 $0x1, s16;
	s2 =	rddreg [dreg:$0x9]  }
0x2a: {  	p1 =	sne.s32 s16, s2  }
.Ltmp1:
0x2b: {  	_ = 	snop;
	(pc) =	sbr.rel @!p1 .LBB2_27-.Ltmp1, $3  }
0x2c: {  	_ =	sdelay $0x1  }
0x2d: {  	[sflag:s23] =	ssyncset.done $0x0  }
0x2e: {  	[sflag:s23] =	ssyncadd.s32 $0xFFFFD800  }
.LBB2_1:
.Ltmp2:
0x2f: {  	(pc) =	sbr.rel @p0 .LBB2_14-.Ltmp2, $3  }
0x30: {  	_ =	sdelay $0x1  }
0x31: {  	s3 =	simm.s32 $0x0  }
0x32: {  	s2 =	sshra.s32 s3, $0x2;
	s3 =	sadd.s32 $0x200, s3  }
.LBB2_2:
0x33: {  	p1 =	sne.s32 s3, $0xFE00;
	[tilespmem:s2+$0x16870] =	vst v0  }
0x34: {  	[tilespmem:s2+$0x16800] =	vst v0  }
0x35: {  	[tilespmem:s2+$0x16810] =	vst v0  }
.Ltmp3:
0x36: {  	[tilespmem:s2+$0x16820] =	vst v0;
	(pc) =	sbr.rel @p1 .LBB2_2-.Ltmp3, $4  }
0x37: {  	[tilespmem:s2+$0x16830] =	vst v0  }
0x38: {  	[tilespmem:s2+$0x16840] =	vst v0  }
0x39: {  	[tilespmem:s2+$0x16850] =	vst v0  }
0x3a: {  	[tilespmem:s2+$0x16860] =	vst v0;
	s2 =	sshra.s32 s3, $0x2;
	s3 =	sadd.s32 $0x200, s3  }
0x3b: {  	[tilespmem:s2+$0x16870] =	vst v0  }
0x3c: {  	[tilespmem:s2+$0x16800] =	vst v0  }
0x3d: {  	[tilespmem:s2+$0x16810] =	vst v0  }
0x3e: {  	[tilespmem:s2+$0x16820] =	vst v0  }
0x3f: {  	[tilespmem:s2+$0x16830] =	vst v0  }
0x40: {  	[tilespmem:s2+$0x16840] =	vst v0  }
0x41: {  	[tilespmem:s2+$0x16850] =	vst v0  }
0x42: {  	[tilespmem:s2+$0x16860] =	vst v0  }
0x43: {  	[spmem:s8] =	stream.linear.scatter [tilespmem:s22], [sflag:$0x5], $0x4000, $0x38;
	[tilespmem:$0x1E800] =	vst v63  }
0x44: {  	_ =	swait.ge [sflag:s23], $0x4000  }
0x45: {  	[sflag:s23] =	ssyncset.done $0x0  }
0x46: {  	s10 =	rddreg [dreg:$0x3];
	[sflag:s23] =	ssyncadd.s32 $0xFFFFC000  }
0x47: {  	[spmem:s10] =	stream.linear.scatter [tilespmem:s22], [sflag:$0x5], $0x4000, $0x38;
	[tilespmem:$0x1E800] =	vst v63  }
0x48: {  	_ =	swait.ge [sflag:s23], $0x4000  }
0x49: {  	[sflag:s23] =	ssyncset.done $0x0  }
0x4a: {  	s17 =	rddreg [dreg:$0x4];
	[sflag:s23] =	ssyncadd.s32 $0xFFFFC000  }
0x4b: {  	[spmem:s17] =	stream.linear.scatter [tilespmem:s22], [sflag:$0x5], $0x4000, $0x38;
	[tilespmem:$0x1E800] =	vst v63  }
0x4c: {  	_ =	swait.ge [sflag:s23], $0x4000  }
0x4d: {  	[sflag:s23] =	ssyncset.done $0x0  }
0x4e: {  	[sflag:s23] =	ssyncadd.s32 $0xFFFFC000  }
0x4f: {  	[spmem:s11] =	stream.linear.scatter [tilespmem:s22], [sflag:$0x5], $0x4000, $0x38;
	[tilespmem:$0x1E800] =	vst v63  }
0x50: {  	_ =	swait.ge [sflag:s23], $0x4000  }
0x51: {  	[sflag:s23] =	ssyncset.done $0x0  }
0x52: {  	[sflag:s23] =	ssyncadd.s32 $0xFFFFC000  }
0x53: {  	[spmem:s12] =	stream.linear.scatter [tilespmem:s22], [sflag:$0x5], $0x4000, $0x38;
	[tilespmem:$0x1E800] =	vst v63  }
0x54: {  	_ =	swait.ge [sflag:s23], $0x4000  }
0x55: {  	[sflag:s23] =	ssyncset.done $0x0  }
0x56: {  	[sflag:s23] =	ssyncadd.s32 $0xFFFFC000  }
0x57: {  	s3 =	simm.s32 $0x0;
	[bflag:$0x0] =	sbarrier.arrive $0xFFFF  }
0x58: {  	[tilespmem:s24], [sflag:$0x5] =	stream.linear.gather [hbm4b:s18+s3], $0x1400, $0x38;
	[tilespmem:$0x1E800] =	vst v63  }
0x59: {  	_ =	swait.ge [sflag:s23], $0x1400  }
0x5a: {  	[sflag:s23] =	ssyncset.done $0x0  }
0x5b: {  	[sflag:s23] =	ssyncadd.s32 $0xFFFFEC00  }
0x5c: {  	[tilespmem:s25], [sflag:$0x5] =	stream.linear.gather [hbm4b:s19+s3], $0x1400, $0x38;
	[tilespmem:$0x1E800] =	vst v63  }
0x5d: {  	_ =	swait.ge [sflag:s23], $0x1400  }
0x5e: {  	[sflag:s23] =	ssyncset.done $0x0  }
0x5f: {  	[sflag:s23] =	ssyncadd.s32 $0xFFFFEC00  }
0x60: {  	[tilespmem:s22], [sflag:$0x1] =	stream.indirect.gather [hbm4b:s4+s26], $0x80, s25, s26, $0xb8;
	[tilespmem:$0x1E800] =	vst v63  }
0x61: {  	_ = 	snop  }
0x62: {  	[tilespmem:s29], [sflag:$0x2] =	stream.indirect.gather [hbm4b:s4+s26], $0x80, s28, s26, $0xb8;
	[tilespmem:$0x1E800] =	vst v63  }
0x63: {  	_ =	swait.ge [sflag:s30], $0x4000  }
0x64: {  	[sflag:s30] =	ssyncset.done $0x0  }
0x65: {  	s9 =	simm.s32 $0x14000;
	[sflag:s30] =	ssyncadd.s32 $0xFFFFC000  }
0x66: {  	[spmem:s1] =	stream.indirect.scatter.add.f32 [tilespmem:s22], [sflag:$0x3], $0x80, s9, s26, $0xb8;
	[tilespmem:$0x1E800] =	vst v63  }
0x67: {  	_ =	swait.ge [sflag:s31], $0x4000  }
0x68: {  	[sflag:s31] =	ssyncset.done $0x0  }
0x69: {  	s10 =	simm.s32 $0x15500;
	[sflag:s31] =	ssyncadd.s32 $0xFFFFC000  }
0x6a: {  	[tilespmem:s22], [sflag:$0x1] =	stream.indirect.gather [hbm4b:s4+s26], $0x80, s10, s26, $0xb8;
	[tilespmem:$0x1E800] =	vst v63  }
0x6b: {  	_ =	swait.ge [sflag:s0], $0x4000  }
0x6c: {  	[sflag:s0] =	ssyncset.done $0x0  }
0x6d: {  	s17 =	simm.s32 $0x14080;
	[sflag:s0] =	ssyncadd.s32 $0xFFFFC000  }
0x6e: {  	[spmem:s1] =	stream.indirect.scatter.add.f32 [tilespmem:s29], [sflag:$0x4], $0x80, s17, s26, $0xb8;
	[tilespmem:$0x1E800] =	vst v63  }
0x6f: {  	_ =	swait.ge [sflag:s13], $0x4000  }
0x70: {  	[sflag:s13] =	ssyncset.done $0x0  }
0x71: {  	s2 =	simm.s32 $0x400;
	s3 =	simm.s32 $0x15580;
	[sflag:s13] =	ssyncadd.s32 $0xFFFFC000  }
.LBB2_4:
0x72: {  	[tilespmem:s29], [sflag:$0x2] =	stream.indirect.gather [hbm4b:s4+s26], $0x80, s3, s26, $0xb8;
	[tilespmem:$0x1E800] =	vst v63  }
0x73: {  	s3 =	smov.u32 s2  }
0x74: {  	p1 =	sne.s32 s2, $0x4800;
	s2 =	sadd.s32 $0x400, s2;
	_ =	swait.ge [sflag:s30], $0x4000  }
0x75: {  	s3 =	sshra.s32 s3, $0x2;
	[sflag:s30] =	ssyncset.done $0x0  }
0x76: {  	s9 =	sadd.s32 $0x14000, s3;
	[sflag:s30] =	ssyncadd.s32 $0xFFFFC000  }
0x77: {  	[spmem:s1] =	stream.indirect.scatter.add.f32 [tilespmem:s22], [sflag:$0x3], $0x80, s9, s26, $0xb8;
	[tilespmem:$0x1E800] =	vst v63  }
0x78: {  	_ =	swait.ge [sflag:s31], $0x4000  }
0x79: {  	[sflag:s31] =	ssyncset.done $0x0  }
0x7a: {  	s9 =	sadd.s32 $0x15500, s3;
	[sflag:s31] =	ssyncadd.s32 $0xFFFFC000  }
0x7b: {  	[tilespmem:s22], [sflag:$0x1] =	stream.indirect.gather [hbm4b:s4+s26], $0x80, s9, s26, $0xb8;
	[tilespmem:$0x1E800] =	vst v63  }
0x7c: {  	_ =	swait.ge [sflag:s0], $0x4000  }
0x7d: {  	[sflag:s0] =	ssyncset.done $0x0  }
.Ltmp4:
0x7e: {  	s9 =	sadd.s32 $0x14080, s3;
	[sflag:s0] =	ssyncadd.s32 $0xFFFFC000;
	(pc) =	sbr.rel @p1 .LBB2_4-.Ltmp4, $4  }
0x7f: {  	[spmem:s1] =	stream.indirect.scatter.add.f32 [tilespmem:s29], [sflag:$0x4], $0x80, s9, s26, $0xb8;
	[tilespmem:$0x1E800] =	vst v63  }
0x80: {  	_ =	swait.ge [sflag:s13], $0x4000  }
0x81: {  	[sflag:s13] =	ssyncset.done $0x0  }
0x82: {  	s3 =	sadd.s32 $0x15580, s3;
	[sflag:s13] =	ssyncadd.s32 $0xFFFFC000  }
0x83: {  	[tilespmem:s29], [sflag:$0x2] =	stream.indirect.gather [hbm4b:s4+s26], $0x80, s3, s26, $0xb8;
	[tilespmem:$0x1E800] =	vst v63  }
0x84: {  	_ =	swait.ge [sflag:s30], $0x4000  }
0x85: {  	[sflag:s30] =	ssyncset.done $0x0  }
0x86: {  	[sflag:s30] =	ssyncadd.s32 $0xFFFFC000  }
0x87: {  	[spmem:s1] =	stream.indirect.scatter.add.f32 [tilespmem:s22], [sflag:$0x3], $0x80, s14, s26, $0xb8;
	[tilespmem:$0x1E800] =	vst v63  }
0x88: {  	_ =	swait.ge [sflag:s0], $0x4000  }
0x89: {  	[sflag:s0] =	ssyncset.done $0x0  }
0x8a: {  	[sflag:s0] =	ssyncadd.s32 $0xFFFFC000  }
0x8b: {  	[spmem:s1] =	stream.indirect.scatter.add.f32 [tilespmem:s29], [sflag:$0x4], $0x80, s15, s26, $0xb8;
	[tilespmem:$0x1E800] =	vst v63  }
0x8c: {  	_ =	swait.ge [sflag:s31], $0x4000  }
0x8d: {  	[sflag:s31] =	ssyncset.done $0x0  }
0x8e: {  	[sflag:s31] =	ssyncadd.s32 $0xFFFFC000  }
0x8f: {  	_ =	swait.ge [sflag:s13], $0x4000  }
0x90: {  	[sflag:s13] =	ssyncset.done $0x0  }
0x91: {  	s2 =	simm.s32 $0x0;
	[sflag:s13] =	ssyncadd.s32 $0xFFFFC000  }
0x92: {  	[tilespmem:s24], [sflag:$0x5] =	stream.linear.gather [hbm4b:s20+s2], $0x1400, $0x38;
	[tilespmem:$0x1E800] =	vst v63  }
0x93: {  	_ =	swait.ge [sflag:s23], $0x1400  }
0x94: {  	[sflag:s23] =	ssyncset.done $0x0  }
0x95: {  	[sflag:s23] =	ssyncadd.s32 $0xFFFFEC00  }
0x96: {  	[tilespmem:s25], [sflag:$0x5] =	stream.linear.gather [hbm4b:s21+s2], $0x1400, $0x38;
	[tilespmem:$0x1E800] =	vst v63  }
0x97: {  	_ =	swait.ge [sflag:s23], $0x1400  }
0x98: {  	[sflag:s23] =	ssyncset.done $0x0  }
0x99: {  	[sflag:s23] =	ssyncadd.s32 $0xFFFFEC00  }
0x9a: {  	[tilespmem:s22], [sflag:$0x1] =	stream.indirect.gather [hbm4b:s4+s26], $0x80, s25, s26, $0xb8;
	[tilespmem:$0x1E800] =	vst v63  }
0x9b: {  	_ = 	snop  }
0x9c: {  	[tilespmem:s29], [sflag:$0x2] =	stream.indirect.gather [hbm4b:s4+s26], $0x80, s28, s26, $0xb8;
	[tilespmem:$0x1E800] =	vst v63  }
0x9d: {  	_ =	swait.ge [sflag:s30], $0x4000  }
0x9e: {  	[sflag:s30] =	ssyncset.done $0x0  }
0x9f: {  	s9 =	simm.s32 $0x14000;
	[sflag:s30] =	ssyncadd.s32 $0xFFFFC000  }
0xa0: {  	[spmem:s1] =	stream.indirect.scatter.add.f32 [tilespmem:s22], [sflag:$0x3], $0x80, s9, s26, $0xb8;
	[tilespmem:$0x1E800] =	vst v63  }
0xa1: {  	_ =	swait.ge [sflag:s31], $0x4000  }
0xa2: {  	[sflag:s31] =	ssyncset.done $0x0  }
0xa3: {  	s10 =	simm.s32 $0x15500;
	[sflag:s31] =	ssyncadd.s32 $0xFFFFC000  }
0xa4: {  	[tilespmem:s22], [sflag:$0x1] =	stream.indirect.gather [hbm4b:s4+s26], $0x80, s10, s26, $0xb8;
	[tilespmem:$0x1E800] =	vst v63  }
0xa5: {  	_ =	swait.ge [sflag:s0], $0x4000  }
0xa6: {  	[sflag:s0] =	ssyncset.done $0x0  }
0xa7: {  	s17 =	simm.s32 $0x14080;
	[sflag:s0] =	ssyncadd.s32 $0xFFFFC000  }
0xa8: {  	[spmem:s1] =	stream.indirect.scatter.add.f32 [tilespmem:s29], [sflag:$0x4], $0x80, s17, s26, $0xb8;
	[tilespmem:$0x1E800] =	vst v63  }
0xa9: {  	_ =	swait.ge [sflag:s13], $0x4000  }
0xaa: {  	[sflag:s13] =	ssyncset.done $0x0  }
0xab: {  	s3 =	simm.s32 $0x15580;
	s2 =	simm.s32 $0x400;
	[sflag:s13] =	ssyncadd.s32 $0xFFFFC000  }
.LBB2_6:
0xac: {  	[tilespmem:s29], [sflag:$0x2] =	stream.indirect.gather [hbm4b:s4+s26], $0x80, s3, s26, $0xb8;
	[tilespmem:$0x1E800] =	vst v63  }
0xad: {  	s3 =	smov.u32 s2  }
0xae: {  	p1 =	sne.s32 s2, $0x4800;
	s2 =	sadd.s32 $0x400, s2;
	_ =	swait.ge [sflag:s30], $0x4000  }
0xaf: {  	s3 =	sshra.s32 s3, $0x2;
	[sflag:s30] =	ssyncset.done $0x0  }
0xb0: {  	s9 =	sadd.s32 $0x14000, s3;
	[sflag:s30] =	ssyncadd.s32 $0xFFFFC000  }
0xb1: {  	[spmem:s1] =	stream.indirect.scatter.add.f32 [tilespmem:s22], [sflag:$0x3], $0x80, s9, s26, $0xb8;
	[tilespmem:$0x1E800] =	vst v63  }
0xb2: {  	_ =	swait.ge [sflag:s31], $0x4000  }
0xb3: {  	[sflag:s31] =	ssyncset.done $0x0  }
0xb4: {  	s9 =	sadd.s32 $0x15500, s3;
	[sflag:s31] =	ssyncadd.s32 $0xFFFFC000  }
0xb5: {  	[tilespmem:s22], [sflag:$0x1] =	stream.indirect.gather [hbm4b:s4+s26], $0x80, s9, s26, $0xb8;
	[tilespmem:$0x1E800] =	vst v63  }
0xb6: {  	_ =	swait.ge [sflag:s0], $0x4000  }
0xb7: {  	[sflag:s0] =	ssyncset.done $0x0  }
.Ltmp5:
0xb8: {  	s9 =	sadd.s32 $0x14080, s3;
	[sflag:s0] =	ssyncadd.s32 $0xFFFFC000;
	(pc) =	sbr.rel @p1 .LBB2_6-.Ltmp5, $4  }
0xb9: {  	[spmem:s1] =	stream.indirect.scatter.add.f32 [tilespmem:s29], [sflag:$0x4], $0x80, s9, s26, $0xb8;
	[tilespmem:$0x1E800] =	vst v63  }
0xba: {  	_ =	swait.ge [sflag:s13], $0x4000  }
0xbb: {  	[sflag:s13] =	ssyncset.done $0x0  }
0xbc: {  	s3 =	sadd.s32 $0x15580, s3;
	[sflag:s13] =	ssyncadd.s32 $0xFFFFC000  }
0xbd: {  	[tilespmem:s29], [sflag:$0x2] =	stream.indirect.gather [hbm4b:s4+s26], $0x80, s3, s26, $0xb8;
	[tilespmem:$0x1E800] =	vst v63  }
0xbe: {  	_ =	swait.ge [sflag:s30], $0x4000  }
0xbf: {  	[sflag:s30] =	ssyncset.done $0x0  }
0xc0: {  	[sflag:s30] =	ssyncadd.s32 $0xFFFFC000  }
0xc1: {  	[spmem:s1] =	stream.indirect.scatter.add.f32 [tilespmem:s22], [sflag:$0x3], $0x80, s14, s26, $0xb8;
	[tilespmem:$0x1E800] =	vst v63  }
0xc2: {  	_ =	swait.ge [sflag:s0], $0x4000  }
0xc3: {  	[sflag:s0] =	ssyncset.done $0x0  }
0xc4: {  	[sflag:s0] =	ssyncadd.s32 $0xFFFFC000  }
0xc5: {  	[spmem:s1] =	stream.indirect.scatter.add.f32 [tilespmem:s29], [sflag:$0x4], $0x80, s15, s26, $0xb8;
	[tilespmem:$0x1E800] =	vst v63  }
0xc6: {  	_ =	swait.ge [sflag:s31], $0x4000  }
0xc7: {  	[sflag:s31] =	ssyncset.done $0x0  }
0xc8: {  	[sflag:s31] =	ssyncadd.s32 $0xFFFFC000  }
0xc9: {  	_ =	swait.ge [sflag:s13], $0x4000  }
0xca: {  	[sflag:s13] =	ssyncset.done $0x0  }
0xcb: {  	s2 =	stileid.u32;
	[sflag:s13] =	ssyncadd.s32 $0xFFFFC000  }
0xcc: {  	s2 =	sshll.u32 s2, $0x6;
	[bflag:$0x0] =	sbarrier.arrive $0xFFFF  }
0xcd: {  	s3 =	sshrl.u32 s8, $0x3;
	s2 =	sor.u32 $0x1C05, s2;
	s9 =	rddreg [dreg:$0x6]  }
0xce: {  	[hbm:s9], [sflag:s2] =	dma.local [spmem:s3], $0x2800  }
0xcf: {  	_ =	swait.ge [sflag:s23], $0x2800  }
0xd0: {  	[sflag:s23] =	ssyncset.done $0x0  }
0xd1: {  	s17 =	simm.s32 $0x0;
	s9 =	simm.s32 $0x200;
	[sflag:s23] =	ssyncadd.s32 $0xFFFFD800  }
.LBB2_8:
0xd2: {  	p1 =	sne.s32 s9, $0xFE00;
	[tilespmem:s17+$0x16870] =	vst v0  }
0xd3: {  	[tilespmem:s17+$0x16800] =	vst v0  }
0xd4: {  	[tilespmem:s17+$0x16810] =	vst v0  }
.Ltmp6:
0xd5: {  	[tilespmem:s17+$0x16820] =	vst v0;
	(pc) =	sbr.rel @p1 .LBB2_8-.Ltmp6, $4  }
0xd6: {  	[tilespmem:s17+$0x16830] =	vst v0  }
0xd7: {  	[tilespmem:s17+$0x16840] =	vst v0  }
0xd8: {  	[tilespmem:s17+$0x16850] =	vst v0  }
0xd9: {  	[tilespmem:s17+$0x16860] =	vst v0;
	s17 =	sshra.s32 s9, $0x2;
	s9 =	sadd.s32 $0x200, s9  }
0xda: {  	[tilespmem:s17+$0x16870] =	vst v0  }
0xdb: {  	[tilespmem:s17+$0x16800] =	vst v0  }
0xdc: {  	[tilespmem:s17+$0x16810] =	vst v0  }
0xdd: {  	[tilespmem:s17+$0x16820] =	vst v0  }
0xde: {  	[tilespmem:s17+$0x16830] =	vst v0  }
0xdf: {  	[tilespmem:s17+$0x16840] =	vst v0  }
0xe0: {  	[tilespmem:s17+$0x16850] =	vst v0  }
0xe1: {  	[tilespmem:s17+$0x16860] =	vst v0  }
0xe2: {  	[spmem:s8] =	stream.linear.scatter [tilespmem:s22], [sflag:$0x5], $0x4000, $0x38;
	[tilespmem:$0x1E800] =	vst v63  }
0xe3: {  	_ =	swait.ge [sflag:s23], $0x4000  }
0xe4: {  	[sflag:s23] =	ssyncset.done $0x0  }
0xe5: {  	s9 =	rddreg [dreg:$0x3];
	[sflag:s23] =	ssyncadd.s32 $0xFFFFC000  }
0xe6: {  	[spmem:s9] =	stream.linear.scatter [tilespmem:s22], [sflag:$0x5], $0x4000, $0x38;
	[tilespmem:$0x1E800] =	vst v63  }
0xe7: {  	_ =	swait.ge [sflag:s23], $0x4000  }
0xe8: {  	[sflag:s23] =	ssyncset.done $0x0  }
0xe9: {  	s17 =	rddreg [dreg:$0x4];
	[sflag:s23] =	ssyncadd.s32 $0xFFFFC000  }
0xea: {  	[spmem:s17] =	stream.linear.scatter [tilespmem:s22], [sflag:$0x5], $0x4000, $0x38;
	[tilespmem:$0x1E800] =	vst v63  }
0xeb: {  	_ =	swait.ge [sflag:s23], $0x4000  }
0xec: {  	[sflag:s23] =	ssyncset.done $0x0  }
0xed: {  	[sflag:s23] =	ssyncadd.s32 $0xFFFFC000  }
0xee: {  	[spmem:s11] =	stream.linear.scatter [tilespmem:s22], [sflag:$0x5], $0x4000, $0x38;
	[tilespmem:$0x1E800] =	vst v63  }
0xef: {  	_ =	swait.ge [sflag:s23], $0x4000  }
0xf0: {  	[sflag:s23] =	ssyncset.done $0x0  }
0xf1: {  	[sflag:s23] =	ssyncadd.s32 $0xFFFFC000  }
0xf2: {  	[spmem:s12] =	stream.linear.scatter [tilespmem:s22], [sflag:$0x5], $0x4000, $0x38;
	[tilespmem:$0x1E800] =	vst v63  }
0xf3: {  	_ =	swait.ge [sflag:s23], $0x4000  }
0xf4: {  	[sflag:s23] =	ssyncset.done $0x0  }
0xf5: {  	[sflag:s23] =	ssyncadd.s32 $0xFFFFC000  }
0xf6: {  	s10 =	simm.s32 $0x0;
	[bflag:$0x0] =	sbarrier.arrive $0xFFFF  }
0xf7: {  	[tilespmem:s24], [sflag:$0x5] =	stream.linear.gather [hbm4b:s18+s10], $0x1400, $0x38;
	[tilespmem:$0x1E800] =	vst v63  }
0xf8: {  	_ =	swait.ge [sflag:s23], $0x1400  }
0xf9: {  	[sflag:s23] =	ssyncset.done $0x0  }
0xfa: {  	[sflag:s23] =	ssyncadd.s32 $0xFFFFEC00  }
0xfb: {  	[tilespmem:s25], [sflag:$0x5] =	stream.linear.gather [hbm4b:s19+s10], $0x1400, $0x38;
	[tilespmem:$0x1E800] =	vst v63  }
0xfc: {  	_ =	swait.ge [sflag:s23], $0x1400  }
0xfd: {  	[sflag:s23] =	ssyncset.done $0x0  }
0xfe: {  	[sflag:s23] =	ssyncadd.s32 $0xFFFFEC00  }
0xff: {  	[tilespmem:s22], [sflag:$0x1] =	stream.indirect.gather [hbm4b:s6+s26], $0x80, s25, s26, $0xb8;
	[tilespmem:$0x1E800] =	vst v63  }
0x100: {  	_ = 	snop  }
0x101: {  	[tilespmem:s29], [sflag:$0x2] =	stream.indirect.gather [hbm4b:s6+s26], $0x80, s28, s26, $0xb8;
	[tilespmem:$0x1E800] =	vst v63  }
0x102: {  	_ =	swait.ge [sflag:s30], $0x4000  }
0x103: {  	[sflag:s30] =	ssyncset.done $0x0  }
0x104: {  	s17 =	simm.s32 $0x14000;
	[sflag:s30] =	ssyncadd.s32 $0xFFFFC000  }
0x105: {  	[spmem:s1] =	stream.indirect.scatter.add.f32 [tilespmem:s22], [sflag:$0x3], $0x80, s17, s26, $0xb8;
	[tilespmem:$0x1E800] =	vst v63  }
0x106: {  	_ =	swait.ge [sflag:s31], $0x4000  }
0x107: {  	[sflag:s31] =	ssyncset.done $0x0  }
0x108: {  	s10 =	simm.s32 $0x15500;
	[sflag:s31] =	ssyncadd.s32 $0xFFFFC000  }
0x109: {  	[tilespmem:s22], [sflag:$0x1] =	stream.indirect.gather [hbm4b:s6+s26], $0x80, s10, s26, $0xb8;
	[tilespmem:$0x1E800] =	vst v63  }
0x10a: {  	_ =	swait.ge [sflag:s0], $0x4000  }
0x10b: {  	[sflag:s0] =	ssyncset.done $0x0  }
0x10c: {  	s17 =	simm.s32 $0x14080;
	[sflag:s0] =	ssyncadd.s32 $0xFFFFC000  }
0x10d: {  	[spmem:s1] =	stream.indirect.scatter.add.f32 [tilespmem:s29], [sflag:$0x4], $0x80, s17, s26, $0xb8;
	[tilespmem:$0x1E800] =	vst v63  }
0x10e: {  	_ =	swait.ge [sflag:s13], $0x4000  }
0x10f: {  	[sflag:s13] =	ssyncset.done $0x0  }
0x110: {  	s9 =	simm.s32 $0x15580;
	s17 =	simm.s32 $0x400;
	[sflag:s13] =	ssyncadd.s32 $0xFFFFC000  }
.LBB2_10:
0x111: {  	[tilespmem:s29], [sflag:$0x2] =	stream.indirect.gather [hbm4b:s6+s26], $0x80, s9, s26, $0xb8;
	[tilespmem:$0x1E800] =	vst v63  }
0x112: {  	s9 =	smov.u32 s17  }
0x113: {  	p1 =	sne.s32 s17, $0x4800;
	s17 =	sadd.s32 $0x400, s17;
	_ =	swait.ge [sflag:s30], $0x4000  }
0x114: {  	s9 =	sshra.s32 s9, $0x2;
	[sflag:s30] =	ssyncset.done $0x0  }
0x115: {  	s10 =	sadd.s32 $0x14000, s9;
	[sflag:s30] =	ssyncadd.s32 $0xFFFFC000  }
0x116: {  	[spmem:s1] =	stream.indirect.scatter.add.f32 [tilespmem:s22], [sflag:$0x3], $0x80, s10, s26, $0xb8;
	[tilespmem:$0x1E800] =	vst v63  }
0x117: {  	_ =	swait.ge [sflag:s31], $0x4000  }
0x118: {  	[sflag:s31] =	ssyncset.done $0x0  }
0x119: {  	s10 =	sadd.s32 $0x15500, s9;
	[sflag:s31] =	ssyncadd.s32 $0xFFFFC000  }
0x11a: {  	[tilespmem:s22], [sflag:$0x1] =	stream.indirect.gather [hbm4b:s6+s26], $0x80, s10, s26, $0xb8;
	[tilespmem:$0x1E800] =	vst v63  }
0x11b: {  	_ =	swait.ge [sflag:s0], $0x4000  }
0x11c: {  	[sflag:s0] =	ssyncset.done $0x0  }
.Ltmp7:
0x11d: {  	s10 =	sadd.s32 $0x14080, s9;
	[sflag:s0] =	ssyncadd.s32 $0xFFFFC000;
	(pc) =	sbr.rel @p1 .LBB2_10-.Ltmp7, $4  }
0x11e: {  	[spmem:s1] =	stream.indirect.scatter.add.f32 [tilespmem:s29], [sflag:$0x4], $0x80, s10, s26, $0xb8;
	[tilespmem:$0x1E800] =	vst v63  }
0x11f: {  	_ =	swait.ge [sflag:s13], $0x4000  }
0x120: {  	[sflag:s13] =	ssyncset.done $0x0  }
0x121: {  	s9 =	sadd.s32 $0x15580, s9;
	[sflag:s13] =	ssyncadd.s32 $0xFFFFC000  }
0x122: {  	[tilespmem:s29], [sflag:$0x2] =	stream.indirect.gather [hbm4b:s6+s26], $0x80, s9, s26, $0xb8;
	[tilespmem:$0x1E800] =	vst v63  }
0x123: {  	_ =	swait.ge [sflag:s30], $0x4000  }
0x124: {  	[sflag:s30] =	ssyncset.done $0x0  }
0x125: {  	[sflag:s30] =	ssyncadd.s32 $0xFFFFC000  }
0x126: {  	[spmem:s1] =	stream.indirect.scatter.add.f32 [tilespmem:s22], [sflag:$0x3], $0x80, s14, s26, $0xb8;
	[tilespmem:$0x1E800] =	vst v63  }
0x127: {  	_ =	swait.ge [sflag:s0], $0x4000  }
0x128: {  	[sflag:s0] =	ssyncset.done $0x0  }
0x129: {  	[sflag:s0] =	ssyncadd.s32 $0xFFFFC000  }
0x12a: {  	[spmem:s1] =	stream.indirect.scatter.add.f32 [tilespmem:s29], [sflag:$0x4], $0x80, s15, s26, $0xb8;
	[tilespmem:$0x1E800] =	vst v63  }
0x12b: {  	_ =	swait.ge [sflag:s31], $0x4000  }
0x12c: {  	[sflag:s31] =	ssyncset.done $0x0  }
0x12d: {  	[sflag:s31] =	ssyncadd.s32 $0xFFFFC000  }
0x12e: {  	_ =	swait.ge [sflag:s13], $0x4000  }
0x12f: {  	[sflag:s13] =	ssyncset.done $0x0  }
0x130: {  	s10 =	simm.s32 $0x0;
	[sflag:s13] =	ssyncadd.s32 $0xFFFFC000  }
0x131: {  	[tilespmem:s24], [sflag:$0x5] =	stream.linear.gather [hbm4b:s20+s10], $0x1400, $0x38;
	[tilespmem:$0x1E800] =	vst v63  }
0x132: {  	_ =	swait.ge [sflag:s23], $0x1400  }
0x133: {  	[sflag:s23] =	ssyncset.done $0x0  }
0x134: {  	[sflag:s23] =	ssyncadd.s32 $0xFFFFEC00  }
0x135: {  	[tilespmem:s25], [sflag:$0x5] =	stream.linear.gather [hbm4b:s21+s10], $0x1400, $0x38;
	[tilespmem:$0x1E800] =	vst v63  }
0x136: {  	_ =	swait.ge [sflag:s23], $0x1400  }
0x137: {  	[sflag:s23] =	ssyncset.done $0x0  }
0x138: {  	[sflag:s23] =	ssyncadd.s32 $0xFFFFEC00  }
0x139: {  	[tilespmem:s22], [sflag:$0x1] =	stream.indirect.gather [hbm4b:s6+s26], $0x80, s25, s26, $0xb8;
	[tilespmem:$0x1E800] =	vst v63  }
0x13a: {  	_ = 	snop  }
0x13b: {  	[tilespmem:s29], [sflag:$0x2] =	stream.indirect.gather [hbm4b:s6+s26], $0x80, s28, s26, $0xb8;
	[tilespmem:$0x1E800] =	vst v63  }
0x13c: {  	_ =	swait.ge [sflag:s30], $0x4000  }
0x13d: {  	[sflag:s30] =	ssyncset.done $0x0  }
0x13e: {  	s17 =	simm.s32 $0x14000;
	[sflag:s30] =	ssyncadd.s32 $0xFFFFC000  }
0x13f: {  	[spmem:s1] =	stream.indirect.scatter.add.f32 [tilespmem:s22], [sflag:$0x3], $0x80, s17, s26, $0xb8;
	[tilespmem:$0x1E800] =	vst v63  }
0x140: {  	_ =	swait.ge [sflag:s31], $0x4000  }
0x141: {  	[sflag:s31] =	ssyncset.done $0x0  }
0x142: {  	s10 =	simm.s32 $0x15500;
	[sflag:s31] =	ssyncadd.s32 $0xFFFFC000  }
0x143: {  	[tilespmem:s22], [sflag:$0x1] =	stream.indirect.gather [hbm4b:s6+s26], $0x80, s10, s26, $0xb8;
	[tilespmem:$0x1E800] =	vst v63  }
0x144: {  	_ =	swait.ge [sflag:s0], $0x4000  }
0x145: {  	[sflag:s0] =	ssyncset.done $0x0  }
0x146: {  	s17 =	simm.s32 $0x14080;
	[sflag:s0] =	ssyncadd.s32 $0xFFFFC000  }
0x147: {  	[spmem:s1] =	stream.indirect.scatter.add.f32 [tilespmem:s29], [sflag:$0x4], $0x80, s17, s26, $0xb8;
	[tilespmem:$0x1E800] =	vst v63  }
0x148: {  	_ =	swait.ge [sflag:s13], $0x4000  }
0x149: {  	[sflag:s13] =	ssyncset.done $0x0  }
0x14a: {  	s9 =	simm.s32 $0x15580;
	s17 =	simm.s32 $0x400;
	[sflag:s13] =	ssyncadd.s32 $0xFFFFC000  }
.LBB2_12:
0x14b: {  	[tilespmem:s29], [sflag:$0x2] =	stream.indirect.gather [hbm4b:s6+s26], $0x80, s9, s26, $0xb8;
	[tilespmem:$0x1E800] =	vst v63  }
0x14c: {  	s9 =	smov.u32 s17  }
0x14d: {  	p1 =	sne.s32 s17, $0x4800;
	s17 =	sadd.s32 $0x400, s17;
	_ =	swait.ge [sflag:s30], $0x4000  }
0x14e: {  	s9 =	sshra.s32 s9, $0x2;
	[sflag:s30] =	ssyncset.done $0x0  }
0x14f: {  	s10 =	sadd.s32 $0x14000, s9;
	[sflag:s30] =	ssyncadd.s32 $0xFFFFC000  }
0x150: {  	[spmem:s1] =	stream.indirect.scatter.add.f32 [tilespmem:s22], [sflag:$0x3], $0x80, s10, s26, $0xb8;
	[tilespmem:$0x1E800] =	vst v63  }
0x151: {  	_ =	swait.ge [sflag:s31], $0x4000  }
0x152: {  	[sflag:s31] =	ssyncset.done $0x0  }
0x153: {  	s10 =	sadd.s32 $0x15500, s9;
	[sflag:s31] =	ssyncadd.s32 $0xFFFFC000  }
0x154: {  	[tilespmem:s22], [sflag:$0x1] =	stream.indirect.gather [hbm4b:s6+s26], $0x80, s10, s26, $0xb8;
	[tilespmem:$0x1E800] =	vst v63  }
0x155: {  	_ =	swait.ge [sflag:s0], $0x4000  }
0x156: {  	[sflag:s0] =	ssyncset.done $0x0  }
.Ltmp8:
0x157: {  	s10 =	sadd.s32 $0x14080, s9;
	[sflag:s0] =	ssyncadd.s32 $0xFFFFC000;
	(pc) =	sbr.rel @p1 .LBB2_12-.Ltmp8, $4  }
0x158: {  	[spmem:s1] =	stream.indirect.scatter.add.f32 [tilespmem:s29], [sflag:$0x4], $0x80, s10, s26, $0xb8;
	[tilespmem:$0x1E800] =	vst v63  }
0x159: {  	_ =	swait.ge [sflag:s13], $0x4000  }
0x15a: {  	[sflag:s13] =	ssyncset.done $0x0  }
0x15b: {  	s9 =	sadd.s32 $0x15580, s9;
	[sflag:s13] =	ssyncadd.s32 $0xFFFFC000  }
0x15c: {  	[tilespmem:s29], [sflag:$0x2] =	stream.indirect.gather [hbm4b:s6+s26], $0x80, s9, s26, $0xb8;
	[tilespmem:$0x1E800] =	vst v63  }
0x15d: {  	_ =	swait.ge [sflag:s30], $0x4000  }
0x15e: {  	[sflag:s30] =	ssyncset.done $0x0  }
0x15f: {  	[sflag:s30] =	ssyncadd.s32 $0xFFFFC000  }
0x160: {  	[spmem:s1] =	stream.indirect.scatter.add.f32 [tilespmem:s22], [sflag:$0x3], $0x80, s14, s26, $0xb8;
	[tilespmem:$0x1E800] =	vst v63  }
0x161: {  	_ =	swait.ge [sflag:s0], $0x4000  }
0x162: {  	[sflag:s0] =	ssyncset.done $0x0  }
0x163: {  	[sflag:s0] =	ssyncadd.s32 $0xFFFFC000  }
0x164: {  	[spmem:s1] =	stream.indirect.scatter.add.f32 [tilespmem:s29], [sflag:$0x4], $0x80, s15, s26, $0xb8;
	[tilespmem:$0x1E800] =	vst v63  }
0x165: {  	_ =	swait.ge [sflag:s31], $0x4000  }
0x166: {  	[sflag:s31] =	ssyncset.done $0x0  }
0x167: {  	[sflag:s31] =	ssyncadd.s32 $0xFFFFC000  }
0x168: {  	_ =	swait.ge [sflag:s13], $0x4000  }
.Ltmp9:
0x169: {  	[sflag:s13] =	ssyncset.done $0x0;
	(pc) =	sbr.rel .LBB2_26-.Ltmp9, $4  }
0x16a: {  	[sflag:s13] =	ssyncadd.s32 $0xFFFFC000  }
0x16b: {  	[bflag:$0x0] =	sbarrier.arrive $0xFFFF  }
0x16c: {  	s17 =	rddreg [dreg:$0x7]  }
0x16d: {  	[hbm:s17], [sflag:s2] =	dma.local [spmem:s3], $0x2800  }
.LBB2_14:
0x16e: {  	p1 =	sne.s32 s3, $0xFE00;
	[tilespmem:s2+$0x16870] =	vst v0  }
0x16f: {  	[tilespmem:s2+$0x16800] =	vst v0  }
0x170: {  	[tilespmem:s2+$0x16810] =	vst v0  }
.Ltmp10:
0x171: {  	[tilespmem:s2+$0x16820] =	vst v0;
	(pc) =	sbr.rel @p1 .LBB2_14-.Ltmp10, $4  }
0x172: {  	[tilespmem:s2+$0x16830] =	vst v0  }
0x173: {  	[tilespmem:s2+$0x16840] =	vst v0  }
0x174: {  	[tilespmem:s2+$0x16850] =	vst v0  }
0x175: {  	[tilespmem:s2+$0x16860] =	vst v0;
	s2 =	sshra.s32 s3, $0x2;
	s3 =	sadd.s32 $0x200, s3  }
0x176: {  	[tilespmem:s2+$0x16870] =	vst v0  }
0x177: {  	[tilespmem:s2+$0x16800] =	vst v0  }
0x178: {  	[tilespmem:s2+$0x16810] =	vst v0  }
0x179: {  	[tilespmem:s2+$0x16820] =	vst v0  }
0x17a: {  	[tilespmem:s2+$0x16830] =	vst v0  }
0x17b: {  	[tilespmem:s2+$0x16840] =	vst v0  }
0x17c: {  	[tilespmem:s2+$0x16850] =	vst v0  }
0x17d: {  	[tilespmem:s2+$0x16860] =	vst v0  }
0x17e: {  	[spmem:s8] =	stream.linear.scatter [tilespmem:s22], [sflag:$0x5], $0x4000, $0x38;
	[tilespmem:$0x1E800] =	vst v63  }
0x17f: {  	_ =	swait.ge [sflag:s23], $0x4000  }
0x180: {  	[sflag:s23] =	ssyncset.done $0x0  }
0x181: {  	s10 =	rddreg [dreg:$0x3];
	[sflag:s23] =	ssyncadd.s32 $0xFFFFC000  }
0x182: {  	[spmem:s10] =	stream.linear.scatter [tilespmem:s22], [sflag:$0x5], $0x4000, $0x38;
	[tilespmem:$0x1E800] =	vst v63  }
0x183: {  	_ =	swait.ge [sflag:s23], $0x4000  }
0x184: {  	[sflag:s23] =	ssyncset.done $0x0  }
0x185: {  	s17 =	rddreg [dreg:$0x4];
	[sflag:s23] =	ssyncadd.s32 $0xFFFFC000  }
0x186: {  	[spmem:s17] =	stream.linear.scatter [tilespmem:s22], [sflag:$0x5], $0x4000, $0x38;
	[tilespmem:$0x1E800] =	vst v63  }
0x187: {  	_ =	swait.ge [sflag:s23], $0x4000  }
0x188: {  	[sflag:s23] =	ssyncset.done $0x0  }
0x189: {  	[sflag:s23] =	ssyncadd.s32 $0xFFFFC000  }
0x18a: {  	[spmem:s11] =	stream.linear.scatter [tilespmem:s22], [sflag:$0x5], $0x4000, $0x38;
	[tilespmem:$0x1E800] =	vst v63  }
0x18b: {  	_ =	swait.ge [sflag:s23], $0x4000  }
0x18c: {  	[sflag:s23] =	ssyncset.done $0x0  }
0x18d: {  	[sflag:s23] =	ssyncadd.s32 $0xFFFFC000  }
0x18e: {  	[spmem:s12] =	stream.linear.scatter [tilespmem:s22], [sflag:$0x5], $0x4000, $0x38;
	[tilespmem:$0x1E800] =	vst v63  }
0x18f: {  	_ =	swait.ge [sflag:s23], $0x4000  }
0x190: {  	[sflag:s23] =	ssyncset.done $0x0  }
0x191: {  	[sflag:s23] =	ssyncadd.s32 $0xFFFFC000  }
0x192: {  	s3 =	simm.s32 $0x0;
	[bflag:$0x0] =	sbarrier.arrive $0xFFFF  }
0x193: {  	[tilespmem:s24], [sflag:$0x5] =	stream.linear.gather [hbm4b:s18+s3], $0x1400, $0x38;
	[tilespmem:$0x1E800] =	vst v63  }
0x194: {  	_ =	swait.ge [sflag:s23], $0x1400  }
0x195: {  	[sflag:s23] =	ssyncset.done $0x0  }
0x196: {  	[sflag:s23] =	ssyncadd.s32 $0xFFFFEC00  }
0x197: {  	[tilespmem:s25], [sflag:$0x5] =	stream.linear.gather [hbm4b:s19+s3], $0x1400, $0x38;
	[tilespmem:$0x1E800] =	vst v63  }
0x198: {  	_ =	swait.ge [sflag:s23], $0x1400  }
0x199: {  	[sflag:s23] =	ssyncset.done $0x0  }
0x19a: {  	[sflag:s23] =	ssyncadd.s32 $0xFFFFEC00  }
0x19b: {  	[tilespmem:s22], [sflag:$0x1] =	stream.indirect.gather [hbm4b:s5+s26], $0x80, s25, s26, $0xb8;
	[tilespmem:$0x1E800] =	vst v63  }
0x19c: {  	_ = 	snop  }
0x19d: {  	[tilespmem:s29], [sflag:$0x2] =	stream.indirect.gather [hbm4b:s5+s26], $0x80, s28, s26, $0xb8;
	[tilespmem:$0x1E800] =	vst v63  }
0x19e: {  	_ =	swait.ge [sflag:s30], $0x4000  }
0x19f: {  	[sflag:s30] =	ssyncset.done $0x0  }
0x1a0: {  	s9 =	simm.s32 $0x14000;
	[sflag:s30] =	ssyncadd.s32 $0xFFFFC000  }
0x1a1: {  	[spmem:s1] =	stream.indirect.scatter.add.f32 [tilespmem:s22], [sflag:$0x3], $0x80, s9, s26, $0xb8;
	[tilespmem:$0x1E800] =	vst v63  }
0x1a2: {  	_ =	swait.ge [sflag:s31], $0x4000  }
0x1a3: {  	[sflag:s31] =	ssyncset.done $0x0  }
0x1a4: {  	s10 =	simm.s32 $0x15500;
	[sflag:s31] =	ssyncadd.s32 $0xFFFFC000  }
0x1a5: {  	[tilespmem:s22], [sflag:$0x1] =	stream.indirect.gather [hbm4b:s5+s26], $0x80, s10, s26, $0xb8;
	[tilespmem:$0x1E800] =	vst v63  }
0x1a6: {  	_ =	swait.ge [sflag:s0], $0x4000  }
0x1a7: {  	[sflag:s0] =	ssyncset.done $0x0  }
0x1a8: {  	s17 =	simm.s32 $0x14080;
	[sflag:s0] =	ssyncadd.s32 $0xFFFFC000  }
0x1a9: {  	[spmem:s1] =	stream.indirect.scatter.add.f32 [tilespmem:s29], [sflag:$0x4], $0x80, s17, s26, $0xb8;
	[tilespmem:$0x1E800] =	vst v63  }
0x1aa: {  	_ =	swait.ge [sflag:s13], $0x4000  }
0x1ab: {  	[sflag:s13] =	ssyncset.done $0x0  }
0x1ac: {  	s2 =	simm.s32 $0x400;
	s3 =	simm.s32 $0x15580;
	[sflag:s13] =	ssyncadd.s32 $0xFFFFC000  }
.LBB2_16:
0x1ad: {  	[tilespmem:s29], [sflag:$0x2] =	stream.indirect.gather [hbm4b:s5+s26], $0x80, s3, s26, $0xb8;
	[tilespmem:$0x1E800] =	vst v63  }
0x1ae: {  	s3 =	smov.u32 s2  }
0x1af: {  	p1 =	sne.s32 s2, $0x4800;
	s2 =	sadd.s32 $0x400, s2;
	_ =	swait.ge [sflag:s30], $0x4000  }
0x1b0: {  	s3 =	sshra.s32 s3, $0x2;
	[sflag:s30] =	ssyncset.done $0x0  }
0x1b1: {  	s9 =	sadd.s32 $0x14000, s3;
	[sflag:s30] =	ssyncadd.s32 $0xFFFFC000  }
0x1b2: {  	[spmem:s1] =	stream.indirect.scatter.add.f32 [tilespmem:s22], [sflag:$0x3], $0x80, s9, s26, $0xb8;
	[tilespmem:$0x1E800] =	vst v63  }
0x1b3: {  	_ =	swait.ge [sflag:s31], $0x4000  }
0x1b4: {  	[sflag:s31] =	ssyncset.done $0x0  }
0x1b5: {  	s9 =	sadd.s32 $0x15500, s3;
	[sflag:s31] =	ssyncadd.s32 $0xFFFFC000  }
0x1b6: {  	[tilespmem:s22], [sflag:$0x1] =	stream.indirect.gather [hbm4b:s5+s26], $0x80, s9, s26, $0xb8;
	[tilespmem:$0x1E800] =	vst v63  }
0x1b7: {  	_ =	swait.ge [sflag:s0], $0x4000  }
0x1b8: {  	[sflag:s0] =	ssyncset.done $0x0  }
.Ltmp11:
0x1b9: {  	s9 =	sadd.s32 $0x14080, s3;
	[sflag:s0] =	ssyncadd.s32 $0xFFFFC000;
	(pc) =	sbr.rel @p1 .LBB2_16-.Ltmp11, $4  }
0x1ba: {  	[spmem:s1] =	stream.indirect.scatter.add.f32 [tilespmem:s29], [sflag:$0x4], $0x80, s9, s26, $0xb8;
	[tilespmem:$0x1E800] =	vst v63  }
0x1bb: {  	_ =	swait.ge [sflag:s13], $0x4000  }
0x1bc: {  	[sflag:s13] =	ssyncset.done $0x0  }
0x1bd: {  	s3 =	sadd.s32 $0x15580, s3;
	[sflag:s13] =	ssyncadd.s32 $0xFFFFC000  }
0x1be: {  	[tilespmem:s29], [sflag:$0x2] =	stream.indirect.gather [hbm4b:s5+s26], $0x80, s3, s26, $0xb8;
	[tilespmem:$0x1E800] =	vst v63  }
0x1bf: {  	_ =	swait.ge [sflag:s30], $0x4000  }
0x1c0: {  	[sflag:s30] =	ssyncset.done $0x0  }
0x1c1: {  	[sflag:s30] =	ssyncadd.s32 $0xFFFFC000  }
0x1c2: {  	[spmem:s1] =	stream.indirect.scatter.add.f32 [tilespmem:s22], [sflag:$0x3], $0x80, s14, s26, $0xb8;
	[tilespmem:$0x1E800] =	vst v63  }
0x1c3: {  	_ =	swait.ge [sflag:s0], $0x4000  }
0x1c4: {  	[sflag:s0] =	ssyncset.done $0x0  }
0x1c5: {  	[sflag:s0] =	ssyncadd.s32 $0xFFFFC000  }
0x1c6: {  	[spmem:s1] =	stream.indirect.scatter.add.f32 [tilespmem:s29], [sflag:$0x4], $0x80, s15, s26, $0xb8;
	[tilespmem:$0x1E800] =	vst v63  }
0x1c7: {  	_ =	swait.ge [sflag:s31], $0x4000  }
0x1c8: {  	[sflag:s31] =	ssyncset.done $0x0  }
0x1c9: {  	[sflag:s31] =	ssyncadd.s32 $0xFFFFC000  }
0x1ca: {  	_ =	swait.ge [sflag:s13], $0x4000  }
0x1cb: {  	[sflag:s13] =	ssyncset.done $0x0  }
0x1cc: {  	s2 =	simm.s32 $0x0;
	[sflag:s13] =	ssyncadd.s32 $0xFFFFC000  }
0x1cd: {  	[tilespmem:s24], [sflag:$0x5] =	stream.linear.gather [hbm4b:s20+s2], $0x1400, $0x38;
	[tilespmem:$0x1E800] =	vst v63  }
0x1ce: {  	_ =	swait.ge [sflag:s23], $0x1400  }
0x1cf: {  	[sflag:s23] =	ssyncset.done $0x0  }
0x1d0: {  	[sflag:s23] =	ssyncadd.s32 $0xFFFFEC00  }
0x1d1: {  	[tilespmem:s25], [sflag:$0x5] =	stream.linear.gather [hbm4b:s21+s2], $0x1400, $0x38;
	[tilespmem:$0x1E800] =	vst v63  }
0x1d2: {  	_ =	swait.ge [sflag:s23], $0x1400  }
0x1d3: {  	[sflag:s23] =	ssyncset.done $0x0  }
0x1d4: {  	[sflag:s23] =	ssyncadd.s32 $0xFFFFEC00  }
0x1d5: {  	[tilespmem:s22], [sflag:$0x1] =	stream.indirect.gather [hbm4b:s5+s26], $0x80, s25, s26, $0xb8;
	[tilespmem:$0x1E800] =	vst v63  }
0x1d6: {  	_ = 	snop  }
0x1d7: {  	[tilespmem:s29], [sflag:$0x2] =	stream.indirect.gather [hbm4b:s5+s26], $0x80, s28, s26, $0xb8;
	[tilespmem:$0x1E800] =	vst v63  }
0x1d8: {  	_ =	swait.ge [sflag:s30], $0x4000  }
0x1d9: {  	[sflag:s30] =	ssyncset.done $0x0  }
0x1da: {  	s9 =	simm.s32 $0x14000;
	[sflag:s30] =	ssyncadd.s32 $0xFFFFC000  }
0x1db: {  	[spmem:s1] =	stream.indirect.scatter.add.f32 [tilespmem:s22], [sflag:$0x3], $0x80, s9, s26, $0xb8;
	[tilespmem:$0x1E800] =	vst v63  }
0x1dc: {  	_ =	swait.ge [sflag:s31], $0x4000  }
0x1dd: {  	[sflag:s31] =	ssyncset.done $0x0  }
0x1de: {  	s10 =	simm.s32 $0x15500;
	[sflag:s31] =	ssyncadd.s32 $0xFFFFC000  }
0x1df: {  	[tilespmem:s22], [sflag:$0x1] =	stream.indirect.gather [hbm4b:s5+s26], $0x80, s10, s26, $0xb8;
	[tilespmem:$0x1E800] =	vst v63  }
0x1e0: {  	_ =	swait.ge [sflag:s0], $0x4000  }
0x1e1: {  	[sflag:s0] =	ssyncset.done $0x0  }
0x1e2: {  	s17 =	simm.s32 $0x14080;
	[sflag:s0] =	ssyncadd.s32 $0xFFFFC000  }
0x1e3: {  	[spmem:s1] =	stream.indirect.scatter.add.f32 [tilespmem:s29], [sflag:$0x4], $0x80, s17, s26, $0xb8;
	[tilespmem:$0x1E800] =	vst v63  }
0x1e4: {  	_ =	swait.ge [sflag:s13], $0x4000  }
0x1e5: {  	[sflag:s13] =	ssyncset.done $0x0  }
0x1e6: {  	s3 =	simm.s32 $0x15580;
	s2 =	simm.s32 $0x400;
	[sflag:s13] =	ssyncadd.s32 $0xFFFFC000  }
.LBB2_18:
0x1e7: {  	[tilespmem:s29], [sflag:$0x2] =	stream.indirect.gather [hbm4b:s5+s26], $0x80, s3, s26, $0xb8;
	[tilespmem:$0x1E800] =	vst v63  }
0x1e8: {  	s3 =	smov.u32 s2  }
0x1e9: {  	p1 =	sne.s32 s2, $0x4800;
	s2 =	sadd.s32 $0x400, s2;
	_ =	swait.ge [sflag:s30], $0x4000  }
0x1ea: {  	s3 =	sshra.s32 s3, $0x2;
	[sflag:s30] =	ssyncset.done $0x0  }
0x1eb: {  	s9 =	sadd.s32 $0x14000, s3;
	[sflag:s30] =	ssyncadd.s32 $0xFFFFC000  }
0x1ec: {  	[spmem:s1] =	stream.indirect.scatter.add.f32 [tilespmem:s22], [sflag:$0x3], $0x80, s9, s26, $0xb8;
	[tilespmem:$0x1E800] =	vst v63  }
0x1ed: {  	_ =	swait.ge [sflag:s31], $0x4000  }
0x1ee: {  	[sflag:s31] =	ssyncset.done $0x0  }
0x1ef: {  	s9 =	sadd.s32 $0x15500, s3;
	[sflag:s31] =	ssyncadd.s32 $0xFFFFC000  }
0x1f0: {  	[tilespmem:s22], [sflag:$0x1] =	stream.indirect.gather [hbm4b:s5+s26], $0x80, s9, s26, $0xb8;
	[tilespmem:$0x1E800] =	vst v63  }
0x1f1: {  	_ =	swait.ge [sflag:s0], $0x4000  }
0x1f2: {  	[sflag:s0] =	ssyncset.done $0x0  }
.Ltmp12:
0x1f3: {  	s9 =	sadd.s32 $0x14080, s3;
	[sflag:s0] =	ssyncadd.s32 $0xFFFFC000;
	(pc) =	sbr.rel @p1 .LBB2_18-.Ltmp12, $4  }
0x1f4: {  	[spmem:s1] =	stream.indirect.scatter.add.f32 [tilespmem:s29], [sflag:$0x4], $0x80, s9, s26, $0xb8;
	[tilespmem:$0x1E800] =	vst v63  }
0x1f5: {  	_ =	swait.ge [sflag:s13], $0x4000  }
0x1f6: {  	[sflag:s13] =	ssyncset.done $0x0  }
0x1f7: {  	s3 =	sadd.s32 $0x15580, s3;
	[sflag:s13] =	ssyncadd.s32 $0xFFFFC000  }
0x1f8: {  	[tilespmem:s29], [sflag:$0x2] =	stream.indirect.gather [hbm4b:s5+s26], $0x80, s3, s26, $0xb8;
	[tilespmem:$0x1E800] =	vst v63  }
0x1f9: {  	_ =	swait.ge [sflag:s30], $0x4000  }
0x1fa: {  	[sflag:s30] =	ssyncset.done $0x0  }
0x1fb: {  	[sflag:s30] =	ssyncadd.s32 $0xFFFFC000  }
0x1fc: {  	[spmem:s1] =	stream.indirect.scatter.add.f32 [tilespmem:s22], [sflag:$0x3], $0x80, s14, s26, $0xb8;
	[tilespmem:$0x1E800] =	vst v63  }
0x1fd: {  	_ =	swait.ge [sflag:s0], $0x4000  }
0x1fe: {  	[sflag:s0] =	ssyncset.done $0x0  }
0x1ff: {  	[sflag:s0] =	ssyncadd.s32 $0xFFFFC000  }
0x200: {  	[spmem:s1] =	stream.indirect.scatter.add.f32 [tilespmem:s29], [sflag:$0x4], $0x80, s15, s26, $0xb8;
	[tilespmem:$0x1E800] =	vst v63  }
0x201: {  	_ =	swait.ge [sflag:s31], $0x4000  }
0x202: {  	[sflag:s31] =	ssyncset.done $0x0  }
0x203: {  	[sflag:s31] =	ssyncadd.s32 $0xFFFFC000  }
0x204: {  	_ =	swait.ge [sflag:s13], $0x4000  }
0x205: {  	[sflag:s13] =	ssyncset.done $0x0  }
0x206: {  	s2 =	stileid.u32;
	[sflag:s13] =	ssyncadd.s32 $0xFFFFC000  }
0x207: {  	s2 =	sshll.u32 s2, $0x6;
	[bflag:$0x0] =	sbarrier.arrive $0xFFFF  }
0x208: {  	s3 =	sshrl.u32 s8, $0x3;
	s2 =	sor.u32 $0x1C05, s2;
	s9 =	rddreg [dreg:$0x5]  }
0x209: {  	[hbm:s9], [sflag:s2] =	dma.local [spmem:s3], $0x2800  }
0x20a: {  	_ =	swait.ge [sflag:s23], $0x2800  }
0x20b: {  	[sflag:s23] =	ssyncset.done $0x0  }
0x20c: {  	s17 =	simm.s32 $0x0;
	s9 =	simm.s32 $0x200;
	[sflag:s23] =	ssyncadd.s32 $0xFFFFD800  }
.LBB2_20:
0x20d: {  	p1 =	sne.s32 s9, $0xFE00;
	[tilespmem:s17+$0x16870] =	vst v0  }
0x20e: {  	[tilespmem:s17+$0x16800] =	vst v0  }
0x20f: {  	[tilespmem:s17+$0x16810] =	vst v0  }
.Ltmp13:
0x210: {  	[tilespmem:s17+$0x16820] =	vst v0;
	(pc) =	sbr.rel @p1 .LBB2_20-.Ltmp13, $4  }
0x211: {  	[tilespmem:s17+$0x16830] =	vst v0  }
0x212: {  	[tilespmem:s17+$0x16840] =	vst v0  }
0x213: {  	[tilespmem:s17+$0x16850] =	vst v0  }
0x214: {  	[tilespmem:s17+$0x16860] =	vst v0;
	s17 =	sshra.s32 s9, $0x2;
	s9 =	sadd.s32 $0x200, s9  }
0x215: {  	[tilespmem:s17+$0x16870] =	vst v0  }
0x216: {  	[tilespmem:s17+$0x16800] =	vst v0  }
0x217: {  	[tilespmem:s17+$0x16810] =	vst v0  }
0x218: {  	[tilespmem:s17+$0x16820] =	vst v0  }
0x219: {  	[tilespmem:s17+$0x16830] =	vst v0  }
0x21a: {  	[tilespmem:s17+$0x16840] =	vst v0  }
0x21b: {  	[tilespmem:s17+$0x16850] =	vst v0  }
0x21c: {  	[tilespmem:s17+$0x16860] =	vst v0  }
0x21d: {  	[spmem:s8] =	stream.linear.scatter [tilespmem:s22], [sflag:$0x5], $0x4000, $0x38;
	[tilespmem:$0x1E800] =	vst v63  }
0x21e: {  	_ =	swait.ge [sflag:s23], $0x4000  }
0x21f: {  	[sflag:s23] =	ssyncset.done $0x0  }
0x220: {  	s9 =	rddreg [dreg:$0x3];
	[sflag:s23] =	ssyncadd.s32 $0xFFFFC000  }
0x221: {  	[spmem:s9] =	stream.linear.scatter [tilespmem:s22], [sflag:$0x5], $0x4000, $0x38;
	[tilespmem:$0x1E800] =	vst v63  }
0x222: {  	_ =	swait.ge [sflag:s23], $0x4000  }
0x223: {  	[sflag:s23] =	ssyncset.done $0x0  }
0x224: {  	s17 =	rddreg [dreg:$0x4];
	[sflag:s23] =	ssyncadd.s32 $0xFFFFC000  }
0x225: {  	[spmem:s17] =	stream.linear.scatter [tilespmem:s22], [sflag:$0x5], $0x4000, $0x38;
	[tilespmem:$0x1E800] =	vst v63  }
0x226: {  	_ =	swait.ge [sflag:s23], $0x4000  }
0x227: {  	[sflag:s23] =	ssyncset.done $0x0  }
0x228: {  	[sflag:s23] =	ssyncadd.s32 $0xFFFFC000  }
0x229: {  	[spmem:s11] =	stream.linear.scatter [tilespmem:s22], [sflag:$0x5], $0x4000, $0x38;
	[tilespmem:$0x1E800] =	vst v63  }
0x22a: {  	_ =	swait.ge [sflag:s23], $0x4000  }
0x22b: {  	[sflag:s23] =	ssyncset.done $0x0  }
0x22c: {  	[sflag:s23] =	ssyncadd.s32 $0xFFFFC000  }
0x22d: {  	[spmem:s12] =	stream.linear.scatter [tilespmem:s22], [sflag:$0x5], $0x4000, $0x38;
	[tilespmem:$0x1E800] =	vst v63  }
0x22e: {  	_ =	swait.ge [sflag:s23], $0x4000  }
0x22f: {  	[sflag:s23] =	ssyncset.done $0x0  }
0x230: {  	[sflag:s23] =	ssyncadd.s32 $0xFFFFC000  }
0x231: {  	s10 =	simm.s32 $0x0;
	[bflag:$0x0] =	sbarrier.arrive $0xFFFF  }
0x232: {  	[tilespmem:s24], [sflag:$0x5] =	stream.linear.gather [hbm4b:s18+s10], $0x1400, $0x38;
	[tilespmem:$0x1E800] =	vst v63  }
0x233: {  	_ =	swait.ge [sflag:s23], $0x1400  }
0x234: {  	[sflag:s23] =	ssyncset.done $0x0  }
0x235: {  	[sflag:s23] =	ssyncadd.s32 $0xFFFFEC00  }
0x236: {  	[tilespmem:s25], [sflag:$0x5] =	stream.linear.gather [hbm4b:s19+s10], $0x1400, $0x38;
	[tilespmem:$0x1E800] =	vst v63  }
0x237: {  	_ =	swait.ge [sflag:s23], $0x1400  }
0x238: {  	[sflag:s23] =	ssyncset.done $0x0  }
0x239: {  	[sflag:s23] =	ssyncadd.s32 $0xFFFFEC00  }
0x23a: {  	[tilespmem:s22], [sflag:$0x1] =	stream.indirect.gather [hbm4b:s7+s26], $0x80, s25, s26, $0xb8;
	[tilespmem:$0x1E800] =	vst v63  }
0x23b: {  	_ = 	snop  }
0x23c: {  	[tilespmem:s29], [sflag:$0x2] =	stream.indirect.gather [hbm4b:s7+s26], $0x80, s28, s26, $0xb8;
	[tilespmem:$0x1E800] =	vst v63  }
0x23d: {  	_ =	swait.ge [sflag:s30], $0x4000  }
0x23e: {  	[sflag:s30] =	ssyncset.done $0x0  }
0x23f: {  	s17 =	simm.s32 $0x14000;
	[sflag:s30] =	ssyncadd.s32 $0xFFFFC000  }
0x240: {  	[spmem:s1] =	stream.indirect.scatter.add.f32 [tilespmem:s22], [sflag:$0x3], $0x80, s17, s26, $0xb8;
	[tilespmem:$0x1E800] =	vst v63  }
0x241: {  	_ =	swait.ge [sflag:s31], $0x4000  }
0x242: {  	[sflag:s31] =	ssyncset.done $0x0  }
0x243: {  	s10 =	simm.s32 $0x15500;
	[sflag:s31] =	ssyncadd.s32 $0xFFFFC000  }
0x244: {  	[tilespmem:s22], [sflag:$0x1] =	stream.indirect.gather [hbm4b:s7+s26], $0x80, s10, s26, $0xb8;
	[tilespmem:$0x1E800] =	vst v63  }
0x245: {  	_ =	swait.ge [sflag:s0], $0x4000  }
0x246: {  	[sflag:s0] =	ssyncset.done $0x0  }
0x247: {  	s17 =	simm.s32 $0x14080;
	[sflag:s0] =	ssyncadd.s32 $0xFFFFC000  }
0x248: {  	[spmem:s1] =	stream.indirect.scatter.add.f32 [tilespmem:s29], [sflag:$0x4], $0x80, s17, s26, $0xb8;
	[tilespmem:$0x1E800] =	vst v63  }
0x249: {  	_ =	swait.ge [sflag:s13], $0x4000  }
0x24a: {  	[sflag:s13] =	ssyncset.done $0x0  }
0x24b: {  	s9 =	simm.s32 $0x15580;
	s17 =	simm.s32 $0x400;
	[sflag:s13] =	ssyncadd.s32 $0xFFFFC000  }
.LBB2_22:
0x24c: {  	[tilespmem:s29], [sflag:$0x2] =	stream.indirect.gather [hbm4b:s7+s26], $0x80, s9, s26, $0xb8;
	[tilespmem:$0x1E800] =	vst v63  }
0x24d: {  	s9 =	smov.u32 s17  }
0x24e: {  	p1 =	sne.s32 s17, $0x4800;
	s17 =	sadd.s32 $0x400, s17;
	_ =	swait.ge [sflag:s30], $0x4000  }
0x24f: {  	s9 =	sshra.s32 s9, $0x2;
	[sflag:s30] =	ssyncset.done $0x0  }
0x250: {  	s10 =	sadd.s32 $0x14000, s9;
	[sflag:s30] =	ssyncadd.s32 $0xFFFFC000  }
0x251: {  	[spmem:s1] =	stream.indirect.scatter.add.f32 [tilespmem:s22], [sflag:$0x3], $0x80, s10, s26, $0xb8;
	[tilespmem:$0x1E800] =	vst v63  }
0x252: {  	_ =	swait.ge [sflag:s31], $0x4000  }
0x253: {  	[sflag:s31] =	ssyncset.done $0x0  }
0x254: {  	s10 =	sadd.s32 $0x15500, s9;
	[sflag:s31] =	ssyncadd.s32 $0xFFFFC000  }
0x255: {  	[tilespmem:s22], [sflag:$0x1] =	stream.indirect.gather [hbm4b:s7+s26], $0x80, s10, s26, $0xb8;
	[tilespmem:$0x1E800] =	vst v63  }
0x256: {  	_ =	swait.ge [sflag:s0], $0x4000  }
0x257: {  	[sflag:s0] =	ssyncset.done $0x0  }
.Ltmp14:
0x258: {  	s10 =	sadd.s32 $0x14080, s9;
	[sflag:s0] =	ssyncadd.s32 $0xFFFFC000;
	(pc) =	sbr.rel @p1 .LBB2_22-.Ltmp14, $4  }
0x259: {  	[spmem:s1] =	stream.indirect.scatter.add.f32 [tilespmem:s29], [sflag:$0x4], $0x80, s10, s26, $0xb8;
	[tilespmem:$0x1E800] =	vst v63  }
0x25a: {  	_ =	swait.ge [sflag:s13], $0x4000  }
0x25b: {  	[sflag:s13] =	ssyncset.done $0x0  }
0x25c: {  	s9 =	sadd.s32 $0x15580, s9;
	[sflag:s13] =	ssyncadd.s32 $0xFFFFC000  }
0x25d: {  	[tilespmem:s29], [sflag:$0x2] =	stream.indirect.gather [hbm4b:s7+s26], $0x80, s9, s26, $0xb8;
	[tilespmem:$0x1E800] =	vst v63  }
0x25e: {  	_ =	swait.ge [sflag:s30], $0x4000  }
0x25f: {  	[sflag:s30] =	ssyncset.done $0x0  }
0x260: {  	[sflag:s30] =	ssyncadd.s32 $0xFFFFC000  }
0x261: {  	[spmem:s1] =	stream.indirect.scatter.add.f32 [tilespmem:s22], [sflag:$0x3], $0x80, s14, s26, $0xb8;
	[tilespmem:$0x1E800] =	vst v63  }
0x262: {  	_ =	swait.ge [sflag:s0], $0x4000  }
0x263: {  	[sflag:s0] =	ssyncset.done $0x0  }
0x264: {  	[sflag:s0] =	ssyncadd.s32 $0xFFFFC000  }
0x265: {  	[spmem:s1] =	stream.indirect.scatter.add.f32 [tilespmem:s29], [sflag:$0x4], $0x80, s15, s26, $0xb8;
	[tilespmem:$0x1E800] =	vst v63  }
0x266: {  	_ =	swait.ge [sflag:s31], $0x4000  }
0x267: {  	[sflag:s31] =	ssyncset.done $0x0  }
0x268: {  	[sflag:s31] =	ssyncadd.s32 $0xFFFFC000  }
0x269: {  	_ =	swait.ge [sflag:s13], $0x4000  }
0x26a: {  	[sflag:s13] =	ssyncset.done $0x0  }
0x26b: {  	s10 =	simm.s32 $0x0;
	[sflag:s13] =	ssyncadd.s32 $0xFFFFC000  }
0x26c: {  	[tilespmem:s24], [sflag:$0x5] =	stream.linear.gather [hbm4b:s20+s10], $0x1400, $0x38;
	[tilespmem:$0x1E800] =	vst v63  }
0x26d: {  	_ =	swait.ge [sflag:s23], $0x1400  }
0x26e: {  	[sflag:s23] =	ssyncset.done $0x0  }
0x26f: {  	[sflag:s23] =	ssyncadd.s32 $0xFFFFEC00  }
0x270: {  	[tilespmem:s25], [sflag:$0x5] =	stream.linear.gather [hbm4b:s21+s10], $0x1400, $0x38;
	[tilespmem:$0x1E800] =	vst v63  }
0x271: {  	_ =	swait.ge [sflag:s23], $0x1400  }
0x272: {  	[sflag:s23] =	ssyncset.done $0x0  }
0x273: {  	[sflag:s23] =	ssyncadd.s32 $0xFFFFEC00  }
0x274: {  	[tilespmem:s22], [sflag:$0x1] =	stream.indirect.gather [hbm4b:s7+s26], $0x80, s25, s26, $0xb8;
	[tilespmem:$0x1E800] =	vst v63  }
0x275: {  	_ = 	snop  }
0x276: {  	[tilespmem:s29], [sflag:$0x2] =	stream.indirect.gather [hbm4b:s7+s26], $0x80, s28, s26, $0xb8;
	[tilespmem:$0x1E800] =	vst v63  }
0x277: {  	_ =	swait.ge [sflag:s30], $0x4000  }
0x278: {  	[sflag:s30] =	ssyncset.done $0x0  }
0x279: {  	s17 =	simm.s32 $0x14000;
	[sflag:s30] =	ssyncadd.s32 $0xFFFFC000  }
0x27a: {  	[spmem:s1] =	stream.indirect.scatter.add.f32 [tilespmem:s22], [sflag:$0x3], $0x80, s17, s26, $0xb8;
	[tilespmem:$0x1E800] =	vst v63  }
0x27b: {  	_ =	swait.ge [sflag:s31], $0x4000  }
0x27c: {  	[sflag:s31] =	ssyncset.done $0x0  }
0x27d: {  	s10 =	simm.s32 $0x15500;
	[sflag:s31] =	ssyncadd.s32 $0xFFFFC000  }
0x27e: {  	[tilespmem:s22], [sflag:$0x1] =	stream.indirect.gather [hbm4b:s7+s26], $0x80, s10, s26, $0xb8;
	[tilespmem:$0x1E800] =	vst v63  }
0x27f: {  	_ =	swait.ge [sflag:s0], $0x4000  }
0x280: {  	[sflag:s0] =	ssyncset.done $0x0  }
0x281: {  	s17 =	simm.s32 $0x14080;
	[sflag:s0] =	ssyncadd.s32 $0xFFFFC000  }
0x282: {  	[spmem:s1] =	stream.indirect.scatter.add.f32 [tilespmem:s29], [sflag:$0x4], $0x80, s17, s26, $0xb8;
	[tilespmem:$0x1E800] =	vst v63  }
0x283: {  	_ =	swait.ge [sflag:s13], $0x4000  }
0x284: {  	[sflag:s13] =	ssyncset.done $0x0  }
0x285: {  	s9 =	simm.s32 $0x15580;
	s17 =	simm.s32 $0x400;
	[sflag:s13] =	ssyncadd.s32 $0xFFFFC000  }
.LBB2_24:
0x286: {  	[tilespmem:s29], [sflag:$0x2] =	stream.indirect.gather [hbm4b:s7+s26], $0x80, s9, s26, $0xb8;
	[tilespmem:$0x1E800] =	vst v63  }
0x287: {  	s9 =	smov.u32 s17  }
0x288: {  	p1 =	sne.s32 s17, $0x4800;
	s17 =	sadd.s32 $0x400, s17;
	_ =	swait.ge [sflag:s30], $0x4000  }
0x289: {  	s9 =	sshra.s32 s9, $0x2;
	[sflag:s30] =	ssyncset.done $0x0  }
0x28a: {  	s10 =	sadd.s32 $0x14000, s9;
	[sflag:s30] =	ssyncadd.s32 $0xFFFFC000  }
0x28b: {  	[spmem:s1] =	stream.indirect.scatter.add.f32 [tilespmem:s22], [sflag:$0x3], $0x80, s10, s26, $0xb8;
	[tilespmem:$0x1E800] =	vst v63  }
0x28c: {  	_ =	swait.ge [sflag:s31], $0x4000  }
0x28d: {  	[sflag:s31] =	ssyncset.done $0x0  }
0x28e: {  	s10 =	sadd.s32 $0x15500, s9;
	[sflag:s31] =	ssyncadd.s32 $0xFFFFC000  }
0x28f: {  	[tilespmem:s22], [sflag:$0x1] =	stream.indirect.gather [hbm4b:s7+s26], $0x80, s10, s26, $0xb8;
	[tilespmem:$0x1E800] =	vst v63  }
0x290: {  	_ =	swait.ge [sflag:s0], $0x4000  }
0x291: {  	[sflag:s0] =	ssyncset.done $0x0  }
.Ltmp15:
0x292: {  	s10 =	sadd.s32 $0x14080, s9;
	[sflag:s0] =	ssyncadd.s32 $0xFFFFC000;
	(pc) =	sbr.rel @p1 .LBB2_24-.Ltmp15, $4  }
0x293: {  	[spmem:s1] =	stream.indirect.scatter.add.f32 [tilespmem:s29], [sflag:$0x4], $0x80, s10, s26, $0xb8;
	[tilespmem:$0x1E800] =	vst v63  }
0x294: {  	_ =	swait.ge [sflag:s13], $0x4000  }
0x295: {  	[sflag:s13] =	ssyncset.done $0x0  }
0x296: {  	s9 =	sadd.s32 $0x15580, s9;
	[sflag:s13] =	ssyncadd.s32 $0xFFFFC000  }
.Ltmp16:
0x297: {  	_ = 	snop;
	(pc) =	sbr.rel .LBB2_25-.Ltmp16, $1  }
0x298: {  	_ =	sdelay $0x3  }
.LBB2_27:
0x299: {  	_ =	sfence.sel $0x180000  }
0x29a: {  	[bflag:$0x0] =	sbarrier.arrive $0xFFFF  }
0x29b: {  	_ =	strace $0x9000004A  }
0x29c: {  	s0 =	stileid.u32;
	[bflag:$0x2] =	sbarrier.arrive $0xFFFF  }
0x29d: {  	p0 =	sne.s32 s0, $0x0;
	s0 =	rddreg [dreg:$0x2]  }
0x29e: {  	s0 =	sadd.s32 @!p0 $0x100000, s0  }
0x29f: {  	[sflag:s0] =	ssyncadd.tile.s32 @!p0 $0x1;
	_ =	shalt  }
.Lfunc_end2:
_tile_overlayer_lowered:
.L_overlay_start_2:
0x2a0: {  	(tag) =	ssettag $0x2  }
0x2a1: {  	s0 =	rddreg [dreg:$0x0];
	s2 =	stileid.u32  }
0x2a2: {  	s1 =	rddreg [dreg:$0x1];
	p0 =	sne.s32 s2, $0x0  }
0x2a3: {  	s3 =	rddreg [dreg:$0x2];
	[bflag:$0x3] =	sbarrier.arrive $0xFFFF;
	s2 =	simm.s32 @!p0 $0x1C05  }
0x2a4: {  	[timem:s3], [sflag:s2] =	dma.local @!p0 [hbm:s0], s1  }
0x2a5: {  	s0 =	simm.s32 @!p0 $0x5  }
0x2a6: {  	_ =	swait.ge @!p0 [sflag:s0], s1  }
0x2a7: {  	s1 =	ssub.s32 @!p0 $0x0, s1;
	[sflag:s0] =	ssyncset.done @!p0 $0x0  }
0x2a8: {  	[sflag:s0] =	ssyncadd.s32 @!p0 s1  }
0x2a9: {  	[bflag:$0x3] =	sbarrier.arrive $0xFFFF  }
0x2aa: {  	_ =	shalt  }

// kernel: gcn_sc_agg.8.cloned.1.call-start
scs
__scs_entry_jumppad:
0x0: {  	(pc) =	sbr.rel $0x88, $3  }
0x1: {  	(tag) =	ssettag $0x0;
	lr =	simm.s32 $0x1  }
0x2: {  	[smem:$0x3F99] =	sst lr;
	_ =	strace $0xD0000000  }
0x3: {  	_ = 	snop  }
0x4: {  	_ = 	snop  }
0x5: {  	_ = 	snop  }
0x6: {  	_ = 	snop  }
0x7: {  	_ = 	snop  }
__scs_overlays_trampoline_lowered:
0x8: {  	[smem:$0x3FA8] =	sst s0  }
0x9: {  	[smem:$0x3FA9] =	sst s1  }
0xa: {  	[smem:$0x3FAA] =	sst s2  }
0xb: {  	[smem:$0x3FAB] =	sst s3  }
0xc: {  	[smem:$0x3FAC] =	sst s4  }
0xd: {  	[smem:$0x3FAD] =	sst s5  }
0xe: {  	[smem:$0x3FAE] =	sst s6  }
0xf: {  	[smem:$0x3FAF] =	sst s7  }
0x10: {  	[smem:$0x3FB0] =	sst s8  }
0x11: {  	[smem:$0x3FB1] =	sst s9;
	s0 =	simm.s32 @!p0 $0x0  }
0x12: {  	s1 =	sld [smem:$0x3F97];
	s0 =	simm.s32 @p0 $0x1  }
0x13: {  	[smem:$0x3FB2] =	sst s0;
	s0 =	simm.s32 @!p1 $0x0  }
0x14: {  	s2 =	sld [smem:$0x3F96];
	s0 =	simm.s32 @p1 $0x1  }
0x15: {  	[smem:$0x3FB3] =	sst s0;
	s0 =	simm.s32 @!p2 $0x0  }
0x16: {  	s3 =	sld [smem:$0x3FDB];
	s0 =	simm.s32 @p2 $0x1  }
0x17: {  	s4 =	simm.s32 $0x1BF5;
	[smem:$0x3FB5] =	sst s0  }
0x18: {  	s0 =	sld [smem:$0x3F98];
	_ =	swait.ge [sflag:s4], $0x0  }
0x19: {  	s7 =	sld [smem:$0x3F99]  }
0x1a: {  	s8 =	sadd.s32 $0xFFFFE003, lr  }
0x1b: {  	s9 =	sadd.s32 $0xFFFFFEF7, lr;
	s5 =	simm.s32 $0xFFFFFFFF;
	p2 =	slt.u32 s8, $0xFFFFF086  }
0x1c: {  	p1 =	slt.u32 s9, $0xF7A;
	s5 =	simm.s32 @!p2 $0x0  }
0x1d: {  	s5 =	simm.s32 @p1 $0x1;
	p0 =	seq.s32 s7, s2  }
0x1e: {  	s7 =	smul.u32 @!p0 $0xF7A, s2;
	p2 =	seq.s32 @!p0 s5, $0x0  }
0x1f: {  	s9 =	smul.u32 $0xF7A, s1;
	s8 =	simm.s32 @!p0 $0x1BF5;
	p2 =	por !p2, p0  }
0x20: {  	[sflag:s8] =	ssyncset.s32 @!p0 $0xFFFFF086;
	s6 =	sadd.s32 @!p0 s3, s7;
	s7 =	simm.s32 @!p0 $0x108  }
0x21: {  	s3 =	sadd.s32 s3, s9;
	s6 =	sadd.s32 @!p0 $0x88, s6;
	s7 =	simm.s32 @p2 $0x1082  }
0x22: {  	[simem:s7], [sflag:s8] =	dma.local @!p0 [hbm:s6], $0xF7A  }
0x23: {  	s9 =	sor.u32 $0xD0000000, s2;
	s6 =	simm.s32 $0x108;
	_ =	swait.ge @!p0 [sflag:s8], $0x0  }
0x24: {  	s3 =	sadd.s32 $0x88, s3;
	s6 =	simm.s32 @!p1 $0x1082;
	[sflag:s4] =	ssyncset.s32 $0xFFFFF086  }
0x25: {  	[simem:s6], [sflag:s4] =	dma.local [hbm:s3], $0xF7A  }
0x26: {  	[smem:$0x3F99] =	sst s1;
	(tag) =	ssettag s2;
	_ =	strace s9  }
0x27: {  	s1 =	sld [smem:$0x3FA9]  }
0x28: {  	s2 =	sld [smem:$0x3FAA]  }
0x29: {  	s4 =	sld [smem:$0x3FAC]  }
0x2a: {  	p0 =	seq.s32 s5, $0x0;
	s5 =	sld [smem:$0x3FAD]  }
0x2b: {  	s6 =	sld [smem:$0x3FAE]  }
0x2c: {  	s7 =	sld [smem:$0x3FAF]  }
0x2d: {  	s3 =	simm.s32 $0x108;
	s8 =	sld [smem:$0x3FB0]  }
0x2e: {  	s3 =	simm.s32 @!p0 $0x1082;
	s9 =	sld [smem:$0x3FB1]  }
0x2f: {  	lr =	sadd.s32 s0, s3;
	s0 =	sld [smem:$0x3FA8]  }
0x30: {  	s3 =	sld [smem:$0x3FAB]  }
0x31: {  	[smem:$0x3FB4] =	sst s10  }
0x32: {  	s10 =	sld [smem:$0x3FB2];
	_ =	sdelay $0x3  }
0x33: {  	p0 =	seq.s32 s10, $0x1;
	s10 =	sld [smem:$0x3FB4];
	_ =	sdelay $0x3  }
0x34: {  	[smem:$0x3FB4] =	sst s10  }
0x35: {  	s10 =	sld [smem:$0x3FB3];
	_ =	sdelay $0x3  }
0x36: {  	p1 =	seq.s32 s10, $0x1;
	s10 =	sld [smem:$0x3FB4];
	_ =	sdelay $0x3  }
0x37: {  	[smem:$0x3FB4] =	sst s10  }
0x38: {  	s10 =	sld [smem:$0x3FB5]  }
0x39: {  	_ = 	snop;
	(pc) =	sbr.ind lr, $3  }
0x3a: {  	_ = 	snop  }
0x3b: {  	_ = 	snop  }
0x3c: {  	p2 =	seq.s32 s10, $0x1;
	s10 =	sld [smem:$0x3FB4]  }
0x3d: {  	_ =	shalt  }
0x3e: {  	_ =	shalt  }
0x3f: {  	_ =	shalt  }
0x40: {  	_ =	shalt  }
0x41: {  	_ =	shalt  }
0x42: {  	_ =	shalt  }
0x43: {  	_ =	shalt  }
0x44: {  	_ =	shalt  }
0x45: {  	_ =	shalt  }
0x46: {  	_ =	shalt  }
0x47: {  	_ =	shalt  }
0x48: {  	_ =	shalt  }
0x49: {  	_ =	shalt  }
0x4a: {  	_ =	shalt  }
0x4b: {  	_ =	shalt  }
0x4c: {  	_ =	shalt  }
0x4d: {  	_ =	shalt  }
0x4e: {  	_ =	shalt  }
0x4f: {  	_ =	shalt  }
0x50: {  	_ =	shalt  }
0x51: {  	_ =	shalt  }
0x52: {  	_ =	shalt  }
0x53: {  	_ =	shalt  }
0x54: {  	_ =	shalt  }
0x55: {  	_ =	shalt  }
0x56: {  	_ =	shalt  }
0x57: {  	_ =	shalt  }
0x58: {  	_ =	shalt  }
0x59: {  	_ =	shalt  }
0x5a: {  	_ =	shalt  }
0x5b: {  	_ =	shalt  }
0x5c: {  	_ =	shalt  }
0x5d: {  	_ =	shalt  }
0x5e: {  	_ =	shalt  }
0x5f: {  	_ =	shalt  }
0x60: {  	_ =	shalt  }
0x61: {  	_ =	shalt  }
0x62: {  	_ =	shalt  }
0x63: {  	_ =	shalt  }
0x64: {  	_ =	shalt  }
0x65: {  	_ =	shalt  }
0x66: {  	_ =	shalt  }
0x67: {  	_ =	shalt  }
0x68: {  	_ =	shalt  }
0x69: {  	_ =	shalt  }
0x6a: {  	_ =	shalt  }
0x6b: {  	_ =	shalt  }
0x6c: {  	_ =	shalt  }
0x6d: {  	_ =	shalt  }
0x6e: {  	_ =	shalt  }
0x6f: {  	_ =	shalt  }
0x70: {  	_ =	shalt  }
0x71: {  	_ =	shalt  }
0x72: {  	_ =	shalt  }
0x73: {  	_ =	shalt  }
0x74: {  	_ =	shalt  }
0x75: {  	_ =	shalt  }
0x76: {  	_ =	shalt  }
0x77: {  	_ =	shalt  }
0x78: {  	_ =	shalt  }
0x79: {  	_ =	shalt  }
0x7a: {  	_ =	shalt  }
0x7b: {  	_ =	shalt  }
0x7c: {  	_ =	shalt  }
0x7d: {  	_ =	shalt  }
0x7e: {  	_ =	shalt  }
0x7f: {  	_ =	shalt  }
0x80: {  	_ =	shalt  }
0x81: {  	_ =	shalt  }
0x82: {  	_ =	shalt  }
0x83: {  	_ =	shalt  }
0x84: {  	_ =	shalt  }
0x85: {  	_ =	shalt  }
0x86: {  	_ =	shalt  }
0x87: {  	_ =	shalt  }
.Lfunc_end0:
.L_simem_size_0:
called_computation.2_lowered:
.L_overlay_start_0:
0x88: {  	s2 =	sld [smem:$0x3FD9]  }
0x89: {  	s3 =	sld [smem:$0x3FFE];
	_ =	sdelay $0x1  }
0x8a: {  	s1 =	srdreg.scid  }
0x8b: {  	s0 =	sand.u32 $0x1, s1  }
0x8c: {  	s16 =	sshll.u32 s0, $0xA;
	s2 =	sadd.s32 s3, s2  }
0x8d: {  	s2 =	sadd.s32 s2, s16  }
0x8e: {  	[smem:$0x3FC0] =	sst s2  }
0x8f: {  	_ = 	snop  }
0x90: {  	(tm) =	ssettm $0x1  }
0x91: {  	s17 =	sld [smem:$0x3FFB];
	_ =	sdelay $0x3  }
0x92: {  	_ =	strace s17  }
0x93: {  	s2 =	sld [smem:$0x3FFC];
	_ =	sdelay $0x3  }
0x94: {  	_ =	strace s2  }
0x95: {  	s2 =	sld [smem:$0x3FFD];
	_ =	sdelay $0x3  }
0x96: {  	_ =	strace s2  }
0x97: {  	_ =	strace $0x8FFFFFFF  }
0x98: {  	s18 =	sld [smem:$0x3FDB];
	_ =	sdelay $0x1  }
0x99: {  	s19 =	simm.s32 $_scs_section_size  }
0x9a: {  	s4 =	simm.s32 $_size__tile_overlayer_lowered;
	s5 =	simm.s32 $_tile_overlayer_lowered  }
0x9b: {  	s22 =	simm.s32 $0x1BFF;
	s21 =	sshll.u32 s5, $0x1;
	s2 =	sadd.s32 s19, s18  }
0x9c: {  	s6 =	simm.s32 $0x0;
	s20 =	sshll.u32 s4, $0x1;
	s4 =	sadd.s32 s21, s2  }
0x9d: {  	[timem:s6], [sflag:s22] =	dma.local [hbm:s4], s20  }
0x9e: {  	_ =	swait.ge [sflag:s22], s20  }
0x9f: {  	s3 =	ssub.s32 $0x0, s20;
	[sflag:s22] =	ssyncset.done $0x0  }
0xa0: {  	[sflag:s22] =	ssyncadd.s32 s3;
	_ =	sdelay $0x1  }
0xa1: {  	s23 =	simm.s32 $0x1B8B  }
0xa2: {  	_ =	swait.ge [sflag:s23], $0x1  }
0xa3: {  	[sflag:s23] =	ssyncset.done $0x0  }
0xa4: {  	s25 =	simm.s32 $0x1B8E;
	s24 =	sld [smem:$0x3FFE];
	[sflag:s23] =	ssyncadd.s32 $0xFFFFFFFF  }
0xa5: {  	s26 =	simm.s32 $execute0_lowered;
	[smem:$0x3FD2] =	sst s25  }
0xa6: {  	s4 =	sshll.u32 s26, $0x1;
	_ =	strace $0x8000004C;
	[dreg:$0x1] =	wrdreg $0xFFFFFFFF  }
0xa7: {  	s28 =	simm.s32 $_size_execute0_lowered;
	s2 =	sadd.s32 s2, s4;
	[dreg:$0x0] =	wrdreg $0x0  }
0xa8: {  	s4 =	sshll.u32 s28, $0x1;
	[dreg:$0x2] =	wrdreg s2  }
0xa9: {  	[dreg:$0x3] =	wrdreg s4  }
0xaa: {  	[dreg:$0x4] =	wrdreg $0xC0  }
0xab: {  	_ =	task [dreg:s6], $0x5FFFF  }
0xac: {  	[dreg:$0x1] =	wrdreg $0xFFFFFFFF  }
0xad: {  	[dreg:$0x0] =	wrdreg $0x60  }
0xae: {  	[dreg:$0x2] =	wrdreg s24  }
0xaf: {  	[dreg:$0x3] =	wrdreg $0x0  }
0xb0: {  	[dreg:$0x4] =	wrdreg $0x9  }
0xb1: {  	_ =	task.clear_ibuf [dreg:s6], $0x5FFFF;
	_ =	strace $0x9000004C  }
0xb2: {  	s29 =	simm.s32 $0x9;
	_ =	strace $0x8000004E  }
0xb3: {  	_ =	swait.ge [sflag:s29], $0x1  }
0xb4: {  	[sflag:s29] =	ssyncadd.s32 $0xFFFFFFFF  }
0xb5: {  	_ =	strace $0x9000004E  }
0xb6: {  	_ =	sfence  }
0xb7: {  	s30 =	sld [smem:$0x0];
	_ =	sdelay $0x2  }
0xb8: {  	s31 =	sshll.u32 s1, $0xD;
	s1 =	sshrl.u32 s1, $0x2  }
0xb9: {  	s3 =	sand.u32 $0x4000, s31;
	s1 =	sadd.s32 s1, s30  }
0xba: {  	s0 =	sor.u32 s3, s0;
	s1 =	sshll.u32 s1, $0x11  }
0xbb: {  	s0 =	sor.u32 s1, s0  }
0xbc: {  	s0 =	sadd.s32 $0x8F2B, s0  }
0xbd: {  	[sflag:s0] =	ssyncadd.remote.s32 $0x1  }
0xbe: {  	_ =	sfence.sel $0xFFFF  }
0xbf: {  	[dreg:$0x0] =	wrdreg $0xFFFFFFFF;
	(pc) =	sbr.abs _section_cstart, $3  }
0xc0: {  	[dreg:$0x1] =	wrdreg $0xFFFFFFFF  }
0xc1: {  	_ =	task.clear_ibuf [dreg:s6], $0x2FFFF;
	_ =	strace $0x9FFFFFFF  }
0xc2: {  	(tm) =	ssettm $0x7FFFFFFF  }
0xc3: {  	_ =	shalt  }
tec
execute0_lowered:
.L_overlay_start_1:
0x0: {  	(tag) =	ssettag $0x1  }
0x1: {  	s12 =	rddreg [dreg:$0x0]  }
0x2: {  	s1 =	rddreg [dreg:$0x1]  }
0x3: {  	s2 =	srdreg.scid;
	s0 =	rddreg [dreg:$0x2]  }
0x4: {  	s3 =	simm.s32 $0x0;
	s14 =	simm.s32 $0x98E00;
	s16 =	simm.s32 $0x14000  }
0x5: {  	s17 =	simm.s32 $0x15400;
	s18 =	simm.s32 $0x80;
	s19 =	simm.s32 $0x15480  }
0x6: {  	s20 =	simm.s32 $0x1A800;
	s21 =	simm.s32 $0x1;
	s22 =	simm.s32 $0x3  }
0x7: {  	s23 =	simm.s32 $0x2;
	s24 =	simm.s32 $0x4;
	s25 =	simm.s32 $0x15300  }
0x8: {  	s26 =	simm.s32 $0x15380;
	s9 =	sand.u32 $0x1, s2;
	s2 =	stileid.u32  }
0x9: {  	[smem:$0x7FF] =	sst s3;
	s4 =	sshll.u32 s9, $0x4;
	s5 =	smul.u32 $0x50000, s2  }
0xa: {  	_ =	strace $0x8000004D;
	s7 =	ssub.s32 $0x2, s9;
	p0 =	seq.s32 s9, $0x1  }
0xb: {  	s15 =	smul.u32 $0x2800, s2;
	s4 =	sor.u32 s2, s4;
	s31 =	sshrl.u32 s7, $0x1  }
0xc: {  	s14 =	simm.s32 @!p0 $0x70E00;
	s6 =	smul.u32 $0x280, s4;
	s5 =	sshrl.u32 s5, $0x2  }
0xd: {  	s4 =	sadd.s32 $0xEA00, s12;
	s13 =	ssub.s32 s7, s31;
	s5 =	sadd.s32 s5, s1  }
0xe: {  	s14 =	sadd.s32 s14, s12;
	s11 =	sadd.s32 s6, s12;
	s6 =	sadd.s32 $0x4000, s5  }
0xf: {  	s7 =	sadd.s32 $0x8000, s5;
	s8 =	sadd.s32 $0xC000, s5;
	s9 =	sadd.s32 $0x10000, s5  }
0x10: {  	s12 =	smax.u32 s13, $0x1;
	s13 =	sadd.s32 s14, s15;
	s14 =	simm.s32 $0x16800  }
0x11: {  	v0 =	vimm.f32 $0.0e+00;
	s15 =	simm.s32 $0x5;
	s10 =	sadd.s32 $0x9A00, s11;
	s11 =	sadd.s32 $0x4A00, s11  }
.LBB2_1:
0x12: {  	s28 =	simm.s32 $0x0;
	s29 =	simm.s32 $0x200  }
.LBB2_2:
0x13: {  	p0 =	sne.s32 s29, $0xFE00;
	[tilespmem:s28+$0x16870] =	vst v0  }
0x14: {  	[tilespmem:s28+$0x16800] =	vst v0  }
0x15: {  	[tilespmem:s28+$0x16810] =	vst v0  }
.Ltmp0:
0x16: {  	[tilespmem:s28+$0x16820] =	vst v0;
	(pc) =	sbr.rel @p0 .LBB2_2-.Ltmp0, $4  }
0x17: {  	[tilespmem:s28+$0x16830] =	vst v0  }
0x18: {  	[tilespmem:s28+$0x16840] =	vst v0  }
0x19: {  	[tilespmem:s28+$0x16850] =	vst v0  }
0x1a: {  	[tilespmem:s28+$0x16860] =	vst v0;
	s28 =	sshra.s32 s29, $0x2;
	s29 =	sadd.s32 $0x200, s29  }
0x1b: {  	[tilespmem:s28+$0x16870] =	vst v0  }
0x1c: {  	[tilespmem:s28+$0x16800] =	vst v0  }
0x1d: {  	[tilespmem:s28+$0x16810] =	vst v0  }
0x1e: {  	[tilespmem:s28+$0x16820] =	vst v0  }
0x1f: {  	[tilespmem:s28+$0x16830] =	vst v0  }
0x20: {  	[tilespmem:s28+$0x16840] =	vst v0  }
0x21: {  	[tilespmem:s28+$0x16850] =	vst v0  }
0x22: {  	[tilespmem:s28+$0x16860] =	vst v0  }
0x23: {  	[spmem:s5] =	stream.linear.scatter [tilespmem:s14], [sflag:$0x5], $0x4000, $0x38;
	[tilespmem:$0x1E800] =	vst v63  }
0x24: {  	_ =	swait.ge [sflag:s15], $0x4000  }
0x25: {  	[sflag:s15] =	ssyncset.done $0x0  }
0x26: {  	[sflag:s15] =	ssyncadd.s32 $0xFFFFC000  }
0x27: {  	[spmem:s6] =	stream.linear.scatter [tilespmem:s14], [sflag:$0x5], $0x4000, $0x38;
	[tilespmem:$0x1E800] =	vst v63  }
0x28: {  	_ =	swait.ge [sflag:s15], $0x4000  }
0x29: {  	[sflag:s15] =	ssyncset.done $0x0  }
0x2a: {  	[sflag:s15] =	ssyncadd.s32 $0xFFFFC000  }
0x2b: {  	[spmem:s7] =	stream.linear.scatter [tilespmem:s14], [sflag:$0x5], $0x4000, $0x38;
	[tilespmem:$0x1E800] =	vst v63  }
0x2c: {  	_ =	swait.ge [sflag:s15], $0x4000  }
0x2d: {  	[sflag:s15] =	ssyncset.done $0x0  }
0x2e: {  	[sflag:s15] =	ssyncadd.s32 $0xFFFFC000  }
0x2f: {  	[spmem:s8] =	stream.linear.scatter [tilespmem:s14], [sflag:$0x5], $0x4000, $0x38;
	[tilespmem:$0x1E800] =	vst v63  }
0x30: {  	_ =	swait.ge [sflag:s15], $0x4000  }
0x31: {  	[sflag:s15] =	ssyncset.done $0x0  }
0x32: {  	[sflag:s15] =	ssyncadd.s32 $0xFFFFC000  }
0x33: {  	[spmem:s9] =	stream.linear.scatter [tilespmem:s14], [sflag:$0x5], $0x4000, $0x38;
	[tilespmem:$0x1E800] =	vst v63  }
0x34: {  	_ =	swait.ge [sflag:s15], $0x4000  }
0x35: {  	[sflag:s15] =	ssyncset.done $0x0  }
0x36: {  	[sflag:s15] =	ssyncadd.s32 $0xFFFFC000  }
0x37: {  	s28 =	simm.s32 $0x0;
	[bflag:$0x0] =	sbarrier.arrive $0xFFFF  }
0x38: {  	[tilespmem:s16], [sflag:$0x5] =	stream.linear.gather [hbm4b:s10+s28], $0x1400, $0x38;
	[tilespmem:$0x1E800] =	vst v63  }
0x39: {  	_ =	swait.ge [sflag:s15], $0x1400  }
0x3a: {  	[sflag:s15] =	ssyncset.done $0x0  }
0x3b: {  	[sflag:s15] =	ssyncadd.s32 $0xFFFFEC00  }
0x3c: {  	[tilespmem:s17], [sflag:$0x5] =	stream.linear.gather [hbm4b:s11+s28], $0x1400, $0x38;
	[tilespmem:$0x1E800] =	vst v63  }
0x3d: {  	_ =	swait.ge [sflag:s15], $0x1400  }
0x3e: {  	[sflag:s15] =	ssyncset.done $0x0  }
0x3f: {  	[sflag:s15] =	ssyncadd.s32 $0xFFFFEC00  }
0x40: {  	[tilespmem:s14], [sflag:$0x1] =	stream.indirect.gather [hbm4b:s4+s18], $0x80, s17, s18, $0xb8;
	[tilespmem:$0x1E800] =	vst v63  }
0x41: {  	_ = 	snop  }
0x42: {  	[tilespmem:s20], [sflag:$0x2] =	stream.indirect.gather [hbm4b:s4+s18], $0x80, s19, s18, $0xb8;
	[tilespmem:$0x1E800] =	vst v63  }
0x43: {  	_ =	swait.ge [sflag:s21], $0x4000  }
0x44: {  	[sflag:s21] =	ssyncset.done $0x0  }
0x45: {  	s28 =	simm.s32 $0x14000;
	[sflag:s21] =	ssyncadd.s32 $0xFFFFC000  }
0x46: {  	[spmem:s1] =	stream.indirect.scatter.add.f32 [tilespmem:s14], [sflag:$0x3], $0x80, s28, s18, $0xb8;
	[tilespmem:$0x1E800] =	vst v63  }
0x47: {  	_ =	swait.ge [sflag:s22], $0x4000  }
0x48: {  	[sflag:s22] =	ssyncset.done $0x0  }
0x49: {  	s28 =	simm.s32 $0x15500;
	[sflag:s22] =	ssyncadd.s32 $0xFFFFC000  }
0x4a: {  	[tilespmem:s14], [sflag:$0x1] =	stream.indirect.gather [hbm4b:s4+s18], $0x80, s28, s18, $0xb8;
	[tilespmem:$0x1E800] =	vst v63  }
0x4b: {  	_ =	swait.ge [sflag:s23], $0x4000  }
0x4c: {  	[sflag:s23] =	ssyncset.done $0x0  }
0x4d: {  	s28 =	simm.s32 $0x14080;
	[sflag:s23] =	ssyncadd.s32 $0xFFFFC000  }
0x4e: {  	[spmem:s1] =	stream.indirect.scatter.add.f32 [tilespmem:s20], [sflag:$0x4], $0x80, s28, s18, $0xb8;
	[tilespmem:$0x1E800] =	vst v63  }
0x4f: {  	_ =	swait.ge [sflag:s24], $0x4000  }
0x50: {  	[sflag:s24] =	ssyncset.done $0x0  }
0x51: {  	s29 =	simm.s32 $0x15580;
	s28 =	simm.s32 $0x400;
	[sflag:s24] =	ssyncadd.s32 $0xFFFFC000  }
.LBB2_4:
0x52: {  	[tilespmem:s20], [sflag:$0x2] =	stream.indirect.gather [hbm4b:s4+s18], $0x80, s29, s18, $0xb8;
	[tilespmem:$0x1E800] =	vst v63  }
0x53: {  	s29 =	smov.u32 s28  }
0x54: {  	p0 =	sne.s32 s28, $0x4800;
	s28 =	sadd.s32 $0x400, s28;
	_ =	swait.ge [sflag:s21], $0x4000  }
0x55: {  	s29 =	sshra.s32 s29, $0x2;
	[sflag:s21] =	ssyncset.done $0x0  }
0x56: {  	s30 =	sadd.s32 $0x14000, s29;
	[sflag:s21] =	ssyncadd.s32 $0xFFFFC000  }
0x57: {  	[spmem:s1] =	stream.indirect.scatter.add.f32 [tilespmem:s14], [sflag:$0x3], $0x80, s30, s18, $0xb8;
	[tilespmem:$0x1E800] =	vst v63  }
0x58: {  	_ =	swait.ge [sflag:s22], $0x4000  }
0x59: {  	[sflag:s22] =	ssyncset.done $0x0  }
0x5a: {  	s30 =	sadd.s32 $0x15500, s29;
	[sflag:s22] =	ssyncadd.s32 $0xFFFFC000  }
0x5b: {  	[tilespmem:s14], [sflag:$0x1] =	stream.indirect.gather [hbm4b:s4+s18], $0x80, s30, s18, $0xb8;
	[tilespmem:$0x1E800] =	vst v63  }
0x5c: {  	_ =	swait.ge [sflag:s23], $0x4000  }
0x5d: {  	[sflag:s23] =	ssyncset.done $0x0  }
.Ltmp1:
0x5e: {  	s30 =	sadd.s32 $0x14080, s29;
	[sflag:s23] =	ssyncadd.s32 $0xFFFFC000;
	(pc) =	sbr.rel @p0 .LBB2_4-.Ltmp1, $4  }
0x5f: {  	[spmem:s1] =	stream.indirect.scatter.add.f32 [tilespmem:s20], [sflag:$0x4], $0x80, s30, s18, $0xb8;
	[tilespmem:$0x1E800] =	vst v63  }
0x60: {  	_ =	swait.ge [sflag:s24], $0x4000  }
0x61: {  	[sflag:s24] =	ssyncset.done $0x0  }
0x62: {  	s29 =	sadd.s32 $0x15580, s29;
	[sflag:s24] =	ssyncadd.s32 $0xFFFFC000  }
0x63: {  	[tilespmem:s20], [sflag:$0x2] =	stream.indirect.gather [hbm4b:s4+s18], $0x80, s29, s18, $0xb8;
	[tilespmem:$0x1E800] =	vst v63  }
0x64: {  	_ =	swait.ge [sflag:s21], $0x4000  }
0x65: {  	[sflag:s21] =	ssyncset.done $0x0  }
0x66: {  	[sflag:s21] =	ssyncadd.s32 $0xFFFFC000  }
0x67: {  	[spmem:s1] =	stream.indirect.scatter.add.f32 [tilespmem:s14], [sflag:$0x3], $0x80, s25, s18, $0xb8;
	[tilespmem:$0x1E800] =	vst v63  }
0x68: {  	_ =	swait.ge [sflag:s23], $0x4000  }
0x69: {  	[sflag:s23] =	ssyncset.done $0x0  }
0x6a: {  	[sflag:s23] =	ssyncadd.s32 $0xFFFFC000  }
0x6b: {  	[spmem:s1] =	stream.indirect.scatter.add.f32 [tilespmem:s20], [sflag:$0x4], $0x80, s26, s18, $0xb8;
	[tilespmem:$0x1E800] =	vst v63  }
0x6c: {  	_ =	swait.ge [sflag:s22], $0x4000  }
0x6d: {  	[sflag:s22] =	ssyncset.done $0x0  }
0x6e: {  	[sflag:s22] =	ssyncadd.s32 $0xFFFFC000  }
0x6f: {  	_ =	swait.ge [sflag:s24], $0x4000  }
0x70: {  	s28 =	sshll.u32 s2, $0x6;
	s3 =	sadd.s32 $0x1, s3;
	[sflag:s24] =	ssyncset.done $0x0  }
0x71: {  	s31 =	sshrl.u32 s5, $0x3;
	p0 =	sne.s32 s3, s12;
	[sflag:s24] =	ssyncadd.s32 $0xFFFFC000  }
.Ltmp2:
0x72: {  	s28 =	sor.u32 $0x1C05, s28;
	[bflag:$0x0] =	sbarrier.arrive $0xFFFF;
	(pc) =	sbr.rel @p0 .LBB2_1-.Ltmp2, $4  }
0x73: {  	[hbm:s13], [sflag:s28] =	dma.local [spmem:s31], $0x2800  }
0x74: {  	_ =	swait.ge [sflag:s15], $0x2800  }
0x75: {  	[sflag:s15] =	ssyncset.done $0x0  }
0x76: {  	[sflag:s15] =	ssyncadd.s32 $0xFFFFD800  }
0x77: {  	_ =	sfence.sel $0x180000  }
0x78: {  	[bflag:$0x0] =	sbarrier.arrive $0xFFFF  }
0x79: {  	p0 =	sne.s32 s2, $0x0;
	_ =	strace $0x9000004D  }
0x7a: {  	s0 =	sadd.s32 @!p0 $0x100000, s0;
	[bflag:$0x2] =	sbarrier.arrive $0xFFFF  }
0x7b: {  	[sflag:s0] =	ssyncadd.tile.s32 @!p0 $0x1;
	_ =	shalt  }
.Lfunc_end2:
_tile_overlayer_lowered:
.L_overlay_start_2:
0x7c: {  	(tag) =	ssettag $0x2  }
0x7d: {  	s0 =	rddreg [dreg:$0x0];
	s2 =	stileid.u32  }
0x7e: {  	s1 =	rddreg [dreg:$0x1];
	p0 =	sne.s32 s2, $0x0  }
0x7f: {  	s3 =	rddreg [dreg:$0x2];
	[bflag:$0x3] =	sbarrier.arrive $0xFFFF;
	s2 =	simm.s32 @!p0 $0x1C05  }
0x80: {  	[timem:s3], [sflag:s2] =	dma.local @!p0 [hbm:s0], s1  }
0x81: {  	s0 =	simm.s32 @!p0 $0x5  }
0x82: {  	_ =	swait.ge @!p0 [sflag:s0], s1  }
0x83: {  	s1 =	ssub.s32 @!p0 $0x0, s1;
	[sflag:s0] =	ssyncset.done @!p0 $0x0  }
0x84: {  	[sflag:s0] =	ssyncadd.s32 @!p0 s1  }
0x85: {  	[bflag:$0x3] =	sbarrier.arrive $0xFFFF  }
0x86: {  	_ =	shalt  }

// kernel: gcn_sc_deg.3.cloned.1.call-start
scs
__scs_entry_jumppad:
0x0: {  	(pc) =	sbr.rel $0x88, $3  }
0x1: {  	(tag) =	ssettag $0x0;
	lr =	simm.s32 $0x1  }
0x2: {  	[smem:$0x3F99] =	sst lr;
	_ =	strace $0xD0000000  }
0x3: {  	_ = 	snop  }
0x4: {  	_ = 	snop  }
0x5: {  	_ = 	snop  }
0x6: {  	_ = 	snop  }
0x7: {  	_ = 	snop  }
__scs_overlays_trampoline_lowered:
0x8: {  	[smem:$0x3FA8] =	sst s0  }
0x9: {  	[smem:$0x3FA9] =	sst s1  }
0xa: {  	[smem:$0x3FAA] =	sst s2  }
0xb: {  	[smem:$0x3FAB] =	sst s3  }
0xc: {  	[smem:$0x3FAC] =	sst s4  }
0xd: {  	[smem:$0x3FAD] =	sst s5  }
0xe: {  	[smem:$0x3FAE] =	sst s6  }
0xf: {  	[smem:$0x3FAF] =	sst s7  }
0x10: {  	[smem:$0x3FB0] =	sst s8  }
0x11: {  	[smem:$0x3FB1] =	sst s9;
	s0 =	simm.s32 @!p0 $0x0  }
0x12: {  	s1 =	sld [smem:$0x3F97];
	s0 =	simm.s32 @p0 $0x1  }
0x13: {  	[smem:$0x3FB2] =	sst s0;
	s0 =	simm.s32 @!p1 $0x0  }
0x14: {  	s2 =	sld [smem:$0x3F96];
	s0 =	simm.s32 @p1 $0x1  }
0x15: {  	[smem:$0x3FB3] =	sst s0;
	s0 =	simm.s32 @!p2 $0x0  }
0x16: {  	s3 =	sld [smem:$0x3FDB];
	s0 =	simm.s32 @p2 $0x1  }
0x17: {  	s4 =	simm.s32 $0x1BF5;
	[smem:$0x3FB5] =	sst s0  }
0x18: {  	s0 =	sld [smem:$0x3F98];
	_ =	swait.ge [sflag:s4], $0x0  }
0x19: {  	s7 =	sld [smem:$0x3F99]  }
0x1a: {  	s8 =	sadd.s32 $0xFFFFE003, lr  }
0x1b: {  	s9 =	sadd.s32 $0xFFFFFEF7, lr;
	s5 =	simm.s32 $0xFFFFFFFF;
	p2 =	slt.u32 s8, $0xFFFFF086  }
0x1c: {  	p1 =	slt.u32 s9, $0xF7A;
	s5 =	simm.s32 @!p2 $0x0  }
0x1d: {  	s5 =	simm.s32 @p1 $0x1;
	p0 =	seq.s32 s7, s2  }
0x1e: {  	s7 =	smul.u32 @!p0 $0xF7A, s2;
	p2 =	seq.s32 @!p0 s5, $0x0  }
0x1f: {  	s9 =	smul.u32 $0xF7A, s1;
	s8 =	simm.s32 @!p0 $0x1BF5;
	p2 =	por !p2, p0  }
0x20: {  	[sflag:s8] =	ssyncset.s32 @!p0 $0xFFFFF086;
	s6 =	sadd.s32 @!p0 s3, s7;
	s7 =	simm.s32 @!p0 $0x108  }
0x21: {  	s3 =	sadd.s32 s3, s9;
	s6 =	sadd.s32 @!p0 $0x88, s6;
	s7 =	simm.s32 @p2 $0x1082  }
0x22: {  	[simem:s7], [sflag:s8] =	dma.local @!p0 [hbm:s6], $0xF7A  }
0x23: {  	s9 =	sor.u32 $0xD0000000, s2;
	s6 =	simm.s32 $0x108;
	_ =	swait.ge @!p0 [sflag:s8], $0x0  }
0x24: {  	s3 =	sadd.s32 $0x88, s3;
	s6 =	simm.s32 @!p1 $0x1082;
	[sflag:s4] =	ssyncset.s32 $0xFFFFF086  }
0x25: {  	[simem:s6], [sflag:s4] =	dma.local [hbm:s3], $0xF7A  }
0x26: {  	[smem:$0x3F99] =	sst s1;
	(tag) =	ssettag s2;
	_ =	strace s9  }
0x27: {  	s1 =	sld [smem:$0x3FA9]  }
0x28: {  	s2 =	sld [smem:$0x3FAA]  }
0x29: {  	s4 =	sld [smem:$0x3FAC]  }
0x2a: {  	p0 =	seq.s32 s5, $0x0;
	s5 =	sld [smem:$0x3FAD]  }
0x2b: {  	s6 =	sld [smem:$0x3FAE]  }
0x2c: {  	s7 =	sld [smem:$0x3FAF]  }
0x2d: {  	s3 =	simm.s32 $0x108;
	s8 =	sld [smem:$0x3FB0]  }
0x2e: {  	s3 =	simm.s32 @!p0 $0x1082;
	s9 =	sld [smem:$0x3FB1]  }
0x2f: {  	lr =	sadd.s32 s0, s3;
	s0 =	sld [smem:$0x3FA8]  }
0x30: {  	s3 =	sld [smem:$0x3FAB]  }
0x31: {  	[smem:$0x3FB4] =	sst s10  }
0x32: {  	s10 =	sld [smem:$0x3FB2];
	_ =	sdelay $0x3  }
0x33: {  	p0 =	seq.s32 s10, $0x1;
	s10 =	sld [smem:$0x3FB4];
	_ =	sdelay $0x3  }
0x34: {  	[smem:$0x3FB4] =	sst s10  }
0x35: {  	s10 =	sld [smem:$0x3FB3];
	_ =	sdelay $0x3  }
0x36: {  	p1 =	seq.s32 s10, $0x1;
	s10 =	sld [smem:$0x3FB4];
	_ =	sdelay $0x3  }
0x37: {  	[smem:$0x3FB4] =	sst s10  }
0x38: {  	s10 =	sld [smem:$0x3FB5]  }
0x39: {  	_ = 	snop;
	(pc) =	sbr.ind lr, $3  }
0x3a: {  	_ = 	snop  }
0x3b: {  	_ = 	snop  }
0x3c: {  	p2 =	seq.s32 s10, $0x1;
	s10 =	sld [smem:$0x3FB4]  }
0x3d: {  	_ =	shalt  }
0x3e: {  	_ =	shalt  }
0x3f: {  	_ =	shalt  }
0x40: {  	_ =	shalt  }
0x41: {  	_ =	shalt  }
0x42: {  	_ =	shalt  }
0x43: {  	_ =	shalt  }
0x44: {  	_ =	shalt  }
0x45: {  	_ =	shalt  }
0x46: {  	_ =	shalt  }
0x47: {  	_ =	shalt  }
0x48: {  	_ =	shalt  }
0x49: {  	_ =	shalt  }
0x4a: {  	_ =	shalt  }
0x4b: {  	_ =	shalt  }
0x4c: {  	_ =	shalt  }
0x4d: {  	_ =	shalt  }
0x4e: {  	_ =	shalt  }
0x4f: {  	_ =	shalt  }
0x50: {  	_ =	shalt  }
0x51: {  	_ =	shalt  }
0x52: {  	_ =	shalt  }
0x53: {  	_ =	shalt  }
0x54: {  	_ =	shalt  }
0x55: {  	_ =	shalt  }
0x56: {  	_ =	shalt  }
0x57: {  	_ =	shalt  }
0x58: {  	_ =	shalt  }
0x59: {  	_ =	shalt  }
0x5a: {  	_ =	shalt  }
0x5b: {  	_ =	shalt  }
0x5c: {  	_ =	shalt  }
0x5d: {  	_ =	shalt  }
0x5e: {  	_ =	shalt  }
0x5f: {  	_ =	shalt  }
0x60: {  	_ =	shalt  }
0x61: {  	_ =	shalt  }
0x62: {  	_ =	shalt  }
0x63: {  	_ =	shalt  }
0x64: {  	_ =	shalt  }
0x65: {  	_ =	shalt  }
0x66: {  	_ =	shalt  }
0x67: {  	_ =	shalt  }
0x68: {  	_ =	shalt  }
0x69: {  	_ =	shalt  }
0x6a: {  	_ =	shalt  }
0x6b: {  	_ =	shalt  }
0x6c: {  	_ =	shalt  }
0x6d: {  	_ =	shalt  }
0x6e: {  	_ =	shalt  }
0x6f: {  	_ =	shalt  }
0x70: {  	_ =	shalt  }
0x71: {  	_ =	shalt  }
0x72: {  	_ =	shalt  }
0x73: {  	_ =	shalt  }
0x74: {  	_ =	shalt  }
0x75: {  	_ =	shalt  }
0x76: {  	_ =	shalt  }
0x77: {  	_ =	shalt  }
0x78: {  	_ =	shalt  }
0x79: {  	_ =	shalt  }
0x7a: {  	_ =	shalt  }
0x7b: {  	_ =	shalt  }
0x7c: {  	_ =	shalt  }
0x7d: {  	_ =	shalt  }
0x7e: {  	_ =	shalt  }
0x7f: {  	_ =	shalt  }
0x80: {  	_ =	shalt  }
0x81: {  	_ =	shalt  }
0x82: {  	_ =	shalt  }
0x83: {  	_ =	shalt  }
0x84: {  	_ =	shalt  }
0x85: {  	_ =	shalt  }
0x86: {  	_ =	shalt  }
0x87: {  	_ =	shalt  }
.Lfunc_end0:
.L_simem_size_0:
called_computation_lowered:
.L_overlay_start_0:
0x88: {  	s2 =	sld [smem:$0x3FD9]  }
0x89: {  	s3 =	sld [smem:$0x3FFE];
	_ =	sdelay $0x1  }
0x8a: {  	s1 =	srdreg.scid  }
0x8b: {  	s0 =	sand.u32 $0x1, s1  }
0x8c: {  	s17 =	sshll.u32 s0, $0xA;
	s2 =	sadd.s32 s3, s2  }
0x8d: {  	s2 =	sadd.s32 s2, s17  }
0x8e: {  	[smem:$0x3FC0] =	sst s2  }
0x8f: {  	_ = 	snop  }
0x90: {  	s2 =	sld [smem:$0x3FD0];
	(tm) =	ssettm $0x1  }
0x91: {  	s18 =	sld [smem:$0x3FFB];
	_ =	sdelay $0x3  }
0x92: {  	_ =	strace s18  }
0x93: {  	s3 =	sld [smem:$0x3FFC];
	_ =	sdelay $0x3  }
0x94: {  	_ =	strace s3  }
0x95: {  	s3 =	sld [smem:$0x3FFD];
	_ =	sdelay $0x3  }
0x96: {  	_ =	strace s3  }
0x97: {  	_ =	strace $0x8FFFFFFF  }
0x98: {  	s19 =	sld [smem:$0x3FDB];
	_ =	sdelay $0x1  }
0x99: {  	s4 =	simm.s32 $_scs_section_size  }
0x9a: {  	s5 =	simm.s32 $_size__tile_overlayer_lowered;
	s6 =	simm.s32 $_tile_overlayer_lowered  }
0x9b: {  	s22 =	simm.s32 $0x1BFF;
	s21 =	sshll.u32 s6, $0x1;
	s3 =	sadd.s32 s4, s19  }
0x9c: {  	s7 =	simm.s32 $0x0;
	s20 =	sshll.u32 s5, $0x1;
	s5 =	sadd.s32 s21, s3  }
0x9d: {  	[timem:s7], [sflag:s22] =	dma.local [hbm:s5], s20  }
0x9e: {  	_ =	swait.ge [sflag:s22], s20  }
0x9f: {  	s4 =	ssub.s32 $0x0, s20;
	[sflag:s22] =	ssyncset.done $0x0  }
0xa0: {  	[sflag:s22] =	ssyncadd.s32 s4;
	_ =	sdelay $0x1  }
0xa1: {  	s23 =	simm.s32 $0x1B8B  }
0xa2: {  	_ =	swait.ge [sflag:s23], $0x1  }
0xa3: {  	[sflag:s23] =	ssyncset.done $0x0  }
0xa4: {  	s25 =	simm.s32 $0x1B8E;
	s24 =	sld [smem:$0x3FFE];
	[sflag:s23] =	ssyncadd.s32 $0xFFFFFFFF  }
0xa5: {  	s26 =	simm.s32 $execute0_lowered;
	[smem:$0x3FD2] =	sst s25  }
0xa6: {  	s5 =	sshll.u32 s26, $0x1;
	_ =	strace $0x80000046;
	[dreg:$0x1] =	wrdreg $0xFFFFFFFF  }
0xa7: {  	s28 =	simm.s32 $_size_execute0_lowered;
	s3 =	sadd.s32 s3, s5;
	[dreg:$0x0] =	wrdreg $0x0  }
0xa8: {  	s5 =	sshll.u32 s28, $0x1;
	[dreg:$0x2] =	wrdreg s3  }
0xa9: {  	[dreg:$0x3] =	wrdreg s5  }
0xaa: {  	[dreg:$0x4] =	wrdreg $0xC0  }
0xab: {  	_ =	task [dreg:s7], $0x5FFFF  }
0xac: {  	[dreg:$0x1] =	wrdreg $0xFFFFFFFF  }
0xad: {  	[dreg:$0x0] =	wrdreg $0x60  }
0xae: {  	[dreg:$0x2] =	wrdreg s24  }
0xaf: {  	[dreg:$0x3] =	wrdreg s2  }
0xb0: {  	[dreg:$0x4] =	wrdreg $0x0  }
0xb1: {  	[dreg:$0x5] =	wrdreg $0x9  }
0xb2: {  	_ =	task.clear_ibuf [dreg:s7], $0x6FFFF;
	_ =	strace $0x90000046  }
0xb3: {  	s29 =	simm.s32 $0x9;
	_ =	strace $0x80000048  }
0xb4: {  	_ =	swait.ge [sflag:s29], $0x1  }
0xb5: {  	[sflag:s29] =	ssyncadd.s32 $0xFFFFFFFF  }
0xb6: {  	_ =	strace $0x90000048  }
0xb7: {  	_ =	sfence  }
0xb8: {  	s30 =	sld [smem:$0x0];
	_ =	sdelay $0x2  }
0xb9: {  	s31 =	sshll.u32 s1, $0xD;
	s1 =	sshrl.u32 s1, $0x2  }
0xba: {  	s3 =	sand.u32 $0x4000, s31;
	s1 =	sadd.s32 s1, s30  }
0xbb: {  	s0 =	sor.u32 s3, s0;
	s1 =	sshll.u32 s1, $0x11  }
0xbc: {  	s0 =	sor.u32 s1, s0  }
0xbd: {  	s0 =	sadd.s32 $0x8F2B, s0  }
0xbe: {  	[sflag:s0] =	ssyncadd.remote.s32 $0x1  }
0xbf: {  	_ =	sfence.sel $0xFFFF  }
0xc0: {  	[dreg:$0x0] =	wrdreg $0xFFFFFFFF;
	(pc) =	sbr.abs _section_cstart, $3  }
0xc1: {  	[dreg:$0x1] =	wrdreg $0xFFFFFFFF  }
0xc2: {  	_ =	task.clear_ibuf [dreg:s7], $0x2FFFF;
	_ =	strace $0x9FFFFFFF  }
0xc3: {  	(tm) =	ssettm $0x7FFFFFFF  }
tec
execute0_lowered:
.L_overlay_start_1:
0x0: {  	(tag) =	ssettag $0x1  }
0x1: {  	s4 =	rddreg [dreg:$0x0]  }
0x2: {  	s0 =	srdreg.scid;
	s7 =	rddreg [dreg:$0x1]  }
0x3: {  	s2 =	rddreg [dreg:$0x2];
	s1 =	stileid.u32  }
0x4: {  	s3 =	simm.s32 $0x0;
	s5 =	sand.u32 $0x1, s0;
	s0 =	rddreg [dreg:$0x3]  }
0x5: {  	s13 =	simm.s32 $0x0;
	[smem:$0x7FF] =	sst s3;
	s10 =	smul.u32 $0x280, s1  }
0x6: {  	s11 =	sadd.s32 $0xEA00, s4;
	s12 =	smul.u32 $0x28, s1;
	s31 =	sshll.u32 s1, $0x6  }
0x7: {  	s6 =	sshll.u32 s5, $0x4;
	_ =	strace $0x80000047;
	s8 =	ssub.s32 $0x2, s5  }
0x8: {  	s30 =	smul.u32 $0x280, s5;
	p0 =	seq.s32 s5, $0x1;
	s6 =	sor.u32 s1, s6  }
0x9: {  	s9 =	sshrl.u32 s8, $0x1;
	s7 =	smov.u32 @p0 s11;
	s6 =	smul.u32 $0x280, s6  }
0xa: {  	s11 =	sor.u32 $0x1C01, s31;
	s8 =	ssub.s32 s8, s9;
	s9 =	simm.s32 $0x1680  }
0xb: {  	s6 =	sadd.s32 s6, s4;
	s4 =	sadd.s32 s10, s2;
	s10 =	sshrl.u32 s10, $0x3  }
0xc: {  	s5 =	sadd.s32 $0x9A00, s6;
	s6 =	smax.u32 s8, $0x1;
	s7 =	sadd.s32 s7, s10  }
0xd: {  	v0 =	vimm.f32 $0.0e+00;
	v1 =	vimm.f32 $1.000000000e+00;
	s8 =	sadd.s32 s12, s30;
	s10 =	simm.s32 $0x1;
	s12 =	sshrl.u32 s4, $0x3  }
.LBB2_1:
0xe: {  	[tilespmem:$0x1680] =	vst v0  }
0xf: {  	[tilespmem:$0x1690] =	vst v0  }
0x10: {  	[tilespmem:$0x16A0] =	vst v0  }
0x11: {  	[tilespmem:$0x16B0] =	vst v0  }
0x12: {  	[tilespmem:$0x16C0] =	vst v0  }
0x13: {  	[tilespmem:$0x16D0] =	vst v0  }
0x14: {  	[tilespmem:$0x16E0] =	vst v0  }
0x15: {  	[tilespmem:$0x16F0] =	vst v0  }
0x16: {  	[tilespmem:$0x1700] =	vst v0  }
0x17: {  	[tilespmem:$0x1710] =	vst v0  }
0x18: {  	[tilespmem:$0x1720] =	vst v0  }
0x19: {  	[tilespmem:$0x1730] =	vst v0  }
0x1a: {  	[tilespmem:$0x1740] =	vst v0  }
0x1b: {  	[tilespmem:$0x1750] =	vst v0  }
0x1c: {  	[tilespmem:$0x1760] =	vst v0  }
0x1d: {  	[tilespmem:$0x1770] =	vst v0  }
0x1e: {  	[tilespmem:$0x1780] =	vst v0  }
0x1f: {  	[tilespmem:$0x1790] =	vst v0  }
0x20: {  	[tilespmem:$0x17A0] =	vst v0  }
0x21: {  	[tilespmem:$0x17B0] =	vst v0  }
0x22: {  	[tilespmem:$0x17C0] =	vst v0  }
0x23: {  	[tilespmem:$0x17D0] =	vst v0  }
0x24: {  	[tilespmem:$0x17E0] =	vst v0  }
0x25: {  	[tilespmem:$0x17F0] =	vst v0  }
0x26: {  	[tilespmem:$0x1800] =	vst v0  }
0x27: {  	[tilespmem:$0x1810] =	vst v0  }
0x28: {  	[tilespmem:$0x1820] =	vst v0  }
0x29: {  	[tilespmem:$0x1830] =	vst v0  }
0x2a: {  	[tilespmem:$0x1840] =	vst v0  }
0x2b: {  	[tilespmem:$0x1850] =	vst v0  }
0x2c: {  	[tilespmem:$0x1860] =	vst v0  }
0x2d: {  	[tilespmem:$0x1870] =	vst v0  }
0x2e: {  	[tilespmem:$0x1880] =	vst v0  }
0x2f: {  	[tilespmem:$0x1890] =	vst v0  }
0x30: {  	[tilespmem:$0x18A0] =	vst v0  }
0x31: {  	[tilespmem:$0x18B0] =	vst v0  }
0x32: {  	[tilespmem:$0x18C0] =	vst v0  }
0x33: {  	[tilespmem:$0x18D0] =	vst v0  }
0x34: {  	[tilespmem:$0x18E0] =	vst v0  }
0x35: {  	[tilespmem:$0x18F0] =	vst v0  }
0x36: {  	[spmem:s4] =	stream.linear.scatter [tilespmem:s9], [sflag:$0x1], $0x280, $0x38;
	[tilespmem:$0x1980] =	vst v63  }
0x37: {  	_ =	swait.ge [sflag:s10], $0x280  }
0x38: {  	[sflag:s10] =	ssyncset.done $0x0  }
0x39: {  	s14 =	simm.s32 $0x280;
	[sflag:s10] =	ssyncadd.s32 $0xFFFFFD80  }
0x3a: {  	[tilespmem:s14], [sflag:$0x1] =	stream.linear.gather [hbm4b:s5+s3], $0x1400, $0x38;
	[tilespmem:$0x1980] =	vst v63  }
0x3b: {  	_ =	swait.ge [sflag:s10], $0x1400  }
0x3c: {  	[sflag:s10] =	ssyncset.done $0x0  }
0x3d: {  	[sflag:s10] =	ssyncadd.s32 $0xFFFFEC00  }
0x3e: {  	[tilespmem:$0x1900] =	vst v1  }
0x3f: {  	[tilespmem:$0x1910] =	vst v1  }
0x40: {  	[tilespmem:$0x1920] =	vst v1  }
0x41: {  	[tilespmem:$0x1930] =	vst v1  }
0x42: {  	[tilespmem:$0x1940] =	vst v1  }
0x43: {  	s15 =	sadd.s32 $0x0, s8;
	[tilespmem:$0x1950] =	vst v1  }
0x44: {  	p0 =	sgt.u32 s15, $0x4E1;
	[tilespmem:$0x1960] =	vst v1  }
0x45: {  	s15 =	simm.s32 @!p0 $0x80;
	[tilespmem:$0x1970] =	vst v1  }
0x46: {  	s16 =	simm.s32 @!p0 $0x1900;
	s17 =	simm.s32 @!p0 $0x1;
	[bflag:$0x0] =	sbarrier.arrive $0xFFFF  }
0x47: {  	[spmem:s2] =	stream.indirect.scatter.add.f32 @!p0 [tilespmem:s16], [sflag:$0x1], $0x1, s14, s15, $0xb8;
	[tilespmem:$0x1980] =	vst v63  }
0x48: {  	s15 =	simm.s32 $0x1;
	_ =	swait.ge @!p0 [sflag:s17], $0x80  }
0x49: {  	s16 =	simm.s32 $0x2;
	s14 =	simm.s32 $0x300;
	[sflag:s17] =	ssyncset.done @!p0 $0x0  }
.LBB2_2:
0x4a: {  	s18 =	sadd.s32 s15, s8;
	s15 =	smov.u32 s16;
	s16 =	sadd.s32 $0x1, s16  }
0x4b: {  	[sflag:s17] =	ssyncadd.s32 @!p0 $0xFFFFFF80;
	p1 =	sne.s32 s16, $0x28  }
.Ltmp0:
0x4c: {  	p0 =	sgt.u32 s18, $0x4E1;
	(pc) =	sbr.rel @p1 .LBB2_2-.Ltmp0, $4  }
0x4d: {  	s18 =	simm.s32 @!p0 $0x80;
	s19 =	simm.s32 @!p0 $0x1900;
	s17 =	simm.s32 @!p0 $0x1  }
0x4e: {  	[spmem:s2] =	stream.indirect.scatter.add.f32 @!p0 [tilespmem:s19], [sflag:$0x1], $0x1, s14, s18, $0xb8;
	[tilespmem:$0x1980] =	vst v63  }
0x4f: {  	_ =	swait.ge @!p0 [sflag:s17], $0x80  }
0x50: {  	s14 =	sadd.s32 $0x80, s14;
	[sflag:s17] =	ssyncset.done @!p0 $0x0  }
0x51: {  	s15 =	sadd.s32 s15, s8  }
0x52: {  	[sflag:s17] =	ssyncadd.s32 @!p0 $0xFFFFFF80;
	p0 =	sgt.u32 s15, $0x4E1  }
0x53: {  	s15 =	simm.s32 @!p0 $0x80;
	s16 =	simm.s32 @!p0 $0x1900;
	s17 =	simm.s32 @!p0 $0x1  }
0x54: {  	[spmem:s2] =	stream.indirect.scatter.add.f32 @!p0 [tilespmem:s16], [sflag:$0x1], $0x1, s14, s15, $0xb8;
	[tilespmem:$0x1980] =	vst v63  }
0x55: {  	_ =	swait.ge @!p0 [sflag:s17], $0x80  }
0x56: {  	s13 =	sadd.s32 $0x1, s13;
	[sflag:s17] =	ssyncset.done @!p0 $0x0  }
0x57: {  	[sflag:s17] =	ssyncadd.s32 @!p0 $0xFFFFFF80;
	p0 =	sne.s32 s13, s6  }
.Ltmp1:
0x58: {  	[bflag:$0x0] =	sbarrier.arrive $0xFFFF;
	(pc) =	sbr.rel @p0 .LBB2_1-.Ltmp1, $4  }
0x59: {  	[hbm:s7], [sflag:s11] =	dma.local [spmem:s12], $0x50  }
0x5a: {  	_ =	swait.ge [sflag:s10], $0x50  }
0x5b: {  	[sflag:s10] =	ssyncset.done $0x0  }
0x5c: {  	[sflag:s10] =	ssyncadd.s32 $0xFFFFFFB0  }
0x5d: {  	_ =	sfence.sel $0x180000  }
0x5e: {  	[bflag:$0x0] =	sbarrier.arrive $0xFFFF  }
0x5f: {  	p0 =	sne.s32 s1, $0x0;
	_ =	strace $0x90000047  }
0x60: {  	s0 =	sadd.s32 @!p0 $0x100000, s0;
	[bflag:$0x2] =	sbarrier.arrive $0xFFFF  }
0x61: {  	[sflag:s0] =	ssyncadd.tile.s32 @!p0 $0x1;
	_ =	shalt  }
.Lfunc_end2:
_tile_overlayer_lowered:
.L_overlay_start_2:
0x62: {  	(tag) =	ssettag $0x2  }
0x63: {  	s0 =	rddreg [dreg:$0x0];
	s2 =	stileid.u32  }
0x64: {  	s1 =	rddreg [dreg:$0x1];
	p0 =	sne.s32 s2, $0x0  }
0x65: {  	s3 =	rddreg [dreg:$0x2];
	[bflag:$0x3] =	sbarrier.arrive $0xFFFF;
	s2 =	simm.s32 @!p0 $0x1C01  }
0x66: {  	[timem:s3], [sflag:s2] =	dma.local @!p0 [hbm:s0], s1  }
0x67: {  	s0 =	simm.s32 @!p0 $0x1  }
0x68: {  	_ =	swait.ge @!p0 [sflag:s0], s1  }
0x69: {  	s1 =	ssub.s32 @!p0 $0x0, s1;
	[sflag:s0] =	ssyncset.done @!p0 $0x0  }
0x6a: {  	[sflag:s0] =	ssyncadd.s32 @!p0 s1  }
0x6b: {  	[bflag:$0x3] =	sbarrier.arrive $0xFFFF  }
0x6c: {  	_ =	shalt  }

</sc_bundles>
